<compile_context>
chip_gen: v7x
topology: tpu7x:2x2x1
jax: 0.10.2.dev20260603
libtpu: 0.0.44.dev20260713+nightly
codegen_flags: <defaults>
</compile_context>

<pallas_src>
import jax
import jax.numpy as jnp
from jax import lax
from jax.experimental import pallas as pl
from jax.experimental.pallas import tpu as pltpu
from jax.experimental.pallas import tpu_sc as plsc

SITU_DIM = 100000
S = 4
D = 128
B = 4096
L = 50

NC, NS = 2, 16
NW = NC * NS
C = B // NW
NBUF = 6
PF = 4
NQ = S * L


def _sc_body(table_hbm, idxr_hbm, o0, o1, o2, o3, idx_v, buf, *sems):
    gsem = sems[:NBUF]
    ssem = sems[NBUF:]
    outs = (o0, o1, o2, o3)
    wid = lax.axis_index("s") * NC + lax.axis_index("c")

    pltpu.sync_copy(idxr_hbm.at[wid], idx_v)

    def g_start(i, l, b):
        pltpu.make_async_copy(
            table_hbm.at[idx_v.at[i, l]], buf.at[b], gsem[b]).start()

    def g_wait(b):
        pltpu.make_async_copy(
            table_hbm.at[idx_v.at[0, 0]], buf.at[b], gsem[b]).wait()

    def s_start(i, l, b):
        pltpu.make_async_copy(
            buf.at[b], outs[i].at[l, pl.ds(wid * C, C)], ssem[b]).start()

    def s_wait(b):
        pltpu.make_async_copy(
            buf.at[b], o0.at[0, pl.ds(0, C)], ssem[b]).wait()

    def step_static(q):
        b = q % NBUF
        g_wait(b)
        s_start(q // L, q % L, b)
        if q >= NBUF - PF:
            s_wait((q - (NBUF - PF)) % NBUF)
        if q + PF < NQ:
            g_start((q + PF) // L, (q + PF) % L, (q + PF) % NBUF)

    for q in range(PF):
        g_start(q // L, q % L, q % NBUF)

    step_static(0)
    step_static(1)
    for i in range(S):
        q0 = i * L + (2 if i == 0 else 0)

        @pl.loop(q0, q0 + 42, step=NBUF)
        def _(g):
            for k in range(NBUF):
                b = (q0 + k) % NBUF
                q = g + k
                g_wait(b)
                s_start(i, q - i * L, b)
                s_wait((b + PF) % NBUF)
                g_start(i, q - i * L + PF, (b + PF) % NBUF)

        for q in range(i * L + (44 if i == 0 else 42), (i + 1) * L):
            step_static(q)

    s_wait((NQ - 2) % NBUF)
    s_wait((NQ - 1) % NBUF)


@jax.jit
def _run(table, idxr):
    out_sds = tuple(
        jax.ShapeDtypeStruct((L, B, D), jnp.float32) for _ in range(S))
    mesh = plsc.VectorSubcoreMesh(core_axis_name="c", subcore_axis_name="s")
    f = pl.kernel(
        _sc_body,
        out_type=out_sds,
        mesh=mesh,
        scratch_types=[
            pltpu.VMEM((S, L, C), jnp.int32),
            pltpu.VMEM((NBUF, C, D), jnp.float32),
        ] + [pltpu.SemaphoreType.DMA] * (2 * NBUF),
        name="emb_gather",
    )
    outs = f(table, idxr)
    return tuple(jnp.transpose(o, (1, 0, 2)) for o in outs)


def kernel(history_context_features, emb_weight):
    idxr = jnp.transpose(
        history_context_features.reshape(NW, C, L, S), (0, 3, 2, 1))
    return _run(emb_weight, idxr)

# --- scband reference (transcript-rebuilt; emitter-appended) ---
"""Pipeline reference for scband-day-embedding-60765197304448 (READ-ONLY COPY).

The authoritative reference and input builder live on the scoring server;
editing this copy changes nothing except your own understanding.
"""

import jax, jax.numpy as jnp
import numpy as np

SITU_DIM = 100000
SITU_NUM = 4
HIDDEN = 64 * 2  # args.hidden_units * item_feature_num = 128
BATCH = 4096
HIST = 50


def setup_inputs(seed: int = 0) -> dict:
    key = jax.random.key(seed)
    k1, k2 = jax.random.split(key)
    history_context_features = jax.random.randint(
        k1, (BATCH, HIST, SITU_NUM), 0, SITU_DIM, dtype=jnp.int32)
    emb_weight = jax.random.normal(k2, (SITU_DIM, HIDDEN), dtype=jnp.float32)
    return {"history_context_features": history_context_features,
            "emb_weight": emb_weight}


def reference(history_context_features, emb_weight):
    # nn.Embedding lookup: [B, L, situ_num] -> [B, L, situ_num, HIDDEN]
    e = jnp.take(emb_weight, history_context_features, axis=0)
    # flatten(start_dim=-2): [B, L, situ_num * HIDDEN]
    e = e.reshape(e.shape[:-2] + (-1,))
    # torch.split(e, HIDDEN, dim=-1) -> list of situ_num tensors [B, L, HIDDEN]
    splits = tuple(e[..., i * HIDDEN:(i + 1) * HIDDEN] for i in range(SITU_NUM))
    return splits

if __name__ == "__main__":
    import jax
    _d = setup_inputs()
    print(jax.jit(kernel)(*tuple(_d.values())))

</pallas_src>

<mosaic_0001>
#map = affine_map<(d0, d1) -> (0, 0)>
#map1 = affine_map<(d0, d1) -> (0, 0, 0, 0)>
#map2 = affine_map<(d0, d1) -> (0, 0, 0)>
module attributes {stable_mosaic.version = 14 : i64} {
  func.func @emb_gather(%arg0: i32, %arg1: i32, %arg2: memref<100000x128xf32, #tpu.memory_space<hbm>>, %arg3: memref<32x4x50x128xi32, #tpu.memory_space<hbm>>, %arg4: memref<50x4096x128xf32, #tpu.memory_space<hbm>>, %arg5: memref<50x4096x128xf32, #tpu.memory_space<hbm>>, %arg6: memref<50x4096x128xf32, #tpu.memory_space<hbm>>, %arg7: memref<50x4096x128xf32, #tpu.memory_space<hbm>>, %arg8: memref<4x50x128xi32, #tpu.memory_space<vmem>>, %arg9: memref<6x128x128xf32, #tpu.memory_space<vmem>>, %arg10: memref<!tpu.dma_semaphore, #tpu.memory_space<semaphore_mem>>, %arg11: memref<!tpu.dma_semaphore, #tpu.memory_space<semaphore_mem>>, %arg12: memref<!tpu.dma_semaphore, #tpu.memory_space<semaphore_mem>>, %arg13: memref<!tpu.dma_semaphore, #tpu.memory_space<semaphore_mem>>, %arg14: memref<!tpu.dma_semaphore, #tpu.memory_space<semaphore_mem>>, %arg15: memref<!tpu.dma_semaphore, #tpu.memory_space<semaphore_mem>>, %arg16: memref<!tpu.dma_semaphore, #tpu.memory_space<semaphore_mem>>, %arg17: memref<!tpu.dma_semaphore, #tpu.memory_space<semaphore_mem>>, %arg18: memref<!tpu.dma_semaphore, #tpu.memory_space<semaphore_mem>>, %arg19: memref<!tpu.dma_semaphore, #tpu.memory_space<semaphore_mem>>, %arg20: memref<!tpu.dma_semaphore, #tpu.memory_space<semaphore_mem>>, %arg21: memref<!tpu.dma_semaphore, #tpu.memory_space<semaphore_mem>>) attributes {dimension_semantics = [#tpu.dimension_semantics<core_parallel>, #tpu.dimension_semantics<subcore_parallel>], iteration_bounds = array<i64: 2, 16>, scalar_prefetch = 0 : i64, scratch_operands = 14 : i64, tpu.core_type = #tpu.core_type<sc_vector_subcore>, window_params = [{transform_indices = #map}, {transform_indices = #map1}, {transform_indices = #map2}, {transform_indices = #map2}, {transform_indices = #map2}, {transform_indices = #map2}]} {
    %mul3A = arith.constant 2 : i32
    %mul3A_0 = arith.muli %arg1, %mul3A : i32
    %add3A = arith.addi %mul3A_0, %arg0 : i32
    "tpu.region"() ({
      %run_scoped3A = tpu.sem_alloc : memref<!tpu.dma_semaphore, #tpu.memory_space<semaphore_mem>>
      %dma_start3A_2002 = arith.constant 0 : i32
      %dma_start3A_2003 = arith.constant 0 : i32
      %dma_start3A_2004 = arith.constant 0 : i32
      %dma_start3A_2005 = tpu.memref_slice %arg3[%add3A, %dma_start3A_2002, %dma_start3A_2003, %dma_start3A_2004] : memref<32x4x50x128xi32, #tpu.memory_space<hbm>> -> memref<1x4x50x128xi32, #tpu.memory_space<hbm>>
      %dma_start3A_2006 = tpu.memref_squeeze %dma_start3A_2005 : memref<1x4x50x128xi32, #tpu.memory_space<hbm>> -> memref<4x50x128xi32, #tpu.memory_space<hbm>>
      %dma_start3A_2007 = arith.constant 0 : i32
      %dma_start3A_2008 = arith.constant 0 : i32
      %dma_start3A_2009 = arith.constant 0 : i32
      %dma_start3A_2010 = tpu.memref_slice %arg3[%add3A, %dma_start3A_2007, %dma_start3A_2008, %dma_start3A_2009] : memref<32x4x50x128xi32, #tpu.memory_space<hbm>> -> memref<1x4x50x128xi32, #tpu.memory_space<hbm>>
      %dma_start3A_2011 = tpu.memref_squeeze %dma_start3A_2010 : memref<1x4x50x128xi32, #tpu.memory_space<hbm>> -> memref<4x50x128xi32, #tpu.memory_space<hbm>>
      tpu.enqueue_dma source(%dma_start3A_2011 : memref<4x50x128xi32, #tpu.memory_space<hbm>>) target(%arg8 : memref<4x50x128xi32, #tpu.memory_space<vmem>>) target_semaphore(%run_scoped3A : memref<!tpu.dma_semaphore, #tpu.memory_space<semaphore_mem>>)
      %dma_wait3A_2012 = arith.constant 0 : i32
      %dma_wait3A_2013 = arith.constant 0 : i32
      %dma_wait3A_2014 = arith.constant 0 : i32
      %dma_wait3A_2015 = tpu.memref_slice %arg3[%add3A, %dma_wait3A_2012, %dma_wait3A_2013, %dma_wait3A_2014] : memref<32x4x50x128xi32, #tpu.memory_space<hbm>> -> memref<1x4x50x128xi32, #tpu.memory_space<hbm>>
      %dma_wait3A_2016 = tpu.memref_squeeze %dma_wait3A_2015 : memref<1x4x50x128xi32, #tpu.memory_space<hbm>> -> memref<4x50x128xi32, #tpu.memory_space<hbm>>
      %dma_wait3A_2017 = arith.constant 0 : i32
      %dma_wait3A_2018 = arith.constant 0 : i32
      %dma_wait3A_2019 = arith.constant 0 : i32
      %dma_wait3A_2020 = tpu.memref_slice %arg3[%add3A, %dma_wait3A_2017, %dma_wait3A_2018, %dma_wait3A_2019] : memref<32x4x50x128xi32, #tpu.memory_space<hbm>> -> memref<1x4x50x128xi32, #tpu.memory_space<hbm>>
      %dma_wait3A_2021 = tpu.memref_squeeze %dma_wait3A_2020 : memref<1x4x50x128xi32, #tpu.memory_space<hbm>> -> memref<4x50x128xi32, #tpu.memory_space<hbm>>
      tpu.wait_dma2 semaphore(%run_scoped3A : memref<!tpu.dma_semaphore, #tpu.memory_space<semaphore_mem>>) src(%dma_wait3A_2021 : memref<4x50x128xi32, #tpu.memory_space<hbm>>) dst(%arg8 : memref<4x50x128xi32, #tpu.memory_space<vmem>>)
      tpu.yield
    }) : () -> ()
    %dma_start3A = arith.constant 0 : i32
    %dma_start3A_1 = arith.constant 0 : i32
    %dma_start3A_2 = arith.constant 0 : i32
    %dma_start3A_3 = arith.constant 0 : i32
    %dma_start3A_4 = arith.constant 0 : i32
    %dma_start3A_5 = tpu.memref_slice %arg9[%dma_start3A_2, %dma_start3A_3, %dma_start3A_4] : memref<6x128x128xf32, #tpu.memory_space<vmem>> -> memref<1x128x128xf32, #tpu.memory_space<vmem>>
    %dma_start3A_6 = tpu.memref_squeeze %dma_start3A_5 : memref<1x128x128xf32, #tpu.memory_space<vmem>> -> memref<128x128xf32, #tpu.memory_space<vmem>>
    %dma_start3A_7 = arith.constant 0 : i32
    %dma_start3A_8 = tpu.memref_slice %arg8[%dma_start3A, %dma_start3A_1, %dma_start3A_7] : memref<4x50x128xi32, #tpu.memory_space<vmem>> -> memref<1x1x128xi32, #tpu.memory_space<vmem>>
    %dma_start3A_9 = tpu.memref_squeeze %dma_start3A_8 : memref<1x1x128xi32, #tpu.memory_space<vmem>> -> memref<128xi32, #tpu.memory_space<vmem>>
    %dma_start3A_10 = arith.constant 0 : i32
    %dma_start3A_11 = arith.constant 0 : i32
    %dma_start3A_12 = tpu.memref_slice %arg2[%dma_start3A_10, %dma_start3A_11] : memref<100000x128xf32, #tpu.memory_space<hbm>> -> memref<100000x128xf32, #tpu.memory_space<hbm>>
    tpu.enqueue_indirect_dma source(%dma_start3A_12 : memref<100000x128xf32, #tpu.memory_space<hbm>>) target(%dma_start3A_6 : memref<128x128xf32, #tpu.memory_space<vmem>>) offsets(%dma_start3A_9 : memref<128xi32, #tpu.memory_space<vmem>>) semaphore(%arg10 : memref<!tpu.dma_semaphore, #tpu.memory_space<semaphore_mem>>)
    %dma_start3A_13 = arith.constant 0 : i32
    %dma_start3A_14 = arith.constant 1 : i32
    %dma_start3A_15 = arith.constant 1 : i32
    %dma_start3A_16 = arith.constant 0 : i32
    %dma_start3A_17 = arith.constant 0 : i32
    %dma_start3A_18 = tpu.memref_slice %arg9[%dma_start3A_15, %dma_start3A_16, %dma_start3A_17] : memref<6x128x128xf32, #tpu.memory_space<vmem>> -> memref<1x128x128xf32, #tpu.memory_space<vmem>>
    %dma_start3A_19 = tpu.memref_squeeze %dma_start3A_18 : memref<1x128x128xf32, #tpu.memory_space<vmem>> -> memref<128x128xf32, #tpu.memory_space<vmem>>
    %dma_start3A_20 = arith.constant 0 : i32
    %dma_start3A_21 = tpu.memref_slice %arg8[%dma_start3A_13, %dma_start3A_14, %dma_start3A_20] : memref<4x50x128xi32, #tpu.memory_space<vmem>> -> memref<1x1x128xi32, #tpu.memory_space<vmem>>
    %dma_start3A_22 = tpu.memref_squeeze %dma_start3A_21 : memref<1x1x128xi32, #tpu.memory_space<vmem>> -> memref<128xi32, #tpu.memory_space<vmem>>
    %dma_start3A_23 = arith.constant 0 : i32
    %dma_start3A_24 = arith.constant 0 : i32
    %dma_start3A_25 = tpu.memref_slice %arg2[%dma_start3A_23, %dma_start3A_24] : memref<100000x128xf32, #tpu.memory_space<hbm>> -> memref<100000x128xf32, #tpu.memory_space<hbm>>
    tpu.enqueue_indirect_dma source(%dma_start3A_25 : memref<100000x128xf32, #tpu.memory_space<hbm>>) target(%dma_start3A_19 : memref<128x128xf32, #tpu.memory_space<vmem>>) offsets(%dma_start3A_22 : memref<128xi32, #tpu.memory_space<vmem>>) semaphore(%arg11 : memref<!tpu.dma_semaphore, #tpu.memory_space<semaphore_mem>>)
    %dma_start3A_26 = arith.constant 0 : i32
    %dma_start3A_27 = arith.constant 2 : i32
    %dma_start3A_28 = arith.constant 2 : i32
    %dma_start3A_29 = arith.constant 0 : i32
    %dma_start3A_30 = arith.constant 0 : i32
    %dma_start3A_31 = tpu.memref_slice %arg9[%dma_start3A_28, %dma_start3A_29, %dma_start3A_30] : memref<6x128x128xf32, #tpu.memory_space<vmem>> -> memref<1x128x128xf32, #tpu.memory_space<vmem>>
    %dma_start3A_32 = tpu.memref_squeeze %dma_start3A_31 : memref<1x128x128xf32, #tpu.memory_space<vmem>> -> memref<128x128xf32, #tpu.memory_space<vmem>>
    %dma_start3A_33 = arith.constant 0 : i32
    %dma_start3A_34 = tpu.memref_slice %arg8[%dma_start3A_26, %dma_start3A_27, %dma_start3A_33] : memref<4x50x128xi32, #tpu.memory_space<vmem>> -> memref<1x1x128xi32, #tpu.memory_space<vmem>>
    %dma_start3A_35 = tpu.memref_squeeze %dma_start3A_34 : memref<1x1x128xi32, #tpu.memory_space<vmem>> -> memref<128xi32, #tpu.memory_space<vmem>>
    %dma_start3A_36 = arith.constant 0 : i32
    %dma_start3A_37 = arith.constant 0 : i32
    %dma_start3A_38 = tpu.memref_slice %arg2[%dma_start3A_36, %dma_start3A_37] : memref<100000x128xf32, #tpu.memory_space<hbm>> -> memref<100000x128xf32, #tpu.memory_space<hbm>>
    tpu.enqueue_indirect_dma source(%dma_start3A_38 : memref<100000x128xf32, #tpu.memory_space<hbm>>) target(%dma_start3A_32 : memref<128x128xf32, #tpu.memory_space<vmem>>) offsets(%dma_start3A_35 : memref<128xi32, #tpu.memory_space<vmem>>) semaphore(%arg12 : memref<!tpu.dma_semaphore, #tpu.memory_space<semaphore_mem>>)
    %dma_start3A_39 = arith.constant 0 : i32
    %dma_start3A_40 = arith.constant 3 : i32
    %dma_start3A_41 = arith.constant 3 : i32
    %dma_start3A_42 = arith.constant 0 : i32
    %dma_start3A_43 = arith.constant 0 : i32
    %dma_start3A_44 = tpu.memref_slice %arg9[%dma_start3A_41, %dma_start3A_42, %dma_start3A_43] : memref<6x128x128xf32, #tpu.memory_space<vmem>> -> memref<1x128x128xf32, #tpu.memory_space<vmem>>
    %dma_start3A_45 = tpu.memref_squeeze %dma_start3A_44 : memref<1x128x128xf32, #tpu.memory_space<vmem>> -> memref<128x128xf32, #tpu.memory_space<vmem>>
    %dma_start3A_46 = arith.constant 0 : i32
    %dma_start3A_47 = tpu.memref_slice %arg8[%dma_start3A_39, %dma_start3A_40, %dma_start3A_46] : memref<4x50x128xi32, #tpu.memory_space<vmem>> -> memref<1x1x128xi32, #tpu.memory_space<vmem>>
    %dma_start3A_48 = tpu.memref_squeeze %dma_start3A_47 : memref<1x1x128xi32, #tpu.memory_space<vmem>> -> memref<128xi32, #tpu.memory_space<vmem>>
    %dma_start3A_49 = arith.constant 0 : i32
    %dma_start3A_50 = arith.constant 0 : i32
    %dma_start3A_51 = tpu.memref_slice %arg2[%dma_start3A_49, %dma_start3A_50] : memref<100000x128xf32, #tpu.memory_space<hbm>> -> memref<100000x128xf32, #tpu.memory_space<hbm>>
    tpu.enqueue_indirect_dma source(%dma_start3A_51 : memref<100000x128xf32, #tpu.memory_space<hbm>>) target(%dma_start3A_45 : memref<128x128xf32, #tpu.memory_space<vmem>>) offsets(%dma_start3A_48 : memref<128xi32, #tpu.memory_space<vmem>>) semaphore(%arg13 : memref<!tpu.dma_semaphore, #tpu.memory_space<semaphore_mem>>)
    %dma_wait3A = arith.constant 0 : i32
    %dma_wait3A_52 = arith.constant 0 : i32
    %dma_wait3A_53 = arith.constant 0 : i32
    %dma_wait3A_54 = arith.constant 0 : i32
    %dma_wait3A_55 = arith.constant 0 : i32
    %dma_wait3A_56 = tpu.memref_slice %arg9[%dma_wait3A_53, %dma_wait3A_54, %dma_wait3A_55] : memref<6x128x128xf32, #tpu.memory_space<vmem>> -> memref<1x128x128xf32, #tpu.memory_space<vmem>>
    %dma_wait3A_57 = tpu.memref_squeeze %dma_wait3A_56 : memref<1x128x128xf32, #tpu.memory_space<vmem>> -> memref<128x128xf32, #tpu.memory_space<vmem>>
    %dma_wait3A_58 = arith.constant 0 : i32
    %dma_wait3A_59 = tpu.memref_slice %arg8[%dma_wait3A, %dma_wait3A_52, %dma_wait3A_58] : memref<4x50x128xi32, #tpu.memory_space<vmem>> -> memref<1x1x128xi32, #tpu.memory_space<vmem>>
    %dma_wait3A_60 = tpu.memref_squeeze %dma_wait3A_59 : memref<1x1x128xi32, #tpu.memory_space<vmem>> -> memref<128xi32, #tpu.memory_space<vmem>>
    %dma_wait3A_61 = arith.constant 0 : i32
    %dma_wait3A_62 = arith.constant 0 : i32
    %dma_wait3A_63 = tpu.memref_slice %arg2[%dma_wait3A_61, %dma_wait3A_62] : memref<100000x128xf32, #tpu.memory_space<hbm>> -> memref<100000x128xf32, #tpu.memory_space<hbm>>
    tpu.wait_indirect_dma semaphore(%arg10 : memref<!tpu.dma_semaphore, #tpu.memory_space<semaphore_mem>>) src(%dma_wait3A_63 : memref<100000x128xf32, #tpu.memory_space<hbm>>) dst(%dma_wait3A_57 : memref<128x128xf32, #tpu.memory_space<vmem>>)
    %mul3A_64 = arith.constant 128 : i32
    %mul3A_65 = arith.muli %add3A, %mul3A_64 : i32
    %dma_start3A_66 = arith.constant 0 : i32
    %dma_start3A_67 = arith.constant 0 : i32
    %dma_start3A_68 = arith.constant 0 : i32
    %dma_start3A_69 = arith.constant 0 : i32
    %dma_start3A_70 = tpu.memref_slice %arg9[%dma_start3A_66, %dma_start3A_68, %dma_start3A_69] : memref<6x128x128xf32, #tpu.memory_space<vmem>> -> memref<1x128x128xf32, #tpu.memory_space<vmem>>
    %dma_start3A_71 = tpu.memref_squeeze %dma_start3A_70 : memref<1x128x128xf32, #tpu.memory_space<vmem>> -> memref<128x128xf32, #tpu.memory_space<vmem>>
    %dma_start3A_72 = arith.constant 0 : i32
    %dma_start3A_73 = tpu.memref_slice %arg4[%dma_start3A_67, %mul3A_65, %dma_start3A_72] : memref<50x4096x128xf32, #tpu.memory_space<hbm>> -> memref<1x128x128xf32, #tpu.memory_space<hbm>>
    %dma_start3A_74 = tpu.memref_squeeze %dma_start3A_73 : memref<1x128x128xf32, #tpu.memory_space<hbm>> -> memref<128x128xf32, #tpu.memory_space<hbm>>
    %dma_start3A_75 = arith.constant 0 : i32
    %dma_start3A_76 = tpu.memref_slice %arg4[%dma_start3A_67, %mul3A_65, %dma_start3A_75] : memref<50x4096x128xf32, #tpu.memory_space<hbm>> -> memref<1x128x128xf32, #tpu.memory_space<hbm>>
    %dma_start3A_77 = tpu.memref_squeeze %dma_start3A_76 : memref<1x128x128xf32, #tpu.memory_space<hbm>> -> memref<128x128xf32, #tpu.memory_space<hbm>>
    %dma_start3A_78 = arith.constant 0 : i32
    %dma_start3A_79 = arith.constant 0 : i32
    %dma_start3A_80 = tpu.memref_slice %arg9[%dma_start3A_66, %dma_start3A_78, %dma_start3A_79] : memref<6x128x128xf32, #tpu.memory_space<vmem>> -> memref<1x128x128xf32, #tpu.memory_space<vmem>>
    %dma_start3A_81 = tpu.memref_squeeze %dma_start3A_80 : memref<1x128x128xf32, #tpu.memory_space<vmem>> -> memref<128x128xf32, #tpu.memory_space<vmem>>
    tpu.enqueue_dma source(%dma_start3A_81 : memref<128x128xf32, #tpu.memory_space<vmem>>) target(%dma_start3A_77 : memref<128x128xf32, #tpu.memory_space<hbm>>) target_semaphore(%arg16 : memref<!tpu.dma_semaphore, #tpu.memory_space<semaphore_mem>>)
    %dma_start3A_82 = arith.constant 0 : i32
    %dma_start3A_83 = arith.constant 4 : i32
    %dma_start3A_84 = arith.constant 4 : i32
    %dma_start3A_85 = arith.constant 0 : i32
    %dma_start3A_86 = arith.constant 0 : i32
    %dma_start3A_87 = tpu.memref_slice %arg9[%dma_start3A_84, %dma_start3A_85, %dma_start3A_86] : memref<6x128x128xf32, #tpu.memory_space<vmem>> -> memref<1x128x128xf32, #tpu.memory_space<vmem>>
    %dma_start3A_88 = tpu.memref_squeeze %dma_start3A_87 : memref<1x128x128xf32, #tpu.memory_space<vmem>> -> memref<128x128xf32, #tpu.memory_space<vmem>>
    %dma_start3A_89 = arith.constant 0 : i32
    %dma_start3A_90 = tpu.memref_slice %arg8[%dma_start3A_82, %dma_start3A_83, %dma_start3A_89] : memref<4x50x128xi32, #tpu.memory_space<vmem>> -> memref<1x1x128xi32, #tpu.memory_space<vmem>>
    %dma_start3A_91 = tpu.memref_squeeze %dma_start3A_90 : memref<1x1x128xi32, #tpu.memory_space<vmem>> -> memref<128xi32, #tpu.memory_space<vmem>>
    %dma_start3A_92 = arith.constant 0 : i32
    %dma_start3A_93 = arith.constant 0 : i32
    %dma_start3A_94 = tpu.memref_slice %arg2[%dma_start3A_92, %dma_start3A_93] : memref<100000x128xf32, #tpu.memory_space<hbm>> -> memref<100000x128xf32, #tpu.memory_space<hbm>>
    tpu.enqueue_indirect_dma source(%dma_start3A_94 : memref<100000x128xf32, #tpu.memory_space<hbm>>) target(%dma_start3A_88 : memref<128x128xf32, #tpu.memory_space<vmem>>) offsets(%dma_start3A_91 : memref<128xi32, #tpu.memory_space<vmem>>) semaphore(%arg14 : memref<!tpu.dma_semaphore, #tpu.memory_space<semaphore_mem>>)
    %dma_wait3A_95 = arith.constant 0 : i32
    %dma_wait3A_96 = arith.constant 0 : i32
    %dma_wait3A_97 = arith.constant 1 : i32
    %dma_wait3A_98 = arith.constant 0 : i32
    %dma_wait3A_99 = arith.constant 0 : i32
    %dma_wait3A_100 = tpu.memref_slice %arg9[%dma_wait3A_97, %dma_wait3A_98, %dma_wait3A_99] : memref<6x128x128xf32, #tpu.memory_space<vmem>> -> memref<1x128x128xf32, #tpu.memory_space<vmem>>
    %dma_wait3A_101 = tpu.memref_squeeze %dma_wait3A_100 : memref<1x128x128xf32, #tpu.memory_space<vmem>> -> memref<128x128xf32, #tpu.memory_space<vmem>>
    %dma_wait3A_102 = arith.constant 0 : i32
    %dma_wait3A_103 = tpu.memref_slice %arg8[%dma_wait3A_95, %dma_wait3A_96, %dma_wait3A_102] : memref<4x50x128xi32, #tpu.memory_space<vmem>> -> memref<1x1x128xi32, #tpu.memory_space<vmem>>
    %dma_wait3A_104 = tpu.memref_squeeze %dma_wait3A_103 : memref<1x1x128xi32, #tpu.memory_space<vmem>> -> memref<128xi32, #tpu.memory_space<vmem>>
    %dma_wait3A_105 = arith.constant 0 : i32
    %dma_wait3A_106 = arith.constant 0 : i32
    %dma_wait3A_107 = tpu.memref_slice %arg2[%dma_wait3A_105, %dma_wait3A_106] : memref<100000x128xf32, #tpu.memory_space<hbm>> -> memref<100000x128xf32, #tpu.memory_space<hbm>>
    tpu.wait_indirect_dma semaphore(%arg11 : memref<!tpu.dma_semaphore, #tpu.memory_space<semaphore_mem>>) src(%dma_wait3A_107 : memref<100000x128xf32, #tpu.memory_space<hbm>>) dst(%dma_wait3A_101 : memref<128x128xf32, #tpu.memory_space<vmem>>)
    %mul3A_108 = arith.constant 128 : i32
    %mul3A_109 = arith.muli %add3A, %mul3A_108 : i32
    %dma_start3A_110 = arith.constant 1 : i32
    %dma_start3A_111 = arith.constant 1 : i32
    %dma_start3A_112 = arith.constant 0 : i32
    %dma_start3A_113 = arith.constant 0 : i32
    %dma_start3A_114 = tpu.memref_slice %arg9[%dma_start3A_110, %dma_start3A_112, %dma_start3A_113] : memref<6x128x128xf32, #tpu.memory_space<vmem>> -> memref<1x128x128xf32, #tpu.memory_space<vmem>>
    %dma_start3A_115 = tpu.memref_squeeze %dma_start3A_114 : memref<1x128x128xf32, #tpu.memory_space<vmem>> -> memref<128x128xf32, #tpu.memory_space<vmem>>
    %dma_start3A_116 = arith.constant 0 : i32
    %dma_start3A_117 = tpu.memref_slice %arg4[%dma_start3A_111, %mul3A_109, %dma_start3A_116] : memref<50x4096x128xf32, #tpu.memory_space<hbm>> -> memref<1x128x128xf32, #tpu.memory_space<hbm>>
    %dma_start3A_118 = tpu.memref_squeeze %dma_start3A_117 : memref<1x128x128xf32, #tpu.memory_space<hbm>> -> memref<128x128xf32, #tpu.memory_space<hbm>>
    %dma_start3A_119 = arith.constant 0 : i32
    %dma_start3A_120 = tpu.memref_slice %arg4[%dma_start3A_111, %mul3A_109, %dma_start3A_119] : memref<50x4096x128xf32, #tpu.memory_space<hbm>> -> memref<1x128x128xf32, #tpu.memory_space<hbm>>
    %dma_start3A_121 = tpu.memref_squeeze %dma_start3A_120 : memref<1x128x128xf32, #tpu.memory_space<hbm>> -> memref<128x128xf32, #tpu.memory_space<hbm>>
    %dma_start3A_122 = arith.constant 0 : i32
    %dma_start3A_123 = arith.constant 0 : i32
    %dma_start3A_124 = tpu.memref_slice %arg9[%dma_start3A_110, %dma_start3A_122, %dma_start3A_123] : memref<6x128x128xf32, #tpu.memory_space<vmem>> -> memref<1x128x128xf32, #tpu.memory_space<vmem>>
    %dma_start3A_125 = tpu.memref_squeeze %dma_start3A_124 : memref<1x128x128xf32, #tpu.memory_space<vmem>> -> memref<128x128xf32, #tpu.memory_space<vmem>>
    tpu.enqueue_dma source(%dma_start3A_125 : memref<128x128xf32, #tpu.memory_space<vmem>>) target(%dma_start3A_121 : memref<128x128xf32, #tpu.memory_space<hbm>>) target_semaphore(%arg17 : memref<!tpu.dma_semaphore, #tpu.memory_space<semaphore_mem>>)
    %dma_start3A_126 = arith.constant 0 : i32
    %dma_start3A_127 = arith.constant 5 : i32
    %dma_start3A_128 = arith.constant 5 : i32
    %dma_start3A_129 = arith.constant 0 : i32
    %dma_start3A_130 = arith.constant 0 : i32
    %dma_start3A_131 = tpu.memref_slice %arg9[%dma_start3A_128, %dma_start3A_129, %dma_start3A_130] : memref<6x128x128xf32, #tpu.memory_space<vmem>> -> memref<1x128x128xf32, #tpu.memory_space<vmem>>
    %dma_start3A_132 = tpu.memref_squeeze %dma_start3A_131 : memref<1x128x128xf32, #tpu.memory_space<vmem>> -> memref<128x128xf32, #tpu.memory_space<vmem>>
    %dma_start3A_133 = arith.constant 0 : i32
    %dma_start3A_134 = tpu.memref_slice %arg8[%dma_start3A_126, %dma_start3A_127, %dma_start3A_133] : memref<4x50x128xi32, #tpu.memory_space<vmem>> -> memref<1x1x128xi32, #tpu.memory_space<vmem>>
    %dma_start3A_135 = tpu.memref_squeeze %dma_start3A_134 : memref<1x1x128xi32, #tpu.memory_space<vmem>> -> memref<128xi32, #tpu.memory_space<vmem>>
    %dma_start3A_136 = arith.constant 0 : i32
    %dma_start3A_137 = arith.constant 0 : i32
    %dma_start3A_138 = tpu.memref_slice %arg2[%dma_start3A_136, %dma_start3A_137] : memref<100000x128xf32, #tpu.memory_space<hbm>> -> memref<100000x128xf32, #tpu.memory_space<hbm>>
    tpu.enqueue_indirect_dma source(%dma_start3A_138 : memref<100000x128xf32, #tpu.memory_space<hbm>>) target(%dma_start3A_132 : memref<128x128xf32, #tpu.memory_space<vmem>>) offsets(%dma_start3A_135 : memref<128xi32, #tpu.memory_space<vmem>>) semaphore(%arg15 : memref<!tpu.dma_semaphore, #tpu.memory_space<semaphore_mem>>)
    %scan3A = arith.constant 0 : i32
    %scan3A_139 = arith.constant 7 : i32
    %scan3A_140 = arith.addi %scan3A, %scan3A_139 : i32
    %scan3A_141 = arith.constant 1 : i32
    scf.for %scan3A_2002 = %scan3A to %scan3A_140 step %scan3A_141  : i32 {
      %mul3A_2003 = arith.constant 6 : i32
      %mul3A_2004 = arith.muli %scan3A_2002, %mul3A_2003 : i32
      %add3A_2005 = arith.constant 2 : i32
      %add3A_2006 = arith.addi %add3A_2005, %mul3A_2004 : i32
      %add3A_2007 = arith.constant 0 : i32
      %add3A_2008 = arith.addi %add3A_2006, %add3A_2007 : i32
      %dma_wait3A_2009 = arith.constant 0 : i32
      %dma_wait3A_2010 = arith.constant 0 : i32
      %dma_wait3A_2011 = arith.constant 2 : i32
      %dma_wait3A_2012 = arith.constant 0 : i32
      %dma_wait3A_2013 = arith.constant 0 : i32
      %dma_wait3A_2014 = tpu.memref_slice %arg9[%dma_wait3A_2011, %dma_wait3A_2012, %dma_wait3A_2013] : memref<6x128x128xf32, #tpu.memory_space<vmem>> -> memref<1x128x128xf32, #tpu.memory_space<vmem>>
      %dma_wait3A_2015 = tpu.memref_squeeze %dma_wait3A_2014 : memref<1x128x128xf32, #tpu.memory_space<vmem>> -> memref<128x128xf32, #tpu.memory_space<vmem>>
      %dma_wait3A_2016 = arith.constant 0 : i32
      %dma_wait3A_2017 = tpu.memref_slice %arg8[%dma_wait3A_2009, %dma_wait3A_2010, %dma_wait3A_2016] : memref<4x50x128xi32, #tpu.memory_space<vmem>> -> memref<1x1x128xi32, #tpu.memory_space<vmem>>
      %dma_wait3A_2018 = tpu.memref_squeeze %dma_wait3A_2017 : memref<1x1x128xi32, #tpu.memory_space<vmem>> -> memref<128xi32, #tpu.memory_space<vmem>>
      %dma_wait3A_2019 = arith.constant 0 : i32
      %dma_wait3A_2020 = arith.constant 0 : i32
      %dma_wait3A_2021 = tpu.memref_slice %arg2[%dma_wait3A_2019, %dma_wait3A_2020] : memref<100000x128xf32, #tpu.memory_space<hbm>> -> memref<100000x128xf32, #tpu.memory_space<hbm>>
      tpu.wait_indirect_dma semaphore(%arg12 : memref<!tpu.dma_semaphore, #tpu.memory_space<semaphore_mem>>) src(%dma_wait3A_2021 : memref<100000x128xf32, #tpu.memory_space<hbm>>) dst(%dma_wait3A_2015 : memref<128x128xf32, #tpu.memory_space<vmem>>)
      %sub3A = arith.constant 0 : i32
      %sub3A_2022 = arith.subi %add3A_2008, %sub3A : i32
      %mul3A_2023 = arith.constant 128 : i32
      %mul3A_2024 = arith.muli %add3A, %mul3A_2023 : i32
      %dma_start3A_2025 = arith.constant 2 : i32
      %dma_start3A_2026 = arith.constant 0 : i32
      %dma_start3A_2027 = arith.constant 0 : i32
      %dma_start3A_2028 = tpu.memref_slice %arg9[%dma_start3A_2025, %dma_start3A_2026, %dma_start3A_2027] : memref<6x128x128xf32, #tpu.memory_space<vmem>> -> memref<1x128x128xf32, #tpu.memory_space<vmem>>
      %dma_start3A_2029 = tpu.memref_squeeze %dma_start3A_2028 : memref<1x128x128xf32, #tpu.memory_space<vmem>> -> memref<128x128xf32, #tpu.memory_space<vmem>>
      %dma_start3A_2030 = arith.constant 0 : i32
      %dma_start3A_2031 = tpu.memref_slice %arg4[%sub3A_2022, %mul3A_2024, %dma_start3A_2030] : memref<50x4096x128xf32, #tpu.memory_space<hbm>> -> memref<1x128x128xf32, #tpu.memory_space<hbm>>
      %dma_start3A_2032 = tpu.memref_squeeze %dma_start3A_2031 : memref<1x128x128xf32, #tpu.memory_space<hbm>> -> memref<128x128xf32, #tpu.memory_space<hbm>>
      %dma_start3A_2033 = arith.constant 0 : i32
      %dma_start3A_2034 = tpu.memref_slice %arg4[%sub3A_2022, %mul3A_2024, %dma_start3A_2033] : memref<50x4096x128xf32, #tpu.memory_space<hbm>> -> memref<1x128x128xf32, #tpu.memory_space<hbm>>
      %dma_start3A_2035 = tpu.memref_squeeze %dma_start3A_2034 : memref<1x128x128xf32, #tpu.memory_space<hbm>> -> memref<128x128xf32, #tpu.memory_space<hbm>>
      %dma_start3A_2036 = arith.constant 0 : i32
      %dma_start3A_2037 = arith.constant 0 : i32
      %dma_start3A_2038 = tpu.memref_slice %arg9[%dma_start3A_2025, %dma_start3A_2036, %dma_start3A_2037] : memref<6x128x128xf32, #tpu.memory_space<vmem>> -> memref<1x128x128xf32, #tpu.memory_space<vmem>>
      %dma_start3A_2039 = tpu.memref_squeeze %dma_start3A_2038 : memref<1x128x128xf32, #tpu.memory_space<vmem>> -> memref<128x128xf32, #tpu.memory_space<vmem>>
      tpu.enqueue_dma source(%dma_start3A_2039 : memref<128x128xf32, #tpu.memory_space<vmem>>) target(%dma_start3A_2035 : memref<128x128xf32, #tpu.memory_space<hbm>>) target_semaphore(%arg18 : memref<!tpu.dma_semaphore, #tpu.memory_space<semaphore_mem>>)
      %dma_wait3A_2040 = arith.constant 0 : i32
      %dma_wait3A_2041 = arith.constant 0 : i32
      %dma_wait3A_2042 = arith.constant 0 : i32
      %dma_wait3A_2043 = arith.constant 0 : i32
      %dma_wait3A_2044 = tpu.memref_slice %arg9[%dma_wait3A_2040, %dma_wait3A_2042, %dma_wait3A_2043] : memref<6x128x128xf32, #tpu.memory_space<vmem>> -> memref<1x128x128xf32, #tpu.memory_space<vmem>>
      %dma_wait3A_2045 = tpu.memref_squeeze %dma_wait3A_2044 : memref<1x128x128xf32, #tpu.memory_space<vmem>> -> memref<128x128xf32, #tpu.memory_space<vmem>>
      %dma_wait3A_2046 = arith.constant 0 : i32
      %dma_wait3A_2047 = arith.constant 0 : i32
      %dma_wait3A_2048 = tpu.memref_slice %arg4[%dma_wait3A_2041, %dma_wait3A_2046, %dma_wait3A_2047] : memref<50x4096x128xf32, #tpu.memory_space<hbm>> -> memref<1x128x128xf32, #tpu.memory_space<hbm>>
      %dma_wait3A_2049 = tpu.memref_squeeze %dma_wait3A_2048 : memref<1x128x128xf32, #tpu.memory_space<hbm>> -> memref<128x128xf32, #tpu.memory_space<hbm>>
      %dma_wait3A_2050 = arith.constant 0 : i32
      %dma_wait3A_2051 = arith.constant 0 : i32
      %dma_wait3A_2052 = tpu.memref_slice %arg4[%dma_wait3A_2041, %dma_wait3A_2050, %dma_wait3A_2051] : memref<50x4096x128xf32, #tpu.memory_space<hbm>> -> memref<1x128x128xf32, #tpu.memory_space<hbm>>
      %dma_wait3A_2053 = tpu.memref_squeeze %dma_wait3A_2052 : memref<1x128x128xf32, #tpu.memory_space<hbm>> -> memref<128x128xf32, #tpu.memory_space<hbm>>
      %dma_wait3A_2054 = arith.constant 0 : i32
      %dma_wait3A_2055 = arith.constant 0 : i32
      %dma_wait3A_2056 = tpu.memref_slice %arg9[%dma_wait3A_2040, %dma_wait3A_2054, %dma_wait3A_2055] : memref<6x128x128xf32, #tpu.memory_space<vmem>> -> memref<1x128x128xf32, #tpu.memory_space<vmem>>
      %dma_wait3A_2057 = tpu.memref_squeeze %dma_wait3A_2056 : memref<1x128x128xf32, #tpu.memory_space<vmem>> -> memref<128x128xf32, #tpu.memory_space<vmem>>
      tpu.wait_dma2 semaphore(%arg16 : memref<!tpu.dma_semaphore, #tpu.memory_space<semaphore_mem>>) src(%dma_wait3A_2057 : memref<128x128xf32, #tpu.memory_space<vmem>>) dst(%dma_wait3A_2053 : memref<128x128xf32, #tpu.memory_space<hbm>>)
      %sub3A_2058 = arith.constant 0 : i32
      %sub3A_2059 = arith.subi %add3A_2008, %sub3A_2058 : i32
      %add3A_2060 = arith.constant 4 : i32
      %add3A_2061 = arith.addi %sub3A_2059, %add3A_2060 : i32
      %dma_start3A_2062 = arith.constant 0 : i32
      %dma_start3A_2063 = arith.constant 0 : i32
      %dma_start3A_2064 = arith.constant 0 : i32
      %dma_start3A_2065 = arith.constant 0 : i32
      %dma_start3A_2066 = tpu.memref_slice %arg9[%dma_start3A_2063, %dma_start3A_2064, %dma_start3A_2065] : memref<6x128x128xf32, #tpu.memory_space<vmem>> -> memref<1x128x128xf32, #tpu.memory_space<vmem>>
      %dma_start3A_2067 = tpu.memref_squeeze %dma_start3A_2066 : memref<1x128x128xf32, #tpu.memory_space<vmem>> -> memref<128x128xf32, #tpu.memory_space<vmem>>
      %dma_start3A_2068 = arith.constant 0 : i32
      %dma_start3A_2069 = tpu.memref_slice %arg8[%dma_start3A_2062, %add3A_2061, %dma_start3A_2068] : memref<4x50x128xi32, #tpu.memory_space<vmem>> -> memref<1x1x128xi32, #tpu.memory_space<vmem>>
      %dma_start3A_2070 = tpu.memref_squeeze %dma_start3A_2069 : memref<1x1x128xi32, #tpu.memory_space<vmem>> -> memref<128xi32, #tpu.memory_space<vmem>>
      %dma_start3A_2071 = arith.constant 0 : i32
      %dma_start3A_2072 = arith.constant 0 : i32
      %dma_start3A_2073 = tpu.memref_slice %arg2[%dma_start3A_2071, %dma_start3A_2072] : memref<100000x128xf32, #tpu.memory_space<hbm>> -> memref<100000x128xf32, #tpu.memory_space<hbm>>
      tpu.enqueue_indirect_dma source(%dma_start3A_2073 : memref<100000x128xf32, #tpu.memory_space<hbm>>) target(%dma_start3A_2067 : memref<128x128xf32, #tpu.memory_space<vmem>>) offsets(%dma_start3A_2070 : memref<128xi32, #tpu.memory_space<vmem>>) semaphore(%arg10 : memref<!tpu.dma_semaphore, #tpu.memory_space<semaphore_mem>>)
      %add3A_2074 = arith.constant 1 : i32
      %add3A_2075 = arith.addi %add3A_2006, %add3A_2074 : i32
      %dma_wait3A_2076 = arith.constant 0 : i32
      %dma_wait3A_2077 = arith.constant 0 : i32
      %dma_wait3A_2078 = arith.constant 3 : i32
      %dma_wait3A_2079 = arith.constant 0 : i32
      %dma_wait3A_2080 = arith.constant 0 : i32
      %dma_wait3A_2081 = tpu.memref_slice %arg9[%dma_wait3A_2078, %dma_wait3A_2079, %dma_wait3A_2080] : memref<6x128x128xf32, #tpu.memory_space<vmem>> -> memref<1x128x128xf32, #tpu.memory_space<vmem>>
      %dma_wait3A_2082 = tpu.memref_squeeze %dma_wait3A_2081 : memref<1x128x128xf32, #tpu.memory_space<vmem>> -> memref<128x128xf32, #tpu.memory_space<vmem>>
      %dma_wait3A_2083 = arith.constant 0 : i32
      %dma_wait3A_2084 = tpu.memref_slice %arg8[%dma_wait3A_2076, %dma_wait3A_2077, %dma_wait3A_2083] : memref<4x50x128xi32, #tpu.memory_space<vmem>> -> memref<1x1x128xi32, #tpu.memory_space<vmem>>
      %dma_wait3A_2085 = tpu.memref_squeeze %dma_wait3A_2084 : memref<1x1x128xi32, #tpu.memory_space<vmem>> -> memref<128xi32, #tpu.memory_space<vmem>>
      %dma_wait3A_2086 = arith.constant 0 : i32
      %dma_wait3A_2087 = arith.constant 0 : i32
      %dma_wait3A_2088 = tpu.memref_slice %arg2[%dma_wait3A_2086, %dma_wait3A_2087] : memref<100000x128xf32, #tpu.memory_space<hbm>> -> memref<100000x128xf32, #tpu.memory_space<hbm>>
      tpu.wait_indirect_dma semaphore(%arg13 : memref<!tpu.dma_semaphore, #tpu.memory_space<semaphore_mem>>) src(%dma_wait3A_2088 : memref<100000x128xf32, #tpu.memory_space<hbm>>) dst(%dma_wait3A_2082 : memref<128x128xf32, #tpu.memory_space<vmem>>)
      %sub3A_2089 = arith.constant 0 : i32
      %sub3A_2090 = arith.subi %add3A_2075, %sub3A_2089 : i32
      %mul3A_2091 = arith.constant 128 : i32
      %mul3A_2092 = arith.muli %add3A, %mul3A_2091 : i32
      %dma_start3A_2093 = arith.constant 3 : i32
      %dma_start3A_2094 = arith.constant 0 : i32
      %dma_start3A_2095 = arith.constant 0 : i32
      %dma_start3A_2096 = tpu.memref_slice %arg9[%dma_start3A_2093, %dma_start3A_2094, %dma_start3A_2095] : memref<6x128x128xf32, #tpu.memory_space<vmem>> -> memref<1x128x128xf32, #tpu.memory_space<vmem>>
      %dma_start3A_2097 = tpu.memref_squeeze %dma_start3A_2096 : memref<1x128x128xf32, #tpu.memory_space<vmem>> -> memref<128x128xf32, #tpu.memory_space<vmem>>
      %dma_start3A_2098 = arith.constant 0 : i32
      %dma_start3A_2099 = tpu.memref_slice %arg4[%sub3A_2090, %mul3A_2092, %dma_start3A_2098] : memref<50x4096x128xf32, #tpu.memory_space<hbm>> -> memref<1x128x128xf32, #tpu.memory_space<hbm>>
      %dma_start3A_2100 = tpu.memref_squeeze %dma_start3A_2099 : memref<1x128x128xf32, #tpu.memory_space<hbm>> -> memref<128x128xf32, #tpu.memory_space<hbm>>
      %dma_start3A_2101 = arith.constant 0 : i32
      %dma_start3A_2102 = tpu.memref_slice %arg4[%sub3A_2090, %mul3A_2092, %dma_start3A_2101] : memref<50x4096x128xf32, #tpu.memory_space<hbm>> -> memref<1x128x128xf32, #tpu.memory_space<hbm>>
      %dma_start3A_2103 = tpu.memref_squeeze %dma_start3A_2102 : memref<1x128x128xf32, #tpu.memory_space<hbm>> -> memref<128x128xf32, #tpu.memory_space<hbm>>
      %dma_start3A_2104 = arith.constant 0 : i32
      %dma_start3A_2105 = arith.constant 0 : i32
      %dma_start3A_2106 = tpu.memref_slice %arg9[%dma_start3A_2093, %dma_start3A_2104, %dma_start3A_2105] : memref<6x128x128xf32, #tpu.memory_space<vmem>> -> memref<1x128x128xf32, #tpu.memory_space<vmem>>
      %dma_start3A_2107 = tpu.memref_squeeze %dma_start3A_2106 : memref<1x128x128xf32, #tpu.memory_space<vmem>> -> memref<128x128xf32, #tpu.memory_space<vmem>>
      tpu.enqueue_dma source(%dma_start3A_2107 : memref<128x128xf32, #tpu.memory_space<vmem>>) target(%dma_start3A_2103 : memref<128x128xf32, #tpu.memory_space<hbm>>) target_semaphore(%arg19 : memref<!tpu.dma_semaphore, #tpu.memory_space<semaphore_mem>>)
      %dma_wait3A_2108 = arith.constant 1 : i32
      %dma_wait3A_2109 = arith.constant 0 : i32
      %dma_wait3A_2110 = arith.constant 0 : i32
      %dma_wait3A_2111 = arith.constant 0 : i32
      %dma_wait3A_2112 = tpu.memref_slice %arg9[%dma_wait3A_2108, %dma_wait3A_2110, %dma_wait3A_2111] : memref<6x128x128xf32, #tpu.memory_space<vmem>> -> memref<1x128x128xf32, #tpu.memory_space<vmem>>
      %dma_wait3A_2113 = tpu.memref_squeeze %dma_wait3A_2112 : memref<1x128x128xf32, #tpu.memory_space<vmem>> -> memref<128x128xf32, #tpu.memory_space<vmem>>
      %dma_wait3A_2114 = arith.constant 0 : i32
      %dma_wait3A_2115 = arith.constant 0 : i32
      %dma_wait3A_2116 = tpu.memref_slice %arg4[%dma_wait3A_2109, %dma_wait3A_2114, %dma_wait3A_2115] : memref<50x4096x128xf32, #tpu.memory_space<hbm>> -> memref<1x128x128xf32, #tpu.memory_space<hbm>>
      %dma_wait3A_2117 = tpu.memref_squeeze %dma_wait3A_2116 : memref<1x128x128xf32, #tpu.memory_space<hbm>> -> memref<128x128xf32, #tpu.memory_space<hbm>>
      %dma_wait3A_2118 = arith.constant 0 : i32
      %dma_wait3A_2119 = arith.constant 0 : i32
      %dma_wait3A_2120 = tpu.memref_slice %arg4[%dma_wait3A_2109, %dma_wait3A_2118, %dma_wait3A_2119] : memref<50x4096x128xf32, #tpu.memory_space<hbm>> -> memref<1x128x128xf32, #tpu.memory_space<hbm>>
      %dma_wait3A_2121 = tpu.memref_squeeze %dma_wait3A_2120 : memref<1x128x128xf32, #tpu.memory_space<hbm>> -> memref<128x128xf32, #tpu.memory_space<hbm>>
      %dma_wait3A_2122 = arith.constant 0 : i32
      %dma_wait3A_2123 = arith.constant 0 : i32
      %dma_wait3A_2124 = tpu.memref_slice %arg9[%dma_wait3A_2108, %dma_wait3A_2122, %dma_wait3A_2123] : memref<6x128x128xf32, #tpu.memory_space<vmem>> -> memref<1x128x128xf32, #tpu.memory_space<vmem>>
      %dma_wait3A_2125 = tpu.memref_squeeze %dma_wait3A_2124 : memref<1x128x128xf32, #tpu.memory_space<vmem>> -> memref<128x128xf32, #tpu.memory_space<vmem>>
      tpu.wait_dma2 semaphore(%arg17 : memref<!tpu.dma_semaphore, #tpu.memory_space<semaphore_mem>>) src(%dma_wait3A_2125 : memref<128x128xf32, #tpu.memory_space<vmem>>) dst(%dma_wait3A_2121 : memref<128x128xf32, #tpu.memory_space<hbm>>)
      %sub3A_2126 = arith.constant 0 : i32
      %sub3A_2127 = arith.subi %add3A_2075, %sub3A_2126 : i32
      %add3A_2128 = arith.constant 4 : i32
      %add3A_2129 = arith.addi %sub3A_2127, %add3A_2128 : i32
      %dma_start3A_2130 = arith.constant 0 : i32
      %dma_start3A_2131 = arith.constant 1 : i32
      %dma_start3A_2132 = arith.constant 0 : i32
      %dma_start3A_2133 = arith.constant 0 : i32
      %dma_start3A_2134 = tpu.memref_slice %arg9[%dma_start3A_2131, %dma_start3A_2132, %dma_start3A_2133] : memref<6x128x128xf32, #tpu.memory_space<vmem>> -> memref<1x128x128xf32, #tpu.memory_space<vmem>>
      %dma_start3A_2135 = tpu.memref_squeeze %dma_start3A_2134 : memref<1x128x128xf32, #tpu.memory_space<vmem>> -> memref<128x128xf32, #tpu.memory_space<vmem>>
      %dma_start3A_2136 = arith.constant 0 : i32
      %dma_start3A_2137 = tpu.memref_slice %arg8[%dma_start3A_2130, %add3A_2129, %dma_start3A_2136] : memref<4x50x128xi32, #tpu.memory_space<vmem>> -> memref<1x1x128xi32, #tpu.memory_space<vmem>>
      %dma_start3A_2138 = tpu.memref_squeeze %dma_start3A_2137 : memref<1x1x128xi32, #tpu.memory_space<vmem>> -> memref<128xi32, #tpu.memory_space<vmem>>
      %dma_start3A_2139 = arith.constant 0 : i32
      %dma_start3A_2140 = arith.constant 0 : i32
      %dma_start3A_2141 = tpu.memref_slice %arg2[%dma_start3A_2139, %dma_start3A_2140] : memref<100000x128xf32, #tpu.memory_space<hbm>> -> memref<100000x128xf32, #tpu.memory_space<hbm>>
      tpu.enqueue_indirect_dma source(%dma_start3A_2141 : memref<100000x128xf32, #tpu.memory_space<hbm>>) target(%dma_start3A_2135 : memref<128x128xf32, #tpu.memory_space<vmem>>) offsets(%dma_start3A_2138 : memref<128xi32, #tpu.memory_space<vmem>>) semaphore(%arg11 : memref<!tpu.dma_semaphore, #tpu.memory_space<semaphore_mem>>)
      %add3A_2142 = arith.constant 2 : i32
      %add3A_2143 = arith.addi %add3A_2006, %add3A_2142 : i32
      %dma_wait3A_2144 = arith.constant 0 : i32
      %dma_wait3A_2145 = arith.constant 0 : i32
      %dma_wait3A_2146 = arith.constant 4 : i32
      %dma_wait3A_2147 = arith.constant 0 : i32
      %dma_wait3A_2148 = arith.constant 0 : i32
      %dma_wait3A_2149 = tpu.memref_slice %arg9[%dma_wait3A_2146, %dma_wait3A_2147, %dma_wait3A_2148] : memref<6x128x128xf32, #tpu.memory_space<vmem>> -> memref<1x128x128xf32, #tpu.memory_space<vmem>>
      %dma_wait3A_2150 = tpu.memref_squeeze %dma_wait3A_2149 : memref<1x128x128xf32, #tpu.memory_space<vmem>> -> memref<128x128xf32, #tpu.memory_space<vmem>>
      %dma_wait3A_2151 = arith.constant 0 : i32
      %dma_wait3A_2152 = tpu.memref_slice %arg8[%dma_wait3A_2144, %dma_wait3A_2145, %dma_wait3A_2151] : memref<4x50x128xi32, #tpu.memory_space<vmem>> -> memref<1x1x128xi32, #tpu.memory_space<vmem>>
      %dma_wait3A_2153 = tpu.memref_squeeze %dma_wait3A_2152 : memref<1x1x128xi32, #tpu.memory_space<vmem>> -> memref<128xi32, #tpu.memory_space<vmem>>
      %dma_wait3A_2154 = arith.constant 0 : i32
      %dma_wait3A_2155 = arith.constant 0 : i32
      %dma_wait3A_2156 = tpu.memref_slice %arg2[%dma_wait3A_2154, %dma_wait3A_2155] : memref<100000x128xf32, #tpu.memory_space<hbm>> -> memref<100000x128xf32, #tpu.memory_space<hbm>>
      tpu.wait_indirect_dma semaphore(%arg14 : memref<!tpu.dma_semaphore, #tpu.memory_space<semaphore_mem>>) src(%dma_wait3A_2156 : memref<100000x128xf32, #tpu.memory_space<hbm>>) dst(%dma_wait3A_2150 : memref<128x128xf32, #tpu.memory_space<vmem>>)
      %sub3A_2157 = arith.constant 0 : i32
      %sub3A_2158 = arith.subi %add3A_2143, %sub3A_2157 : i32
      %mul3A_2159 = arith.constant 128 : i32
      %mul3A_2160 = arith.muli %add3A, %mul3A_2159 : i32
      %dma_start3A_2161 = arith.constant 4 : i32
      %dma_start3A_2162 = arith.constant 0 : i32
      %dma_start3A_2163 = arith.constant 0 : i32
      %dma_start3A_2164 = tpu.memref_slice %arg9[%dma_start3A_2161, %dma_start3A_2162, %dma_start3A_2163] : memref<6x128x128xf32, #tpu.memory_space<vmem>> -> memref<1x128x128xf32, #tpu.memory_space<vmem>>
      %dma_start3A_2165 = tpu.memref_squeeze %dma_start3A_2164 : memref<1x128x128xf32, #tpu.memory_space<vmem>> -> memref<128x128xf32, #tpu.memory_space<vmem>>
      %dma_start3A_2166 = arith.constant 0 : i32
      %dma_start3A_2167 = tpu.memref_slice %arg4[%sub3A_2158, %mul3A_2160, %dma_start3A_2166] : memref<50x4096x128xf32, #tpu.memory_space<hbm>> -> memref<1x128x128xf32, #tpu.memory_space<hbm>>
      %dma_start3A_2168 = tpu.memref_squeeze %dma_start3A_2167 : memref<1x128x128xf32, #tpu.memory_space<hbm>> -> memref<128x128xf32, #tpu.memory_space<hbm>>
      %dma_start3A_2169 = arith.constant 0 : i32
      %dma_start3A_2170 = tpu.memref_slice %arg4[%sub3A_2158, %mul3A_2160, %dma_start3A_2169] : memref<50x4096x128xf32, #tpu.memory_space<hbm>> -> memref<1x128x128xf32, #tpu.memory_space<hbm>>
      %dma_start3A_2171 = tpu.memref_squeeze %dma_start3A_2170 : memref<1x128x128xf32, #tpu.memory_space<hbm>> -> memref<128x128xf32, #tpu.memory_space<hbm>>
      %dma_start3A_2172 = arith.constant 0 : i32
      %dma_start3A_2173 = arith.constant 0 : i32
      %dma_start3A_2174 = tpu.memref_slice %arg9[%dma_start3A_2161, %dma_start3A_2172, %dma_start3A_2173] : memref<6x128x128xf32, #tpu.memory_space<vmem>> -> memref<1x128x128xf32, #tpu.memory_space<vmem>>
      %dma_start3A_2175 = tpu.memref_squeeze %dma_start3A_2174 : memref<1x128x128xf32, #tpu.memory_space<vmem>> -> memref<128x128xf32, #tpu.memory_space<vmem>>
      tpu.enqueue_dma source(%dma_start3A_2175 : memref<128x128xf32, #tpu.memory_space<vmem>>) target(%dma_start3A_2171 : memref<128x128xf32, #tpu.memory_space<hbm>>) target_semaphore(%arg20 : memref<!tpu.dma_semaphore, #tpu.memory_space<semaphore_mem>>)
      %dma_wait3A_2176 = arith.constant 2 : i32
      %dma_wait3A_2177 = arith.constant 0 : i32
      %dma_wait3A_2178 = arith.constant 0 : i32
      %dma_wait3A_2179 = arith.constant 0 : i32
      %dma_wait3A_2180 = tpu.memref_slice %arg9[%dma_wait3A_2176, %dma_wait3A_2178, %dma_wait3A_2179] : memref<6x128x128xf32, #tpu.memory_space<vmem>> -> memref<1x128x128xf32, #tpu.memory_space<vmem>>
      %dma_wait3A_2181 = tpu.memref_squeeze %dma_wait3A_2180 : memref<1x128x128xf32, #tpu.memory_space<vmem>> -> memref<128x128xf32, #tpu.memory_space<vmem>>
      %dma_wait3A_2182 = arith.constant 0 : i32
      %dma_wait3A_2183 = arith.constant 0 : i32
      %dma_wait3A_2184 = tpu.memref_slice %arg4[%dma_wait3A_2177, %dma_wait3A_2182, %dma_wait3A_2183] : memref<50x4096x128xf32, #tpu.memory_space<hbm>> -> memref<1x128x128xf32, #tpu.memory_space<hbm>>
      %dma_wait3A_2185 = tpu.memref_squeeze %dma_wait3A_2184 : memref<1x128x128xf32, #tpu.memory_space<hbm>> -> memref<128x128xf32, #tpu.memory_space<hbm>>
      %dma_wait3A_2186 = arith.constant 0 : i32
      %dma_wait3A_2187 = arith.constant 0 : i32
      %dma_wait3A_2188 = tpu.memref_slice %arg4[%dma_wait3A_2177, %dma_wait3A_2186, %dma_wait3A_2187] : memref<50x4096x128xf32, #tpu.memory_space<hbm>> -> memref<1x128x128xf32, #tpu.memory_space<hbm>>
      %dma_wait3A_2189 = tpu.memref_squeeze %dma_wait3A_2188 : memref<1x128x128xf32, #tpu.memory_space<hbm>> -> memref<128x128xf32, #tpu.memory_space<hbm>>
      %dma_wait3A_2190 = arith.constant 0 : i32
      %dma_wait3A_2191 = arith.constant 0 : i32
      %dma_wait3A_2192 = tpu.memref_slice %arg9[%dma_wait3A_2176, %dma_wait3A_2190, %dma_wait3A_2191] : memref<6x128x128xf32, #tpu.memory_space<vmem>> -> memref<1x128x128xf32, #tpu.memory_space<vmem>>
      %dma_wait3A_2193 = tpu.memref_squeeze %dma_wait3A_2192 : memref<1x128x128xf32, #tpu.memory_space<vmem>> -> memref<128x128xf32, #tpu.memory_space<vmem>>
      tpu.wait_dma2 semaphore(%arg18 : memref<!tpu.dma_semaphore, #tpu.memory_space<semaphore_mem>>) src(%dma_wait3A_2193 : memref<128x128xf32, #tpu.memory_space<vmem>>) dst(%dma_wait3A_2189 : memref<128x128xf32, #tpu.memory_space<hbm>>)
      %sub3A_2194 = arith.constant 0 : i32
      %sub3A_2195 = arith.subi %add3A_2143, %sub3A_2194 : i32
      %add3A_2196 = arith.constant 4 : i32
      %add3A_2197 = arith.addi %sub3A_2195, %add3A_2196 : i32
      %dma_start3A_2198 = arith.constant 0 : i32
      %dma_start3A_2199 = arith.constant 2 : i32
      %dma_start3A_2200 = arith.constant 0 : i32
      %dma_start3A_2201 = arith.constant 0 : i32
      %dma_start3A_2202 = tpu.memref_slice %arg9[%dma_start3A_2199, %dma_start3A_2200, %dma_start3A_2201] : memref<6x128x128xf32, #tpu.memory_space<vmem>> -> memref<1x128x128xf32, #tpu.memory_space<vmem>>
      %dma_start3A_2203 = tpu.memref_squeeze %dma_start3A_2202 : memref<1x128x128xf32, #tpu.memory_space<vmem>> -> memref<128x128xf32, #tpu.memory_space<vmem>>
      %dma_start3A_2204 = arith.constant 0 : i32
      %dma_start3A_2205 = tpu.memref_slice %arg8[%dma_start3A_2198, %add3A_2197, %dma_start3A_2204] : memref<4x50x128xi32, #tpu.memory_space<vmem>> -> memref<1x1x128xi32, #tpu.memory_space<vmem>>
      %dma_start3A_2206 = tpu.memref_squeeze %dma_start3A_2205 : memref<1x1x128xi32, #tpu.memory_space<vmem>> -> memref<128xi32, #tpu.memory_space<vmem>>
      %dma_start3A_2207 = arith.constant 0 : i32
      %dma_start3A_2208 = arith.constant 0 : i32
      %dma_start3A_2209 = tpu.memref_slice %arg2[%dma_start3A_2207, %dma_start3A_2208] : memref<100000x128xf32, #tpu.memory_space<hbm>> -> memref<100000x128xf32, #tpu.memory_space<hbm>>
      tpu.enqueue_indirect_dma source(%dma_start3A_2209 : memref<100000x128xf32, #tpu.memory_space<hbm>>) target(%dma_start3A_2203 : memref<128x128xf32, #tpu.memory_space<vmem>>) offsets(%dma_start3A_2206 : memref<128xi32, #tpu.memory_space<vmem>>) semaphore(%arg12 : memref<!tpu.dma_semaphore, #tpu.memory_space<semaphore_mem>>)
      %add3A_2210 = arith.constant 3 : i32
      %add3A_2211 = arith.addi %add3A_2006, %add3A_2210 : i32
      %dma_wait3A_2212 = arith.constant 0 : i32
      %dma_wait3A_2213 = arith.constant 0 : i32
      %dma_wait3A_2214 = arith.constant 5 : i32
      %dma_wait3A_2215 = arith.constant 0 : i32
      %dma_wait3A_2216 = arith.constant 0 : i32
      %dma_wait3A_2217 = tpu.memref_slice %arg9[%dma_wait3A_2214, %dma_wait3A_2215, %dma_wait3A_2216] : memref<6x128x128xf32, #tpu.memory_space<vmem>> -> memref<1x128x128xf32, #tpu.memory_space<vmem>>
      %dma_wait3A_2218 = tpu.memref_squeeze %dma_wait3A_2217 : memref<1x128x128xf32, #tpu.memory_space<vmem>> -> memref<128x128xf32, #tpu.memory_space<vmem>>
      %dma_wait3A_2219 = arith.constant 0 : i32
      %dma_wait3A_2220 = tpu.memref_slice %arg8[%dma_wait3A_2212, %dma_wait3A_2213, %dma_wait3A_2219] : memref<4x50x128xi32, #tpu.memory_space<vmem>> -> memref<1x1x128xi32, #tpu.memory_space<vmem>>
      %dma_wait3A_2221 = tpu.memref_squeeze %dma_wait3A_2220 : memref<1x1x128xi32, #tpu.memory_space<vmem>> -> memref<128xi32, #tpu.memory_space<vmem>>
      %dma_wait3A_2222 = arith.constant 0 : i32
      %dma_wait3A_2223 = arith.constant 0 : i32
      %dma_wait3A_2224 = tpu.memref_slice %arg2[%dma_wait3A_2222, %dma_wait3A_2223] : memref<100000x128xf32, #tpu.memory_space<hbm>> -> memref<100000x128xf32, #tpu.memory_space<hbm>>
      tpu.wait_indirect_dma semaphore(%arg15 : memref<!tpu.dma_semaphore, #tpu.memory_space<semaphore_mem>>) src(%dma_wait3A_2224 : memref<100000x128xf32, #tpu.memory_space<hbm>>) dst(%dma_wait3A_2218 : memref<128x128xf32, #tpu.memory_space<vmem>>)
      %sub3A_2225 = arith.constant 0 : i32
      %sub3A_2226 = arith.subi %add3A_2211, %sub3A_2225 : i32
      %mul3A_2227 = arith.constant 128 : i32
      %mul3A_2228 = arith.muli %add3A, %mul3A_2227 : i32
      %dma_start3A_2229 = arith.constant 5 : i32
      %dma_start3A_2230 = arith.constant 0 : i32
      %dma_start3A_2231 = arith.constant 0 : i32
      %dma_start3A_2232 = tpu.memref_slice %arg9[%dma_start3A_2229, %dma_start3A_2230, %dma_start3A_2231] : memref<6x128x128xf32, #tpu.memory_space<vmem>> -> memref<1x128x128xf32, #tpu.memory_space<vmem>>
      %dma_start3A_2233 = tpu.memref_squeeze %dma_start3A_2232 : memref<1x128x128xf32, #tpu.memory_space<vmem>> -> memref<128x128xf32, #tpu.memory_space<vmem>>
      %dma_start3A_2234 = arith.constant 0 : i32
      %dma_start3A_2235 = tpu.memref_slice %arg4[%sub3A_2226, %mul3A_2228, %dma_start3A_2234] : memref<50x4096x128xf32, #tpu.memory_space<hbm>> -> memref<1x128x128xf32, #tpu.memory_space<hbm>>
      %dma_start3A_2236 = tpu.memref_squeeze %dma_start3A_2235 : memref<1x128x128xf32, #tpu.memory_space<hbm>> -> memref<128x128xf32, #tpu.memory_space<hbm>>
      %dma_start3A_2237 = arith.constant 0 : i32
      %dma_start3A_2238 = tpu.memref_slice %arg4[%sub3A_2226, %mul3A_2228, %dma_start3A_2237] : memref<50x4096x128xf32, #tpu.memory_space<hbm>> -> memref<1x128x128xf32, #tpu.memory_space<hbm>>
      %dma_start3A_2239 = tpu.memref_squeeze %dma_start3A_2238 : memref<1x128x128xf32, #tpu.memory_space<hbm>> -> memref<128x128xf32, #tpu.memory_space<hbm>>
      %dma_start3A_2240 = arith.constant 0 : i32
      %dma_start3A_2241 = arith.constant 0 : i32
      %dma_start3A_2242 = tpu.memref_slice %arg9[%dma_start3A_2229, %dma_start3A_2240, %dma_start3A_2241] : memref<6x128x128xf32, #tpu.memory_space<vmem>> -> memref<1x128x128xf32, #tpu.memory_space<vmem>>
      %dma_start3A_2243 = tpu.memref_squeeze %dma_start3A_2242 : memref<1x128x128xf32, #tpu.memory_space<vmem>> -> memref<128x128xf32, #tpu.memory_space<vmem>>
      tpu.enqueue_dma source(%dma_start3A_2243 : memref<128x128xf32, #tpu.memory_space<vmem>>) target(%dma_start3A_2239 : memref<128x128xf32, #tpu.memory_space<hbm>>) target_semaphore(%arg21 : memref<!tpu.dma_semaphore, #tpu.memory_space<semaphore_mem>>)
      %dma_wait3A_2244 = arith.constant 3 : i32
      %dma_wait3A_2245 = arith.constant 0 : i32
      %dma_wait3A_2246 = arith.constant 0 : i32
      %dma_wait3A_2247 = arith.constant 0 : i32
      %dma_wait3A_2248 = tpu.memref_slice %arg9[%dma_wait3A_2244, %dma_wait3A_2246, %dma_wait3A_2247] : memref<6x128x128xf32, #tpu.memory_space<vmem>> -> memref<1x128x128xf32, #tpu.memory_space<vmem>>
      %dma_wait3A_2249 = tpu.memref_squeeze %dma_wait3A_2248 : memref<1x128x128xf32, #tpu.memory_space<vmem>> -> memref<128x128xf32, #tpu.memory_space<vmem>>
      %dma_wait3A_2250 = arith.constant 0 : i32
      %dma_wait3A_2251 = arith.constant 0 : i32
      %dma_wait3A_2252 = tpu.memref_slice %arg4[%dma_wait3A_2245, %dma_wait3A_2250, %dma_wait3A_2251] : memref<50x4096x128xf32, #tpu.memory_space<hbm>> -> memref<1x128x128xf32, #tpu.memory_space<hbm>>
      %dma_wait3A_2253 = tpu.memref_squeeze %dma_wait3A_2252 : memref<1x128x128xf32, #tpu.memory_space<hbm>> -> memref<128x128xf32, #tpu.memory_space<hbm>>
      %dma_wait3A_2254 = arith.constant 0 : i32
      %dma_wait3A_2255 = arith.constant 0 : i32
      %dma_wait3A_2256 = tpu.memref_slice %arg4[%dma_wait3A_2245, %dma_wait3A_2254, %dma_wait3A_2255] : memref<50x4096x128xf32, #tpu.memory_space<hbm>> -> memref<1x128x128xf32, #tpu.memory_space<hbm>>
      %dma_wait3A_2257 = tpu.memref_squeeze %dma_wait3A_2256 : memref<1x128x128xf32, #tpu.memory_space<hbm>> -> memref<128x128xf32, #tpu.memory_space<hbm>>
      %dma_wait3A_2258 = arith.constant 0 : i32
      %dma_wait3A_2259 = arith.constant 0 : i32
      %dma_wait3A_2260 = tpu.memref_slice %arg9[%dma_wait3A_2244, %dma_wait3A_2258, %dma_wait3A_2259] : memref<6x128x128xf32, #tpu.memory_space<vmem>> -> memref<1x128x128xf32, #tpu.memory_space<vmem>>
      %dma_wait3A_2261 = tpu.memref_squeeze %dma_wait3A_2260 : memref<1x128x128xf32, #tpu.memory_space<vmem>> -> memref<128x128xf32, #tpu.memory_space<vmem>>
      tpu.wait_dma2 semaphore(%arg19 : memref<!tpu.dma_semaphore, #tpu.memory_space<semaphore_mem>>) src(%dma_wait3A_2261 : memref<128x128xf32, #tpu.memory_space<vmem>>) dst(%dma_wait3A_2257 : memref<128x128xf32, #tpu.memory_space<hbm>>)
      %sub3A_2262 = arith.constant 0 : i32
      %sub3A_2263 = arith.subi %add3A_2211, %sub3A_2262 : i32
      %add3A_2264 = arith.constant 4 : i32
      %add3A_2265 = arith.addi %sub3A_2263, %add3A_2264 : i32
      %dma_start3A_2266 = arith.constant 0 : i32
      %dma_start3A_2267 = arith.constant 3 : i32
      %dma_start3A_2268 = arith.constant 0 : i32
      %dma_start3A_2269 = arith.constant 0 : i32
      %dma_start3A_2270 = tpu.memref_slice %arg9[%dma_start3A_2267, %dma_start3A_2268, %dma_start3A_2269] : memref<6x128x128xf32, #tpu.memory_space<vmem>> -> memref<1x128x128xf32, #tpu.memory_space<vmem>>
      %dma_start3A_2271 = tpu.memref_squeeze %dma_start3A_2270 : memref<1x128x128xf32, #tpu.memory_space<vmem>> -> memref<128x128xf32, #tpu.memory_space<vmem>>
      %dma_start3A_2272 = arith.constant 0 : i32
      %dma_start3A_2273 = tpu.memref_slice %arg8[%dma_start3A_2266, %add3A_2265, %dma_start3A_2272] : memref<4x50x128xi32, #tpu.memory_space<vmem>> -> memref<1x1x128xi32, #tpu.memory_space<vmem>>
      %dma_start3A_2274 = tpu.memref_squeeze %dma_start3A_2273 : memref<1x1x128xi32, #tpu.memory_space<vmem>> -> memref<128xi32, #tpu.memory_space<vmem>>
      %dma_start3A_2275 = arith.constant 0 : i32
      %dma_start3A_2276 = arith.constant 0 : i32
      %dma_start3A_2277 = tpu.memref_slice %arg2[%dma_start3A_2275, %dma_start3A_2276] : memref<100000x128xf32, #tpu.memory_space<hbm>> -> memref<100000x128xf32, #tpu.memory_space<hbm>>
      tpu.enqueue_indirect_dma source(%dma_start3A_2277 : memref<100000x128xf32, #tpu.memory_space<hbm>>) target(%dma_start3A_2271 : memref<128x128xf32, #tpu.memory_space<vmem>>) offsets(%dma_start3A_2274 : memref<128xi32, #tpu.memory_space<vmem>>) semaphore(%arg13 : memref<!tpu.dma_semaphore, #tpu.memory_space<semaphore_mem>>)
      %add3A_2278 = arith.constant 4 : i32
      %add3A_2279 = arith.addi %add3A_2006, %add3A_2278 : i32
      %dma_wait3A_2280 = arith.constant 0 : i32
      %dma_wait3A_2281 = arith.constant 0 : i32
      %dma_wait3A_2282 = arith.constant 0 : i32
      %dma_wait3A_2283 = arith.constant 0 : i32
      %dma_wait3A_2284 = arith.constant 0 : i32
      %dma_wait3A_2285 = tpu.memref_slice %arg9[%dma_wait3A_2282, %dma_wait3A_2283, %dma_wait3A_2284] : memref<6x128x128xf32, #tpu.memory_space<vmem>> -> memref<1x128x128xf32, #tpu.memory_space<vmem>>
      %dma_wait3A_2286 = tpu.memref_squeeze %dma_wait3A_2285 : memref<1x128x128xf32, #tpu.memory_space<vmem>> -> memref<128x128xf32, #tpu.memory_space<vmem>>
      %dma_wait3A_2287 = arith.constant 0 : i32
      %dma_wait3A_2288 = tpu.memref_slice %arg8[%dma_wait3A_2280, %dma_wait3A_2281, %dma_wait3A_2287] : memref<4x50x128xi32, #tpu.memory_space<vmem>> -> memref<1x1x128xi32, #tpu.memory_space<vmem>>
      %dma_wait3A_2289 = tpu.memref_squeeze %dma_wait3A_2288 : memref<1x1x128xi32, #tpu.memory_space<vmem>> -> memref<128xi32, #tpu.memory_space<vmem>>
      %dma_wait3A_2290 = arith.constant 0 : i32
      %dma_wait3A_2291 = arith.constant 0 : i32
      %dma_wait3A_2292 = tpu.memref_slice %arg2[%dma_wait3A_2290, %dma_wait3A_2291] : memref<100000x128xf32, #tpu.memory_space<hbm>> -> memref<100000x128xf32, #tpu.memory_space<hbm>>
      tpu.wait_indirect_dma semaphore(%arg10 : memref<!tpu.dma_semaphore, #tpu.memory_space<semaphore_mem>>) src(%dma_wait3A_2292 : memref<100000x128xf32, #tpu.memory_space<hbm>>) dst(%dma_wait3A_2286 : memref<128x128xf32, #tpu.memory_space<vmem>>)
      %sub3A_2293 = arith.constant 0 : i32
      %sub3A_2294 = arith.subi %add3A_2279, %sub3A_2293 : i32
      %mul3A_2295 = arith.constant 128 : i32
      %mul3A_2296 = arith.muli %add3A, %mul3A_2295 : i32
      %dma_start3A_2297 = arith.constant 0 : i32
      %dma_start3A_2298 = arith.constant 0 : i32
      %dma_start3A_2299 = arith.constant 0 : i32
      %dma_start3A_2300 = tpu.memref_slice %arg9[%dma_start3A_2297, %dma_start3A_2298, %dma_start3A_2299] : memref<6x128x128xf32, #tpu.memory_space<vmem>> -> memref<1x128x128xf32, #tpu.memory_space<vmem>>
      %dma_start3A_2301 = tpu.memref_squeeze %dma_start3A_2300 : memref<1x128x128xf32, #tpu.memory_space<vmem>> -> memref<128x128xf32, #tpu.memory_space<vmem>>
      %dma_start3A_2302 = arith.constant 0 : i32
      %dma_start3A_2303 = tpu.memref_slice %arg4[%sub3A_2294, %mul3A_2296, %dma_start3A_2302] : memref<50x4096x128xf32, #tpu.memory_space<hbm>> -> memref<1x128x128xf32, #tpu.memory_space<hbm>>
      %dma_start3A_2304 = tpu.memref_squeeze %dma_start3A_2303 : memref<1x128x128xf32, #tpu.memory_space<hbm>> -> memref<128x128xf32, #tpu.memory_space<hbm>>
      %dma_start3A_2305 = arith.constant 0 : i32
      %dma_start3A_2306 = tpu.memref_slice %arg4[%sub3A_2294, %mul3A_2296, %dma_start3A_2305] : memref<50x4096x128xf32, #tpu.memory_space<hbm>> -> memref<1x128x128xf32, #tpu.memory_space<hbm>>
      %dma_start3A_2307 = tpu.memref_squeeze %dma_start3A_2306 : memref<1x128x128xf32, #tpu.memory_space<hbm>> -> memref<128x128xf32, #tpu.memory_space<hbm>>
      %dma_start3A_2308 = arith.constant 0 : i32
      %dma_start3A_2309 = arith.constant 0 : i32
      %dma_start3A_2310 = tpu.memref_slice %arg9[%dma_start3A_2297, %dma_start3A_2308, %dma_start3A_2309] : memref<6x128x128xf32, #tpu.memory_space<vmem>> -> memref<1x128x128xf32, #tpu.memory_space<vmem>>
      %dma_start3A_2311 = tpu.memref_squeeze %dma_start3A_2310 : memref<1x128x128xf32, #tpu.memory_space<vmem>> -> memref<128x128xf32, #tpu.memory_space<vmem>>
      tpu.enqueue_dma source(%dma_start3A_2311 : memref<128x128xf32, #tpu.memory_space<vmem>>) target(%dma_start3A_2307 : memref<128x128xf32, #tpu.memory_space<hbm>>) target_semaphore(%arg16 : memref<!tpu.dma_semaphore, #tpu.memory_space<semaphore_mem>>)
      %dma_wait3A_2312 = arith.constant 4 : i32
      %dma_wait3A_2313 = arith.constant 0 : i32
      %dma_wait3A_2314 = arith.constant 0 : i32
      %dma_wait3A_2315 = arith.constant 0 : i32
      %dma_wait3A_2316 = tpu.memref_slice %arg9[%dma_wait3A_2312, %dma_wait3A_2314, %dma_wait3A_2315] : memref<6x128x128xf32, #tpu.memory_space<vmem>> -> memref<1x128x128xf32, #tpu.memory_space<vmem>>
      %dma_wait3A_2317 = tpu.memref_squeeze %dma_wait3A_2316 : memref<1x128x128xf32, #tpu.memory_space<vmem>> -> memref<128x128xf32, #tpu.memory_space<vmem>>
      %dma_wait3A_2318 = arith.constant 0 : i32
      %dma_wait3A_2319 = arith.constant 0 : i32
      %dma_wait3A_2320 = tpu.memref_slice %arg4[%dma_wait3A_2313, %dma_wait3A_2318, %dma_wait3A_2319] : memref<50x4096x128xf32, #tpu.memory_space<hbm>> -> memref<1x128x128xf32, #tpu.memory_space<hbm>>
      %dma_wait3A_2321 = tpu.memref_squeeze %dma_wait3A_2320 : memref<1x128x128xf32, #tpu.memory_space<hbm>> -> memref<128x128xf32, #tpu.memory_space<hbm>>
      %dma_wait3A_2322 = arith.constant 0 : i32
      %dma_wait3A_2323 = arith.constant 0 : i32
      %dma_wait3A_2324 = tpu.memref_slice %arg4[%dma_wait3A_2313, %dma_wait3A_2322, %dma_wait3A_2323] : memref<50x4096x128xf32, #tpu.memory_space<hbm>> -> memref<1x128x128xf32, #tpu.memory_space<hbm>>
      %dma_wait3A_2325 = tpu.memref_squeeze %dma_wait3A_2324 : memref<1x128x128xf32, #tpu.memory_space<hbm>> -> memref<128x128xf32, #tpu.memory_space<hbm>>
      %dma_wait3A_2326 = arith.constant 0 : i32
      %dma_wait3A_2327 = arith.constant 0 : i32
      %dma_wait3A_2328 = tpu.memref_slice %arg9[%dma_wait3A_2312, %dma_wait3A_2326, %dma_wait3A_2327] : memref<6x128x128xf32, #tpu.memory_space<vmem>> -> memref<1x128x128xf32, #tpu.memory_space<vmem>>
      %dma_wait3A_2329 = tpu.memref_squeeze %dma_wait3A_2328 : memref<1x128x128xf32, #tpu.memory_space<vmem>> -> memref<128x128xf32, #tpu.memory_space<vmem>>
      tpu.wait_dma2 semaphore(%arg20 : memref<!tpu.dma_semaphore, #tpu.memory_space<semaphore_mem>>) src(%dma_wait3A_2329 : memref<128x128xf32, #tpu.memory_space<vmem>>) dst(%dma_wait3A_2325 : memref<128x128xf32, #tpu.memory_space<hbm>>)
      %sub3A_2330 = arith.constant 0 : i32
      %sub3A_2331 = arith.subi %add3A_2279, %sub3A_2330 : i32
      %add3A_2332 = arith.constant 4 : i32
      %add3A_2333 = arith.addi %sub3A_2331, %add3A_2332 : i32
      %dma_start3A_2334 = arith.constant 0 : i32
      %dma_start3A_2335 = arith.constant 4 : i32
      %dma_start3A_2336 = arith.constant 0 : i32
      %dma_start3A_2337 = arith.constant 0 : i32
      %dma_start3A_2338 = tpu.memref_slice %arg9[%dma_start3A_2335, %dma_start3A_2336, %dma_start3A_2337] : memref<6x128x128xf32, #tpu.memory_space<vmem>> -> memref<1x128x128xf32, #tpu.memory_space<vmem>>
      %dma_start3A_2339 = tpu.memref_squeeze %dma_start3A_2338 : memref<1x128x128xf32, #tpu.memory_space<vmem>> -> memref<128x128xf32, #tpu.memory_space<vmem>>
      %dma_start3A_2340 = arith.constant 0 : i32
      %dma_start3A_2341 = tpu.memref_slice %arg8[%dma_start3A_2334, %add3A_2333, %dma_start3A_2340] : memref<4x50x128xi32, #tpu.memory_space<vmem>> -> memref<1x1x128xi32, #tpu.memory_space<vmem>>
      %dma_start3A_2342 = tpu.memref_squeeze %dma_start3A_2341 : memref<1x1x128xi32, #tpu.memory_space<vmem>> -> memref<128xi32, #tpu.memory_space<vmem>>
      %dma_start3A_2343 = arith.constant 0 : i32
      %dma_start3A_2344 = arith.constant 0 : i32
      %dma_start3A_2345 = tpu.memref_slice %arg2[%dma_start3A_2343, %dma_start3A_2344] : memref<100000x128xf32, #tpu.memory_space<hbm>> -> memref<100000x128xf32, #tpu.memory_space<hbm>>
      tpu.enqueue_indirect_dma source(%dma_start3A_2345 : memref<100000x128xf32, #tpu.memory_space<hbm>>) target(%dma_start3A_2339 : memref<128x128xf32, #tpu.memory_space<vmem>>) offsets(%dma_start3A_2342 : memref<128xi32, #tpu.memory_space<vmem>>) semaphore(%arg14 : memref<!tpu.dma_semaphore, #tpu.memory_space<semaphore_mem>>)
      %add3A_2346 = arith.constant 5 : i32
      %add3A_2347 = arith.addi %add3A_2006, %add3A_2346 : i32
      %dma_wait3A_2348 = arith.constant 0 : i32
      %dma_wait3A_2349 = arith.constant 0 : i32
      %dma_wait3A_2350 = arith.constant 1 : i32
      %dma_wait3A_2351 = arith.constant 0 : i32
      %dma_wait3A_2352 = arith.constant 0 : i32
      %dma_wait3A_2353 = tpu.memref_slice %arg9[%dma_wait3A_2350, %dma_wait3A_2351, %dma_wait3A_2352] : memref<6x128x128xf32, #tpu.memory_space<vmem>> -> memref<1x128x128xf32, #tpu.memory_space<vmem>>
      %dma_wait3A_2354 = tpu.memref_squeeze %dma_wait3A_2353 : memref<1x128x128xf32, #tpu.memory_space<vmem>> -> memref<128x128xf32, #tpu.memory_space<vmem>>
      %dma_wait3A_2355 = arith.constant 0 : i32
      %dma_wait3A_2356 = tpu.memref_slice %arg8[%dma_wait3A_2348, %dma_wait3A_2349, %dma_wait3A_2355] : memref<4x50x128xi32, #tpu.memory_space<vmem>> -> memref<1x1x128xi32, #tpu.memory_space<vmem>>
      %dma_wait3A_2357 = tpu.memref_squeeze %dma_wait3A_2356 : memref<1x1x128xi32, #tpu.memory_space<vmem>> -> memref<128xi32, #tpu.memory_space<vmem>>
      %dma_wait3A_2358 = arith.constant 0 : i32
      %dma_wait3A_2359 = arith.constant 0 : i32
      %dma_wait3A_2360 = tpu.memref_slice %arg2[%dma_wait3A_2358, %dma_wait3A_2359] : memref<100000x128xf32, #tpu.memory_space<hbm>> -> memref<100000x128xf32, #tpu.memory_space<hbm>>
      tpu.wait_indirect_dma semaphore(%arg11 : memref<!tpu.dma_semaphore, #tpu.memory_space<semaphore_mem>>) src(%dma_wait3A_2360 : memref<100000x128xf32, #tpu.memory_space<hbm>>) dst(%dma_wait3A_2354 : memref<128x128xf32, #tpu.memory_space<vmem>>)
      %sub3A_2361 = arith.constant 0 : i32
      %sub3A_2362 = arith.subi %add3A_2347, %sub3A_2361 : i32
      %mul3A_2363 = arith.constant 128 : i32
      %mul3A_2364 = arith.muli %add3A, %mul3A_2363 : i32
      %dma_start3A_2365 = arith.constant 1 : i32
      %dma_start3A_2366 = arith.constant 0 : i32
      %dma_start3A_2367 = arith.constant 0 : i32
      %dma_start3A_2368 = tpu.memref_slice %arg9[%dma_start3A_2365, %dma_start3A_2366, %dma_start3A_2367] : memref<6x128x128xf32, #tpu.memory_space<vmem>> -> memref<1x128x128xf32, #tpu.memory_space<vmem>>
      %dma_start3A_2369 = tpu.memref_squeeze %dma_start3A_2368 : memref<1x128x128xf32, #tpu.memory_space<vmem>> -> memref<128x128xf32, #tpu.memory_space<vmem>>
      %dma_start3A_2370 = arith.constant 0 : i32
      %dma_start3A_2371 = tpu.memref_slice %arg4[%sub3A_2362, %mul3A_2364, %dma_start3A_2370] : memref<50x4096x128xf32, #tpu.memory_space<hbm>> -> memref<1x128x128xf32, #tpu.memory_space<hbm>>
      %dma_start3A_2372 = tpu.memref_squeeze %dma_start3A_2371 : memref<1x128x128xf32, #tpu.memory_space<hbm>> -> memref<128x128xf32, #tpu.memory_space<hbm>>
      %dma_start3A_2373 = arith.constant 0 : i32
      %dma_start3A_2374 = tpu.memref_slice %arg4[%sub3A_2362, %mul3A_2364, %dma_start3A_2373] : memref<50x4096x128xf32, #tpu.memory_space<hbm>> -> memref<1x128x128xf32, #tpu.memory_space<hbm>>
      %dma_start3A_2375 = tpu.memref_squeeze %dma_start3A_2374 : memref<1x128x128xf32, #tpu.memory_space<hbm>> -> memref<128x128xf32, #tpu.memory_space<hbm>>
      %dma_start3A_2376 = arith.constant 0 : i32
      %dma_start3A_2377 = arith.constant 0 : i32
      %dma_start3A_2378 = tpu.memref_slice %arg9[%dma_start3A_2365, %dma_start3A_2376, %dma_start3A_2377] : memref<6x128x128xf32, #tpu.memory_space<vmem>> -> memref<1x128x128xf32, #tpu.memory_space<vmem>>
      %dma_start3A_2379 = tpu.memref_squeeze %dma_start3A_2378 : memref<1x128x128xf32, #tpu.memory_space<vmem>> -> memref<128x128xf32, #tpu.memory_space<vmem>>
      tpu.enqueue_dma source(%dma_start3A_2379 : memref<128x128xf32, #tpu.memory_space<vmem>>) target(%dma_start3A_2375 : memref<128x128xf32, #tpu.memory_space<hbm>>) target_semaphore(%arg17 : memref<!tpu.dma_semaphore, #tpu.memory_space<semaphore_mem>>)
      %dma_wait3A_2380 = arith.constant 5 : i32
      %dma_wait3A_2381 = arith.constant 0 : i32
      %dma_wait3A_2382 = arith.constant 0 : i32
      %dma_wait3A_2383 = arith.constant 0 : i32
      %dma_wait3A_2384 = tpu.memref_slice %arg9[%dma_wait3A_2380, %dma_wait3A_2382, %dma_wait3A_2383] : memref<6x128x128xf32, #tpu.memory_space<vmem>> -> memref<1x128x128xf32, #tpu.memory_space<vmem>>
      %dma_wait3A_2385 = tpu.memref_squeeze %dma_wait3A_2384 : memref<1x128x128xf32, #tpu.memory_space<vmem>> -> memref<128x128xf32, #tpu.memory_space<vmem>>
      %dma_wait3A_2386 = arith.constant 0 : i32
      %dma_wait3A_2387 = arith.constant 0 : i32
      %dma_wait3A_2388 = tpu.memref_slice %arg4[%dma_wait3A_2381, %dma_wait3A_2386, %dma_wait3A_2387] : memref<50x4096x128xf32, #tpu.memory_space<hbm>> -> memref<1x128x128xf32, #tpu.memory_space<hbm>>
      %dma_wait3A_2389 = tpu.memref_squeeze %dma_wait3A_2388 : memref<1x128x128xf32, #tpu.memory_space<hbm>> -> memref<128x128xf32, #tpu.memory_space<hbm>>
      %dma_wait3A_2390 = arith.constant 0 : i32
      %dma_wait3A_2391 = arith.constant 0 : i32
      %dma_wait3A_2392 = tpu.memref_slice %arg4[%dma_wait3A_2381, %dma_wait3A_2390, %dma_wait3A_2391] : memref<50x4096x128xf32, #tpu.memory_space<hbm>> -> memref<1x128x128xf32, #tpu.memory_space<hbm>>
      %dma_wait3A_2393 = tpu.memref_squeeze %dma_wait3A_2392 : memref<1x128x128xf32, #tpu.memory_space<hbm>> -> memref<128x128xf32, #tpu.memory_space<hbm>>
      %dma_wait3A_2394 = arith.constant 0 : i32
      %dma_wait3A_2395 = arith.constant 0 : i32
      %dma_wait3A_2396 = tpu.memref_slice %arg9[%dma_wait3A_2380, %dma_wait3A_2394, %dma_wait3A_2395] : memref<6x128x128xf32, #tpu.memory_space<vmem>> -> memref<1x128x128xf32, #tpu.memory_space<vmem>>
      %dma_wait3A_2397 = tpu.memref_squeeze %dma_wait3A_2396 : memref<1x128x128xf32, #tpu.memory_space<vmem>> -> memref<128x128xf32, #tpu.memory_space<vmem>>
      tpu.wait_dma2 semaphore(%arg21 : memref<!tpu.dma_semaphore, #tpu.memory_space<semaphore_mem>>) src(%dma_wait3A_2397 : memref<128x128xf32, #tpu.memory_space<vmem>>) dst(%dma_wait3A_2393 : memref<128x128xf32, #tpu.memory_space<hbm>>)
      %sub3A_2398 = arith.constant 0 : i32
      %sub3A_2399 = arith.subi %add3A_2347, %sub3A_2398 : i32
      %add3A_2400 = arith.constant 4 : i32
      %add3A_2401 = arith.addi %sub3A_2399, %add3A_2400 : i32
      %dma_start3A_2402 = arith.constant 0 : i32
      %dma_start3A_2403 = arith.constant 5 : i32
      %dma_start3A_2404 = arith.constant 0 : i32
      %dma_start3A_2405 = arith.constant 0 : i32
      %dma_start3A_2406 = tpu.memref_slice %arg9[%dma_start3A_2403, %dma_start3A_2404, %dma_start3A_2405] : memref<6x128x128xf32, #tpu.memory_space<vmem>> -> memref<1x128x128xf32, #tpu.memory_space<vmem>>
      %dma_start3A_2407 = tpu.memref_squeeze %dma_start3A_2406 : memref<1x128x128xf32, #tpu.memory_space<vmem>> -> memref<128x128xf32, #tpu.memory_space<vmem>>
      %dma_start3A_2408 = arith.constant 0 : i32
      %dma_start3A_2409 = tpu.memref_slice %arg8[%dma_start3A_2402, %add3A_2401, %dma_start3A_2408] : memref<4x50x128xi32, #tpu.memory_space<vmem>> -> memref<1x1x128xi32, #tpu.memory_space<vmem>>
      %dma_start3A_2410 = tpu.memref_squeeze %dma_start3A_2409 : memref<1x1x128xi32, #tpu.memory_space<vmem>> -> memref<128xi32, #tpu.memory_space<vmem>>
      %dma_start3A_2411 = arith.constant 0 : i32
      %dma_start3A_2412 = arith.constant 0 : i32
      %dma_start3A_2413 = tpu.memref_slice %arg2[%dma_start3A_2411, %dma_start3A_2412] : memref<100000x128xf32, #tpu.memory_space<hbm>> -> memref<100000x128xf32, #tpu.memory_space<hbm>>
      tpu.enqueue_indirect_dma source(%dma_start3A_2413 : memref<100000x128xf32, #tpu.memory_space<hbm>>) target(%dma_start3A_2407 : memref<128x128xf32, #tpu.memory_space<vmem>>) offsets(%dma_start3A_2410 : memref<128xi32, #tpu.memory_space<vmem>>) semaphore(%arg15 : memref<!tpu.dma_semaphore, #tpu.memory_space<semaphore_mem>>)
    }
    %scan3A_142 = arith.constant 7 : i32
    %dma_wait3A_143 = arith.constant 0 : i32
    %dma_wait3A_144 = arith.constant 0 : i32
    %dma_wait3A_145 = arith.constant 2 : i32
    %dma_wait3A_146 = arith.constant 0 : i32
    %dma_wait3A_147 = arith.constant 0 : i32
    %dma_wait3A_148 = tpu.memref_slice %arg9[%dma_wait3A_145, %dma_wait3A_146, %dma_wait3A_147] : memref<6x128x128xf32, #tpu.memory_space<vmem>> -> memref<1x128x128xf32, #tpu.memory_space<vmem>>
    %dma_wait3A_149 = tpu.memref_squeeze %dma_wait3A_148 : memref<1x128x128xf32, #tpu.memory_space<vmem>> -> memref<128x128xf32, #tpu.memory_space<vmem>>
    %dma_wait3A_150 = arith.constant 0 : i32
    %dma_wait3A_151 = tpu.memref_slice %arg8[%dma_wait3A_143, %dma_wait3A_144, %dma_wait3A_150] : memref<4x50x128xi32, #tpu.memory_space<vmem>> -> memref<1x1x128xi32, #tpu.memory_space<vmem>>
    %dma_wait3A_152 = tpu.memref_squeeze %dma_wait3A_151 : memref<1x1x128xi32, #tpu.memory_space<vmem>> -> memref<128xi32, #tpu.memory_space<vmem>>
    %dma_wait3A_153 = arith.constant 0 : i32
    %dma_wait3A_154 = arith.constant 0 : i32
    %dma_wait3A_155 = tpu.memref_slice %arg2[%dma_wait3A_153, %dma_wait3A_154] : memref<100000x128xf32, #tpu.memory_space<hbm>> -> memref<100000x128xf32, #tpu.memory_space<hbm>>
    tpu.wait_indirect_dma semaphore(%arg12 : memref<!tpu.dma_semaphore, #tpu.memory_space<semaphore_mem>>) src(%dma_wait3A_155 : memref<100000x128xf32, #tpu.memory_space<hbm>>) dst(%dma_wait3A_149 : memref<128x128xf32, #tpu.memory_space<vmem>>)
    %mul3A_156 = arith.constant 128 : i32
    %mul3A_157 = arith.muli %add3A, %mul3A_156 : i32
    %dma_start3A_158 = arith.constant 2 : i32
    %dma_start3A_159 = arith.constant 44 : i32
    %dma_start3A_160 = arith.constant 0 : i32
    %dma_start3A_161 = arith.constant 0 : i32
    %dma_start3A_162 = tpu.memref_slice %arg9[%dma_start3A_158, %dma_start3A_160, %dma_start3A_161] : memref<6x128x128xf32, #tpu.memory_space<vmem>> -> memref<1x128x128xf32, #tpu.memory_space<vmem>>
    %dma_start3A_163 = tpu.memref_squeeze %dma_start3A_162 : memref<1x128x128xf32, #tpu.memory_space<vmem>> -> memref<128x128xf32, #tpu.memory_space<vmem>>
    %dma_start3A_164 = arith.constant 0 : i32
    %dma_start3A_165 = tpu.memref_slice %arg4[%dma_start3A_159, %mul3A_157, %dma_start3A_164] : memref<50x4096x128xf32, #tpu.memory_space<hbm>> -> memref<1x128x128xf32, #tpu.memory_space<hbm>>
    %dma_start3A_166 = tpu.memref_squeeze %dma_start3A_165 : memref<1x128x128xf32, #tpu.memory_space<hbm>> -> memref<128x128xf32, #tpu.memory_space<hbm>>
    %dma_start3A_167 = arith.constant 0 : i32
    %dma_start3A_168 = tpu.memref_slice %arg4[%dma_start3A_159, %mul3A_157, %dma_start3A_167] : memref<50x4096x128xf32, #tpu.memory_space<hbm>> -> memref<1x128x128xf32, #tpu.memory_space<hbm>>
    %dma_start3A_169 = tpu.memref_squeeze %dma_start3A_168 : memref<1x128x128xf32, #tpu.memory_space<hbm>> -> memref<128x128xf32, #tpu.memory_space<hbm>>
    %dma_start3A_170 = arith.constant 0 : i32
    %dma_start3A_171 = arith.constant 0 : i32
    %dma_start3A_172 = tpu.memref_slice %arg9[%dma_start3A_158, %dma_start3A_170, %dma_start3A_171] : memref<6x128x128xf32, #tpu.memory_space<vmem>> -> memref<1x128x128xf32, #tpu.memory_space<vmem>>
    %dma_start3A_173 = tpu.memref_squeeze %dma_start3A_172 : memref<1x128x128xf32, #tpu.memory_space<vmem>> -> memref<128x128xf32, #tpu.memory_space<vmem>>
    tpu.enqueue_dma source(%dma_start3A_173 : memref<128x128xf32, #tpu.memory_space<vmem>>) target(%dma_start3A_169 : memref<128x128xf32, #tpu.memory_space<hbm>>) target_semaphore(%arg18 : memref<!tpu.dma_semaphore, #tpu.memory_space<semaphore_mem>>)
    %dma_wait3A_174 = arith.constant 0 : i32
    %dma_wait3A_175 = arith.constant 0 : i32
    %dma_wait3A_176 = arith.constant 0 : i32
    %dma_wait3A_177 = arith.constant 0 : i32
    %dma_wait3A_178 = tpu.memref_slice %arg9[%dma_wait3A_174, %dma_wait3A_176, %dma_wait3A_177] : memref<6x128x128xf32, #tpu.memory_space<vmem>> -> memref<1x128x128xf32, #tpu.memory_space<vmem>>
    %dma_wait3A_179 = tpu.memref_squeeze %dma_wait3A_178 : memref<1x128x128xf32, #tpu.memory_space<vmem>> -> memref<128x128xf32, #tpu.memory_space<vmem>>
    %dma_wait3A_180 = arith.constant 0 : i32
    %dma_wait3A_181 = arith.constant 0 : i32
    %dma_wait3A_182 = tpu.memref_slice %arg4[%dma_wait3A_175, %dma_wait3A_180, %dma_wait3A_181] : memref<50x4096x128xf32, #tpu.memory_space<hbm>> -> memref<1x128x128xf32, #tpu.memory_space<hbm>>
    %dma_wait3A_183 = tpu.memref_squeeze %dma_wait3A_182 : memref<1x128x128xf32, #tpu.memory_space<hbm>> -> memref<128x128xf32, #tpu.memory_space<hbm>>
    %dma_wait3A_184 = arith.constant 0 : i32
    %dma_wait3A_185 = arith.constant 0 : i32
    %dma_wait3A_186 = tpu.memref_slice %arg4[%dma_wait3A_175, %dma_wait3A_184, %dma_wait3A_185] : memref<50x4096x128xf32, #tpu.memory_space<hbm>> -> memref<1x128x128xf32, #tpu.memory_space<hbm>>
    %dma_wait3A_187 = tpu.memref_squeeze %dma_wait3A_186 : memref<1x128x128xf32, #tpu.memory_space<hbm>> -> memref<128x128xf32, #tpu.memory_space<hbm>>
    %dma_wait3A_188 = arith.constant 0 : i32
    %dma_wait3A_189 = arith.constant 0 : i32
    %dma_wait3A_190 = tpu.memref_slice %arg9[%dma_wait3A_174, %dma_wait3A_188, %dma_wait3A_189] : memref<6x128x128xf32, #tpu.memory_space<vmem>> -> memref<1x128x128xf32, #tpu.memory_space<vmem>>
    %dma_wait3A_191 = tpu.memref_squeeze %dma_wait3A_190 : memref<1x128x128xf32, #tpu.memory_space<vmem>> -> memref<128x128xf32, #tpu.memory_space<vmem>>
    tpu.wait_dma2 semaphore(%arg16 : memref<!tpu.dma_semaphore, #tpu.memory_space<semaphore_mem>>) src(%dma_wait3A_191 : memref<128x128xf32, #tpu.memory_space<vmem>>) dst(%dma_wait3A_187 : memref<128x128xf32, #tpu.memory_space<hbm>>)
    %dma_start3A_192 = arith.constant 0 : i32
    %dma_start3A_193 = arith.constant 48 : i32
    %dma_start3A_194 = arith.constant 0 : i32
    %dma_start3A_195 = arith.constant 0 : i32
    %dma_start3A_196 = arith.constant 0 : i32
    %dma_start3A_197 = tpu.memref_slice %arg9[%dma_start3A_194, %dma_start3A_195, %dma_start3A_196] : memref<6x128x128xf32, #tpu.memory_space<vmem>> -> memref<1x128x128xf32, #tpu.memory_space<vmem>>
    %dma_start3A_198 = tpu.memref_squeeze %dma_start3A_197 : memref<1x128x128xf32, #tpu.memory_space<vmem>> -> memref<128x128xf32, #tpu.memory_space<vmem>>
    %dma_start3A_199 = arith.constant 0 : i32
    %dma_start3A_200 = tpu.memref_slice %arg8[%dma_start3A_192, %dma_start3A_193, %dma_start3A_199] : memref<4x50x128xi32, #tpu.memory_space<vmem>> -> memref<1x1x128xi32, #tpu.memory_space<vmem>>
    %dma_start3A_201 = tpu.memref_squeeze %dma_start3A_200 : memref<1x1x128xi32, #tpu.memory_space<vmem>> -> memref<128xi32, #tpu.memory_space<vmem>>
    %dma_start3A_202 = arith.constant 0 : i32
    %dma_start3A_203 = arith.constant 0 : i32
    %dma_start3A_204 = tpu.memref_slice %arg2[%dma_start3A_202, %dma_start3A_203] : memref<100000x128xf32, #tpu.memory_space<hbm>> -> memref<100000x128xf32, #tpu.memory_space<hbm>>
    tpu.enqueue_indirect_dma source(%dma_start3A_204 : memref<100000x128xf32, #tpu.memory_space<hbm>>) target(%dma_start3A_198 : memref<128x128xf32, #tpu.memory_space<vmem>>) offsets(%dma_start3A_201 : memref<128xi32, #tpu.memory_space<vmem>>) semaphore(%arg10 : memref<!tpu.dma_semaphore, #tpu.memory_space<semaphore_mem>>)
    %dma_wait3A_205 = arith.constant 0 : i32
    %dma_wait3A_206 = arith.constant 0 : i32
    %dma_wait3A_207 = arith.constant 3 : i32
    %dma_wait3A_208 = arith.constant 0 : i32
    %dma_wait3A_209 = arith.constant 0 : i32
    %dma_wait3A_210 = tpu.memref_slice %arg9[%dma_wait3A_207, %dma_wait3A_208, %dma_wait3A_209] : memref<6x128x128xf32, #tpu.memory_space<vmem>> -> memref<1x128x128xf32, #tpu.memory_space<vmem>>
    %dma_wait3A_211 = tpu.memref_squeeze %dma_wait3A_210 : memref<1x128x128xf32, #tpu.memory_space<vmem>> -> memref<128x128xf32, #tpu.memory_space<vmem>>
    %dma_wait3A_212 = arith.constant 0 : i32
    %dma_wait3A_213 = tpu.memref_slice %arg8[%dma_wait3A_205, %dma_wait3A_206, %dma_wait3A_212] : memref<4x50x128xi32, #tpu.memory_space<vmem>> -> memref<1x1x128xi32, #tpu.memory_space<vmem>>
    %dma_wait3A_214 = tpu.memref_squeeze %dma_wait3A_213 : memref<1x1x128xi32, #tpu.memory_space<vmem>> -> memref<128xi32, #tpu.memory_space<vmem>>
    %dma_wait3A_215 = arith.constant 0 : i32
    %dma_wait3A_216 = arith.constant 0 : i32
    %dma_wait3A_217 = tpu.memref_slice %arg2[%dma_wait3A_215, %dma_wait3A_216] : memref<100000x128xf32, #tpu.memory_space<hbm>> -> memref<100000x128xf32, #tpu.memory_space<hbm>>
    tpu.wait_indirect_dma semaphore(%arg13 : memref<!tpu.dma_semaphore, #tpu.memory_space<semaphore_mem>>) src(%dma_wait3A_217 : memref<100000x128xf32, #tpu.memory_space<hbm>>) dst(%dma_wait3A_211 : memref<128x128xf32, #tpu.memory_space<vmem>>)
    %mul3A_218 = arith.constant 128 : i32
    %mul3A_219 = arith.muli %add3A, %mul3A_218 : i32
    %dma_start3A_220 = arith.constant 3 : i32
    %dma_start3A_221 = arith.constant 45 : i32
    %dma_start3A_222 = arith.constant 0 : i32
    %dma_start3A_223 = arith.constant 0 : i32
    %dma_start3A_224 = tpu.memref_slice %arg9[%dma_start3A_220, %dma_start3A_222, %dma_start3A_223] : memref<6x128x128xf32, #tpu.memory_space<vmem>> -> memref<1x128x128xf32, #tpu.memory_space<vmem>>
    %dma_start3A_225 = tpu.memref_squeeze %dma_start3A_224 : memref<1x128x128xf32, #tpu.memory_space<vmem>> -> memref<128x128xf32, #tpu.memory_space<vmem>>
    %dma_start3A_226 = arith.constant 0 : i32
    %dma_start3A_227 = tpu.memref_slice %arg4[%dma_start3A_221, %mul3A_219, %dma_start3A_226] : memref<50x4096x128xf32, #tpu.memory_space<hbm>> -> memref<1x128x128xf32, #tpu.memory_space<hbm>>
    %dma_start3A_228 = tpu.memref_squeeze %dma_start3A_227 : memref<1x128x128xf32, #tpu.memory_space<hbm>> -> memref<128x128xf32, #tpu.memory_space<hbm>>
    %dma_start3A_229 = arith.constant 0 : i32
    %dma_start3A_230 = tpu.memref_slice %arg4[%dma_start3A_221, %mul3A_219, %dma_start3A_229] : memref<50x4096x128xf32, #tpu.memory_space<hbm>> -> memref<1x128x128xf32, #tpu.memory_space<hbm>>
    %dma_start3A_231 = tpu.memref_squeeze %dma_start3A_230 : memref<1x128x128xf32, #tpu.memory_space<hbm>> -> memref<128x128xf32, #tpu.memory_space<hbm>>
    %dma_start3A_232 = arith.constant 0 : i32
    %dma_start3A_233 = arith.constant 0 : i32
    %dma_start3A_234 = tpu.memref_slice %arg9[%dma_start3A_220, %dma_start3A_232, %dma_start3A_233] : memref<6x128x128xf32, #tpu.memory_space<vmem>> -> memref<1x128x128xf32, #tpu.memory_space<vmem>>
    %dma_start3A_235 = tpu.memref_squeeze %dma_start3A_234 : memref<1x128x128xf32, #tpu.memory_space<vmem>> -> memref<128x128xf32, #tpu.memory_space<vmem>>
    tpu.enqueue_dma source(%dma_start3A_235 : memref<128x128xf32, #tpu.memory_space<vmem>>) target(%dma_start3A_231 : memref<128x128xf32, #tpu.memory_space<hbm>>) target_semaphore(%arg19 : memref<!tpu.dma_semaphore, #tpu.memory_space<semaphore_mem>>)
    %dma_wait3A_236 = arith.constant 1 : i32
    %dma_wait3A_237 = arith.constant 0 : i32
    %dma_wait3A_238 = arith.constant 0 : i32
    %dma_wait3A_239 = arith.constant 0 : i32
    %dma_wait3A_240 = tpu.memref_slice %arg9[%dma_wait3A_236, %dma_wait3A_238, %dma_wait3A_239] : memref<6x128x128xf32, #tpu.memory_space<vmem>> -> memref<1x128x128xf32, #tpu.memory_space<vmem>>
    %dma_wait3A_241 = tpu.memref_squeeze %dma_wait3A_240 : memref<1x128x128xf32, #tpu.memory_space<vmem>> -> memref<128x128xf32, #tpu.memory_space<vmem>>
    %dma_wait3A_242 = arith.constant 0 : i32
    %dma_wait3A_243 = arith.constant 0 : i32
    %dma_wait3A_244 = tpu.memref_slice %arg4[%dma_wait3A_237, %dma_wait3A_242, %dma_wait3A_243] : memref<50x4096x128xf32, #tpu.memory_space<hbm>> -> memref<1x128x128xf32, #tpu.memory_space<hbm>>
    %dma_wait3A_245 = tpu.memref_squeeze %dma_wait3A_244 : memref<1x128x128xf32, #tpu.memory_space<hbm>> -> memref<128x128xf32, #tpu.memory_space<hbm>>
    %dma_wait3A_246 = arith.constant 0 : i32
    %dma_wait3A_247 = arith.constant 0 : i32
    %dma_wait3A_248 = tpu.memref_slice %arg4[%dma_wait3A_237, %dma_wait3A_246, %dma_wait3A_247] : memref<50x4096x128xf32, #tpu.memory_space<hbm>> -> memref<1x128x128xf32, #tpu.memory_space<hbm>>
    %dma_wait3A_249 = tpu.memref_squeeze %dma_wait3A_248 : memref<1x128x128xf32, #tpu.memory_space<hbm>> -> memref<128x128xf32, #tpu.memory_space<hbm>>
    %dma_wait3A_250 = arith.constant 0 : i32
    %dma_wait3A_251 = arith.constant 0 : i32
    %dma_wait3A_252 = tpu.memref_slice %arg9[%dma_wait3A_236, %dma_wait3A_250, %dma_wait3A_251] : memref<6x128x128xf32, #tpu.memory_space<vmem>> -> memref<1x128x128xf32, #tpu.memory_space<vmem>>
    %dma_wait3A_253 = tpu.memref_squeeze %dma_wait3A_252 : memref<1x128x128xf32, #tpu.memory_space<vmem>> -> memref<128x128xf32, #tpu.memory_space<vmem>>
    tpu.wait_dma2 semaphore(%arg17 : memref<!tpu.dma_semaphore, #tpu.memory_space<semaphore_mem>>) src(%dma_wait3A_253 : memref<128x128xf32, #tpu.memory_space<vmem>>) dst(%dma_wait3A_249 : memref<128x128xf32, #tpu.memory_space<hbm>>)
    %dma_start3A_254 = arith.constant 0 : i32
    %dma_start3A_255 = arith.constant 49 : i32
    %dma_start3A_256 = arith.constant 1 : i32
    %dma_start3A_257 = arith.constant 0 : i32
    %dma_start3A_258 = arith.constant 0 : i32
    %dma_start3A_259 = tpu.memref_slice %arg9[%dma_start3A_256, %dma_start3A_257, %dma_start3A_258] : memref<6x128x128xf32, #tpu.memory_space<vmem>> -> memref<1x128x128xf32, #tpu.memory_space<vmem>>
    %dma_start3A_260 = tpu.memref_squeeze %dma_start3A_259 : memref<1x128x128xf32, #tpu.memory_space<vmem>> -> memref<128x128xf32, #tpu.memory_space<vmem>>
    %dma_start3A_261 = arith.constant 0 : i32
    %dma_start3A_262 = tpu.memref_slice %arg8[%dma_start3A_254, %dma_start3A_255, %dma_start3A_261] : memref<4x50x128xi32, #tpu.memory_space<vmem>> -> memref<1x1x128xi32, #tpu.memory_space<vmem>>
    %dma_start3A_263 = tpu.memref_squeeze %dma_start3A_262 : memref<1x1x128xi32, #tpu.memory_space<vmem>> -> memref<128xi32, #tpu.memory_space<vmem>>
    %dma_start3A_264 = arith.constant 0 : i32
    %dma_start3A_265 = arith.constant 0 : i32
    %dma_start3A_266 = tpu.memref_slice %arg2[%dma_start3A_264, %dma_start3A_265] : memref<100000x128xf32, #tpu.memory_space<hbm>> -> memref<100000x128xf32, #tpu.memory_space<hbm>>
    tpu.enqueue_indirect_dma source(%dma_start3A_266 : memref<100000x128xf32, #tpu.memory_space<hbm>>) target(%dma_start3A_260 : memref<128x128xf32, #tpu.memory_space<vmem>>) offsets(%dma_start3A_263 : memref<128xi32, #tpu.memory_space<vmem>>) semaphore(%arg11 : memref<!tpu.dma_semaphore, #tpu.memory_space<semaphore_mem>>)
    %dma_wait3A_267 = arith.constant 0 : i32
    %dma_wait3A_268 = arith.constant 0 : i32
    %dma_wait3A_269 = arith.constant 4 : i32
    %dma_wait3A_270 = arith.constant 0 : i32
    %dma_wait3A_271 = arith.constant 0 : i32
    %dma_wait3A_272 = tpu.memref_slice %arg9[%dma_wait3A_269, %dma_wait3A_270, %dma_wait3A_271] : memref<6x128x128xf32, #tpu.memory_space<vmem>> -> memref<1x128x128xf32, #tpu.memory_space<vmem>>
    %dma_wait3A_273 = tpu.memref_squeeze %dma_wait3A_272 : memref<1x128x128xf32, #tpu.memory_space<vmem>> -> memref<128x128xf32, #tpu.memory_space<vmem>>
    %dma_wait3A_274 = arith.constant 0 : i32
    %dma_wait3A_275 = tpu.memref_slice %arg8[%dma_wait3A_267, %dma_wait3A_268, %dma_wait3A_274] : memref<4x50x128xi32, #tpu.memory_space<vmem>> -> memref<1x1x128xi32, #tpu.memory_space<vmem>>
    %dma_wait3A_276 = tpu.memref_squeeze %dma_wait3A_275 : memref<1x1x128xi32, #tpu.memory_space<vmem>> -> memref<128xi32, #tpu.memory_space<vmem>>
    %dma_wait3A_277 = arith.constant 0 : i32
    %dma_wait3A_278 = arith.constant 0 : i32
    %dma_wait3A_279 = tpu.memref_slice %arg2[%dma_wait3A_277, %dma_wait3A_278] : memref<100000x128xf32, #tpu.memory_space<hbm>> -> memref<100000x128xf32, #tpu.memory_space<hbm>>
    tpu.wait_indirect_dma semaphore(%arg14 : memref<!tpu.dma_semaphore, #tpu.memory_space<semaphore_mem>>) src(%dma_wait3A_279 : memref<100000x128xf32, #tpu.memory_space<hbm>>) dst(%dma_wait3A_273 : memref<128x128xf32, #tpu.memory_space<vmem>>)
    %mul3A_280 = arith.constant 128 : i32
    %mul3A_281 = arith.muli %add3A, %mul3A_280 : i32
    %dma_start3A_282 = arith.constant 4 : i32
    %dma_start3A_283 = arith.constant 46 : i32
    %dma_start3A_284 = arith.constant 0 : i32
    %dma_start3A_285 = arith.constant 0 : i32
    %dma_start3A_286 = tpu.memref_slice %arg9[%dma_start3A_282, %dma_start3A_284, %dma_start3A_285] : memref<6x128x128xf32, #tpu.memory_space<vmem>> -> memref<1x128x128xf32, #tpu.memory_space<vmem>>
    %dma_start3A_287 = tpu.memref_squeeze %dma_start3A_286 : memref<1x128x128xf32, #tpu.memory_space<vmem>> -> memref<128x128xf32, #tpu.memory_space<vmem>>
    %dma_start3A_288 = arith.constant 0 : i32
    %dma_start3A_289 = tpu.memref_slice %arg4[%dma_start3A_283, %mul3A_281, %dma_start3A_288] : memref<50x4096x128xf32, #tpu.memory_space<hbm>> -> memref<1x128x128xf32, #tpu.memory_space<hbm>>
    %dma_start3A_290 = tpu.memref_squeeze %dma_start3A_289 : memref<1x128x128xf32, #tpu.memory_space<hbm>> -> memref<128x128xf32, #tpu.memory_space<hbm>>
    %dma_start3A_291 = arith.constant 0 : i32
    %dma_start3A_292 = tpu.memref_slice %arg4[%dma_start3A_283, %mul3A_281, %dma_start3A_291] : memref<50x4096x128xf32, #tpu.memory_space<hbm>> -> memref<1x128x128xf32, #tpu.memory_space<hbm>>
    %dma_start3A_293 = tpu.memref_squeeze %dma_start3A_292 : memref<1x128x128xf32, #tpu.memory_space<hbm>> -> memref<128x128xf32, #tpu.memory_space<hbm>>
    %dma_start3A_294 = arith.constant 0 : i32
    %dma_start3A_295 = arith.constant 0 : i32
    %dma_start3A_296 = tpu.memref_slice %arg9[%dma_start3A_282, %dma_start3A_294, %dma_start3A_295] : memref<6x128x128xf32, #tpu.memory_space<vmem>> -> memref<1x128x128xf32, #tpu.memory_space<vmem>>
    %dma_start3A_297 = tpu.memref_squeeze %dma_start3A_296 : memref<1x128x128xf32, #tpu.memory_space<vmem>> -> memref<128x128xf32, #tpu.memory_space<vmem>>
    tpu.enqueue_dma source(%dma_start3A_297 : memref<128x128xf32, #tpu.memory_space<vmem>>) target(%dma_start3A_293 : memref<128x128xf32, #tpu.memory_space<hbm>>) target_semaphore(%arg20 : memref<!tpu.dma_semaphore, #tpu.memory_space<semaphore_mem>>)
    %dma_wait3A_298 = arith.constant 2 : i32
    %dma_wait3A_299 = arith.constant 0 : i32
    %dma_wait3A_300 = arith.constant 0 : i32
    %dma_wait3A_301 = arith.constant 0 : i32
    %dma_wait3A_302 = tpu.memref_slice %arg9[%dma_wait3A_298, %dma_wait3A_300, %dma_wait3A_301] : memref<6x128x128xf32, #tpu.memory_space<vmem>> -> memref<1x128x128xf32, #tpu.memory_space<vmem>>
    %dma_wait3A_303 = tpu.memref_squeeze %dma_wait3A_302 : memref<1x128x128xf32, #tpu.memory_space<vmem>> -> memref<128x128xf32, #tpu.memory_space<vmem>>
    %dma_wait3A_304 = arith.constant 0 : i32
    %dma_wait3A_305 = arith.constant 0 : i32
    %dma_wait3A_306 = tpu.memref_slice %arg4[%dma_wait3A_299, %dma_wait3A_304, %dma_wait3A_305] : memref<50x4096x128xf32, #tpu.memory_space<hbm>> -> memref<1x128x128xf32, #tpu.memory_space<hbm>>
    %dma_wait3A_307 = tpu.memref_squeeze %dma_wait3A_306 : memref<1x128x128xf32, #tpu.memory_space<hbm>> -> memref<128x128xf32, #tpu.memory_space<hbm>>
    %dma_wait3A_308 = arith.constant 0 : i32
    %dma_wait3A_309 = arith.constant 0 : i32
    %dma_wait3A_310 = tpu.memref_slice %arg4[%dma_wait3A_299, %dma_wait3A_308, %dma_wait3A_309] : memref<50x4096x128xf32, #tpu.memory_space<hbm>> -> memref<1x128x128xf32, #tpu.memory_space<hbm>>
    %dma_wait3A_311 = tpu.memref_squeeze %dma_wait3A_310 : memref<1x128x128xf32, #tpu.memory_space<hbm>> -> memref<128x128xf32, #tpu.memory_space<hbm>>
    %dma_wait3A_312 = arith.constant 0 : i32
    %dma_wait3A_313 = arith.constant 0 : i32
    %dma_wait3A_314 = tpu.memref_slice %arg9[%dma_wait3A_298, %dma_wait3A_312, %dma_wait3A_313] : memref<6x128x128xf32, #tpu.memory_space<vmem>> -> memref<1x128x128xf32, #tpu.memory_space<vmem>>
    %dma_wait3A_315 = tpu.memref_squeeze %dma_wait3A_314 : memref<1x128x128xf32, #tpu.memory_space<vmem>> -> memref<128x128xf32, #tpu.memory_space<vmem>>
    tpu.wait_dma2 semaphore(%arg18 : memref<!tpu.dma_semaphore, #tpu.memory_space<semaphore_mem>>) src(%dma_wait3A_315 : memref<128x128xf32, #tpu.memory_space<vmem>>) dst(%dma_wait3A_311 : memref<128x128xf32, #tpu.memory_space<hbm>>)
    %dma_start3A_316 = arith.constant 1 : i32
    %dma_start3A_317 = arith.constant 0 : i32
    %dma_start3A_318 = arith.constant 2 : i32
    %dma_start3A_319 = arith.constant 0 : i32
    %dma_start3A_320 = arith.constant 0 : i32
    %dma_start3A_321 = tpu.memref_slice %arg9[%dma_start3A_318, %dma_start3A_319, %dma_start3A_320] : memref<6x128x128xf32, #tpu.memory_space<vmem>> -> memref<1x128x128xf32, #tpu.memory_space<vmem>>
    %dma_start3A_322 = tpu.memref_squeeze %dma_start3A_321 : memref<1x128x128xf32, #tpu.memory_space<vmem>> -> memref<128x128xf32, #tpu.memory_space<vmem>>
    %dma_start3A_323 = arith.constant 0 : i32
    %dma_start3A_324 = tpu.memref_slice %arg8[%dma_start3A_316, %dma_start3A_317, %dma_start3A_323] : memref<4x50x128xi32, #tpu.memory_space<vmem>> -> memref<1x1x128xi32, #tpu.memory_space<vmem>>
    %dma_start3A_325 = tpu.memref_squeeze %dma_start3A_324 : memref<1x1x128xi32, #tpu.memory_space<vmem>> -> memref<128xi32, #tpu.memory_space<vmem>>
    %dma_start3A_326 = arith.constant 0 : i32
    %dma_start3A_327 = arith.constant 0 : i32
    %dma_start3A_328 = tpu.memref_slice %arg2[%dma_start3A_326, %dma_start3A_327] : memref<100000x128xf32, #tpu.memory_space<hbm>> -> memref<100000x128xf32, #tpu.memory_space<hbm>>
    tpu.enqueue_indirect_dma source(%dma_start3A_328 : memref<100000x128xf32, #tpu.memory_space<hbm>>) target(%dma_start3A_322 : memref<128x128xf32, #tpu.memory_space<vmem>>) offsets(%dma_start3A_325 : memref<128xi32, #tpu.memory_space<vmem>>) semaphore(%arg12 : memref<!tpu.dma_semaphore, #tpu.memory_space<semaphore_mem>>)
    %dma_wait3A_329 = arith.constant 0 : i32
    %dma_wait3A_330 = arith.constant 0 : i32
    %dma_wait3A_331 = arith.constant 5 : i32
    %dma_wait3A_332 = arith.constant 0 : i32
    %dma_wait3A_333 = arith.constant 0 : i32
    %dma_wait3A_334 = tpu.memref_slice %arg9[%dma_wait3A_331, %dma_wait3A_332, %dma_wait3A_333] : memref<6x128x128xf32, #tpu.memory_space<vmem>> -> memref<1x128x128xf32, #tpu.memory_space<vmem>>
    %dma_wait3A_335 = tpu.memref_squeeze %dma_wait3A_334 : memref<1x128x128xf32, #tpu.memory_space<vmem>> -> memref<128x128xf32, #tpu.memory_space<vmem>>
    %dma_wait3A_336 = arith.constant 0 : i32
    %dma_wait3A_337 = tpu.memref_slice %arg8[%dma_wait3A_329, %dma_wait3A_330, %dma_wait3A_336] : memref<4x50x128xi32, #tpu.memory_space<vmem>> -> memref<1x1x128xi32, #tpu.memory_space<vmem>>
    %dma_wait3A_338 = tpu.memref_squeeze %dma_wait3A_337 : memref<1x1x128xi32, #tpu.memory_space<vmem>> -> memref<128xi32, #tpu.memory_space<vmem>>
    %dma_wait3A_339 = arith.constant 0 : i32
    %dma_wait3A_340 = arith.constant 0 : i32
    %dma_wait3A_341 = tpu.memref_slice %arg2[%dma_wait3A_339, %dma_wait3A_340] : memref<100000x128xf32, #tpu.memory_space<hbm>> -> memref<100000x128xf32, #tpu.memory_space<hbm>>
    tpu.wait_indirect_dma semaphore(%arg15 : memref<!tpu.dma_semaphore, #tpu.memory_space<semaphore_mem>>) src(%dma_wait3A_341 : memref<100000x128xf32, #tpu.memory_space<hbm>>) dst(%dma_wait3A_335 : memref<128x128xf32, #tpu.memory_space<vmem>>)
    %mul3A_342 = arith.constant 128 : i32
    %mul3A_343 = arith.muli %add3A, %mul3A_342 : i32
    %dma_start3A_344 = arith.constant 5 : i32
    %dma_start3A_345 = arith.constant 47 : i32
    %dma_start3A_346 = arith.constant 0 : i32
    %dma_start3A_347 = arith.constant 0 : i32
    %dma_start3A_348 = tpu.memref_slice %arg9[%dma_start3A_344, %dma_start3A_346, %dma_start3A_347] : memref<6x128x128xf32, #tpu.memory_space<vmem>> -> memref<1x128x128xf32, #tpu.memory_space<vmem>>
    %dma_start3A_349 = tpu.memref_squeeze %dma_start3A_348 : memref<1x128x128xf32, #tpu.memory_space<vmem>> -> memref<128x128xf32, #tpu.memory_space<vmem>>
    %dma_start3A_350 = arith.constant 0 : i32
    %dma_start3A_351 = tpu.memref_slice %arg4[%dma_start3A_345, %mul3A_343, %dma_start3A_350] : memref<50x4096x128xf32, #tpu.memory_space<hbm>> -> memref<1x128x128xf32, #tpu.memory_space<hbm>>
    %dma_start3A_352 = tpu.memref_squeeze %dma_start3A_351 : memref<1x128x128xf32, #tpu.memory_space<hbm>> -> memref<128x128xf32, #tpu.memory_space<hbm>>
    %dma_start3A_353 = arith.constant 0 : i32
    %dma_start3A_354 = tpu.memref_slice %arg4[%dma_start3A_345, %mul3A_343, %dma_start3A_353] : memref<50x4096x128xf32, #tpu.memory_space<hbm>> -> memref<1x128x128xf32, #tpu.memory_space<hbm>>
    %dma_start3A_355 = tpu.memref_squeeze %dma_start3A_354 : memref<1x128x128xf32, #tpu.memory_space<hbm>> -> memref<128x128xf32, #tpu.memory_space<hbm>>
    %dma_start3A_356 = arith.constant 0 : i32
    %dma_start3A_357 = arith.constant 0 : i32
    %dma_start3A_358 = tpu.memref_slice %arg9[%dma_start3A_344, %dma_start3A_356, %dma_start3A_357] : memref<6x128x128xf32, #tpu.memory_space<vmem>> -> memref<1x128x128xf32, #tpu.memory_space<vmem>>
    %dma_start3A_359 = tpu.memref_squeeze %dma_start3A_358 : memref<1x128x128xf32, #tpu.memory_space<vmem>> -> memref<128x128xf32, #tpu.memory_space<vmem>>
    tpu.enqueue_dma source(%dma_start3A_359 : memref<128x128xf32, #tpu.memory_space<vmem>>) target(%dma_start3A_355 : memref<128x128xf32, #tpu.memory_space<hbm>>) target_semaphore(%arg21 : memref<!tpu.dma_semaphore, #tpu.memory_space<semaphore_mem>>)
    %dma_wait3A_360 = arith.constant 3 : i32
    %dma_wait3A_361 = arith.constant 0 : i32
    %dma_wait3A_362 = arith.constant 0 : i32
    %dma_wait3A_363 = arith.constant 0 : i32
    %dma_wait3A_364 = tpu.memref_slice %arg9[%dma_wait3A_360, %dma_wait3A_362, %dma_wait3A_363] : memref<6x128x128xf32, #tpu.memory_space<vmem>> -> memref<1x128x128xf32, #tpu.memory_space<vmem>>
    %dma_wait3A_365 = tpu.memref_squeeze %dma_wait3A_364 : memref<1x128x128xf32, #tpu.memory_space<vmem>> -> memref<128x128xf32, #tpu.memory_space<vmem>>
    %dma_wait3A_366 = arith.constant 0 : i32
    %dma_wait3A_367 = arith.constant 0 : i32
    %dma_wait3A_368 = tpu.memref_slice %arg4[%dma_wait3A_361, %dma_wait3A_366, %dma_wait3A_367] : memref<50x4096x128xf32, #tpu.memory_space<hbm>> -> memref<1x128x128xf32, #tpu.memory_space<hbm>>
    %dma_wait3A_369 = tpu.memref_squeeze %dma_wait3A_368 : memref<1x128x128xf32, #tpu.memory_space<hbm>> -> memref<128x128xf32, #tpu.memory_space<hbm>>
    %dma_wait3A_370 = arith.constant 0 : i32
    %dma_wait3A_371 = arith.constant 0 : i32
    %dma_wait3A_372 = tpu.memref_slice %arg4[%dma_wait3A_361, %dma_wait3A_370, %dma_wait3A_371] : memref<50x4096x128xf32, #tpu.memory_space<hbm>> -> memref<1x128x128xf32, #tpu.memory_space<hbm>>
    %dma_wait3A_373 = tpu.memref_squeeze %dma_wait3A_372 : memref<1x128x128xf32, #tpu.memory_space<hbm>> -> memref<128x128xf32, #tpu.memory_space<hbm>>
    %dma_wait3A_374 = arith.constant 0 : i32
    %dma_wait3A_375 = arith.constant 0 : i32
    %dma_wait3A_376 = tpu.memref_slice %arg9[%dma_wait3A_360, %dma_wait3A_374, %dma_wait3A_375] : memref<6x128x128xf32, #tpu.memory_space<vmem>> -> memref<1x128x128xf32, #tpu.memory_space<vmem>>
    %dma_wait3A_377 = tpu.memref_squeeze %dma_wait3A_376 : memref<1x128x128xf32, #tpu.memory_space<vmem>> -> memref<128x128xf32, #tpu.memory_space<vmem>>
    tpu.wait_dma2 semaphore(%arg19 : memref<!tpu.dma_semaphore, #tpu.memory_space<semaphore_mem>>) src(%dma_wait3A_377 : memref<128x128xf32, #tpu.memory_space<vmem>>) dst(%dma_wait3A_373 : memref<128x128xf32, #tpu.memory_space<hbm>>)
    %dma_start3A_378 = arith.constant 1 : i32
    %dma_start3A_379 = arith.constant 1 : i32
    %dma_start3A_380 = arith.constant 3 : i32
    %dma_start3A_381 = arith.constant 0 : i32
    %dma_start3A_382 = arith.constant 0 : i32
    %dma_start3A_383 = tpu.memref_slice %arg9[%dma_start3A_380, %dma_start3A_381, %dma_start3A_382] : memref<6x128x128xf32, #tpu.memory_space<vmem>> -> memref<1x128x128xf32, #tpu.memory_space<vmem>>
    %dma_start3A_384 = tpu.memref_squeeze %dma_start3A_383 : memref<1x128x128xf32, #tpu.memory_space<vmem>> -> memref<128x128xf32, #tpu.memory_space<vmem>>
    %dma_start3A_385 = arith.constant 0 : i32
    %dma_start3A_386 = tpu.memref_slice %arg8[%dma_start3A_378, %dma_start3A_379, %dma_start3A_385] : memref<4x50x128xi32, #tpu.memory_space<vmem>> -> memref<1x1x128xi32, #tpu.memory_space<vmem>>
    %dma_start3A_387 = tpu.memref_squeeze %dma_start3A_386 : memref<1x1x128xi32, #tpu.memory_space<vmem>> -> memref<128xi32, #tpu.memory_space<vmem>>
    %dma_start3A_388 = arith.constant 0 : i32
    %dma_start3A_389 = arith.constant 0 : i32
    %dma_start3A_390 = tpu.memref_slice %arg2[%dma_start3A_388, %dma_start3A_389] : memref<100000x128xf32, #tpu.memory_space<hbm>> -> memref<100000x128xf32, #tpu.memory_space<hbm>>
    tpu.enqueue_indirect_dma source(%dma_start3A_390 : memref<100000x128xf32, #tpu.memory_space<hbm>>) target(%dma_start3A_384 : memref<128x128xf32, #tpu.memory_space<vmem>>) offsets(%dma_start3A_387 : memref<128xi32, #tpu.memory_space<vmem>>) semaphore(%arg13 : memref<!tpu.dma_semaphore, #tpu.memory_space<semaphore_mem>>)
    %dma_wait3A_391 = arith.constant 0 : i32
    %dma_wait3A_392 = arith.constant 0 : i32
    %dma_wait3A_393 = arith.constant 0 : i32
    %dma_wait3A_394 = arith.constant 0 : i32
    %dma_wait3A_395 = arith.constant 0 : i32
    %dma_wait3A_396 = tpu.memref_slice %arg9[%dma_wait3A_393, %dma_wait3A_394, %dma_wait3A_395] : memref<6x128x128xf32, #tpu.memory_space<vmem>> -> memref<1x128x128xf32, #tpu.memory_space<vmem>>
    %dma_wait3A_397 = tpu.memref_squeeze %dma_wait3A_396 : memref<1x128x128xf32, #tpu.memory_space<vmem>> -> memref<128x128xf32, #tpu.memory_space<vmem>>
    %dma_wait3A_398 = arith.constant 0 : i32
    %dma_wait3A_399 = tpu.memref_slice %arg8[%dma_wait3A_391, %dma_wait3A_392, %dma_wait3A_398] : memref<4x50x128xi32, #tpu.memory_space<vmem>> -> memref<1x1x128xi32, #tpu.memory_space<vmem>>
    %dma_wait3A_400 = tpu.memref_squeeze %dma_wait3A_399 : memref<1x1x128xi32, #tpu.memory_space<vmem>> -> memref<128xi32, #tpu.memory_space<vmem>>
    %dma_wait3A_401 = arith.constant 0 : i32
    %dma_wait3A_402 = arith.constant 0 : i32
    %dma_wait3A_403 = tpu.memref_slice %arg2[%dma_wait3A_401, %dma_wait3A_402] : memref<100000x128xf32, #tpu.memory_space<hbm>> -> memref<100000x128xf32, #tpu.memory_space<hbm>>
    tpu.wait_indirect_dma semaphore(%arg10 : memref<!tpu.dma_semaphore, #tpu.memory_space<semaphore_mem>>) src(%dma_wait3A_403 : memref<100000x128xf32, #tpu.memory_space<hbm>>) dst(%dma_wait3A_397 : memref<128x128xf32, #tpu.memory_space<vmem>>)
    %mul3A_404 = arith.constant 128 : i32
    %mul3A_405 = arith.muli %add3A, %mul3A_404 : i32
    %dma_start3A_406 = arith.constant 0 : i32
    %dma_start3A_407 = arith.constant 48 : i32
    %dma_start3A_408 = arith.constant 0 : i32
    %dma_start3A_409 = arith.constant 0 : i32
    %dma_start3A_410 = tpu.memref_slice %arg9[%dma_start3A_406, %dma_start3A_408, %dma_start3A_409] : memref<6x128x128xf32, #tpu.memory_space<vmem>> -> memref<1x128x128xf32, #tpu.memory_space<vmem>>
    %dma_start3A_411 = tpu.memref_squeeze %dma_start3A_410 : memref<1x128x128xf32, #tpu.memory_space<vmem>> -> memref<128x128xf32, #tpu.memory_space<vmem>>
    %dma_start3A_412 = arith.constant 0 : i32
    %dma_start3A_413 = tpu.memref_slice %arg4[%dma_start3A_407, %mul3A_405, %dma_start3A_412] : memref<50x4096x128xf32, #tpu.memory_space<hbm>> -> memref<1x128x128xf32, #tpu.memory_space<hbm>>
    %dma_start3A_414 = tpu.memref_squeeze %dma_start3A_413 : memref<1x128x128xf32, #tpu.memory_space<hbm>> -> memref<128x128xf32, #tpu.memory_space<hbm>>
    %dma_start3A_415 = arith.constant 0 : i32
    %dma_start3A_416 = tpu.memref_slice %arg4[%dma_start3A_407, %mul3A_405, %dma_start3A_415] : memref<50x4096x128xf32, #tpu.memory_space<hbm>> -> memref<1x128x128xf32, #tpu.memory_space<hbm>>
    %dma_start3A_417 = tpu.memref_squeeze %dma_start3A_416 : memref<1x128x128xf32, #tpu.memory_space<hbm>> -> memref<128x128xf32, #tpu.memory_space<hbm>>
    %dma_start3A_418 = arith.constant 0 : i32
    %dma_start3A_419 = arith.constant 0 : i32
    %dma_start3A_420 = tpu.memref_slice %arg9[%dma_start3A_406, %dma_start3A_418, %dma_start3A_419] : memref<6x128x128xf32, #tpu.memory_space<vmem>> -> memref<1x128x128xf32, #tpu.memory_space<vmem>>
    %dma_start3A_421 = tpu.memref_squeeze %dma_start3A_420 : memref<1x128x128xf32, #tpu.memory_space<vmem>> -> memref<128x128xf32, #tpu.memory_space<vmem>>
    tpu.enqueue_dma source(%dma_start3A_421 : memref<128x128xf32, #tpu.memory_space<vmem>>) target(%dma_start3A_417 : memref<128x128xf32, #tpu.memory_space<hbm>>) target_semaphore(%arg16 : memref<!tpu.dma_semaphore, #tpu.memory_space<semaphore_mem>>)
    %dma_wait3A_422 = arith.constant 4 : i32
    %dma_wait3A_423 = arith.constant 0 : i32
    %dma_wait3A_424 = arith.constant 0 : i32
    %dma_wait3A_425 = arith.constant 0 : i32
    %dma_wait3A_426 = tpu.memref_slice %arg9[%dma_wait3A_422, %dma_wait3A_424, %dma_wait3A_425] : memref<6x128x128xf32, #tpu.memory_space<vmem>> -> memref<1x128x128xf32, #tpu.memory_space<vmem>>
    %dma_wait3A_427 = tpu.memref_squeeze %dma_wait3A_426 : memref<1x128x128xf32, #tpu.memory_space<vmem>> -> memref<128x128xf32, #tpu.memory_space<vmem>>
    %dma_wait3A_428 = arith.constant 0 : i32
    %dma_wait3A_429 = arith.constant 0 : i32
    %dma_wait3A_430 = tpu.memref_slice %arg4[%dma_wait3A_423, %dma_wait3A_428, %dma_wait3A_429] : memref<50x4096x128xf32, #tpu.memory_space<hbm>> -> memref<1x128x128xf32, #tpu.memory_space<hbm>>
    %dma_wait3A_431 = tpu.memref_squeeze %dma_wait3A_430 : memref<1x128x128xf32, #tpu.memory_space<hbm>> -> memref<128x128xf32, #tpu.memory_space<hbm>>
    %dma_wait3A_432 = arith.constant 0 : i32
    %dma_wait3A_433 = arith.constant 0 : i32
    %dma_wait3A_434 = tpu.memref_slice %arg4[%dma_wait3A_423, %dma_wait3A_432, %dma_wait3A_433] : memref<50x4096x128xf32, #tpu.memory_space<hbm>> -> memref<1x128x128xf32, #tpu.memory_space<hbm>>
    %dma_wait3A_435 = tpu.memref_squeeze %dma_wait3A_434 : memref<1x128x128xf32, #tpu.memory_space<hbm>> -> memref<128x128xf32, #tpu.memory_space<hbm>>
    %dma_wait3A_436 = arith.constant 0 : i32
    %dma_wait3A_437 = arith.constant 0 : i32
    %dma_wait3A_438 = tpu.memref_slice %arg9[%dma_wait3A_422, %dma_wait3A_436, %dma_wait3A_437] : memref<6x128x128xf32, #tpu.memory_space<vmem>> -> memref<1x128x128xf32, #tpu.memory_space<vmem>>
    %dma_wait3A_439 = tpu.memref_squeeze %dma_wait3A_438 : memref<1x128x128xf32, #tpu.memory_space<vmem>> -> memref<128x128xf32, #tpu.memory_space<vmem>>
    tpu.wait_dma2 semaphore(%arg20 : memref<!tpu.dma_semaphore, #tpu.memory_space<semaphore_mem>>) src(%dma_wait3A_439 : memref<128x128xf32, #tpu.memory_space<vmem>>) dst(%dma_wait3A_435 : memref<128x128xf32, #tpu.memory_space<hbm>>)
    %dma_start3A_440 = arith.constant 1 : i32
    %dma_start3A_441 = arith.constant 2 : i32
    %dma_start3A_442 = arith.constant 4 : i32
    %dma_start3A_443 = arith.constant 0 : i32
    %dma_start3A_444 = arith.constant 0 : i32
    %dma_start3A_445 = tpu.memref_slice %arg9[%dma_start3A_442, %dma_start3A_443, %dma_start3A_444] : memref<6x128x128xf32, #tpu.memory_space<vmem>> -> memref<1x128x128xf32, #tpu.memory_space<vmem>>
    %dma_start3A_446 = tpu.memref_squeeze %dma_start3A_445 : memref<1x128x128xf32, #tpu.memory_space<vmem>> -> memref<128x128xf32, #tpu.memory_space<vmem>>
    %dma_start3A_447 = arith.constant 0 : i32
    %dma_start3A_448 = tpu.memref_slice %arg8[%dma_start3A_440, %dma_start3A_441, %dma_start3A_447] : memref<4x50x128xi32, #tpu.memory_space<vmem>> -> memref<1x1x128xi32, #tpu.memory_space<vmem>>
    %dma_start3A_449 = tpu.memref_squeeze %dma_start3A_448 : memref<1x1x128xi32, #tpu.memory_space<vmem>> -> memref<128xi32, #tpu.memory_space<vmem>>
    %dma_start3A_450 = arith.constant 0 : i32
    %dma_start3A_451 = arith.constant 0 : i32
    %dma_start3A_452 = tpu.memref_slice %arg2[%dma_start3A_450, %dma_start3A_451] : memref<100000x128xf32, #tpu.memory_space<hbm>> -> memref<100000x128xf32, #tpu.memory_space<hbm>>
    tpu.enqueue_indirect_dma source(%dma_start3A_452 : memref<100000x128xf32, #tpu.memory_space<hbm>>) target(%dma_start3A_446 : memref<128x128xf32, #tpu.memory_space<vmem>>) offsets(%dma_start3A_449 : memref<128xi32, #tpu.memory_space<vmem>>) semaphore(%arg14 : memref<!tpu.dma_semaphore, #tpu.memory_space<semaphore_mem>>)
    %dma_wait3A_453 = arith.constant 0 : i32
    %dma_wait3A_454 = arith.constant 0 : i32
    %dma_wait3A_455 = arith.constant 1 : i32
    %dma_wait3A_456 = arith.constant 0 : i32
    %dma_wait3A_457 = arith.constant 0 : i32
    %dma_wait3A_458 = tpu.memref_slice %arg9[%dma_wait3A_455, %dma_wait3A_456, %dma_wait3A_457] : memref<6x128x128xf32, #tpu.memory_space<vmem>> -> memref<1x128x128xf32, #tpu.memory_space<vmem>>
    %dma_wait3A_459 = tpu.memref_squeeze %dma_wait3A_458 : memref<1x128x128xf32, #tpu.memory_space<vmem>> -> memref<128x128xf32, #tpu.memory_space<vmem>>
    %dma_wait3A_460 = arith.constant 0 : i32
    %dma_wait3A_461 = tpu.memref_slice %arg8[%dma_wait3A_453, %dma_wait3A_454, %dma_wait3A_460] : memref<4x50x128xi32, #tpu.memory_space<vmem>> -> memref<1x1x128xi32, #tpu.memory_space<vmem>>
    %dma_wait3A_462 = tpu.memref_squeeze %dma_wait3A_461 : memref<1x1x128xi32, #tpu.memory_space<vmem>> -> memref<128xi32, #tpu.memory_space<vmem>>
    %dma_wait3A_463 = arith.constant 0 : i32
    %dma_wait3A_464 = arith.constant 0 : i32
    %dma_wait3A_465 = tpu.memref_slice %arg2[%dma_wait3A_463, %dma_wait3A_464] : memref<100000x128xf32, #tpu.memory_space<hbm>> -> memref<100000x128xf32, #tpu.memory_space<hbm>>
    tpu.wait_indirect_dma semaphore(%arg11 : memref<!tpu.dma_semaphore, #tpu.memory_space<semaphore_mem>>) src(%dma_wait3A_465 : memref<100000x128xf32, #tpu.memory_space<hbm>>) dst(%dma_wait3A_459 : memref<128x128xf32, #tpu.memory_space<vmem>>)
    %mul3A_466 = arith.constant 128 : i32
    %mul3A_467 = arith.muli %add3A, %mul3A_466 : i32
    %dma_start3A_468 = arith.constant 1 : i32
    %dma_start3A_469 = arith.constant 49 : i32
    %dma_start3A_470 = arith.constant 0 : i32
    %dma_start3A_471 = arith.constant 0 : i32
    %dma_start3A_472 = tpu.memref_slice %arg9[%dma_start3A_468, %dma_start3A_470, %dma_start3A_471] : memref<6x128x128xf32, #tpu.memory_space<vmem>> -> memref<1x128x128xf32, #tpu.memory_space<vmem>>
    %dma_start3A_473 = tpu.memref_squeeze %dma_start3A_472 : memref<1x128x128xf32, #tpu.memory_space<vmem>> -> memref<128x128xf32, #tpu.memory_space<vmem>>
    %dma_start3A_474 = arith.constant 0 : i32
    %dma_start3A_475 = tpu.memref_slice %arg4[%dma_start3A_469, %mul3A_467, %dma_start3A_474] : memref<50x4096x128xf32, #tpu.memory_space<hbm>> -> memref<1x128x128xf32, #tpu.memory_space<hbm>>
    %dma_start3A_476 = tpu.memref_squeeze %dma_start3A_475 : memref<1x128x128xf32, #tpu.memory_space<hbm>> -> memref<128x128xf32, #tpu.memory_space<hbm>>
    %dma_start3A_477 = arith.constant 0 : i32
    %dma_start3A_478 = tpu.memref_slice %arg4[%dma_start3A_469, %mul3A_467, %dma_start3A_477] : memref<50x4096x128xf32, #tpu.memory_space<hbm>> -> memref<1x128x128xf32, #tpu.memory_space<hbm>>
    %dma_start3A_479 = tpu.memref_squeeze %dma_start3A_478 : memref<1x128x128xf32, #tpu.memory_space<hbm>> -> memref<128x128xf32, #tpu.memory_space<hbm>>
    %dma_start3A_480 = arith.constant 0 : i32
    %dma_start3A_481 = arith.constant 0 : i32
    %dma_start3A_482 = tpu.memref_slice %arg9[%dma_start3A_468, %dma_start3A_480, %dma_start3A_481] : memref<6x128x128xf32, #tpu.memory_space<vmem>> -> memref<1x128x128xf32, #tpu.memory_space<vmem>>
    %dma_start3A_483 = tpu.memref_squeeze %dma_start3A_482 : memref<1x128x128xf32, #tpu.memory_space<vmem>> -> memref<128x128xf32, #tpu.memory_space<vmem>>
    tpu.enqueue_dma source(%dma_start3A_483 : memref<128x128xf32, #tpu.memory_space<vmem>>) target(%dma_start3A_479 : memref<128x128xf32, #tpu.memory_space<hbm>>) target_semaphore(%arg17 : memref<!tpu.dma_semaphore, #tpu.memory_space<semaphore_mem>>)
    %dma_wait3A_484 = arith.constant 5 : i32
    %dma_wait3A_485 = arith.constant 0 : i32
    %dma_wait3A_486 = arith.constant 0 : i32
    %dma_wait3A_487 = arith.constant 0 : i32
    %dma_wait3A_488 = tpu.memref_slice %arg9[%dma_wait3A_484, %dma_wait3A_486, %dma_wait3A_487] : memref<6x128x128xf32, #tpu.memory_space<vmem>> -> memref<1x128x128xf32, #tpu.memory_space<vmem>>
    %dma_wait3A_489 = tpu.memref_squeeze %dma_wait3A_488 : memref<1x128x128xf32, #tpu.memory_space<vmem>> -> memref<128x128xf32, #tpu.memory_space<vmem>>
    %dma_wait3A_490 = arith.constant 0 : i32
    %dma_wait3A_491 = arith.constant 0 : i32
    %dma_wait3A_492 = tpu.memref_slice %arg4[%dma_wait3A_485, %dma_wait3A_490, %dma_wait3A_491] : memref<50x4096x128xf32, #tpu.memory_space<hbm>> -> memref<1x128x128xf32, #tpu.memory_space<hbm>>
    %dma_wait3A_493 = tpu.memref_squeeze %dma_wait3A_492 : memref<1x128x128xf32, #tpu.memory_space<hbm>> -> memref<128x128xf32, #tpu.memory_space<hbm>>
    %dma_wait3A_494 = arith.constant 0 : i32
    %dma_wait3A_495 = arith.constant 0 : i32
    %dma_wait3A_496 = tpu.memref_slice %arg4[%dma_wait3A_485, %dma_wait3A_494, %dma_wait3A_495] : memref<50x4096x128xf32, #tpu.memory_space<hbm>> -> memref<1x128x128xf32, #tpu.memory_space<hbm>>
    %dma_wait3A_497 = tpu.memref_squeeze %dma_wait3A_496 : memref<1x128x128xf32, #tpu.memory_space<hbm>> -> memref<128x128xf32, #tpu.memory_space<hbm>>
    %dma_wait3A_498 = arith.constant 0 : i32
    %dma_wait3A_499 = arith.constant 0 : i32
    %dma_wait3A_500 = tpu.memref_slice %arg9[%dma_wait3A_484, %dma_wait3A_498, %dma_wait3A_499] : memref<6x128x128xf32, #tpu.memory_space<vmem>> -> memref<1x128x128xf32, #tpu.memory_space<vmem>>
    %dma_wait3A_501 = tpu.memref_squeeze %dma_wait3A_500 : memref<1x128x128xf32, #tpu.memory_space<vmem>> -> memref<128x128xf32, #tpu.memory_space<vmem>>
    tpu.wait_dma2 semaphore(%arg21 : memref<!tpu.dma_semaphore, #tpu.memory_space<semaphore_mem>>) src(%dma_wait3A_501 : memref<128x128xf32, #tpu.memory_space<vmem>>) dst(%dma_wait3A_497 : memref<128x128xf32, #tpu.memory_space<hbm>>)
    %dma_start3A_502 = arith.constant 1 : i32
    %dma_start3A_503 = arith.constant 3 : i32
    %dma_start3A_504 = arith.constant 5 : i32
    %dma_start3A_505 = arith.constant 0 : i32
    %dma_start3A_506 = arith.constant 0 : i32
    %dma_start3A_507 = tpu.memref_slice %arg9[%dma_start3A_504, %dma_start3A_505, %dma_start3A_506] : memref<6x128x128xf32, #tpu.memory_space<vmem>> -> memref<1x128x128xf32, #tpu.memory_space<vmem>>
    %dma_start3A_508 = tpu.memref_squeeze %dma_start3A_507 : memref<1x128x128xf32, #tpu.memory_space<vmem>> -> memref<128x128xf32, #tpu.memory_space<vmem>>
    %dma_start3A_509 = arith.constant 0 : i32
    %dma_start3A_510 = tpu.memref_slice %arg8[%dma_start3A_502, %dma_start3A_503, %dma_start3A_509] : memref<4x50x128xi32, #tpu.memory_space<vmem>> -> memref<1x1x128xi32, #tpu.memory_space<vmem>>
    %dma_start3A_511 = tpu.memref_squeeze %dma_start3A_510 : memref<1x1x128xi32, #tpu.memory_space<vmem>> -> memref<128xi32, #tpu.memory_space<vmem>>
    %dma_start3A_512 = arith.constant 0 : i32
    %dma_start3A_513 = arith.constant 0 : i32
    %dma_start3A_514 = tpu.memref_slice %arg2[%dma_start3A_512, %dma_start3A_513] : memref<100000x128xf32, #tpu.memory_space<hbm>> -> memref<100000x128xf32, #tpu.memory_space<hbm>>
    tpu.enqueue_indirect_dma source(%dma_start3A_514 : memref<100000x128xf32, #tpu.memory_space<hbm>>) target(%dma_start3A_508 : memref<128x128xf32, #tpu.memory_space<vmem>>) offsets(%dma_start3A_511 : memref<128xi32, #tpu.memory_space<vmem>>) semaphore(%arg15 : memref<!tpu.dma_semaphore, #tpu.memory_space<semaphore_mem>>)
    %scan3A_515 = arith.constant 0 : i32
    %scan3A_516 = arith.constant 7 : i32
    %scan3A_517 = arith.addi %scan3A_515, %scan3A_516 : i32
    %scan3A_518 = arith.constant 1 : i32
    scf.for %scan3A_2002 = %scan3A_515 to %scan3A_517 step %scan3A_518  : i32 {
      %mul3A_2003 = arith.constant 6 : i32
      %mul3A_2004 = arith.muli %scan3A_2002, %mul3A_2003 : i32
      %add3A_2005 = arith.constant 50 : i32
      %add3A_2006 = arith.addi %add3A_2005, %mul3A_2004 : i32
      %add3A_2007 = arith.constant 0 : i32
      %add3A_2008 = arith.addi %add3A_2006, %add3A_2007 : i32
      %dma_wait3A_2009 = arith.constant 0 : i32
      %dma_wait3A_2010 = arith.constant 0 : i32
      %dma_wait3A_2011 = arith.constant 2 : i32
      %dma_wait3A_2012 = arith.constant 0 : i32
      %dma_wait3A_2013 = arith.constant 0 : i32
      %dma_wait3A_2014 = tpu.memref_slice %arg9[%dma_wait3A_2011, %dma_wait3A_2012, %dma_wait3A_2013] : memref<6x128x128xf32, #tpu.memory_space<vmem>> -> memref<1x128x128xf32, #tpu.memory_space<vmem>>
      %dma_wait3A_2015 = tpu.memref_squeeze %dma_wait3A_2014 : memref<1x128x128xf32, #tpu.memory_space<vmem>> -> memref<128x128xf32, #tpu.memory_space<vmem>>
      %dma_wait3A_2016 = arith.constant 0 : i32
      %dma_wait3A_2017 = tpu.memref_slice %arg8[%dma_wait3A_2009, %dma_wait3A_2010, %dma_wait3A_2016] : memref<4x50x128xi32, #tpu.memory_space<vmem>> -> memref<1x1x128xi32, #tpu.memory_space<vmem>>
      %dma_wait3A_2018 = tpu.memref_squeeze %dma_wait3A_2017 : memref<1x1x128xi32, #tpu.memory_space<vmem>> -> memref<128xi32, #tpu.memory_space<vmem>>
      %dma_wait3A_2019 = arith.constant 0 : i32
      %dma_wait3A_2020 = arith.constant 0 : i32
      %dma_wait3A_2021 = tpu.memref_slice %arg2[%dma_wait3A_2019, %dma_wait3A_2020] : memref<100000x128xf32, #tpu.memory_space<hbm>> -> memref<100000x128xf32, #tpu.memory_space<hbm>>
      tpu.wait_indirect_dma semaphore(%arg12 : memref<!tpu.dma_semaphore, #tpu.memory_space<semaphore_mem>>) src(%dma_wait3A_2021 : memref<100000x128xf32, #tpu.memory_space<hbm>>) dst(%dma_wait3A_2015 : memref<128x128xf32, #tpu.memory_space<vmem>>)
      %sub3A = arith.constant 50 : i32
      %sub3A_2022 = arith.subi %add3A_2008, %sub3A : i32
      %mul3A_2023 = arith.constant 128 : i32
      %mul3A_2024 = arith.muli %add3A, %mul3A_2023 : i32
      %dma_start3A_2025 = arith.constant 2 : i32
      %dma_start3A_2026 = arith.constant 0 : i32
      %dma_start3A_2027 = arith.constant 0 : i32
      %dma_start3A_2028 = tpu.memref_slice %arg9[%dma_start3A_2025, %dma_start3A_2026, %dma_start3A_2027] : memref<6x128x128xf32, #tpu.memory_space<vmem>> -> memref<1x128x128xf32, #tpu.memory_space<vmem>>
      %dma_start3A_2029 = tpu.memref_squeeze %dma_start3A_2028 : memref<1x128x128xf32, #tpu.memory_space<vmem>> -> memref<128x128xf32, #tpu.memory_space<vmem>>
      %dma_start3A_2030 = arith.constant 0 : i32
      %dma_start3A_2031 = tpu.memref_slice %arg5[%sub3A_2022, %mul3A_2024, %dma_start3A_2030] : memref<50x4096x128xf32, #tpu.memory_space<hbm>> -> memref<1x128x128xf32, #tpu.memory_space<hbm>>
      %dma_start3A_2032 = tpu.memref_squeeze %dma_start3A_2031 : memref<1x128x128xf32, #tpu.memory_space<hbm>> -> memref<128x128xf32, #tpu.memory_space<hbm>>
      %dma_start3A_2033 = arith.constant 0 : i32
      %dma_start3A_2034 = tpu.memref_slice %arg5[%sub3A_2022, %mul3A_2024, %dma_start3A_2033] : memref<50x4096x128xf32, #tpu.memory_space<hbm>> -> memref<1x128x128xf32, #tpu.memory_space<hbm>>
      %dma_start3A_2035 = tpu.memref_squeeze %dma_start3A_2034 : memref<1x128x128xf32, #tpu.memory_space<hbm>> -> memref<128x128xf32, #tpu.memory_space<hbm>>
      %dma_start3A_2036 = arith.constant 0 : i32
      %dma_start3A_2037 = arith.constant 0 : i32
      %dma_start3A_2038 = tpu.memref_slice %arg9[%dma_start3A_2025, %dma_start3A_2036, %dma_start3A_2037] : memref<6x128x128xf32, #tpu.memory_space<vmem>> -> memref<1x128x128xf32, #tpu.memory_space<vmem>>
      %dma_start3A_2039 = tpu.memref_squeeze %dma_start3A_2038 : memref<1x128x128xf32, #tpu.memory_space<vmem>> -> memref<128x128xf32, #tpu.memory_space<vmem>>
      tpu.enqueue_dma source(%dma_start3A_2039 : memref<128x128xf32, #tpu.memory_space<vmem>>) target(%dma_start3A_2035 : memref<128x128xf32, #tpu.memory_space<hbm>>) target_semaphore(%arg18 : memref<!tpu.dma_semaphore, #tpu.memory_space<semaphore_mem>>)
      %dma_wait3A_2040 = arith.constant 0 : i32
      %dma_wait3A_2041 = arith.constant 0 : i32
      %dma_wait3A_2042 = arith.constant 0 : i32
      %dma_wait3A_2043 = arith.constant 0 : i32
      %dma_wait3A_2044 = tpu.memref_slice %arg9[%dma_wait3A_2040, %dma_wait3A_2042, %dma_wait3A_2043] : memref<6x128x128xf32, #tpu.memory_space<vmem>> -> memref<1x128x128xf32, #tpu.memory_space<vmem>>
      %dma_wait3A_2045 = tpu.memref_squeeze %dma_wait3A_2044 : memref<1x128x128xf32, #tpu.memory_space<vmem>> -> memref<128x128xf32, #tpu.memory_space<vmem>>
      %dma_wait3A_2046 = arith.constant 0 : i32
      %dma_wait3A_2047 = arith.constant 0 : i32
      %dma_wait3A_2048 = tpu.memref_slice %arg4[%dma_wait3A_2041, %dma_wait3A_2046, %dma_wait3A_2047] : memref<50x4096x128xf32, #tpu.memory_space<hbm>> -> memref<1x128x128xf32, #tpu.memory_space<hbm>>
      %dma_wait3A_2049 = tpu.memref_squeeze %dma_wait3A_2048 : memref<1x128x128xf32, #tpu.memory_space<hbm>> -> memref<128x128xf32, #tpu.memory_space<hbm>>
      %dma_wait3A_2050 = arith.constant 0 : i32
      %dma_wait3A_2051 = arith.constant 0 : i32
      %dma_wait3A_2052 = tpu.memref_slice %arg4[%dma_wait3A_2041, %dma_wait3A_2050, %dma_wait3A_2051] : memref<50x4096x128xf32, #tpu.memory_space<hbm>> -> memref<1x128x128xf32, #tpu.memory_space<hbm>>
      %dma_wait3A_2053 = tpu.memref_squeeze %dma_wait3A_2052 : memref<1x128x128xf32, #tpu.memory_space<hbm>> -> memref<128x128xf32, #tpu.memory_space<hbm>>
      %dma_wait3A_2054 = arith.constant 0 : i32
      %dma_wait3A_2055 = arith.constant 0 : i32
      %dma_wait3A_2056 = tpu.memref_slice %arg9[%dma_wait3A_2040, %dma_wait3A_2054, %dma_wait3A_2055] : memref<6x128x128xf32, #tpu.memory_space<vmem>> -> memref<1x128x128xf32, #tpu.memory_space<vmem>>
      %dma_wait3A_2057 = tpu.memref_squeeze %dma_wait3A_2056 : memref<1x128x128xf32, #tpu.memory_space<vmem>> -> memref<128x128xf32, #tpu.memory_space<vmem>>
      tpu.wait_dma2 semaphore(%arg16 : memref<!tpu.dma_semaphore, #tpu.memory_space<semaphore_mem>>) src(%dma_wait3A_2057 : memref<128x128xf32, #tpu.memory_space<vmem>>) dst(%dma_wait3A_2053 : memref<128x128xf32, #tpu.memory_space<hbm>>)
      %sub3A_2058 = arith.constant 50 : i32
      %sub3A_2059 = arith.subi %add3A_2008, %sub3A_2058 : i32
      %add3A_2060 = arith.constant 4 : i32
      %add3A_2061 = arith.addi %sub3A_2059, %add3A_2060 : i32
      %dma_start3A_2062 = arith.constant 1 : i32
      %dma_start3A_2063 = arith.constant 0 : i32
      %dma_start3A_2064 = arith.constant 0 : i32
      %dma_start3A_2065 = arith.constant 0 : i32
      %dma_start3A_2066 = tpu.memref_slice %arg9[%dma_start3A_2063, %dma_start3A_2064, %dma_start3A_2065] : memref<6x128x128xf32, #tpu.memory_space<vmem>> -> memref<1x128x128xf32, #tpu.memory_space<vmem>>
      %dma_start3A_2067 = tpu.memref_squeeze %dma_start3A_2066 : memref<1x128x128xf32, #tpu.memory_space<vmem>> -> memref<128x128xf32, #tpu.memory_space<vmem>>
      %dma_start3A_2068 = arith.constant 0 : i32
      %dma_start3A_2069 = tpu.memref_slice %arg8[%dma_start3A_2062, %add3A_2061, %dma_start3A_2068] : memref<4x50x128xi32, #tpu.memory_space<vmem>> -> memref<1x1x128xi32, #tpu.memory_space<vmem>>
      %dma_start3A_2070 = tpu.memref_squeeze %dma_start3A_2069 : memref<1x1x128xi32, #tpu.memory_space<vmem>> -> memref<128xi32, #tpu.memory_space<vmem>>
      %dma_start3A_2071 = arith.constant 0 : i32
      %dma_start3A_2072 = arith.constant 0 : i32
      %dma_start3A_2073 = tpu.memref_slice %arg2[%dma_start3A_2071, %dma_start3A_2072] : memref<100000x128xf32, #tpu.memory_space<hbm>> -> memref<100000x128xf32, #tpu.memory_space<hbm>>
      tpu.enqueue_indirect_dma source(%dma_start3A_2073 : memref<100000x128xf32, #tpu.memory_space<hbm>>) target(%dma_start3A_2067 : memref<128x128xf32, #tpu.memory_space<vmem>>) offsets(%dma_start3A_2070 : memref<128xi32, #tpu.memory_space<vmem>>) semaphore(%arg10 : memref<!tpu.dma_semaphore, #tpu.memory_space<semaphore_mem>>)
      %add3A_2074 = arith.constant 1 : i32
      %add3A_2075 = arith.addi %add3A_2006, %add3A_2074 : i32
      %dma_wait3A_2076 = arith.constant 0 : i32
      %dma_wait3A_2077 = arith.constant 0 : i32
      %dma_wait3A_2078 = arith.constant 3 : i32
      %dma_wait3A_2079 = arith.constant 0 : i32
      %dma_wait3A_2080 = arith.constant 0 : i32
      %dma_wait3A_2081 = tpu.memref_slice %arg9[%dma_wait3A_2078, %dma_wait3A_2079, %dma_wait3A_2080] : memref<6x128x128xf32, #tpu.memory_space<vmem>> -> memref<1x128x128xf32, #tpu.memory_space<vmem>>
      %dma_wait3A_2082 = tpu.memref_squeeze %dma_wait3A_2081 : memref<1x128x128xf32, #tpu.memory_space<vmem>> -> memref<128x128xf32, #tpu.memory_space<vmem>>
      %dma_wait3A_2083 = arith.constant 0 : i32
      %dma_wait3A_2084 = tpu.memref_slice %arg8[%dma_wait3A_2076, %dma_wait3A_2077, %dma_wait3A_2083] : memref<4x50x128xi32, #tpu.memory_space<vmem>> -> memref<1x1x128xi32, #tpu.memory_space<vmem>>
      %dma_wait3A_2085 = tpu.memref_squeeze %dma_wait3A_2084 : memref<1x1x128xi32, #tpu.memory_space<vmem>> -> memref<128xi32, #tpu.memory_space<vmem>>
      %dma_wait3A_2086 = arith.constant 0 : i32
      %dma_wait3A_2087 = arith.constant 0 : i32
      %dma_wait3A_2088 = tpu.memref_slice %arg2[%dma_wait3A_2086, %dma_wait3A_2087] : memref<100000x128xf32, #tpu.memory_space<hbm>> -> memref<100000x128xf32, #tpu.memory_space<hbm>>
      tpu.wait_indirect_dma semaphore(%arg13 : memref<!tpu.dma_semaphore, #tpu.memory_space<semaphore_mem>>) src(%dma_wait3A_2088 : memref<100000x128xf32, #tpu.memory_space<hbm>>) dst(%dma_wait3A_2082 : memref<128x128xf32, #tpu.memory_space<vmem>>)
      %sub3A_2089 = arith.constant 50 : i32
      %sub3A_2090 = arith.subi %add3A_2075, %sub3A_2089 : i32
      %mul3A_2091 = arith.constant 128 : i32
      %mul3A_2092 = arith.muli %add3A, %mul3A_2091 : i32
      %dma_start3A_2093 = arith.constant 3 : i32
      %dma_start3A_2094 = arith.constant 0 : i32
      %dma_start3A_2095 = arith.constant 0 : i32
      %dma_start3A_2096 = tpu.memref_slice %arg9[%dma_start3A_2093, %dma_start3A_2094, %dma_start3A_2095] : memref<6x128x128xf32, #tpu.memory_space<vmem>> -> memref<1x128x128xf32, #tpu.memory_space<vmem>>
      %dma_start3A_2097 = tpu.memref_squeeze %dma_start3A_2096 : memref<1x128x128xf32, #tpu.memory_space<vmem>> -> memref<128x128xf32, #tpu.memory_space<vmem>>
      %dma_start3A_2098 = arith.constant 0 : i32
      %dma_start3A_2099 = tpu.memref_slice %arg5[%sub3A_2090, %mul3A_2092, %dma_start3A_2098] : memref<50x4096x128xf32, #tpu.memory_space<hbm>> -> memref<1x128x128xf32, #tpu.memory_space<hbm>>
      %dma_start3A_2100 = tpu.memref_squeeze %dma_start3A_2099 : memref<1x128x128xf32, #tpu.memory_space<hbm>> -> memref<128x128xf32, #tpu.memory_space<hbm>>
      %dma_start3A_2101 = arith.constant 0 : i32
      %dma_start3A_2102 = tpu.memref_slice %arg5[%sub3A_2090, %mul3A_2092, %dma_start3A_2101] : memref<50x4096x128xf32, #tpu.memory_space<hbm>> -> memref<1x128x128xf32, #tpu.memory_space<hbm>>
      %dma_start3A_2103 = tpu.memref_squeeze %dma_start3A_2102 : memref<1x128x128xf32, #tpu.memory_space<hbm>> -> memref<128x128xf32, #tpu.memory_space<hbm>>
      %dma_start3A_2104 = arith.constant 0 : i32
      %dma_start3A_2105 = arith.constant 0 : i32
      %dma_start3A_2106 = tpu.memref_slice %arg9[%dma_start3A_2093, %dma_start3A_2104, %dma_start3A_2105] : memref<6x128x128xf32, #tpu.memory_space<vmem>> -> memref<1x128x128xf32, #tpu.memory_space<vmem>>
      %dma_start3A_2107 = tpu.memref_squeeze %dma_start3A_2106 : memref<1x128x128xf32, #tpu.memory_space<vmem>> -> memref<128x128xf32, #tpu.memory_space<vmem>>
      tpu.enqueue_dma source(%dma_start3A_2107 : memref<128x128xf32, #tpu.memory_space<vmem>>) target(%dma_start3A_2103 : memref<128x128xf32, #tpu.memory_space<hbm>>) target_semaphore(%arg19 : memref<!tpu.dma_semaphore, #tpu.memory_space<semaphore_mem>>)
      %dma_wait3A_2108 = arith.constant 1 : i32
      %dma_wait3A_2109 = arith.constant 0 : i32
      %dma_wait3A_2110 = arith.constant 0 : i32
      %dma_wait3A_2111 = arith.constant 0 : i32
      %dma_wait3A_2112 = tpu.memref_slice %arg9[%dma_wait3A_2108, %dma_wait3A_2110, %dma_wait3A_2111] : memref<6x128x128xf32, #tpu.memory_space<vmem>> -> memref<1x128x128xf32, #tpu.memory_space<vmem>>
      %dma_wait3A_2113 = tpu.memref_squeeze %dma_wait3A_2112 : memref<1x128x128xf32, #tpu.memory_space<vmem>> -> memref<128x128xf32, #tpu.memory_space<vmem>>
      %dma_wait3A_2114 = arith.constant 0 : i32
      %dma_wait3A_2115 = arith.constant 0 : i32
      %dma_wait3A_2116 = tpu.memref_slice %arg4[%dma_wait3A_2109, %dma_wait3A_2114, %dma_wait3A_2115] : memref<50x4096x128xf32, #tpu.memory_space<hbm>> -> memref<1x128x128xf32, #tpu.memory_space<hbm>>
      %dma_wait3A_2117 = tpu.memref_squeeze %dma_wait3A_2116 : memref<1x128x128xf32, #tpu.memory_space<hbm>> -> memref<128x128xf32, #tpu.memory_space<hbm>>
      %dma_wait3A_2118 = arith.constant 0 : i32
      %dma_wait3A_2119 = arith.constant 0 : i32
      %dma_wait3A_2120 = tpu.memref_slice %arg4[%dma_wait3A_2109, %dma_wait3A_2118, %dma_wait3A_2119] : memref<50x4096x128xf32, #tpu.memory_space<hbm>> -> memref<1x128x128xf32, #tpu.memory_space<hbm>>
      %dma_wait3A_2121 = tpu.memref_squeeze %dma_wait3A_2120 : memref<1x128x128xf32, #tpu.memory_space<hbm>> -> memref<128x128xf32, #tpu.memory_space<hbm>>
      %dma_wait3A_2122 = arith.constant 0 : i32
      %dma_wait3A_2123 = arith.constant 0 : i32
      %dma_wait3A_2124 = tpu.memref_slice %arg9[%dma_wait3A_2108, %dma_wait3A_2122, %dma_wait3A_2123] : memref<6x128x128xf32, #tpu.memory_space<vmem>> -> memref<1x128x128xf32, #tpu.memory_space<vmem>>
      %dma_wait3A_2125 = tpu.memref_squeeze %dma_wait3A_2124 : memref<1x128x128xf32, #tpu.memory_space<vmem>> -> memref<128x128xf32, #tpu.memory_space<vmem>>
      tpu.wait_dma2 semaphore(%arg17 : memref<!tpu.dma_semaphore, #tpu.memory_space<semaphore_mem>>) src(%dma_wait3A_2125 : memref<128x128xf32, #tpu.memory_space<vmem>>) dst(%dma_wait3A_2121 : memref<128x128xf32, #tpu.memory_space<hbm>>)
      %sub3A_2126 = arith.constant 50 : i32
      %sub3A_2127 = arith.subi %add3A_2075, %sub3A_2126 : i32
      %add3A_2128 = arith.constant 4 : i32
      %add3A_2129 = arith.addi %sub3A_2127, %add3A_2128 : i32
      %dma_start3A_2130 = arith.constant 1 : i32
      %dma_start3A_2131 = arith.constant 1 : i32
      %dma_start3A_2132 = arith.constant 0 : i32
      %dma_start3A_2133 = arith.constant 0 : i32
      %dma_start3A_2134 = tpu.memref_slice %arg9[%dma_start3A_2131, %dma_start3A_2132, %dma_start3A_2133] : memref<6x128x128xf32, #tpu.memory_space<vmem>> -> memref<1x128x128xf32, #tpu.memory_space<vmem>>
      %dma_start3A_2135 = tpu.memref_squeeze %dma_start3A_2134 : memref<1x128x128xf32, #tpu.memory_space<vmem>> -> memref<128x128xf32, #tpu.memory_space<vmem>>
      %dma_start3A_2136 = arith.constant 0 : i32
      %dma_start3A_2137 = tpu.memref_slice %arg8[%dma_start3A_2130, %add3A_2129, %dma_start3A_2136] : memref<4x50x128xi32, #tpu.memory_space<vmem>> -> memref<1x1x128xi32, #tpu.memory_space<vmem>>
      %dma_start3A_2138 = tpu.memref_squeeze %dma_start3A_2137 : memref<1x1x128xi32, #tpu.memory_space<vmem>> -> memref<128xi32, #tpu.memory_space<vmem>>
      %dma_start3A_2139 = arith.constant 0 : i32
      %dma_start3A_2140 = arith.constant 0 : i32
      %dma_start3A_2141 = tpu.memref_slice %arg2[%dma_start3A_2139, %dma_start3A_2140] : memref<100000x128xf32, #tpu.memory_space<hbm>> -> memref<100000x128xf32, #tpu.memory_space<hbm>>
      tpu.enqueue_indirect_dma source(%dma_start3A_2141 : memref<100000x128xf32, #tpu.memory_space<hbm>>) target(%dma_start3A_2135 : memref<128x128xf32, #tpu.memory_space<vmem>>) offsets(%dma_start3A_2138 : memref<128xi32, #tpu.memory_space<vmem>>) semaphore(%arg11 : memref<!tpu.dma_semaphore, #tpu.memory_space<semaphore_mem>>)
      %add3A_2142 = arith.constant 2 : i32
      %add3A_2143 = arith.addi %add3A_2006, %add3A_2142 : i32
      %dma_wait3A_2144 = arith.constant 0 : i32
      %dma_wait3A_2145 = arith.constant 0 : i32
      %dma_wait3A_2146 = arith.constant 4 : i32
      %dma_wait3A_2147 = arith.constant 0 : i32
      %dma_wait3A_2148 = arith.constant 0 : i32
      %dma_wait3A_2149 = tpu.memref_slice %arg9[%dma_wait3A_2146, %dma_wait3A_2147, %dma_wait3A_2148] : memref<6x128x128xf32, #tpu.memory_space<vmem>> -> memref<1x128x128xf32, #tpu.memory_space<vmem>>
      %dma_wait3A_2150 = tpu.memref_squeeze %dma_wait3A_2149 : memref<1x128x128xf32, #tpu.memory_space<vmem>> -> memref<128x128xf32, #tpu.memory_space<vmem>>
      %dma_wait3A_2151 = arith.constant 0 : i32
      %dma_wait3A_2152 = tpu.memref_slice %arg8[%dma_wait3A_2144, %dma_wait3A_2145, %dma_wait3A_2151] : memref<4x50x128xi32, #tpu.memory_space<vmem>> -> memref<1x1x128xi32, #tpu.memory_space<vmem>>
      %dma_wait3A_2153 = tpu.memref_squeeze %dma_wait3A_2152 : memref<1x1x128xi32, #tpu.memory_space<vmem>> -> memref<128xi32, #tpu.memory_space<vmem>>
      %dma_wait3A_2154 = arith.constant 0 : i32
      %dma_wait3A_2155 = arith.constant 0 : i32
      %dma_wait3A_2156 = tpu.memref_slice %arg2[%dma_wait3A_2154, %dma_wait3A_2155] : memref<100000x128xf32, #tpu.memory_space<hbm>> -> memref<100000x128xf32, #tpu.memory_space<hbm>>
      tpu.wait_indirect_dma semaphore(%arg14 : memref<!tpu.dma_semaphore, #tpu.memory_space<semaphore_mem>>) src(%dma_wait3A_2156 : memref<100000x128xf32, #tpu.memory_space<hbm>>) dst(%dma_wait3A_2150 : memref<128x128xf32, #tpu.memory_space<vmem>>)
      %sub3A_2157 = arith.constant 50 : i32
      %sub3A_2158 = arith.subi %add3A_2143, %sub3A_2157 : i32
      %mul3A_2159 = arith.constant 128 : i32
      %mul3A_2160 = arith.muli %add3A, %mul3A_2159 : i32
      %dma_start3A_2161 = arith.constant 4 : i32
      %dma_start3A_2162 = arith.constant 0 : i32
      %dma_start3A_2163 = arith.constant 0 : i32
      %dma_start3A_2164 = tpu.memref_slice %arg9[%dma_start3A_2161, %dma_start3A_2162, %dma_start3A_2163] : memref<6x128x128xf32, #tpu.memory_space<vmem>> -> memref<1x128x128xf32, #tpu.memory_space<vmem>>
      %dma_start3A_2165 = tpu.memref_squeeze %dma_start3A_2164 : memref<1x128x128xf32, #tpu.memory_space<vmem>> -> memref<128x128xf32, #tpu.memory_space<vmem>>
      %dma_start3A_2166 = arith.constant 0 : i32
      %dma_start3A_2167 = tpu.memref_slice %arg5[%sub3A_2158, %mul3A_2160, %dma_start3A_2166] : memref<50x4096x128xf32, #tpu.memory_space<hbm>> -> memref<1x128x128xf32, #tpu.memory_space<hbm>>
      %dma_start3A_2168 = tpu.memref_squeeze %dma_start3A_2167 : memref<1x128x128xf32, #tpu.memory_space<hbm>> -> memref<128x128xf32, #tpu.memory_space<hbm>>
      %dma_start3A_2169 = arith.constant 0 : i32
      %dma_start3A_2170 = tpu.memref_slice %arg5[%sub3A_2158, %mul3A_2160, %dma_start3A_2169] : memref<50x4096x128xf32, #tpu.memory_space<hbm>> -> memref<1x128x128xf32, #tpu.memory_space<hbm>>
      %dma_start3A_2171 = tpu.memref_squeeze %dma_start3A_2170 : memref<1x128x128xf32, #tpu.memory_space<hbm>> -> memref<128x128xf32, #tpu.memory_space<hbm>>
      %dma_start3A_2172 = arith.constant 0 : i32
      %dma_start3A_2173 = arith.constant 0 : i32
      %dma_start3A_2174 = tpu.memref_slice %arg9[%dma_start3A_2161, %dma_start3A_2172, %dma_start3A_2173] : memref<6x128x128xf32, #tpu.memory_space<vmem>> -> memref<1x128x128xf32, #tpu.memory_space<vmem>>
      %dma_start3A_2175 = tpu.memref_squeeze %dma_start3A_2174 : memref<1x128x128xf32, #tpu.memory_space<vmem>> -> memref<128x128xf32, #tpu.memory_space<vmem>>
      tpu.enqueue_dma source(%dma_start3A_2175 : memref<128x128xf32, #tpu.memory_space<vmem>>) target(%dma_start3A_2171 : memref<128x128xf32, #tpu.memory_space<hbm>>) target_semaphore(%arg20 : memref<!tpu.dma_semaphore, #tpu.memory_space<semaphore_mem>>)
      %dma_wait3A_2176 = arith.constant 2 : i32
      %dma_wait3A_2177 = arith.constant 0 : i32
      %dma_wait3A_2178 = arith.constant 0 : i32
      %dma_wait3A_2179 = arith.constant 0 : i32
      %dma_wait3A_2180 = tpu.memref_slice %arg9[%dma_wait3A_2176, %dma_wait3A_2178, %dma_wait3A_2179] : memref<6x128x128xf32, #tpu.memory_space<vmem>> -> memref<1x128x128xf32, #tpu.memory_space<vmem>>
      %dma_wait3A_2181 = tpu.memref_squeeze %dma_wait3A_2180 : memref<1x128x128xf32, #tpu.memory_space<vmem>> -> memref<128x128xf32, #tpu.memory_space<vmem>>
      %dma_wait3A_2182 = arith.constant 0 : i32
      %dma_wait3A_2183 = arith.constant 0 : i32
      %dma_wait3A_2184 = tpu.memref_slice %arg4[%dma_wait3A_2177, %dma_wait3A_2182, %dma_wait3A_2183] : memref<50x4096x128xf32, #tpu.memory_space<hbm>> -> memref<1x128x128xf32, #tpu.memory_space<hbm>>
      %dma_wait3A_2185 = tpu.memref_squeeze %dma_wait3A_2184 : memref<1x128x128xf32, #tpu.memory_space<hbm>> -> memref<128x128xf32, #tpu.memory_space<hbm>>
      %dma_wait3A_2186 = arith.constant 0 : i32
      %dma_wait3A_2187 = arith.constant 0 : i32
      %dma_wait3A_2188 = tpu.memref_slice %arg4[%dma_wait3A_2177, %dma_wait3A_2186, %dma_wait3A_2187] : memref<50x4096x128xf32, #tpu.memory_space<hbm>> -> memref<1x128x128xf32, #tpu.memory_space<hbm>>
      %dma_wait3A_2189 = tpu.memref_squeeze %dma_wait3A_2188 : memref<1x128x128xf32, #tpu.memory_space<hbm>> -> memref<128x128xf32, #tpu.memory_space<hbm>>
      %dma_wait3A_2190 = arith.constant 0 : i32
      %dma_wait3A_2191 = arith.constant 0 : i32
      %dma_wait3A_2192 = tpu.memref_slice %arg9[%dma_wait3A_2176, %dma_wait3A_2190, %dma_wait3A_2191] : memref<6x128x128xf32, #tpu.memory_space<vmem>> -> memref<1x128x128xf32, #tpu.memory_space<vmem>>
      %dma_wait3A_2193 = tpu.memref_squeeze %dma_wait3A_2192 : memref<1x128x128xf32, #tpu.memory_space<vmem>> -> memref<128x128xf32, #tpu.memory_space<vmem>>
      tpu.wait_dma2 semaphore(%arg18 : memref<!tpu.dma_semaphore, #tpu.memory_space<semaphore_mem>>) src(%dma_wait3A_2193 : memref<128x128xf32, #tpu.memory_space<vmem>>) dst(%dma_wait3A_2189 : memref<128x128xf32, #tpu.memory_space<hbm>>)
      %sub3A_2194 = arith.constant 50 : i32
      %sub3A_2195 = arith.subi %add3A_2143, %sub3A_2194 : i32
      %add3A_2196 = arith.constant 4 : i32
      %add3A_2197 = arith.addi %sub3A_2195, %add3A_2196 : i32
      %dma_start3A_2198 = arith.constant 1 : i32
      %dma_start3A_2199 = arith.constant 2 : i32
      %dma_start3A_2200 = arith.constant 0 : i32
      %dma_start3A_2201 = arith.constant 0 : i32
      %dma_start3A_2202 = tpu.memref_slice %arg9[%dma_start3A_2199, %dma_start3A_2200, %dma_start3A_2201] : memref<6x128x128xf32, #tpu.memory_space<vmem>> -> memref<1x128x128xf32, #tpu.memory_space<vmem>>
      %dma_start3A_2203 = tpu.memref_squeeze %dma_start3A_2202 : memref<1x128x128xf32, #tpu.memory_space<vmem>> -> memref<128x128xf32, #tpu.memory_space<vmem>>
      %dma_start3A_2204 = arith.constant 0 : i32
      %dma_start3A_2205 = tpu.memref_slice %arg8[%dma_start3A_2198, %add3A_2197, %dma_start3A_2204] : memref<4x50x128xi32, #tpu.memory_space<vmem>> -> memref<1x1x128xi32, #tpu.memory_space<vmem>>
      %dma_start3A_2206 = tpu.memref_squeeze %dma_start3A_2205 : memref<1x1x128xi32, #tpu.memory_space<vmem>> -> memref<128xi32, #tpu.memory_space<vmem>>
      %dma_start3A_2207 = arith.constant 0 : i32
      %dma_start3A_2208 = arith.constant 0 : i32
      %dma_start3A_2209 = tpu.memref_slice %arg2[%dma_start3A_2207, %dma_start3A_2208] : memref<100000x128xf32, #tpu.memory_space<hbm>> -> memref<100000x128xf32, #tpu.memory_space<hbm>>
      tpu.enqueue_indirect_dma source(%dma_start3A_2209 : memref<100000x128xf32, #tpu.memory_space<hbm>>) target(%dma_start3A_2203 : memref<128x128xf32, #tpu.memory_space<vmem>>) offsets(%dma_start3A_2206 : memref<128xi32, #tpu.memory_space<vmem>>) semaphore(%arg12 : memref<!tpu.dma_semaphore, #tpu.memory_space<semaphore_mem>>)
      %add3A_2210 = arith.constant 3 : i32
      %add3A_2211 = arith.addi %add3A_2006, %add3A_2210 : i32
      %dma_wait3A_2212 = arith.constant 0 : i32
      %dma_wait3A_2213 = arith.constant 0 : i32
      %dma_wait3A_2214 = arith.constant 5 : i32
      %dma_wait3A_2215 = arith.constant 0 : i32
      %dma_wait3A_2216 = arith.constant 0 : i32
      %dma_wait3A_2217 = tpu.memref_slice %arg9[%dma_wait3A_2214, %dma_wait3A_2215, %dma_wait3A_2216] : memref<6x128x128xf32, #tpu.memory_space<vmem>> -> memref<1x128x128xf32, #tpu.memory_space<vmem>>
      %dma_wait3A_2218 = tpu.memref_squeeze %dma_wait3A_2217 : memref<1x128x128xf32, #tpu.memory_space<vmem>> -> memref<128x128xf32, #tpu.memory_space<vmem>>
      %dma_wait3A_2219 = arith.constant 0 : i32
      %dma_wait3A_2220 = tpu.memref_slice %arg8[%dma_wait3A_2212, %dma_wait3A_2213, %dma_wait3A_2219] : memref<4x50x128xi32, #tpu.memory_space<vmem>> -> memref<1x1x128xi32, #tpu.memory_space<vmem>>
      %dma_wait3A_2221 = tpu.memref_squeeze %dma_wait3A_2220 : memref<1x1x128xi32, #tpu.memory_space<vmem>> -> memref<128xi32, #tpu.memory_space<vmem>>
      %dma_wait3A_2222 = arith.constant 0 : i32
      %dma_wait3A_2223 = arith.constant 0 : i32
      %dma_wait3A_2224 = tpu.memref_slice %arg2[%dma_wait3A_2222, %dma_wait3A_2223] : memref<100000x128xf32, #tpu.memory_space<hbm>> -> memref<100000x128xf32, #tpu.memory_space<hbm>>
      tpu.wait_indirect_dma semaphore(%arg15 : memref<!tpu.dma_semaphore, #tpu.memory_space<semaphore_mem>>) src(%dma_wait3A_2224 : memref<100000x128xf32, #tpu.memory_space<hbm>>) dst(%dma_wait3A_2218 : memref<128x128xf32, #tpu.memory_space<vmem>>)
      %sub3A_2225 = arith.constant 50 : i32
      %sub3A_2226 = arith.subi %add3A_2211, %sub3A_2225 : i32
      %mul3A_2227 = arith.constant 128 : i32
      %mul3A_2228 = arith.muli %add3A, %mul3A_2227 : i32
      %dma_start3A_2229 = arith.constant 5 : i32
      %dma_start3A_2230 = arith.constant 0 : i32
      %dma_start3A_2231 = arith.constant 0 : i32
      %dma_start3A_2232 = tpu.memref_slice %arg9[%dma_start3A_2229, %dma_start3A_2230, %dma_start3A_2231] : memref<6x128x128xf32, #tpu.memory_space<vmem>> -> memref<1x128x128xf32, #tpu.memory_space<vmem>>
      %dma_start3A_2233 = tpu.memref_squeeze %dma_start3A_2232 : memref<1x128x128xf32, #tpu.memory_space<vmem>> -> memref<128x128xf32, #tpu.memory_space<vmem>>
      %dma_start3A_2234 = arith.constant 0 : i32
      %dma_start3A_2235 = tpu.memref_slice %arg5[%sub3A_2226, %mul3A_2228, %dma_start3A_2234] : memref<50x4096x128xf32, #tpu.memory_space<hbm>> -> memref<1x128x128xf32, #tpu.memory_space<hbm>>
      %dma_start3A_2236 = tpu.memref_squeeze %dma_start3A_2235 : memref<1x128x128xf32, #tpu.memory_space<hbm>> -> memref<128x128xf32, #tpu.memory_space<hbm>>
      %dma_start3A_2237 = arith.constant 0 : i32
      %dma_start3A_2238 = tpu.memref_slice %arg5[%sub3A_2226, %mul3A_2228, %dma_start3A_2237] : memref<50x4096x128xf32, #tpu.memory_space<hbm>> -> memref<1x128x128xf32, #tpu.memory_space<hbm>>
      %dma_start3A_2239 = tpu.memref_squeeze %dma_start3A_2238 : memref<1x128x128xf32, #tpu.memory_space<hbm>> -> memref<128x128xf32, #tpu.memory_space<hbm>>
      %dma_start3A_2240 = arith.constant 0 : i32
      %dma_start3A_2241 = arith.constant 0 : i32
      %dma_start3A_2242 = tpu.memref_slice %arg9[%dma_start3A_2229, %dma_start3A_2240, %dma_start3A_2241] : memref<6x128x128xf32, #tpu.memory_space<vmem>> -> memref<1x128x128xf32, #tpu.memory_space<vmem>>
      %dma_start3A_2243 = tpu.memref_squeeze %dma_start3A_2242 : memref<1x128x128xf32, #tpu.memory_space<vmem>> -> memref<128x128xf32, #tpu.memory_space<vmem>>
      tpu.enqueue_dma source(%dma_start3A_2243 : memref<128x128xf32, #tpu.memory_space<vmem>>) target(%dma_start3A_2239 : memref<128x128xf32, #tpu.memory_space<hbm>>) target_semaphore(%arg21 : memref<!tpu.dma_semaphore, #tpu.memory_space<semaphore_mem>>)
      %dma_wait3A_2244 = arith.constant 3 : i32
      %dma_wait3A_2245 = arith.constant 0 : i32
      %dma_wait3A_2246 = arith.constant 0 : i32
      %dma_wait3A_2247 = arith.constant 0 : i32
      %dma_wait3A_2248 = tpu.memref_slice %arg9[%dma_wait3A_2244, %dma_wait3A_2246, %dma_wait3A_2247] : memref<6x128x128xf32, #tpu.memory_space<vmem>> -> memref<1x128x128xf32, #tpu.memory_space<vmem>>
      %dma_wait3A_2249 = tpu.memref_squeeze %dma_wait3A_2248 : memref<1x128x128xf32, #tpu.memory_space<vmem>> -> memref<128x128xf32, #tpu.memory_space<vmem>>
      %dma_wait3A_2250 = arith.constant 0 : i32
      %dma_wait3A_2251 = arith.constant 0 : i32
      %dma_wait3A_2252 = tpu.memref_slice %arg4[%dma_wait3A_2245, %dma_wait3A_2250, %dma_wait3A_2251] : memref<50x4096x128xf32, #tpu.memory_space<hbm>> -> memref<1x128x128xf32, #tpu.memory_space<hbm>>
      %dma_wait3A_2253 = tpu.memref_squeeze %dma_wait3A_2252 : memref<1x128x128xf32, #tpu.memory_space<hbm>> -> memref<128x128xf32, #tpu.memory_space<hbm>>
      %dma_wait3A_2254 = arith.constant 0 : i32
      %dma_wait3A_2255 = arith.constant 0 : i32
      %dma_wait3A_2256 = tpu.memref_slice %arg4[%dma_wait3A_2245, %dma_wait3A_2254, %dma_wait3A_2255] : memref<50x4096x128xf32, #tpu.memory_space<hbm>> -> memref<1x128x128xf32, #tpu.memory_space<hbm>>
      %dma_wait3A_2257 = tpu.memref_squeeze %dma_wait3A_2256 : memref<1x128x128xf32, #tpu.memory_space<hbm>> -> memref<128x128xf32, #tpu.memory_space<hbm>>
      %dma_wait3A_2258 = arith.constant 0 : i32
      %dma_wait3A_2259 = arith.constant 0 : i32
      %dma_wait3A_2260 = tpu.memref_slice %arg9[%dma_wait3A_2244, %dma_wait3A_2258, %dma_wait3A_2259] : memref<6x128x128xf32, #tpu.memory_space<vmem>> -> memref<1x128x128xf32, #tpu.memory_space<vmem>>
      %dma_wait3A_2261 = tpu.memref_squeeze %dma_wait3A_2260 : memref<1x128x128xf32, #tpu.memory_space<vmem>> -> memref<128x128xf32, #tpu.memory_space<vmem>>
      tpu.wait_dma2 semaphore(%arg19 : memref<!tpu.dma_semaphore, #tpu.memory_space<semaphore_mem>>) src(%dma_wait3A_2261 : memref<128x128xf32, #tpu.memory_space<vmem>>) dst(%dma_wait3A_2257 : memref<128x128xf32, #tpu.memory_space<hbm>>)
      %sub3A_2262 = arith.constant 50 : i32
      %sub3A_2263 = arith.subi %add3A_2211, %sub3A_2262 : i32
      %add3A_2264 = arith.constant 4 : i32
      %add3A_2265 = arith.addi %sub3A_2263, %add3A_2264 : i32
      %dma_start3A_2266 = arith.constant 1 : i32
      %dma_start3A_2267 = arith.constant 3 : i32
      %dma_start3A_2268 = arith.constant 0 : i32
      %dma_start3A_2269 = arith.constant 0 : i32
      %dma_start3A_2270 = tpu.memref_slice %arg9[%dma_start3A_2267, %dma_start3A_2268, %dma_start3A_2269] : memref<6x128x128xf32, #tpu.memory_space<vmem>> -> memref<1x128x128xf32, #tpu.memory_space<vmem>>
      %dma_start3A_2271 = tpu.memref_squeeze %dma_start3A_2270 : memref<1x128x128xf32, #tpu.memory_space<vmem>> -> memref<128x128xf32, #tpu.memory_space<vmem>>
      %dma_start3A_2272 = arith.constant 0 : i32
      %dma_start3A_2273 = tpu.memref_slice %arg8[%dma_start3A_2266, %add3A_2265, %dma_start3A_2272] : memref<4x50x128xi32, #tpu.memory_space<vmem>> -> memref<1x1x128xi32, #tpu.memory_space<vmem>>
      %dma_start3A_2274 = tpu.memref_squeeze %dma_start3A_2273 : memref<1x1x128xi32, #tpu.memory_space<vmem>> -> memref<128xi32, #tpu.memory_space<vmem>>
      %dma_start3A_2275 = arith.constant 0 : i32
      %dma_start3A_2276 = arith.constant 0 : i32
      %dma_start3A_2277 = tpu.memref_slice %arg2[%dma_start3A_2275, %dma_start3A_2276] : memref<100000x128xf32, #tpu.memory_space<hbm>> -> memref<100000x128xf32, #tpu.memory_space<hbm>>
      tpu.enqueue_indirect_dma source(%dma_start3A_2277 : memref<100000x128xf32, #tpu.memory_space<hbm>>) target(%dma_start3A_2271 : memref<128x128xf32, #tpu.memory_space<vmem>>) offsets(%dma_start3A_2274 : memref<128xi32, #tpu.memory_space<vmem>>) semaphore(%arg13 : memref<!tpu.dma_semaphore, #tpu.memory_space<semaphore_mem>>)
      %add3A_2278 = arith.constant 4 : i32
      %add3A_2279 = arith.addi %add3A_2006, %add3A_2278 : i32
      %dma_wait3A_2280 = arith.constant 0 : i32
      %dma_wait3A_2281 = arith.constant 0 : i32
      %dma_wait3A_2282 = arith.constant 0 : i32
      %dma_wait3A_2283 = arith.constant 0 : i32
      %dma_wait3A_2284 = arith.constant 0 : i32
      %dma_wait3A_2285 = tpu.memref_slice %arg9[%dma_wait3A_2282, %dma_wait3A_2283, %dma_wait3A_2284] : memref<6x128x128xf32, #tpu.memory_space<vmem>> -> memref<1x128x128xf32, #tpu.memory_space<vmem>>
      %dma_wait3A_2286 = tpu.memref_squeeze %dma_wait3A_2285 : memref<1x128x128xf32, #tpu.memory_space<vmem>> -> memref<128x128xf32, #tpu.memory_space<vmem>>
      %dma_wait3A_2287 = arith.constant 0 : i32
      %dma_wait3A_2288 = tpu.memref_slice %arg8[%dma_wait3A_2280, %dma_wait3A_2281, %dma_wait3A_2287] : memref<4x50x128xi32, #tpu.memory_space<vmem>> -> memref<1x1x128xi32, #tpu.memory_space<vmem>>
      %dma_wait3A_2289 = tpu.memref_squeeze %dma_wait3A_2288 : memref<1x1x128xi32, #tpu.memory_space<vmem>> -> memref<128xi32, #tpu.memory_space<vmem>>
      %dma_wait3A_2290 = arith.constant 0 : i32
      %dma_wait3A_2291 = arith.constant 0 : i32
      %dma_wait3A_2292 = tpu.memref_slice %arg2[%dma_wait3A_2290, %dma_wait3A_2291] : memref<100000x128xf32, #tpu.memory_space<hbm>> -> memref<100000x128xf32, #tpu.memory_space<hbm>>
      tpu.wait_indirect_dma semaphore(%arg10 : memref<!tpu.dma_semaphore, #tpu.memory_space<semaphore_mem>>) src(%dma_wait3A_2292 : memref<100000x128xf32, #tpu.memory_space<hbm>>) dst(%dma_wait3A_2286 : memref<128x128xf32, #tpu.memory_space<vmem>>)
      %sub3A_2293 = arith.constant 50 : i32
      %sub3A_2294 = arith.subi %add3A_2279, %sub3A_2293 : i32
      %mul3A_2295 = arith.constant 128 : i32
      %mul3A_2296 = arith.muli %add3A, %mul3A_2295 : i32
      %dma_start3A_2297 = arith.constant 0 : i32
      %dma_start3A_2298 = arith.constant 0 : i32
      %dma_start3A_2299 = arith.constant 0 : i32
      %dma_start3A_2300 = tpu.memref_slice %arg9[%dma_start3A_2297, %dma_start3A_2298, %dma_start3A_2299] : memref<6x128x128xf32, #tpu.memory_space<vmem>> -> memref<1x128x128xf32, #tpu.memory_space<vmem>>
      %dma_start3A_2301 = tpu.memref_squeeze %dma_start3A_2300 : memref<1x128x128xf32, #tpu.memory_space<vmem>> -> memref<128x128xf32, #tpu.memory_space<vmem>>
      %dma_start3A_2302 = arith.constant 0 : i32
      %dma_start3A_2303 = tpu.memref_slice %arg5[%sub3A_2294, %mul3A_2296, %dma_start3A_2302] : memref<50x4096x128xf32, #tpu.memory_space<hbm>> -> memref<1x128x128xf32, #tpu.memory_space<hbm>>
      %dma_start3A_2304 = tpu.memref_squeeze %dma_start3A_2303 : memref<1x128x128xf32, #tpu.memory_space<hbm>> -> memref<128x128xf32, #tpu.memory_space<hbm>>
      %dma_start3A_2305 = arith.constant 0 : i32
      %dma_start3A_2306 = tpu.memref_slice %arg5[%sub3A_2294, %mul3A_2296, %dma_start3A_2305] : memref<50x4096x128xf32, #tpu.memory_space<hbm>> -> memref<1x128x128xf32, #tpu.memory_space<hbm>>
      %dma_start3A_2307 = tpu.memref_squeeze %dma_start3A_2306 : memref<1x128x128xf32, #tpu.memory_space<hbm>> -> memref<128x128xf32, #tpu.memory_space<hbm>>
      %dma_start3A_2308 = arith.constant 0 : i32
      %dma_start3A_2309 = arith.constant 0 : i32
      %dma_start3A_2310 = tpu.memref_slice %arg9[%dma_start3A_2297, %dma_start3A_2308, %dma_start3A_2309] : memref<6x128x128xf32, #tpu.memory_space<vmem>> -> memref<1x128x128xf32, #tpu.memory_space<vmem>>
      %dma_start3A_2311 = tpu.memref_squeeze %dma_start3A_2310 : memref<1x128x128xf32, #tpu.memory_space<vmem>> -> memref<128x128xf32, #tpu.memory_space<vmem>>
      tpu.enqueue_dma source(%dma_start3A_2311 : memref<128x128xf32, #tpu.memory_space<vmem>>) target(%dma_start3A_2307 : memref<128x128xf32, #tpu.memory_space<hbm>>) target_semaphore(%arg16 : memref<!tpu.dma_semaphore, #tpu.memory_space<semaphore_mem>>)
      %dma_wait3A_2312 = arith.constant 4 : i32
      %dma_wait3A_2313 = arith.constant 0 : i32
      %dma_wait3A_2314 = arith.constant 0 : i32
      %dma_wait3A_2315 = arith.constant 0 : i32
      %dma_wait3A_2316 = tpu.memref_slice %arg9[%dma_wait3A_2312, %dma_wait3A_2314, %dma_wait3A_2315] : memref<6x128x128xf32, #tpu.memory_space<vmem>> -> memref<1x128x128xf32, #tpu.memory_space<vmem>>
      %dma_wait3A_2317 = tpu.memref_squeeze %dma_wait3A_2316 : memref<1x128x128xf32, #tpu.memory_space<vmem>> -> memref<128x128xf32, #tpu.memory_space<vmem>>
      %dma_wait3A_2318 = arith.constant 0 : i32
      %dma_wait3A_2319 = arith.constant 0 : i32
      %dma_wait3A_2320 = tpu.memref_slice %arg4[%dma_wait3A_2313, %dma_wait3A_2318, %dma_wait3A_2319] : memref<50x4096x128xf32, #tpu.memory_space<hbm>> -> memref<1x128x128xf32, #tpu.memory_space<hbm>>
      %dma_wait3A_2321 = tpu.memref_squeeze %dma_wait3A_2320 : memref<1x128x128xf32, #tpu.memory_space<hbm>> -> memref<128x128xf32, #tpu.memory_space<hbm>>
      %dma_wait3A_2322 = arith.constant 0 : i32
      %dma_wait3A_2323 = arith.constant 0 : i32
      %dma_wait3A_2324 = tpu.memref_slice %arg4[%dma_wait3A_2313, %dma_wait3A_2322, %dma_wait3A_2323] : memref<50x4096x128xf32, #tpu.memory_space<hbm>> -> memref<1x128x128xf32, #tpu.memory_space<hbm>>
      %dma_wait3A_2325 = tpu.memref_squeeze %dma_wait3A_2324 : memref<1x128x128xf32, #tpu.memory_space<hbm>> -> memref<128x128xf32, #tpu.memory_space<hbm>>
      %dma_wait3A_2326 = arith.constant 0 : i32
      %dma_wait3A_2327 = arith.constant 0 : i32
      %dma_wait3A_2328 = tpu.memref_slice %arg9[%dma_wait3A_2312, %dma_wait3A_2326, %dma_wait3A_2327] : memref<6x128x128xf32, #tpu.memory_space<vmem>> -> memref<1x128x128xf32, #tpu.memory_space<vmem>>
      %dma_wait3A_2329 = tpu.memref_squeeze %dma_wait3A_2328 : memref<1x128x128xf32, #tpu.memory_space<vmem>> -> memref<128x128xf32, #tpu.memory_space<vmem>>
      tpu.wait_dma2 semaphore(%arg20 : memref<!tpu.dma_semaphore, #tpu.memory_space<semaphore_mem>>) src(%dma_wait3A_2329 : memref<128x128xf32, #tpu.memory_space<vmem>>) dst(%dma_wait3A_2325 : memref<128x128xf32, #tpu.memory_space<hbm>>)
      %sub3A_2330 = arith.constant 50 : i32
      %sub3A_2331 = arith.subi %add3A_2279, %sub3A_2330 : i32
      %add3A_2332 = arith.constant 4 : i32
      %add3A_2333 = arith.addi %sub3A_2331, %add3A_2332 : i32
      %dma_start3A_2334 = arith.constant 1 : i32
      %dma_start3A_2335 = arith.constant 4 : i32
      %dma_start3A_2336 = arith.constant 0 : i32
      %dma_start3A_2337 = arith.constant 0 : i32
      %dma_start3A_2338 = tpu.memref_slice %arg9[%dma_start3A_2335, %dma_start3A_2336, %dma_start3A_2337] : memref<6x128x128xf32, #tpu.memory_space<vmem>> -> memref<1x128x128xf32, #tpu.memory_space<vmem>>
      %dma_start3A_2339 = tpu.memref_squeeze %dma_start3A_2338 : memref<1x128x128xf32, #tpu.memory_space<vmem>> -> memref<128x128xf32, #tpu.memory_space<vmem>>
      %dma_start3A_2340 = arith.constant 0 : i32
      %dma_start3A_2341 = tpu.memref_slice %arg8[%dma_start3A_2334, %add3A_2333, %dma_start3A_2340] : memref<4x50x128xi32, #tpu.memory_space<vmem>> -> memref<1x1x128xi32, #tpu.memory_space<vmem>>
      %dma_start3A_2342 = tpu.memref_squeeze %dma_start3A_2341 : memref<1x1x128xi32, #tpu.memory_space<vmem>> -> memref<128xi32, #tpu.memory_space<vmem>>
      %dma_start3A_2343 = arith.constant 0 : i32
      %dma_start3A_2344 = arith.constant 0 : i32
      %dma_start3A_2345 = tpu.memref_slice %arg2[%dma_start3A_2343, %dma_start3A_2344] : memref<100000x128xf32, #tpu.memory_space<hbm>> -> memref<100000x128xf32, #tpu.memory_space<hbm>>
      tpu.enqueue_indirect_dma source(%dma_start3A_2345 : memref<100000x128xf32, #tpu.memory_space<hbm>>) target(%dma_start3A_2339 : memref<128x128xf32, #tpu.memory_space<vmem>>) offsets(%dma_start3A_2342 : memref<128xi32, #tpu.memory_space<vmem>>) semaphore(%arg14 : memref<!tpu.dma_semaphore, #tpu.memory_space<semaphore_mem>>)
      %add3A_2346 = arith.constant 5 : i32
      %add3A_2347 = arith.addi %add3A_2006, %add3A_2346 : i32
      %dma_wait3A_2348 = arith.constant 0 : i32
      %dma_wait3A_2349 = arith.constant 0 : i32
      %dma_wait3A_2350 = arith.constant 1 : i32
      %dma_wait3A_2351 = arith.constant 0 : i32
      %dma_wait3A_2352 = arith.constant 0 : i32
      %dma_wait3A_2353 = tpu.memref_slice %arg9[%dma_wait3A_2350, %dma_wait3A_2351, %dma_wait3A_2352] : memref<6x128x128xf32, #tpu.memory_space<vmem>> -> memref<1x128x128xf32, #tpu.memory_space<vmem>>
      %dma_wait3A_2354 = tpu.memref_squeeze %dma_wait3A_2353 : memref<1x128x128xf32, #tpu.memory_space<vmem>> -> memref<128x128xf32, #tpu.memory_space<vmem>>
      %dma_wait3A_2355 = arith.constant 0 : i32
      %dma_wait3A_2356 = tpu.memref_slice %arg8[%dma_wait3A_2348, %dma_wait3A_2349, %dma_wait3A_2355] : memref<4x50x128xi32, #tpu.memory_space<vmem>> -> memref<1x1x128xi32, #tpu.memory_space<vmem>>
      %dma_wait3A_2357 = tpu.memref_squeeze %dma_wait3A_2356 : memref<1x1x128xi32, #tpu.memory_space<vmem>> -> memref<128xi32, #tpu.memory_space<vmem>>
      %dma_wait3A_2358 = arith.constant 0 : i32
      %dma_wait3A_2359 = arith.constant 0 : i32
      %dma_wait3A_2360 = tpu.memref_slice %arg2[%dma_wait3A_2358, %dma_wait3A_2359] : memref<100000x128xf32, #tpu.memory_space<hbm>> -> memref<100000x128xf32, #tpu.memory_space<hbm>>
      tpu.wait_indirect_dma semaphore(%arg11 : memref<!tpu.dma_semaphore, #tpu.memory_space<semaphore_mem>>) src(%dma_wait3A_2360 : memref<100000x128xf32, #tpu.memory_space<hbm>>) dst(%dma_wait3A_2354 : memref<128x128xf32, #tpu.memory_space<vmem>>)
      %sub3A_2361 = arith.constant 50 : i32
      %sub3A_2362 = arith.subi %add3A_2347, %sub3A_2361 : i32
      %mul3A_2363 = arith.constant 128 : i32
      %mul3A_2364 = arith.muli %add3A, %mul3A_2363 : i32
      %dma_start3A_2365 = arith.constant 1 : i32
      %dma_start3A_2366 = arith.constant 0 : i32
      %dma_start3A_2367 = arith.constant 0 : i32
      %dma_start3A_2368 = tpu.memref_slice %arg9[%dma_start3A_2365, %dma_start3A_2366, %dma_start3A_2367] : memref<6x128x128xf32, #tpu.memory_space<vmem>> -> memref<1x128x128xf32, #tpu.memory_space<vmem>>
      %dma_start3A_2369 = tpu.memref_squeeze %dma_start3A_2368 : memref<1x128x128xf32, #tpu.memory_space<vmem>> -> memref<128x128xf32, #tpu.memory_space<vmem>>
      %dma_start3A_2370 = arith.constant 0 : i32
      %dma_start3A_2371 = tpu.memref_slice %arg5[%sub3A_2362, %mul3A_2364, %dma_start3A_2370] : memref<50x4096x128xf32, #tpu.memory_space<hbm>> -> memref<1x128x128xf32, #tpu.memory_space<hbm>>
      %dma_start3A_2372 = tpu.memref_squeeze %dma_start3A_2371 : memref<1x128x128xf32, #tpu.memory_space<hbm>> -> memref<128x128xf32, #tpu.memory_space<hbm>>
      %dma_start3A_2373 = arith.constant 0 : i32
      %dma_start3A_2374 = tpu.memref_slice %arg5[%sub3A_2362, %mul3A_2364, %dma_start3A_2373] : memref<50x4096x128xf32, #tpu.memory_space<hbm>> -> memref<1x128x128xf32, #tpu.memory_space<hbm>>
      %dma_start3A_2375 = tpu.memref_squeeze %dma_start3A_2374 : memref<1x128x128xf32, #tpu.memory_space<hbm>> -> memref<128x128xf32, #tpu.memory_space<hbm>>
      %dma_start3A_2376 = arith.constant 0 : i32
      %dma_start3A_2377 = arith.constant 0 : i32
      %dma_start3A_2378 = tpu.memref_slice %arg9[%dma_start3A_2365, %dma_start3A_2376, %dma_start3A_2377] : memref<6x128x128xf32, #tpu.memory_space<vmem>> -> memref<1x128x128xf32, #tpu.memory_space<vmem>>
      %dma_start3A_2379 = tpu.memref_squeeze %dma_start3A_2378 : memref<1x128x128xf32, #tpu.memory_space<vmem>> -> memref<128x128xf32, #tpu.memory_space<vmem>>
      tpu.enqueue_dma source(%dma_start3A_2379 : memref<128x128xf32, #tpu.memory_space<vmem>>) target(%dma_start3A_2375 : memref<128x128xf32, #tpu.memory_space<hbm>>) target_semaphore(%arg17 : memref<!tpu.dma_semaphore, #tpu.memory_space<semaphore_mem>>)
      %dma_wait3A_2380 = arith.constant 5 : i32
      %dma_wait3A_2381 = arith.constant 0 : i32
      %dma_wait3A_2382 = arith.constant 0 : i32
      %dma_wait3A_2383 = arith.constant 0 : i32
      %dma_wait3A_2384 = tpu.memref_slice %arg9[%dma_wait3A_2380, %dma_wait3A_2382, %dma_wait3A_2383] : memref<6x128x128xf32, #tpu.memory_space<vmem>> -> memref<1x128x128xf32, #tpu.memory_space<vmem>>
      %dma_wait3A_2385 = tpu.memref_squeeze %dma_wait3A_2384 : memref<1x128x128xf32, #tpu.memory_space<vmem>> -> memref<128x128xf32, #tpu.memory_space<vmem>>
      %dma_wait3A_2386 = arith.constant 0 : i32
      %dma_wait3A_2387 = arith.constant 0 : i32
      %dma_wait3A_2388 = tpu.memref_slice %arg4[%dma_wait3A_2381, %dma_wait3A_2386, %dma_wait3A_2387] : memref<50x4096x128xf32, #tpu.memory_space<hbm>> -> memref<1x128x128xf32, #tpu.memory_space<hbm>>
      %dma_wait3A_2389 = tpu.memref_squeeze %dma_wait3A_2388 : memref<1x128x128xf32, #tpu.memory_space<hbm>> -> memref<128x128xf32, #tpu.memory_space<hbm>>
      %dma_wait3A_2390 = arith.constant 0 : i32
      %dma_wait3A_2391 = arith.constant 0 : i32
      %dma_wait3A_2392 = tpu.memref_slice %arg4[%dma_wait3A_2381, %dma_wait3A_2390, %dma_wait3A_2391] : memref<50x4096x128xf32, #tpu.memory_space<hbm>> -> memref<1x128x128xf32, #tpu.memory_space<hbm>>
      %dma_wait3A_2393 = tpu.memref_squeeze %dma_wait3A_2392 : memref<1x128x128xf32, #tpu.memory_space<hbm>> -> memref<128x128xf32, #tpu.memory_space<hbm>>
      %dma_wait3A_2394 = arith.constant 0 : i32
      %dma_wait3A_2395 = arith.constant 0 : i32
      %dma_wait3A_2396 = tpu.memref_slice %arg9[%dma_wait3A_2380, %dma_wait3A_2394, %dma_wait3A_2395] : memref<6x128x128xf32, #tpu.memory_space<vmem>> -> memref<1x128x128xf32, #tpu.memory_space<vmem>>
      %dma_wait3A_2397 = tpu.memref_squeeze %dma_wait3A_2396 : memref<1x128x128xf32, #tpu.memory_space<vmem>> -> memref<128x128xf32, #tpu.memory_space<vmem>>
      tpu.wait_dma2 semaphore(%arg21 : memref<!tpu.dma_semaphore, #tpu.memory_space<semaphore_mem>>) src(%dma_wait3A_2397 : memref<128x128xf32, #tpu.memory_space<vmem>>) dst(%dma_wait3A_2393 : memref<128x128xf32, #tpu.memory_space<hbm>>)
      %sub3A_2398 = arith.constant 50 : i32
      %sub3A_2399 = arith.subi %add3A_2347, %sub3A_2398 : i32
      %add3A_2400 = arith.constant 4 : i32
      %add3A_2401 = arith.addi %sub3A_2399, %add3A_2400 : i32
      %dma_start3A_2402 = arith.constant 1 : i32
      %dma_start3A_2403 = arith.constant 5 : i32
      %dma_start3A_2404 = arith.constant 0 : i32
      %dma_start3A_2405 = arith.constant 0 : i32
      %dma_start3A_2406 = tpu.memref_slice %arg9[%dma_start3A_2403, %dma_start3A_2404, %dma_start3A_2405] : memref<6x128x128xf32, #tpu.memory_space<vmem>> -> memref<1x128x128xf32, #tpu.memory_space<vmem>>
      %dma_start3A_2407 = tpu.memref_squeeze %dma_start3A_2406 : memref<1x128x128xf32, #tpu.memory_space<vmem>> -> memref<128x128xf32, #tpu.memory_space<vmem>>
      %dma_start3A_2408 = arith.constant 0 : i32
      %dma_start3A_2409 = tpu.memref_slice %arg8[%dma_start3A_2402, %add3A_2401, %dma_start3A_2408] : memref<4x50x128xi32, #tpu.memory_space<vmem>> -> memref<1x1x128xi32, #tpu.memory_space<vmem>>
      %dma_start3A_2410 = tpu.memref_squeeze %dma_start3A_2409 : memref<1x1x128xi32, #tpu.memory_space<vmem>> -> memref<128xi32, #tpu.memory_space<vmem>>
      %dma_start3A_2411 = arith.constant 0 : i32
      %dma_start3A_2412 = arith.constant 0 : i32
      %dma_start3A_2413 = tpu.memref_slice %arg2[%dma_start3A_2411, %dma_start3A_2412] : memref<100000x128xf32, #tpu.memory_space<hbm>> -> memref<100000x128xf32, #tpu.memory_space<hbm>>
      tpu.enqueue_indirect_dma source(%dma_start3A_2413 : memref<100000x128xf32, #tpu.memory_space<hbm>>) target(%dma_start3A_2407 : memref<128x128xf32, #tpu.memory_space<vmem>>) offsets(%dma_start3A_2410 : memref<128xi32, #tpu.memory_space<vmem>>) semaphore(%arg15 : memref<!tpu.dma_semaphore, #tpu.memory_space<semaphore_mem>>)
    }
    %scan3A_519 = arith.constant 7 : i32
    %dma_wait3A_520 = arith.constant 0 : i32
    %dma_wait3A_521 = arith.constant 0 : i32
    %dma_wait3A_522 = arith.constant 2 : i32
    %dma_wait3A_523 = arith.constant 0 : i32
    %dma_wait3A_524 = arith.constant 0 : i32
    %dma_wait3A_525 = tpu.memref_slice %arg9[%dma_wait3A_522, %dma_wait3A_523, %dma_wait3A_524] : memref<6x128x128xf32, #tpu.memory_space<vmem>> -> memref<1x128x128xf32, #tpu.memory_space<vmem>>
    %dma_wait3A_526 = tpu.memref_squeeze %dma_wait3A_525 : memref<1x128x128xf32, #tpu.memory_space<vmem>> -> memref<128x128xf32, #tpu.memory_space<vmem>>
    %dma_wait3A_527 = arith.constant 0 : i32
    %dma_wait3A_528 = tpu.memref_slice %arg8[%dma_wait3A_520, %dma_wait3A_521, %dma_wait3A_527] : memref<4x50x128xi32, #tpu.memory_space<vmem>> -> memref<1x1x128xi32, #tpu.memory_space<vmem>>
    %dma_wait3A_529 = tpu.memref_squeeze %dma_wait3A_528 : memref<1x1x128xi32, #tpu.memory_space<vmem>> -> memref<128xi32, #tpu.memory_space<vmem>>
    %dma_wait3A_530 = arith.constant 0 : i32
    %dma_wait3A_531 = arith.constant 0 : i32
    %dma_wait3A_532 = tpu.memref_slice %arg2[%dma_wait3A_530, %dma_wait3A_531] : memref<100000x128xf32, #tpu.memory_space<hbm>> -> memref<100000x128xf32, #tpu.memory_space<hbm>>
    tpu.wait_indirect_dma semaphore(%arg12 : memref<!tpu.dma_semaphore, #tpu.memory_space<semaphore_mem>>) src(%dma_wait3A_532 : memref<100000x128xf32, #tpu.memory_space<hbm>>) dst(%dma_wait3A_526 : memref<128x128xf32, #tpu.memory_space<vmem>>)
    %mul3A_533 = arith.constant 128 : i32
    %mul3A_534 = arith.muli %add3A, %mul3A_533 : i32
    %dma_start3A_535 = arith.constant 2 : i32
    %dma_start3A_536 = arith.constant 42 : i32
    %dma_start3A_537 = arith.constant 0 : i32
    %dma_start3A_538 = arith.constant 0 : i32
    %dma_start3A_539 = tpu.memref_slice %arg9[%dma_start3A_535, %dma_start3A_537, %dma_start3A_538] : memref<6x128x128xf32, #tpu.memory_space<vmem>> -> memref<1x128x128xf32, #tpu.memory_space<vmem>>
    %dma_start3A_540 = tpu.memref_squeeze %dma_start3A_539 : memref<1x128x128xf32, #tpu.memory_space<vmem>> -> memref<128x128xf32, #tpu.memory_space<vmem>>
    %dma_start3A_541 = arith.constant 0 : i32
    %dma_start3A_542 = tpu.memref_slice %arg5[%dma_start3A_536, %mul3A_534, %dma_start3A_541] : memref<50x4096x128xf32, #tpu.memory_space<hbm>> -> memref<1x128x128xf32, #tpu.memory_space<hbm>>
    %dma_start3A_543 = tpu.memref_squeeze %dma_start3A_542 : memref<1x128x128xf32, #tpu.memory_space<hbm>> -> memref<128x128xf32, #tpu.memory_space<hbm>>
    %dma_start3A_544 = arith.constant 0 : i32
    %dma_start3A_545 = tpu.memref_slice %arg5[%dma_start3A_536, %mul3A_534, %dma_start3A_544] : memref<50x4096x128xf32, #tpu.memory_space<hbm>> -> memref<1x128x128xf32, #tpu.memory_space<hbm>>
    %dma_start3A_546 = tpu.memref_squeeze %dma_start3A_545 : memref<1x128x128xf32, #tpu.memory_space<hbm>> -> memref<128x128xf32, #tpu.memory_space<hbm>>
    %dma_start3A_547 = arith.constant 0 : i32
    %dma_start3A_548 = arith.constant 0 : i32
    %dma_start3A_549 = tpu.memref_slice %arg9[%dma_start3A_535, %dma_start3A_547, %dma_start3A_548] : memref<6x128x128xf32, #tpu.memory_space<vmem>> -> memref<1x128x128xf32, #tpu.memory_space<vmem>>
    %dma_start3A_550 = tpu.memref_squeeze %dma_start3A_549 : memref<1x128x128xf32, #tpu.memory_space<vmem>> -> memref<128x128xf32, #tpu.memory_space<vmem>>
    tpu.enqueue_dma source(%dma_start3A_550 : memref<128x128xf32, #tpu.memory_space<vmem>>) target(%dma_start3A_546 : memref<128x128xf32, #tpu.memory_space<hbm>>) target_semaphore(%arg18 : memref<!tpu.dma_semaphore, #tpu.memory_space<semaphore_mem>>)
    %dma_wait3A_551 = arith.constant 0 : i32
    %dma_wait3A_552 = arith.constant 0 : i32
    %dma_wait3A_553 = arith.constant 0 : i32
    %dma_wait3A_554 = arith.constant 0 : i32
    %dma_wait3A_555 = tpu.memref_slice %arg9[%dma_wait3A_551, %dma_wait3A_553, %dma_wait3A_554] : memref<6x128x128xf32, #tpu.memory_space<vmem>> -> memref<1x128x128xf32, #tpu.memory_space<vmem>>
    %dma_wait3A_556 = tpu.memref_squeeze %dma_wait3A_555 : memref<1x128x128xf32, #tpu.memory_space<vmem>> -> memref<128x128xf32, #tpu.memory_space<vmem>>
    %dma_wait3A_557 = arith.constant 0 : i32
    %dma_wait3A_558 = arith.constant 0 : i32
    %dma_wait3A_559 = tpu.memref_slice %arg4[%dma_wait3A_552, %dma_wait3A_557, %dma_wait3A_558] : memref<50x4096x128xf32, #tpu.memory_space<hbm>> -> memref<1x128x128xf32, #tpu.memory_space<hbm>>
    %dma_wait3A_560 = tpu.memref_squeeze %dma_wait3A_559 : memref<1x128x128xf32, #tpu.memory_space<hbm>> -> memref<128x128xf32, #tpu.memory_space<hbm>>
    %dma_wait3A_561 = arith.constant 0 : i32
    %dma_wait3A_562 = arith.constant 0 : i32
    %dma_wait3A_563 = tpu.memref_slice %arg4[%dma_wait3A_552, %dma_wait3A_561, %dma_wait3A_562] : memref<50x4096x128xf32, #tpu.memory_space<hbm>> -> memref<1x128x128xf32, #tpu.memory_space<hbm>>
    %dma_wait3A_564 = tpu.memref_squeeze %dma_wait3A_563 : memref<1x128x128xf32, #tpu.memory_space<hbm>> -> memref<128x128xf32, #tpu.memory_space<hbm>>
    %dma_wait3A_565 = arith.constant 0 : i32
    %dma_wait3A_566 = arith.constant 0 : i32
    %dma_wait3A_567 = tpu.memref_slice %arg9[%dma_wait3A_551, %dma_wait3A_565, %dma_wait3A_566] : memref<6x128x128xf32, #tpu.memory_space<vmem>> -> memref<1x128x128xf32, #tpu.memory_space<vmem>>
    %dma_wait3A_568 = tpu.memref_squeeze %dma_wait3A_567 : memref<1x128x128xf32, #tpu.memory_space<vmem>> -> memref<128x128xf32, #tpu.memory_space<vmem>>
    tpu.wait_dma2 semaphore(%arg16 : memref<!tpu.dma_semaphore, #tpu.memory_space<semaphore_mem>>) src(%dma_wait3A_568 : memref<128x128xf32, #tpu.memory_space<vmem>>) dst(%dma_wait3A_564 : memref<128x128xf32, #tpu.memory_space<hbm>>)
    %dma_start3A_569 = arith.constant 1 : i32
    %dma_start3A_570 = arith.constant 46 : i32
    %dma_start3A_571 = arith.constant 0 : i32
    %dma_start3A_572 = arith.constant 0 : i32
    %dma_start3A_573 = arith.constant 0 : i32
    %dma_start3A_574 = tpu.memref_slice %arg9[%dma_start3A_571, %dma_start3A_572, %dma_start3A_573] : memref<6x128x128xf32, #tpu.memory_space<vmem>> -> memref<1x128x128xf32, #tpu.memory_space<vmem>>
    %dma_start3A_575 = tpu.memref_squeeze %dma_start3A_574 : memref<1x128x128xf32, #tpu.memory_space<vmem>> -> memref<128x128xf32, #tpu.memory_space<vmem>>
    %dma_start3A_576 = arith.constant 0 : i32
    %dma_start3A_577 = tpu.memref_slice %arg8[%dma_start3A_569, %dma_start3A_570, %dma_start3A_576] : memref<4x50x128xi32, #tpu.memory_space<vmem>> -> memref<1x1x128xi32, #tpu.memory_space<vmem>>
    %dma_start3A_578 = tpu.memref_squeeze %dma_start3A_577 : memref<1x1x128xi32, #tpu.memory_space<vmem>> -> memref<128xi32, #tpu.memory_space<vmem>>
    %dma_start3A_579 = arith.constant 0 : i32
    %dma_start3A_580 = arith.constant 0 : i32
    %dma_start3A_581 = tpu.memref_slice %arg2[%dma_start3A_579, %dma_start3A_580] : memref<100000x128xf32, #tpu.memory_space<hbm>> -> memref<100000x128xf32, #tpu.memory_space<hbm>>
    tpu.enqueue_indirect_dma source(%dma_start3A_581 : memref<100000x128xf32, #tpu.memory_space<hbm>>) target(%dma_start3A_575 : memref<128x128xf32, #tpu.memory_space<vmem>>) offsets(%dma_start3A_578 : memref<128xi32, #tpu.memory_space<vmem>>) semaphore(%arg10 : memref<!tpu.dma_semaphore, #tpu.memory_space<semaphore_mem>>)
    %dma_wait3A_582 = arith.constant 0 : i32
    %dma_wait3A_583 = arith.constant 0 : i32
    %dma_wait3A_584 = arith.constant 3 : i32
    %dma_wait3A_585 = arith.constant 0 : i32
    %dma_wait3A_586 = arith.constant 0 : i32
    %dma_wait3A_587 = tpu.memref_slice %arg9[%dma_wait3A_584, %dma_wait3A_585, %dma_wait3A_586] : memref<6x128x128xf32, #tpu.memory_space<vmem>> -> memref<1x128x128xf32, #tpu.memory_space<vmem>>
    %dma_wait3A_588 = tpu.memref_squeeze %dma_wait3A_587 : memref<1x128x128xf32, #tpu.memory_space<vmem>> -> memref<128x128xf32, #tpu.memory_space<vmem>>
    %dma_wait3A_589 = arith.constant 0 : i32
    %dma_wait3A_590 = tpu.memref_slice %arg8[%dma_wait3A_582, %dma_wait3A_583, %dma_wait3A_589] : memref<4x50x128xi32, #tpu.memory_space<vmem>> -> memref<1x1x128xi32, #tpu.memory_space<vmem>>
    %dma_wait3A_591 = tpu.memref_squeeze %dma_wait3A_590 : memref<1x1x128xi32, #tpu.memory_space<vmem>> -> memref<128xi32, #tpu.memory_space<vmem>>
    %dma_wait3A_592 = arith.constant 0 : i32
    %dma_wait3A_593 = arith.constant 0 : i32
    %dma_wait3A_594 = tpu.memref_slice %arg2[%dma_wait3A_592, %dma_wait3A_593] : memref<100000x128xf32, #tpu.memory_space<hbm>> -> memref<100000x128xf32, #tpu.memory_space<hbm>>
    tpu.wait_indirect_dma semaphore(%arg13 : memref<!tpu.dma_semaphore, #tpu.memory_space<semaphore_mem>>) src(%dma_wait3A_594 : memref<100000x128xf32, #tpu.memory_space<hbm>>) dst(%dma_wait3A_588 : memref<128x128xf32, #tpu.memory_space<vmem>>)
    %mul3A_595 = arith.constant 128 : i32
    %mul3A_596 = arith.muli %add3A, %mul3A_595 : i32
    %dma_start3A_597 = arith.constant 3 : i32
    %dma_start3A_598 = arith.constant 43 : i32
    %dma_start3A_599 = arith.constant 0 : i32
    %dma_start3A_600 = arith.constant 0 : i32
    %dma_start3A_601 = tpu.memref_slice %arg9[%dma_start3A_597, %dma_start3A_599, %dma_start3A_600] : memref<6x128x128xf32, #tpu.memory_space<vmem>> -> memref<1x128x128xf32, #tpu.memory_space<vmem>>
    %dma_start3A_602 = tpu.memref_squeeze %dma_start3A_601 : memref<1x128x128xf32, #tpu.memory_space<vmem>> -> memref<128x128xf32, #tpu.memory_space<vmem>>
    %dma_start3A_603 = arith.constant 0 : i32
    %dma_start3A_604 = tpu.memref_slice %arg5[%dma_start3A_598, %mul3A_596, %dma_start3A_603] : memref<50x4096x128xf32, #tpu.memory_space<hbm>> -> memref<1x128x128xf32, #tpu.memory_space<hbm>>
    %dma_start3A_605 = tpu.memref_squeeze %dma_start3A_604 : memref<1x128x128xf32, #tpu.memory_space<hbm>> -> memref<128x128xf32, #tpu.memory_space<hbm>>
    %dma_start3A_606 = arith.constant 0 : i32
    %dma_start3A_607 = tpu.memref_slice %arg5[%dma_start3A_598, %mul3A_596, %dma_start3A_606] : memref<50x4096x128xf32, #tpu.memory_space<hbm>> -> memref<1x128x128xf32, #tpu.memory_space<hbm>>
    %dma_start3A_608 = tpu.memref_squeeze %dma_start3A_607 : memref<1x128x128xf32, #tpu.memory_space<hbm>> -> memref<128x128xf32, #tpu.memory_space<hbm>>
    %dma_start3A_609 = arith.constant 0 : i32
    %dma_start3A_610 = arith.constant 0 : i32
    %dma_start3A_611 = tpu.memref_slice %arg9[%dma_start3A_597, %dma_start3A_609, %dma_start3A_610] : memref<6x128x128xf32, #tpu.memory_space<vmem>> -> memref<1x128x128xf32, #tpu.memory_space<vmem>>
    %dma_start3A_612 = tpu.memref_squeeze %dma_start3A_611 : memref<1x128x128xf32, #tpu.memory_space<vmem>> -> memref<128x128xf32, #tpu.memory_space<vmem>>
    tpu.enqueue_dma source(%dma_start3A_612 : memref<128x128xf32, #tpu.memory_space<vmem>>) target(%dma_start3A_608 : memref<128x128xf32, #tpu.memory_space<hbm>>) target_semaphore(%arg19 : memref<!tpu.dma_semaphore, #tpu.memory_space<semaphore_mem>>)
    %dma_wait3A_613 = arith.constant 1 : i32
    %dma_wait3A_614 = arith.constant 0 : i32
    %dma_wait3A_615 = arith.constant 0 : i32
    %dma_wait3A_616 = arith.constant 0 : i32
    %dma_wait3A_617 = tpu.memref_slice %arg9[%dma_wait3A_613, %dma_wait3A_615, %dma_wait3A_616] : memref<6x128x128xf32, #tpu.memory_space<vmem>> -> memref<1x128x128xf32, #tpu.memory_space<vmem>>
    %dma_wait3A_618 = tpu.memref_squeeze %dma_wait3A_617 : memref<1x128x128xf32, #tpu.memory_space<vmem>> -> memref<128x128xf32, #tpu.memory_space<vmem>>
    %dma_wait3A_619 = arith.constant 0 : i32
    %dma_wait3A_620 = arith.constant 0 : i32
    %dma_wait3A_621 = tpu.memref_slice %arg4[%dma_wait3A_614, %dma_wait3A_619, %dma_wait3A_620] : memref<50x4096x128xf32, #tpu.memory_space<hbm>> -> memref<1x128x128xf32, #tpu.memory_space<hbm>>
    %dma_wait3A_622 = tpu.memref_squeeze %dma_wait3A_621 : memref<1x128x128xf32, #tpu.memory_space<hbm>> -> memref<128x128xf32, #tpu.memory_space<hbm>>
    %dma_wait3A_623 = arith.constant 0 : i32
    %dma_wait3A_624 = arith.constant 0 : i32
    %dma_wait3A_625 = tpu.memref_slice %arg4[%dma_wait3A_614, %dma_wait3A_623, %dma_wait3A_624] : memref<50x4096x128xf32, #tpu.memory_space<hbm>> -> memref<1x128x128xf32, #tpu.memory_space<hbm>>
    %dma_wait3A_626 = tpu.memref_squeeze %dma_wait3A_625 : memref<1x128x128xf32, #tpu.memory_space<hbm>> -> memref<128x128xf32, #tpu.memory_space<hbm>>
    %dma_wait3A_627 = arith.constant 0 : i32
    %dma_wait3A_628 = arith.constant 0 : i32
    %dma_wait3A_629 = tpu.memref_slice %arg9[%dma_wait3A_613, %dma_wait3A_627, %dma_wait3A_628] : memref<6x128x128xf32, #tpu.memory_space<vmem>> -> memref<1x128x128xf32, #tpu.memory_space<vmem>>
    %dma_wait3A_630 = tpu.memref_squeeze %dma_wait3A_629 : memref<1x128x128xf32, #tpu.memory_space<vmem>> -> memref<128x128xf32, #tpu.memory_space<vmem>>
    tpu.wait_dma2 semaphore(%arg17 : memref<!tpu.dma_semaphore, #tpu.memory_space<semaphore_mem>>) src(%dma_wait3A_630 : memref<128x128xf32, #tpu.memory_space<vmem>>) dst(%dma_wait3A_626 : memref<128x128xf32, #tpu.memory_space<hbm>>)
    %dma_start3A_631 = arith.constant 1 : i32
    %dma_start3A_632 = arith.constant 47 : i32
    %dma_start3A_633 = arith.constant 1 : i32
    %dma_start3A_634 = arith.constant 0 : i32
    %dma_start3A_635 = arith.constant 0 : i32
    %dma_start3A_636 = tpu.memref_slice %arg9[%dma_start3A_633, %dma_start3A_634, %dma_start3A_635] : memref<6x128x128xf32, #tpu.memory_space<vmem>> -> memref<1x128x128xf32, #tpu.memory_space<vmem>>
    %dma_start3A_637 = tpu.memref_squeeze %dma_start3A_636 : memref<1x128x128xf32, #tpu.memory_space<vmem>> -> memref<128x128xf32, #tpu.memory_space<vmem>>
    %dma_start3A_638 = arith.constant 0 : i32
    %dma_start3A_639 = tpu.memref_slice %arg8[%dma_start3A_631, %dma_start3A_632, %dma_start3A_638] : memref<4x50x128xi32, #tpu.memory_space<vmem>> -> memref<1x1x128xi32, #tpu.memory_space<vmem>>
    %dma_start3A_640 = tpu.memref_squeeze %dma_start3A_639 : memref<1x1x128xi32, #tpu.memory_space<vmem>> -> memref<128xi32, #tpu.memory_space<vmem>>
    %dma_start3A_641 = arith.constant 0 : i32
    %dma_start3A_642 = arith.constant 0 : i32
    %dma_start3A_643 = tpu.memref_slice %arg2[%dma_start3A_641, %dma_start3A_642] : memref<100000x128xf32, #tpu.memory_space<hbm>> -> memref<100000x128xf32, #tpu.memory_space<hbm>>
    tpu.enqueue_indirect_dma source(%dma_start3A_643 : memref<100000x128xf32, #tpu.memory_space<hbm>>) target(%dma_start3A_637 : memref<128x128xf32, #tpu.memory_space<vmem>>) offsets(%dma_start3A_640 : memref<128xi32, #tpu.memory_space<vmem>>) semaphore(%arg11 : memref<!tpu.dma_semaphore, #tpu.memory_space<semaphore_mem>>)
    %dma_wait3A_644 = arith.constant 0 : i32
    %dma_wait3A_645 = arith.constant 0 : i32
    %dma_wait3A_646 = arith.constant 4 : i32
    %dma_wait3A_647 = arith.constant 0 : i32
    %dma_wait3A_648 = arith.constant 0 : i32
    %dma_wait3A_649 = tpu.memref_slice %arg9[%dma_wait3A_646, %dma_wait3A_647, %dma_wait3A_648] : memref<6x128x128xf32, #tpu.memory_space<vmem>> -> memref<1x128x128xf32, #tpu.memory_space<vmem>>
    %dma_wait3A_650 = tpu.memref_squeeze %dma_wait3A_649 : memref<1x128x128xf32, #tpu.memory_space<vmem>> -> memref<128x128xf32, #tpu.memory_space<vmem>>
    %dma_wait3A_651 = arith.constant 0 : i32
    %dma_wait3A_652 = tpu.memref_slice %arg8[%dma_wait3A_644, %dma_wait3A_645, %dma_wait3A_651] : memref<4x50x128xi32, #tpu.memory_space<vmem>> -> memref<1x1x128xi32, #tpu.memory_space<vmem>>
    %dma_wait3A_653 = tpu.memref_squeeze %dma_wait3A_652 : memref<1x1x128xi32, #tpu.memory_space<vmem>> -> memref<128xi32, #tpu.memory_space<vmem>>
    %dma_wait3A_654 = arith.constant 0 : i32
    %dma_wait3A_655 = arith.constant 0 : i32
    %dma_wait3A_656 = tpu.memref_slice %arg2[%dma_wait3A_654, %dma_wait3A_655] : memref<100000x128xf32, #tpu.memory_space<hbm>> -> memref<100000x128xf32, #tpu.memory_space<hbm>>
    tpu.wait_indirect_dma semaphore(%arg14 : memref<!tpu.dma_semaphore, #tpu.memory_space<semaphore_mem>>) src(%dma_wait3A_656 : memref<100000x128xf32, #tpu.memory_space<hbm>>) dst(%dma_wait3A_650 : memref<128x128xf32, #tpu.memory_space<vmem>>)
    %mul3A_657 = arith.constant 128 : i32
    %mul3A_658 = arith.muli %add3A, %mul3A_657 : i32
    %dma_start3A_659 = arith.constant 4 : i32
    %dma_start3A_660 = arith.constant 44 : i32
    %dma_start3A_661 = arith.constant 0 : i32
    %dma_start3A_662 = arith.constant 0 : i32
    %dma_start3A_663 = tpu.memref_slice %arg9[%dma_start3A_659, %dma_start3A_661, %dma_start3A_662] : memref<6x128x128xf32, #tpu.memory_space<vmem>> -> memref<1x128x128xf32, #tpu.memory_space<vmem>>
    %dma_start3A_664 = tpu.memref_squeeze %dma_start3A_663 : memref<1x128x128xf32, #tpu.memory_space<vmem>> -> memref<128x128xf32, #tpu.memory_space<vmem>>
    %dma_start3A_665 = arith.constant 0 : i32
    %dma_start3A_666 = tpu.memref_slice %arg5[%dma_start3A_660, %mul3A_658, %dma_start3A_665] : memref<50x4096x128xf32, #tpu.memory_space<hbm>> -> memref<1x128x128xf32, #tpu.memory_space<hbm>>
    %dma_start3A_667 = tpu.memref_squeeze %dma_start3A_666 : memref<1x128x128xf32, #tpu.memory_space<hbm>> -> memref<128x128xf32, #tpu.memory_space<hbm>>
    %dma_start3A_668 = arith.constant 0 : i32
    %dma_start3A_669 = tpu.memref_slice %arg5[%dma_start3A_660, %mul3A_658, %dma_start3A_668] : memref<50x4096x128xf32, #tpu.memory_space<hbm>> -> memref<1x128x128xf32, #tpu.memory_space<hbm>>
    %dma_start3A_670 = tpu.memref_squeeze %dma_start3A_669 : memref<1x128x128xf32, #tpu.memory_space<hbm>> -> memref<128x128xf32, #tpu.memory_space<hbm>>
    %dma_start3A_671 = arith.constant 0 : i32
    %dma_start3A_672 = arith.constant 0 : i32
    %dma_start3A_673 = tpu.memref_slice %arg9[%dma_start3A_659, %dma_start3A_671, %dma_start3A_672] : memref<6x128x128xf32, #tpu.memory_space<vmem>> -> memref<1x128x128xf32, #tpu.memory_space<vmem>>
    %dma_start3A_674 = tpu.memref_squeeze %dma_start3A_673 : memref<1x128x128xf32, #tpu.memory_space<vmem>> -> memref<128x128xf32, #tpu.memory_space<vmem>>
    tpu.enqueue_dma source(%dma_start3A_674 : memref<128x128xf32, #tpu.memory_space<vmem>>) target(%dma_start3A_670 : memref<128x128xf32, #tpu.memory_space<hbm>>) target_semaphore(%arg20 : memref<!tpu.dma_semaphore, #tpu.memory_space<semaphore_mem>>)
    %dma_wait3A_675 = arith.constant 2 : i32
    %dma_wait3A_676 = arith.constant 0 : i32
    %dma_wait3A_677 = arith.constant 0 : i32
    %dma_wait3A_678 = arith.constant 0 : i32
    %dma_wait3A_679 = tpu.memref_slice %arg9[%dma_wait3A_675, %dma_wait3A_677, %dma_wait3A_678] : memref<6x128x128xf32, #tpu.memory_space<vmem>> -> memref<1x128x128xf32, #tpu.memory_space<vmem>>
    %dma_wait3A_680 = tpu.memref_squeeze %dma_wait3A_679 : memref<1x128x128xf32, #tpu.memory_space<vmem>> -> memref<128x128xf32, #tpu.memory_space<vmem>>
    %dma_wait3A_681 = arith.constant 0 : i32
    %dma_wait3A_682 = arith.constant 0 : i32
    %dma_wait3A_683 = tpu.memref_slice %arg4[%dma_wait3A_676, %dma_wait3A_681, %dma_wait3A_682] : memref<50x4096x128xf32, #tpu.memory_space<hbm>> -> memref<1x128x128xf32, #tpu.memory_space<hbm>>
    %dma_wait3A_684 = tpu.memref_squeeze %dma_wait3A_683 : memref<1x128x128xf32, #tpu.memory_space<hbm>> -> memref<128x128xf32, #tpu.memory_space<hbm>>
    %dma_wait3A_685 = arith.constant 0 : i32
    %dma_wait3A_686 = arith.constant 0 : i32
    %dma_wait3A_687 = tpu.memref_slice %arg4[%dma_wait3A_676, %dma_wait3A_685, %dma_wait3A_686] : memref<50x4096x128xf32, #tpu.memory_space<hbm>> -> memref<1x128x128xf32, #tpu.memory_space<hbm>>
    %dma_wait3A_688 = tpu.memref_squeeze %dma_wait3A_687 : memref<1x128x128xf32, #tpu.memory_space<hbm>> -> memref<128x128xf32, #tpu.memory_space<hbm>>
    %dma_wait3A_689 = arith.constant 0 : i32
    %dma_wait3A_690 = arith.constant 0 : i32
    %dma_wait3A_691 = tpu.memref_slice %arg9[%dma_wait3A_675, %dma_wait3A_689, %dma_wait3A_690] : memref<6x128x128xf32, #tpu.memory_space<vmem>> -> memref<1x128x128xf32, #tpu.memory_space<vmem>>
    %dma_wait3A_692 = tpu.memref_squeeze %dma_wait3A_691 : memref<1x128x128xf32, #tpu.memory_space<vmem>> -> memref<128x128xf32, #tpu.memory_space<vmem>>
    tpu.wait_dma2 semaphore(%arg18 : memref<!tpu.dma_semaphore, #tpu.memory_space<semaphore_mem>>) src(%dma_wait3A_692 : memref<128x128xf32, #tpu.memory_space<vmem>>) dst(%dma_wait3A_688 : memref<128x128xf32, #tpu.memory_space<hbm>>)
    %dma_start3A_693 = arith.constant 1 : i32
    %dma_start3A_694 = arith.constant 48 : i32
    %dma_start3A_695 = arith.constant 2 : i32
    %dma_start3A_696 = arith.constant 0 : i32
    %dma_start3A_697 = arith.constant 0 : i32
    %dma_start3A_698 = tpu.memref_slice %arg9[%dma_start3A_695, %dma_start3A_696, %dma_start3A_697] : memref<6x128x128xf32, #tpu.memory_space<vmem>> -> memref<1x128x128xf32, #tpu.memory_space<vmem>>
    %dma_start3A_699 = tpu.memref_squeeze %dma_start3A_698 : memref<1x128x128xf32, #tpu.memory_space<vmem>> -> memref<128x128xf32, #tpu.memory_space<vmem>>
    %dma_start3A_700 = arith.constant 0 : i32
    %dma_start3A_701 = tpu.memref_slice %arg8[%dma_start3A_693, %dma_start3A_694, %dma_start3A_700] : memref<4x50x128xi32, #tpu.memory_space<vmem>> -> memref<1x1x128xi32, #tpu.memory_space<vmem>>
    %dma_start3A_702 = tpu.memref_squeeze %dma_start3A_701 : memref<1x1x128xi32, #tpu.memory_space<vmem>> -> memref<128xi32, #tpu.memory_space<vmem>>
    %dma_start3A_703 = arith.constant 0 : i32
    %dma_start3A_704 = arith.constant 0 : i32
    %dma_start3A_705 = tpu.memref_slice %arg2[%dma_start3A_703, %dma_start3A_704] : memref<100000x128xf32, #tpu.memory_space<hbm>> -> memref<100000x128xf32, #tpu.memory_space<hbm>>
    tpu.enqueue_indirect_dma source(%dma_start3A_705 : memref<100000x128xf32, #tpu.memory_space<hbm>>) target(%dma_start3A_699 : memref<128x128xf32, #tpu.memory_space<vmem>>) offsets(%dma_start3A_702 : memref<128xi32, #tpu.memory_space<vmem>>) semaphore(%arg12 : memref<!tpu.dma_semaphore, #tpu.memory_space<semaphore_mem>>)
    %dma_wait3A_706 = arith.constant 0 : i32
    %dma_wait3A_707 = arith.constant 0 : i32
    %dma_wait3A_708 = arith.constant 5 : i32
    %dma_wait3A_709 = arith.constant 0 : i32
    %dma_wait3A_710 = arith.constant 0 : i32
    %dma_wait3A_711 = tpu.memref_slice %arg9[%dma_wait3A_708, %dma_wait3A_709, %dma_wait3A_710] : memref<6x128x128xf32, #tpu.memory_space<vmem>> -> memref<1x128x128xf32, #tpu.memory_space<vmem>>
    %dma_wait3A_712 = tpu.memref_squeeze %dma_wait3A_711 : memref<1x128x128xf32, #tpu.memory_space<vmem>> -> memref<128x128xf32, #tpu.memory_space<vmem>>
    %dma_wait3A_713 = arith.constant 0 : i32
    %dma_wait3A_714 = tpu.memref_slice %arg8[%dma_wait3A_706, %dma_wait3A_707, %dma_wait3A_713] : memref<4x50x128xi32, #tpu.memory_space<vmem>> -> memref<1x1x128xi32, #tpu.memory_space<vmem>>
    %dma_wait3A_715 = tpu.memref_squeeze %dma_wait3A_714 : memref<1x1x128xi32, #tpu.memory_space<vmem>> -> memref<128xi32, #tpu.memory_space<vmem>>
    %dma_wait3A_716 = arith.constant 0 : i32
    %dma_wait3A_717 = arith.constant 0 : i32
    %dma_wait3A_718 = tpu.memref_slice %arg2[%dma_wait3A_716, %dma_wait3A_717] : memref<100000x128xf32, #tpu.memory_space<hbm>> -> memref<100000x128xf32, #tpu.memory_space<hbm>>
    tpu.wait_indirect_dma semaphore(%arg15 : memref<!tpu.dma_semaphore, #tpu.memory_space<semaphore_mem>>) src(%dma_wait3A_718 : memref<100000x128xf32, #tpu.memory_space<hbm>>) dst(%dma_wait3A_712 : memref<128x128xf32, #tpu.memory_space<vmem>>)
    %mul3A_719 = arith.constant 128 : i32
    %mul3A_720 = arith.muli %add3A, %mul3A_719 : i32
    %dma_start3A_721 = arith.constant 5 : i32
    %dma_start3A_722 = arith.constant 45 : i32
    %dma_start3A_723 = arith.constant 0 : i32
    %dma_start3A_724 = arith.constant 0 : i32
    %dma_start3A_725 = tpu.memref_slice %arg9[%dma_start3A_721, %dma_start3A_723, %dma_start3A_724] : memref<6x128x128xf32, #tpu.memory_space<vmem>> -> memref<1x128x128xf32, #tpu.memory_space<vmem>>
    %dma_start3A_726 = tpu.memref_squeeze %dma_start3A_725 : memref<1x128x128xf32, #tpu.memory_space<vmem>> -> memref<128x128xf32, #tpu.memory_space<vmem>>
    %dma_start3A_727 = arith.constant 0 : i32
    %dma_start3A_728 = tpu.memref_slice %arg5[%dma_start3A_722, %mul3A_720, %dma_start3A_727] : memref<50x4096x128xf32, #tpu.memory_space<hbm>> -> memref<1x128x128xf32, #tpu.memory_space<hbm>>
    %dma_start3A_729 = tpu.memref_squeeze %dma_start3A_728 : memref<1x128x128xf32, #tpu.memory_space<hbm>> -> memref<128x128xf32, #tpu.memory_space<hbm>>
    %dma_start3A_730 = arith.constant 0 : i32
    %dma_start3A_731 = tpu.memref_slice %arg5[%dma_start3A_722, %mul3A_720, %dma_start3A_730] : memref<50x4096x128xf32, #tpu.memory_space<hbm>> -> memref<1x128x128xf32, #tpu.memory_space<hbm>>
    %dma_start3A_732 = tpu.memref_squeeze %dma_start3A_731 : memref<1x128x128xf32, #tpu.memory_space<hbm>> -> memref<128x128xf32, #tpu.memory_space<hbm>>
    %dma_start3A_733 = arith.constant 0 : i32
    %dma_start3A_734 = arith.constant 0 : i32
    %dma_start3A_735 = tpu.memref_slice %arg9[%dma_start3A_721, %dma_start3A_733, %dma_start3A_734] : memref<6x128x128xf32, #tpu.memory_space<vmem>> -> memref<1x128x128xf32, #tpu.memory_space<vmem>>
    %dma_start3A_736 = tpu.memref_squeeze %dma_start3A_735 : memref<1x128x128xf32, #tpu.memory_space<vmem>> -> memref<128x128xf32, #tpu.memory_space<vmem>>
    tpu.enqueue_dma source(%dma_start3A_736 : memref<128x128xf32, #tpu.memory_space<vmem>>) target(%dma_start3A_732 : memref<128x128xf32, #tpu.memory_space<hbm>>) target_semaphore(%arg21 : memref<!tpu.dma_semaphore, #tpu.memory_space<semaphore_mem>>)
    %dma_wait3A_737 = arith.constant 3 : i32
    %dma_wait3A_738 = arith.constant 0 : i32
    %dma_wait3A_739 = arith.constant 0 : i32
    %dma_wait3A_740 = arith.constant 0 : i32
    %dma_wait3A_741 = tpu.memref_slice %arg9[%dma_wait3A_737, %dma_wait3A_739, %dma_wait3A_740] : memref<6x128x128xf32, #tpu.memory_space<vmem>> -> memref<1x128x128xf32, #tpu.memory_space<vmem>>
    %dma_wait3A_742 = tpu.memref_squeeze %dma_wait3A_741 : memref<1x128x128xf32, #tpu.memory_space<vmem>> -> memref<128x128xf32, #tpu.memory_space<vmem>>
    %dma_wait3A_743 = arith.constant 0 : i32
    %dma_wait3A_744 = arith.constant 0 : i32
    %dma_wait3A_745 = tpu.memref_slice %arg4[%dma_wait3A_738, %dma_wait3A_743, %dma_wait3A_744] : memref<50x4096x128xf32, #tpu.memory_space<hbm>> -> memref<1x128x128xf32, #tpu.memory_space<hbm>>
    %dma_wait3A_746 = tpu.memref_squeeze %dma_wait3A_745 : memref<1x128x128xf32, #tpu.memory_space<hbm>> -> memref<128x128xf32, #tpu.memory_space<hbm>>
    %dma_wait3A_747 = arith.constant 0 : i32
    %dma_wait3A_748 = arith.constant 0 : i32
    %dma_wait3A_749 = tpu.memref_slice %arg4[%dma_wait3A_738, %dma_wait3A_747, %dma_wait3A_748] : memref<50x4096x128xf32, #tpu.memory_space<hbm>> -> memref<1x128x128xf32, #tpu.memory_space<hbm>>
    %dma_wait3A_750 = tpu.memref_squeeze %dma_wait3A_749 : memref<1x128x128xf32, #tpu.memory_space<hbm>> -> memref<128x128xf32, #tpu.memory_space<hbm>>
    %dma_wait3A_751 = arith.constant 0 : i32
    %dma_wait3A_752 = arith.constant 0 : i32
    %dma_wait3A_753 = tpu.memref_slice %arg9[%dma_wait3A_737, %dma_wait3A_751, %dma_wait3A_752] : memref<6x128x128xf32, #tpu.memory_space<vmem>> -> memref<1x128x128xf32, #tpu.memory_space<vmem>>
    %dma_wait3A_754 = tpu.memref_squeeze %dma_wait3A_753 : memref<1x128x128xf32, #tpu.memory_space<vmem>> -> memref<128x128xf32, #tpu.memory_space<vmem>>
    tpu.wait_dma2 semaphore(%arg19 : memref<!tpu.dma_semaphore, #tpu.memory_space<semaphore_mem>>) src(%dma_wait3A_754 : memref<128x128xf32, #tpu.memory_space<vmem>>) dst(%dma_wait3A_750 : memref<128x128xf32, #tpu.memory_space<hbm>>)
    %dma_start3A_755 = arith.constant 1 : i32
    %dma_start3A_756 = arith.constant 49 : i32
    %dma_start3A_757 = arith.constant 3 : i32
    %dma_start3A_758 = arith.constant 0 : i32
    %dma_start3A_759 = arith.constant 0 : i32
    %dma_start3A_760 = tpu.memref_slice %arg9[%dma_start3A_757, %dma_start3A_758, %dma_start3A_759] : memref<6x128x128xf32, #tpu.memory_space<vmem>> -> memref<1x128x128xf32, #tpu.memory_space<vmem>>
    %dma_start3A_761 = tpu.memref_squeeze %dma_start3A_760 : memref<1x128x128xf32, #tpu.memory_space<vmem>> -> memref<128x128xf32, #tpu.memory_space<vmem>>
    %dma_start3A_762 = arith.constant 0 : i32
    %dma_start3A_763 = tpu.memref_slice %arg8[%dma_start3A_755, %dma_start3A_756, %dma_start3A_762] : memref<4x50x128xi32, #tpu.memory_space<vmem>> -> memref<1x1x128xi32, #tpu.memory_space<vmem>>
    %dma_start3A_764 = tpu.memref_squeeze %dma_start3A_763 : memref<1x1x128xi32, #tpu.memory_space<vmem>> -> memref<128xi32, #tpu.memory_space<vmem>>
    %dma_start3A_765 = arith.constant 0 : i32
    %dma_start3A_766 = arith.constant 0 : i32
    %dma_start3A_767 = tpu.memref_slice %arg2[%dma_start3A_765, %dma_start3A_766] : memref<100000x128xf32, #tpu.memory_space<hbm>> -> memref<100000x128xf32, #tpu.memory_space<hbm>>
    tpu.enqueue_indirect_dma source(%dma_start3A_767 : memref<100000x128xf32, #tpu.memory_space<hbm>>) target(%dma_start3A_761 : memref<128x128xf32, #tpu.memory_space<vmem>>) offsets(%dma_start3A_764 : memref<128xi32, #tpu.memory_space<vmem>>) semaphore(%arg13 : memref<!tpu.dma_semaphore, #tpu.memory_space<semaphore_mem>>)
    %dma_wait3A_768 = arith.constant 0 : i32
    %dma_wait3A_769 = arith.constant 0 : i32
    %dma_wait3A_770 = arith.constant 0 : i32
    %dma_wait3A_771 = arith.constant 0 : i32
    %dma_wait3A_772 = arith.constant 0 : i32
    %dma_wait3A_773 = tpu.memref_slice %arg9[%dma_wait3A_770, %dma_wait3A_771, %dma_wait3A_772] : memref<6x128x128xf32, #tpu.memory_space<vmem>> -> memref<1x128x128xf32, #tpu.memory_space<vmem>>
    %dma_wait3A_774 = tpu.memref_squeeze %dma_wait3A_773 : memref<1x128x128xf32, #tpu.memory_space<vmem>> -> memref<128x128xf32, #tpu.memory_space<vmem>>
    %dma_wait3A_775 = arith.constant 0 : i32
    %dma_wait3A_776 = tpu.memref_slice %arg8[%dma_wait3A_768, %dma_wait3A_769, %dma_wait3A_775] : memref<4x50x128xi32, #tpu.memory_space<vmem>> -> memref<1x1x128xi32, #tpu.memory_space<vmem>>
    %dma_wait3A_777 = tpu.memref_squeeze %dma_wait3A_776 : memref<1x1x128xi32, #tpu.memory_space<vmem>> -> memref<128xi32, #tpu.memory_space<vmem>>
    %dma_wait3A_778 = arith.constant 0 : i32
    %dma_wait3A_779 = arith.constant 0 : i32
    %dma_wait3A_780 = tpu.memref_slice %arg2[%dma_wait3A_778, %dma_wait3A_779] : memref<100000x128xf32, #tpu.memory_space<hbm>> -> memref<100000x128xf32, #tpu.memory_space<hbm>>
    tpu.wait_indirect_dma semaphore(%arg10 : memref<!tpu.dma_semaphore, #tpu.memory_space<semaphore_mem>>) src(%dma_wait3A_780 : memref<100000x128xf32, #tpu.memory_space<hbm>>) dst(%dma_wait3A_774 : memref<128x128xf32, #tpu.memory_space<vmem>>)
    %mul3A_781 = arith.constant 128 : i32
    %mul3A_782 = arith.muli %add3A, %mul3A_781 : i32
    %dma_start3A_783 = arith.constant 0 : i32
    %dma_start3A_784 = arith.constant 46 : i32
    %dma_start3A_785 = arith.constant 0 : i32
    %dma_start3A_786 = arith.constant 0 : i32
    %dma_start3A_787 = tpu.memref_slice %arg9[%dma_start3A_783, %dma_start3A_785, %dma_start3A_786] : memref<6x128x128xf32, #tpu.memory_space<vmem>> -> memref<1x128x128xf32, #tpu.memory_space<vmem>>
    %dma_start3A_788 = tpu.memref_squeeze %dma_start3A_787 : memref<1x128x128xf32, #tpu.memory_space<vmem>> -> memref<128x128xf32, #tpu.memory_space<vmem>>
    %dma_start3A_789 = arith.constant 0 : i32
    %dma_start3A_790 = tpu.memref_slice %arg5[%dma_start3A_784, %mul3A_782, %dma_start3A_789] : memref<50x4096x128xf32, #tpu.memory_space<hbm>> -> memref<1x128x128xf32, #tpu.memory_space<hbm>>
    %dma_start3A_791 = tpu.memref_squeeze %dma_start3A_790 : memref<1x128x128xf32, #tpu.memory_space<hbm>> -> memref<128x128xf32, #tpu.memory_space<hbm>>
    %dma_start3A_792 = arith.constant 0 : i32
    %dma_start3A_793 = tpu.memref_slice %arg5[%dma_start3A_784, %mul3A_782, %dma_start3A_792] : memref<50x4096x128xf32, #tpu.memory_space<hbm>> -> memref<1x128x128xf32, #tpu.memory_space<hbm>>
    %dma_start3A_794 = tpu.memref_squeeze %dma_start3A_793 : memref<1x128x128xf32, #tpu.memory_space<hbm>> -> memref<128x128xf32, #tpu.memory_space<hbm>>
    %dma_start3A_795 = arith.constant 0 : i32
    %dma_start3A_796 = arith.constant 0 : i32
    %dma_start3A_797 = tpu.memref_slice %arg9[%dma_start3A_783, %dma_start3A_795, %dma_start3A_796] : memref<6x128x128xf32, #tpu.memory_space<vmem>> -> memref<1x128x128xf32, #tpu.memory_space<vmem>>
    %dma_start3A_798 = tpu.memref_squeeze %dma_start3A_797 : memref<1x128x128xf32, #tpu.memory_space<vmem>> -> memref<128x128xf32, #tpu.memory_space<vmem>>
    tpu.enqueue_dma source(%dma_start3A_798 : memref<128x128xf32, #tpu.memory_space<vmem>>) target(%dma_start3A_794 : memref<128x128xf32, #tpu.memory_space<hbm>>) target_semaphore(%arg16 : memref<!tpu.dma_semaphore, #tpu.memory_space<semaphore_mem>>)
    %dma_wait3A_799 = arith.constant 4 : i32
    %dma_wait3A_800 = arith.constant 0 : i32
    %dma_wait3A_801 = arith.constant 0 : i32
    %dma_wait3A_802 = arith.constant 0 : i32
    %dma_wait3A_803 = tpu.memref_slice %arg9[%dma_wait3A_799, %dma_wait3A_801, %dma_wait3A_802] : memref<6x128x128xf32, #tpu.memory_space<vmem>> -> memref<1x128x128xf32, #tpu.memory_space<vmem>>
    %dma_wait3A_804 = tpu.memref_squeeze %dma_wait3A_803 : memref<1x128x128xf32, #tpu.memory_space<vmem>> -> memref<128x128xf32, #tpu.memory_space<vmem>>
    %dma_wait3A_805 = arith.constant 0 : i32
    %dma_wait3A_806 = arith.constant 0 : i32
    %dma_wait3A_807 = tpu.memref_slice %arg4[%dma_wait3A_800, %dma_wait3A_805, %dma_wait3A_806] : memref<50x4096x128xf32, #tpu.memory_space<hbm>> -> memref<1x128x128xf32, #tpu.memory_space<hbm>>
    %dma_wait3A_808 = tpu.memref_squeeze %dma_wait3A_807 : memref<1x128x128xf32, #tpu.memory_space<hbm>> -> memref<128x128xf32, #tpu.memory_space<hbm>>
    %dma_wait3A_809 = arith.constant 0 : i32
    %dma_wait3A_810 = arith.constant 0 : i32
    %dma_wait3A_811 = tpu.memref_slice %arg4[%dma_wait3A_800, %dma_wait3A_809, %dma_wait3A_810] : memref<50x4096x128xf32, #tpu.memory_space<hbm>> -> memref<1x128x128xf32, #tpu.memory_space<hbm>>
    %dma_wait3A_812 = tpu.memref_squeeze %dma_wait3A_811 : memref<1x128x128xf32, #tpu.memory_space<hbm>> -> memref<128x128xf32, #tpu.memory_space<hbm>>
    %dma_wait3A_813 = arith.constant 0 : i32
    %dma_wait3A_814 = arith.constant 0 : i32
    %dma_wait3A_815 = tpu.memref_slice %arg9[%dma_wait3A_799, %dma_wait3A_813, %dma_wait3A_814] : memref<6x128x128xf32, #tpu.memory_space<vmem>> -> memref<1x128x128xf32, #tpu.memory_space<vmem>>
    %dma_wait3A_816 = tpu.memref_squeeze %dma_wait3A_815 : memref<1x128x128xf32, #tpu.memory_space<vmem>> -> memref<128x128xf32, #tpu.memory_space<vmem>>
    tpu.wait_dma2 semaphore(%arg20 : memref<!tpu.dma_semaphore, #tpu.memory_space<semaphore_mem>>) src(%dma_wait3A_816 : memref<128x128xf32, #tpu.memory_space<vmem>>) dst(%dma_wait3A_812 : memref<128x128xf32, #tpu.memory_space<hbm>>)
    %dma_start3A_817 = arith.constant 2 : i32
    %dma_start3A_818 = arith.constant 0 : i32
    %dma_start3A_819 = arith.constant 4 : i32
    %dma_start3A_820 = arith.constant 0 : i32
    %dma_start3A_821 = arith.constant 0 : i32
    %dma_start3A_822 = tpu.memref_slice %arg9[%dma_start3A_819, %dma_start3A_820, %dma_start3A_821] : memref<6x128x128xf32, #tpu.memory_space<vmem>> -> memref<1x128x128xf32, #tpu.memory_space<vmem>>
    %dma_start3A_823 = tpu.memref_squeeze %dma_start3A_822 : memref<1x128x128xf32, #tpu.memory_space<vmem>> -> memref<128x128xf32, #tpu.memory_space<vmem>>
    %dma_start3A_824 = arith.constant 0 : i32
    %dma_start3A_825 = tpu.memref_slice %arg8[%dma_start3A_817, %dma_start3A_818, %dma_start3A_824] : memref<4x50x128xi32, #tpu.memory_space<vmem>> -> memref<1x1x128xi32, #tpu.memory_space<vmem>>
    %dma_start3A_826 = tpu.memref_squeeze %dma_start3A_825 : memref<1x1x128xi32, #tpu.memory_space<vmem>> -> memref<128xi32, #tpu.memory_space<vmem>>
    %dma_start3A_827 = arith.constant 0 : i32
    %dma_start3A_828 = arith.constant 0 : i32
    %dma_start3A_829 = tpu.memref_slice %arg2[%dma_start3A_827, %dma_start3A_828] : memref<100000x128xf32, #tpu.memory_space<hbm>> -> memref<100000x128xf32, #tpu.memory_space<hbm>>
    tpu.enqueue_indirect_dma source(%dma_start3A_829 : memref<100000x128xf32, #tpu.memory_space<hbm>>) target(%dma_start3A_823 : memref<128x128xf32, #tpu.memory_space<vmem>>) offsets(%dma_start3A_826 : memref<128xi32, #tpu.memory_space<vmem>>) semaphore(%arg14 : memref<!tpu.dma_semaphore, #tpu.memory_space<semaphore_mem>>)
    %dma_wait3A_830 = arith.constant 0 : i32
    %dma_wait3A_831 = arith.constant 0 : i32
    %dma_wait3A_832 = arith.constant 1 : i32
    %dma_wait3A_833 = arith.constant 0 : i32
    %dma_wait3A_834 = arith.constant 0 : i32
    %dma_wait3A_835 = tpu.memref_slice %arg9[%dma_wait3A_832, %dma_wait3A_833, %dma_wait3A_834] : memref<6x128x128xf32, #tpu.memory_space<vmem>> -> memref<1x128x128xf32, #tpu.memory_space<vmem>>
    %dma_wait3A_836 = tpu.memref_squeeze %dma_wait3A_835 : memref<1x128x128xf32, #tpu.memory_space<vmem>> -> memref<128x128xf32, #tpu.memory_space<vmem>>
    %dma_wait3A_837 = arith.constant 0 : i32
    %dma_wait3A_838 = tpu.memref_slice %arg8[%dma_wait3A_830, %dma_wait3A_831, %dma_wait3A_837] : memref<4x50x128xi32, #tpu.memory_space<vmem>> -> memref<1x1x128xi32, #tpu.memory_space<vmem>>
    %dma_wait3A_839 = tpu.memref_squeeze %dma_wait3A_838 : memref<1x1x128xi32, #tpu.memory_space<vmem>> -> memref<128xi32, #tpu.memory_space<vmem>>
    %dma_wait3A_840 = arith.constant 0 : i32
    %dma_wait3A_841 = arith.constant 0 : i32
    %dma_wait3A_842 = tpu.memref_slice %arg2[%dma_wait3A_840, %dma_wait3A_841] : memref<100000x128xf32, #tpu.memory_space<hbm>> -> memref<100000x128xf32, #tpu.memory_space<hbm>>
    tpu.wait_indirect_dma semaphore(%arg11 : memref<!tpu.dma_semaphore, #tpu.memory_space<semaphore_mem>>) src(%dma_wait3A_842 : memref<100000x128xf32, #tpu.memory_space<hbm>>) dst(%dma_wait3A_836 : memref<128x128xf32, #tpu.memory_space<vmem>>)
    %mul3A_843 = arith.constant 128 : i32
    %mul3A_844 = arith.muli %add3A, %mul3A_843 : i32
    %dma_start3A_845 = arith.constant 1 : i32
    %dma_start3A_846 = arith.constant 47 : i32
    %dma_start3A_847 = arith.constant 0 : i32
    %dma_start3A_848 = arith.constant 0 : i32
    %dma_start3A_849 = tpu.memref_slice %arg9[%dma_start3A_845, %dma_start3A_847, %dma_start3A_848] : memref<6x128x128xf32, #tpu.memory_space<vmem>> -> memref<1x128x128xf32, #tpu.memory_space<vmem>>
    %dma_start3A_850 = tpu.memref_squeeze %dma_start3A_849 : memref<1x128x128xf32, #tpu.memory_space<vmem>> -> memref<128x128xf32, #tpu.memory_space<vmem>>
    %dma_start3A_851 = arith.constant 0 : i32
    %dma_start3A_852 = tpu.memref_slice %arg5[%dma_start3A_846, %mul3A_844, %dma_start3A_851] : memref<50x4096x128xf32, #tpu.memory_space<hbm>> -> memref<1x128x128xf32, #tpu.memory_space<hbm>>
    %dma_start3A_853 = tpu.memref_squeeze %dma_start3A_852 : memref<1x128x128xf32, #tpu.memory_space<hbm>> -> memref<128x128xf32, #tpu.memory_space<hbm>>
    %dma_start3A_854 = arith.constant 0 : i32
    %dma_start3A_855 = tpu.memref_slice %arg5[%dma_start3A_846, %mul3A_844, %dma_start3A_854] : memref<50x4096x128xf32, #tpu.memory_space<hbm>> -> memref<1x128x128xf32, #tpu.memory_space<hbm>>
    %dma_start3A_856 = tpu.memref_squeeze %dma_start3A_855 : memref<1x128x128xf32, #tpu.memory_space<hbm>> -> memref<128x128xf32, #tpu.memory_space<hbm>>
    %dma_start3A_857 = arith.constant 0 : i32
    %dma_start3A_858 = arith.constant 0 : i32
    %dma_start3A_859 = tpu.memref_slice %arg9[%dma_start3A_845, %dma_start3A_857, %dma_start3A_858] : memref<6x128x128xf32, #tpu.memory_space<vmem>> -> memref<1x128x128xf32, #tpu.memory_space<vmem>>
    %dma_start3A_860 = tpu.memref_squeeze %dma_start3A_859 : memref<1x128x128xf32, #tpu.memory_space<vmem>> -> memref<128x128xf32, #tpu.memory_space<vmem>>
    tpu.enqueue_dma source(%dma_start3A_860 : memref<128x128xf32, #tpu.memory_space<vmem>>) target(%dma_start3A_856 : memref<128x128xf32, #tpu.memory_space<hbm>>) target_semaphore(%arg17 : memref<!tpu.dma_semaphore, #tpu.memory_space<semaphore_mem>>)
    %dma_wait3A_861 = arith.constant 5 : i32
    %dma_wait3A_862 = arith.constant 0 : i32
    %dma_wait3A_863 = arith.constant 0 : i32
    %dma_wait3A_864 = arith.constant 0 : i32
    %dma_wait3A_865 = tpu.memref_slice %arg9[%dma_wait3A_861, %dma_wait3A_863, %dma_wait3A_864] : memref<6x128x128xf32, #tpu.memory_space<vmem>> -> memref<1x128x128xf32, #tpu.memory_space<vmem>>
    %dma_wait3A_866 = tpu.memref_squeeze %dma_wait3A_865 : memref<1x128x128xf32, #tpu.memory_space<vmem>> -> memref<128x128xf32, #tpu.memory_space<vmem>>
    %dma_wait3A_867 = arith.constant 0 : i32
    %dma_wait3A_868 = arith.constant 0 : i32
    %dma_wait3A_869 = tpu.memref_slice %arg4[%dma_wait3A_862, %dma_wait3A_867, %dma_wait3A_868] : memref<50x4096x128xf32, #tpu.memory_space<hbm>> -> memref<1x128x128xf32, #tpu.memory_space<hbm>>
    %dma_wait3A_870 = tpu.memref_squeeze %dma_wait3A_869 : memref<1x128x128xf32, #tpu.memory_space<hbm>> -> memref<128x128xf32, #tpu.memory_space<hbm>>
    %dma_wait3A_871 = arith.constant 0 : i32
    %dma_wait3A_872 = arith.constant 0 : i32
    %dma_wait3A_873 = tpu.memref_slice %arg4[%dma_wait3A_862, %dma_wait3A_871, %dma_wait3A_872] : memref<50x4096x128xf32, #tpu.memory_space<hbm>> -> memref<1x128x128xf32, #tpu.memory_space<hbm>>
    %dma_wait3A_874 = tpu.memref_squeeze %dma_wait3A_873 : memref<1x128x128xf32, #tpu.memory_space<hbm>> -> memref<128x128xf32, #tpu.memory_space<hbm>>
    %dma_wait3A_875 = arith.constant 0 : i32
    %dma_wait3A_876 = arith.constant 0 : i32
    %dma_wait3A_877 = tpu.memref_slice %arg9[%dma_wait3A_861, %dma_wait3A_875, %dma_wait3A_876] : memref<6x128x128xf32, #tpu.memory_space<vmem>> -> memref<1x128x128xf32, #tpu.memory_space<vmem>>
    %dma_wait3A_878 = tpu.memref_squeeze %dma_wait3A_877 : memref<1x128x128xf32, #tpu.memory_space<vmem>> -> memref<128x128xf32, #tpu.memory_space<vmem>>
    tpu.wait_dma2 semaphore(%arg21 : memref<!tpu.dma_semaphore, #tpu.memory_space<semaphore_mem>>) src(%dma_wait3A_878 : memref<128x128xf32, #tpu.memory_space<vmem>>) dst(%dma_wait3A_874 : memref<128x128xf32, #tpu.memory_space<hbm>>)
    %dma_start3A_879 = arith.constant 2 : i32
    %dma_start3A_880 = arith.constant 1 : i32
    %dma_start3A_881 = arith.constant 5 : i32
    %dma_start3A_882 = arith.constant 0 : i32
    %dma_start3A_883 = arith.constant 0 : i32
    %dma_start3A_884 = tpu.memref_slice %arg9[%dma_start3A_881, %dma_start3A_882, %dma_start3A_883] : memref<6x128x128xf32, #tpu.memory_space<vmem>> -> memref<1x128x128xf32, #tpu.memory_space<vmem>>
    %dma_start3A_885 = tpu.memref_squeeze %dma_start3A_884 : memref<1x128x128xf32, #tpu.memory_space<vmem>> -> memref<128x128xf32, #tpu.memory_space<vmem>>
    %dma_start3A_886 = arith.constant 0 : i32
    %dma_start3A_887 = tpu.memref_slice %arg8[%dma_start3A_879, %dma_start3A_880, %dma_start3A_886] : memref<4x50x128xi32, #tpu.memory_space<vmem>> -> memref<1x1x128xi32, #tpu.memory_space<vmem>>
    %dma_start3A_888 = tpu.memref_squeeze %dma_start3A_887 : memref<1x1x128xi32, #tpu.memory_space<vmem>> -> memref<128xi32, #tpu.memory_space<vmem>>
    %dma_start3A_889 = arith.constant 0 : i32
    %dma_start3A_890 = arith.constant 0 : i32
    %dma_start3A_891 = tpu.memref_slice %arg2[%dma_start3A_889, %dma_start3A_890] : memref<100000x128xf32, #tpu.memory_space<hbm>> -> memref<100000x128xf32, #tpu.memory_space<hbm>>
    tpu.enqueue_indirect_dma source(%dma_start3A_891 : memref<100000x128xf32, #tpu.memory_space<hbm>>) target(%dma_start3A_885 : memref<128x128xf32, #tpu.memory_space<vmem>>) offsets(%dma_start3A_888 : memref<128xi32, #tpu.memory_space<vmem>>) semaphore(%arg15 : memref<!tpu.dma_semaphore, #tpu.memory_space<semaphore_mem>>)
    %dma_wait3A_892 = arith.constant 0 : i32
    %dma_wait3A_893 = arith.constant 0 : i32
    %dma_wait3A_894 = arith.constant 2 : i32
    %dma_wait3A_895 = arith.constant 0 : i32
    %dma_wait3A_896 = arith.constant 0 : i32
    %dma_wait3A_897 = tpu.memref_slice %arg9[%dma_wait3A_894, %dma_wait3A_895, %dma_wait3A_896] : memref<6x128x128xf32, #tpu.memory_space<vmem>> -> memref<1x128x128xf32, #tpu.memory_space<vmem>>
    %dma_wait3A_898 = tpu.memref_squeeze %dma_wait3A_897 : memref<1x128x128xf32, #tpu.memory_space<vmem>> -> memref<128x128xf32, #tpu.memory_space<vmem>>
    %dma_wait3A_899 = arith.constant 0 : i32
    %dma_wait3A_900 = tpu.memref_slice %arg8[%dma_wait3A_892, %dma_wait3A_893, %dma_wait3A_899] : memref<4x50x128xi32, #tpu.memory_space<vmem>> -> memref<1x1x128xi32, #tpu.memory_space<vmem>>
    %dma_wait3A_901 = tpu.memref_squeeze %dma_wait3A_900 : memref<1x1x128xi32, #tpu.memory_space<vmem>> -> memref<128xi32, #tpu.memory_space<vmem>>
    %dma_wait3A_902 = arith.constant 0 : i32
    %dma_wait3A_903 = arith.constant 0 : i32
    %dma_wait3A_904 = tpu.memref_slice %arg2[%dma_wait3A_902, %dma_wait3A_903] : memref<100000x128xf32, #tpu.memory_space<hbm>> -> memref<100000x128xf32, #tpu.memory_space<hbm>>
    tpu.wait_indirect_dma semaphore(%arg12 : memref<!tpu.dma_semaphore, #tpu.memory_space<semaphore_mem>>) src(%dma_wait3A_904 : memref<100000x128xf32, #tpu.memory_space<hbm>>) dst(%dma_wait3A_898 : memref<128x128xf32, #tpu.memory_space<vmem>>)
    %mul3A_905 = arith.constant 128 : i32
    %mul3A_906 = arith.muli %add3A, %mul3A_905 : i32
    %dma_start3A_907 = arith.constant 2 : i32
    %dma_start3A_908 = arith.constant 48 : i32
    %dma_start3A_909 = arith.constant 0 : i32
    %dma_start3A_910 = arith.constant 0 : i32
    %dma_start3A_911 = tpu.memref_slice %arg9[%dma_start3A_907, %dma_start3A_909, %dma_start3A_910] : memref<6x128x128xf32, #tpu.memory_space<vmem>> -> memref<1x128x128xf32, #tpu.memory_space<vmem>>
    %dma_start3A_912 = tpu.memref_squeeze %dma_start3A_911 : memref<1x128x128xf32, #tpu.memory_space<vmem>> -> memref<128x128xf32, #tpu.memory_space<vmem>>
    %dma_start3A_913 = arith.constant 0 : i32
    %dma_start3A_914 = tpu.memref_slice %arg5[%dma_start3A_908, %mul3A_906, %dma_start3A_913] : memref<50x4096x128xf32, #tpu.memory_space<hbm>> -> memref<1x128x128xf32, #tpu.memory_space<hbm>>
    %dma_start3A_915 = tpu.memref_squeeze %dma_start3A_914 : memref<1x128x128xf32, #tpu.memory_space<hbm>> -> memref<128x128xf32, #tpu.memory_space<hbm>>
    %dma_start3A_916 = arith.constant 0 : i32
    %dma_start3A_917 = tpu.memref_slice %arg5[%dma_start3A_908, %mul3A_906, %dma_start3A_916] : memref<50x4096x128xf32, #tpu.memory_space<hbm>> -> memref<1x128x128xf32, #tpu.memory_space<hbm>>
    %dma_start3A_918 = tpu.memref_squeeze %dma_start3A_917 : memref<1x128x128xf32, #tpu.memory_space<hbm>> -> memref<128x128xf32, #tpu.memory_space<hbm>>
    %dma_start3A_919 = arith.constant 0 : i32
    %dma_start3A_920 = arith.constant 0 : i32
    %dma_start3A_921 = tpu.memref_slice %arg9[%dma_start3A_907, %dma_start3A_919, %dma_start3A_920] : memref<6x128x128xf32, #tpu.memory_space<vmem>> -> memref<1x128x128xf32, #tpu.memory_space<vmem>>
    %dma_start3A_922 = tpu.memref_squeeze %dma_start3A_921 : memref<1x128x128xf32, #tpu.memory_space<vmem>> -> memref<128x128xf32, #tpu.memory_space<vmem>>
    tpu.enqueue_dma source(%dma_start3A_922 : memref<128x128xf32, #tpu.memory_space<vmem>>) target(%dma_start3A_918 : memref<128x128xf32, #tpu.memory_space<hbm>>) target_semaphore(%arg18 : memref<!tpu.dma_semaphore, #tpu.memory_space<semaphore_mem>>)
    %dma_wait3A_923 = arith.constant 0 : i32
    %dma_wait3A_924 = arith.constant 0 : i32
    %dma_wait3A_925 = arith.constant 0 : i32
    %dma_wait3A_926 = arith.constant 0 : i32
    %dma_wait3A_927 = tpu.memref_slice %arg9[%dma_wait3A_923, %dma_wait3A_925, %dma_wait3A_926] : memref<6x128x128xf32, #tpu.memory_space<vmem>> -> memref<1x128x128xf32, #tpu.memory_space<vmem>>
    %dma_wait3A_928 = tpu.memref_squeeze %dma_wait3A_927 : memref<1x128x128xf32, #tpu.memory_space<vmem>> -> memref<128x128xf32, #tpu.memory_space<vmem>>
    %dma_wait3A_929 = arith.constant 0 : i32
    %dma_wait3A_930 = arith.constant 0 : i32
    %dma_wait3A_931 = tpu.memref_slice %arg4[%dma_wait3A_924, %dma_wait3A_929, %dma_wait3A_930] : memref<50x4096x128xf32, #tpu.memory_space<hbm>> -> memref<1x128x128xf32, #tpu.memory_space<hbm>>
    %dma_wait3A_932 = tpu.memref_squeeze %dma_wait3A_931 : memref<1x128x128xf32, #tpu.memory_space<hbm>> -> memref<128x128xf32, #tpu.memory_space<hbm>>
    %dma_wait3A_933 = arith.constant 0 : i32
    %dma_wait3A_934 = arith.constant 0 : i32
    %dma_wait3A_935 = tpu.memref_slice %arg4[%dma_wait3A_924, %dma_wait3A_933, %dma_wait3A_934] : memref<50x4096x128xf32, #tpu.memory_space<hbm>> -> memref<1x128x128xf32, #tpu.memory_space<hbm>>
    %dma_wait3A_936 = tpu.memref_squeeze %dma_wait3A_935 : memref<1x128x128xf32, #tpu.memory_space<hbm>> -> memref<128x128xf32, #tpu.memory_space<hbm>>
    %dma_wait3A_937 = arith.constant 0 : i32
    %dma_wait3A_938 = arith.constant 0 : i32
    %dma_wait3A_939 = tpu.memref_slice %arg9[%dma_wait3A_923, %dma_wait3A_937, %dma_wait3A_938] : memref<6x128x128xf32, #tpu.memory_space<vmem>> -> memref<1x128x128xf32, #tpu.memory_space<vmem>>
    %dma_wait3A_940 = tpu.memref_squeeze %dma_wait3A_939 : memref<1x128x128xf32, #tpu.memory_space<vmem>> -> memref<128x128xf32, #tpu.memory_space<vmem>>
    tpu.wait_dma2 semaphore(%arg16 : memref<!tpu.dma_semaphore, #tpu.memory_space<semaphore_mem>>) src(%dma_wait3A_940 : memref<128x128xf32, #tpu.memory_space<vmem>>) dst(%dma_wait3A_936 : memref<128x128xf32, #tpu.memory_space<hbm>>)
    %dma_start3A_941 = arith.constant 2 : i32
    %dma_start3A_942 = arith.constant 2 : i32
    %dma_start3A_943 = arith.constant 0 : i32
    %dma_start3A_944 = arith.constant 0 : i32
    %dma_start3A_945 = arith.constant 0 : i32
    %dma_start3A_946 = tpu.memref_slice %arg9[%dma_start3A_943, %dma_start3A_944, %dma_start3A_945] : memref<6x128x128xf32, #tpu.memory_space<vmem>> -> memref<1x128x128xf32, #tpu.memory_space<vmem>>
    %dma_start3A_947 = tpu.memref_squeeze %dma_start3A_946 : memref<1x128x128xf32, #tpu.memory_space<vmem>> -> memref<128x128xf32, #tpu.memory_space<vmem>>
    %dma_start3A_948 = arith.constant 0 : i32
    %dma_start3A_949 = tpu.memref_slice %arg8[%dma_start3A_941, %dma_start3A_942, %dma_start3A_948] : memref<4x50x128xi32, #tpu.memory_space<vmem>> -> memref<1x1x128xi32, #tpu.memory_space<vmem>>
    %dma_start3A_950 = tpu.memref_squeeze %dma_start3A_949 : memref<1x1x128xi32, #tpu.memory_space<vmem>> -> memref<128xi32, #tpu.memory_space<vmem>>
    %dma_start3A_951 = arith.constant 0 : i32
    %dma_start3A_952 = arith.constant 0 : i32
    %dma_start3A_953 = tpu.memref_slice %arg2[%dma_start3A_951, %dma_start3A_952] : memref<100000x128xf32, #tpu.memory_space<hbm>> -> memref<100000x128xf32, #tpu.memory_space<hbm>>
    tpu.enqueue_indirect_dma source(%dma_start3A_953 : memref<100000x128xf32, #tpu.memory_space<hbm>>) target(%dma_start3A_947 : memref<128x128xf32, #tpu.memory_space<vmem>>) offsets(%dma_start3A_950 : memref<128xi32, #tpu.memory_space<vmem>>) semaphore(%arg10 : memref<!tpu.dma_semaphore, #tpu.memory_space<semaphore_mem>>)
    %dma_wait3A_954 = arith.constant 0 : i32
    %dma_wait3A_955 = arith.constant 0 : i32
    %dma_wait3A_956 = arith.constant 3 : i32
    %dma_wait3A_957 = arith.constant 0 : i32
    %dma_wait3A_958 = arith.constant 0 : i32
    %dma_wait3A_959 = tpu.memref_slice %arg9[%dma_wait3A_956, %dma_wait3A_957, %dma_wait3A_958] : memref<6x128x128xf32, #tpu.memory_space<vmem>> -> memref<1x128x128xf32, #tpu.memory_space<vmem>>
    %dma_wait3A_960 = tpu.memref_squeeze %dma_wait3A_959 : memref<1x128x128xf32, #tpu.memory_space<vmem>> -> memref<128x128xf32, #tpu.memory_space<vmem>>
    %dma_wait3A_961 = arith.constant 0 : i32
    %dma_wait3A_962 = tpu.memref_slice %arg8[%dma_wait3A_954, %dma_wait3A_955, %dma_wait3A_961] : memref<4x50x128xi32, #tpu.memory_space<vmem>> -> memref<1x1x128xi32, #tpu.memory_space<vmem>>
    %dma_wait3A_963 = tpu.memref_squeeze %dma_wait3A_962 : memref<1x1x128xi32, #tpu.memory_space<vmem>> -> memref<128xi32, #tpu.memory_space<vmem>>
    %dma_wait3A_964 = arith.constant 0 : i32
    %dma_wait3A_965 = arith.constant 0 : i32
    %dma_wait3A_966 = tpu.memref_slice %arg2[%dma_wait3A_964, %dma_wait3A_965] : memref<100000x128xf32, #tpu.memory_space<hbm>> -> memref<100000x128xf32, #tpu.memory_space<hbm>>
    tpu.wait_indirect_dma semaphore(%arg13 : memref<!tpu.dma_semaphore, #tpu.memory_space<semaphore_mem>>) src(%dma_wait3A_966 : memref<100000x128xf32, #tpu.memory_space<hbm>>) dst(%dma_wait3A_960 : memref<128x128xf32, #tpu.memory_space<vmem>>)
    %mul3A_967 = arith.constant 128 : i32
    %mul3A_968 = arith.muli %add3A, %mul3A_967 : i32
    %dma_start3A_969 = arith.constant 3 : i32
    %dma_start3A_970 = arith.constant 49 : i32
    %dma_start3A_971 = arith.constant 0 : i32
    %dma_start3A_972 = arith.constant 0 : i32
    %dma_start3A_973 = tpu.memref_slice %arg9[%dma_start3A_969, %dma_start3A_971, %dma_start3A_972] : memref<6x128x128xf32, #tpu.memory_space<vmem>> -> memref<1x128x128xf32, #tpu.memory_space<vmem>>
    %dma_start3A_974 = tpu.memref_squeeze %dma_start3A_973 : memref<1x128x128xf32, #tpu.memory_space<vmem>> -> memref<128x128xf32, #tpu.memory_space<vmem>>
    %dma_start3A_975 = arith.constant 0 : i32
    %dma_start3A_976 = tpu.memref_slice %arg5[%dma_start3A_970, %mul3A_968, %dma_start3A_975] : memref<50x4096x128xf32, #tpu.memory_space<hbm>> -> memref<1x128x128xf32, #tpu.memory_space<hbm>>
    %dma_start3A_977 = tpu.memref_squeeze %dma_start3A_976 : memref<1x128x128xf32, #tpu.memory_space<hbm>> -> memref<128x128xf32, #tpu.memory_space<hbm>>
    %dma_start3A_978 = arith.constant 0 : i32
    %dma_start3A_979 = tpu.memref_slice %arg5[%dma_start3A_970, %mul3A_968, %dma_start3A_978] : memref<50x4096x128xf32, #tpu.memory_space<hbm>> -> memref<1x128x128xf32, #tpu.memory_space<hbm>>
    %dma_start3A_980 = tpu.memref_squeeze %dma_start3A_979 : memref<1x128x128xf32, #tpu.memory_space<hbm>> -> memref<128x128xf32, #tpu.memory_space<hbm>>
    %dma_start3A_981 = arith.constant 0 : i32
    %dma_start3A_982 = arith.constant 0 : i32
    %dma_start3A_983 = tpu.memref_slice %arg9[%dma_start3A_969, %dma_start3A_981, %dma_start3A_982] : memref<6x128x128xf32, #tpu.memory_space<vmem>> -> memref<1x128x128xf32, #tpu.memory_space<vmem>>
    %dma_start3A_984 = tpu.memref_squeeze %dma_start3A_983 : memref<1x128x128xf32, #tpu.memory_space<vmem>> -> memref<128x128xf32, #tpu.memory_space<vmem>>
    tpu.enqueue_dma source(%dma_start3A_984 : memref<128x128xf32, #tpu.memory_space<vmem>>) target(%dma_start3A_980 : memref<128x128xf32, #tpu.memory_space<hbm>>) target_semaphore(%arg19 : memref<!tpu.dma_semaphore, #tpu.memory_space<semaphore_mem>>)
    %dma_wait3A_985 = arith.constant 1 : i32
    %dma_wait3A_986 = arith.constant 0 : i32
    %dma_wait3A_987 = arith.constant 0 : i32
    %dma_wait3A_988 = arith.constant 0 : i32
    %dma_wait3A_989 = tpu.memref_slice %arg9[%dma_wait3A_985, %dma_wait3A_987, %dma_wait3A_988] : memref<6x128x128xf32, #tpu.memory_space<vmem>> -> memref<1x128x128xf32, #tpu.memory_space<vmem>>
    %dma_wait3A_990 = tpu.memref_squeeze %dma_wait3A_989 : memref<1x128x128xf32, #tpu.memory_space<vmem>> -> memref<128x128xf32, #tpu.memory_space<vmem>>
    %dma_wait3A_991 = arith.constant 0 : i32
    %dma_wait3A_992 = arith.constant 0 : i32
    %dma_wait3A_993 = tpu.memref_slice %arg4[%dma_wait3A_986, %dma_wait3A_991, %dma_wait3A_992] : memref<50x4096x128xf32, #tpu.memory_space<hbm>> -> memref<1x128x128xf32, #tpu.memory_space<hbm>>
    %dma_wait3A_994 = tpu.memref_squeeze %dma_wait3A_993 : memref<1x128x128xf32, #tpu.memory_space<hbm>> -> memref<128x128xf32, #tpu.memory_space<hbm>>
    %dma_wait3A_995 = arith.constant 0 : i32
    %dma_wait3A_996 = arith.constant 0 : i32
    %dma_wait3A_997 = tpu.memref_slice %arg4[%dma_wait3A_986, %dma_wait3A_995, %dma_wait3A_996] : memref<50x4096x128xf32, #tpu.memory_space<hbm>> -> memref<1x128x128xf32, #tpu.memory_space<hbm>>
    %dma_wait3A_998 = tpu.memref_squeeze %dma_wait3A_997 : memref<1x128x128xf32, #tpu.memory_space<hbm>> -> memref<128x128xf32, #tpu.memory_space<hbm>>
    %dma_wait3A_999 = arith.constant 0 : i32
    %dma_wait3A_1000 = arith.constant 0 : i32
    %dma_wait3A_1001 = tpu.memref_slice %arg9[%dma_wait3A_985, %dma_wait3A_999, %dma_wait3A_1000] : memref<6x128x128xf32, #tpu.memory_space<vmem>> -> memref<1x128x128xf32, #tpu.memory_space<vmem>>
    %dma_wait3A_1002 = tpu.memref_squeeze %dma_wait3A_1001 : memref<1x128x128xf32, #tpu.memory_space<vmem>> -> memref<128x128xf32, #tpu.memory_space<vmem>>
    tpu.wait_dma2 semaphore(%arg17 : memref<!tpu.dma_semaphore, #tpu.memory_space<semaphore_mem>>) src(%dma_wait3A_1002 : memref<128x128xf32, #tpu.memory_space<vmem>>) dst(%dma_wait3A_998 : memref<128x128xf32, #tpu.memory_space<hbm>>)
    %dma_start3A_1003 = arith.constant 2 : i32
    %dma_start3A_1004 = arith.constant 3 : i32
    %dma_start3A_1005 = arith.constant 1 : i32
    %dma_start3A_1006 = arith.constant 0 : i32
    %dma_start3A_1007 = arith.constant 0 : i32
    %dma_start3A_1008 = tpu.memref_slice %arg9[%dma_start3A_1005, %dma_start3A_1006, %dma_start3A_1007] : memref<6x128x128xf32, #tpu.memory_space<vmem>> -> memref<1x128x128xf32, #tpu.memory_space<vmem>>
    %dma_start3A_1009 = tpu.memref_squeeze %dma_start3A_1008 : memref<1x128x128xf32, #tpu.memory_space<vmem>> -> memref<128x128xf32, #tpu.memory_space<vmem>>
    %dma_start3A_1010 = arith.constant 0 : i32
    %dma_start3A_1011 = tpu.memref_slice %arg8[%dma_start3A_1003, %dma_start3A_1004, %dma_start3A_1010] : memref<4x50x128xi32, #tpu.memory_space<vmem>> -> memref<1x1x128xi32, #tpu.memory_space<vmem>>
    %dma_start3A_1012 = tpu.memref_squeeze %dma_start3A_1011 : memref<1x1x128xi32, #tpu.memory_space<vmem>> -> memref<128xi32, #tpu.memory_space<vmem>>
    %dma_start3A_1013 = arith.constant 0 : i32
    %dma_start3A_1014 = arith.constant 0 : i32
    %dma_start3A_1015 = tpu.memref_slice %arg2[%dma_start3A_1013, %dma_start3A_1014] : memref<100000x128xf32, #tpu.memory_space<hbm>> -> memref<100000x128xf32, #tpu.memory_space<hbm>>
    tpu.enqueue_indirect_dma source(%dma_start3A_1015 : memref<100000x128xf32, #tpu.memory_space<hbm>>) target(%dma_start3A_1009 : memref<128x128xf32, #tpu.memory_space<vmem>>) offsets(%dma_start3A_1012 : memref<128xi32, #tpu.memory_space<vmem>>) semaphore(%arg11 : memref<!tpu.dma_semaphore, #tpu.memory_space<semaphore_mem>>)
    %scan3A_1016 = arith.constant 0 : i32
    %scan3A_1017 = arith.constant 7 : i32
    %scan3A_1018 = arith.addi %scan3A_1016, %scan3A_1017 : i32
    %scan3A_1019 = arith.constant 1 : i32
    scf.for %scan3A_2002 = %scan3A_1016 to %scan3A_1018 step %scan3A_1019  : i32 {
      %mul3A_2003 = arith.constant 6 : i32
      %mul3A_2004 = arith.muli %scan3A_2002, %mul3A_2003 : i32
      %add3A_2005 = arith.constant 100 : i32
      %add3A_2006 = arith.addi %add3A_2005, %mul3A_2004 : i32
      %add3A_2007 = arith.constant 0 : i32
      %add3A_2008 = arith.addi %add3A_2006, %add3A_2007 : i32
      %dma_wait3A_2009 = arith.constant 0 : i32
      %dma_wait3A_2010 = arith.constant 0 : i32
      %dma_wait3A_2011 = arith.constant 4 : i32
      %dma_wait3A_2012 = arith.constant 0 : i32
      %dma_wait3A_2013 = arith.constant 0 : i32
      %dma_wait3A_2014 = tpu.memref_slice %arg9[%dma_wait3A_2011, %dma_wait3A_2012, %dma_wait3A_2013] : memref<6x128x128xf32, #tpu.memory_space<vmem>> -> memref<1x128x128xf32, #tpu.memory_space<vmem>>
      %dma_wait3A_2015 = tpu.memref_squeeze %dma_wait3A_2014 : memref<1x128x128xf32, #tpu.memory_space<vmem>> -> memref<128x128xf32, #tpu.memory_space<vmem>>
      %dma_wait3A_2016 = arith.constant 0 : i32
      %dma_wait3A_2017 = tpu.memref_slice %arg8[%dma_wait3A_2009, %dma_wait3A_2010, %dma_wait3A_2016] : memref<4x50x128xi32, #tpu.memory_space<vmem>> -> memref<1x1x128xi32, #tpu.memory_space<vmem>>
      %dma_wait3A_2018 = tpu.memref_squeeze %dma_wait3A_2017 : memref<1x1x128xi32, #tpu.memory_space<vmem>> -> memref<128xi32, #tpu.memory_space<vmem>>
      %dma_wait3A_2019 = arith.constant 0 : i32
      %dma_wait3A_2020 = arith.constant 0 : i32
      %dma_wait3A_2021 = tpu.memref_slice %arg2[%dma_wait3A_2019, %dma_wait3A_2020] : memref<100000x128xf32, #tpu.memory_space<hbm>> -> memref<100000x128xf32, #tpu.memory_space<hbm>>
      tpu.wait_indirect_dma semaphore(%arg14 : memref<!tpu.dma_semaphore, #tpu.memory_space<semaphore_mem>>) src(%dma_wait3A_2021 : memref<100000x128xf32, #tpu.memory_space<hbm>>) dst(%dma_wait3A_2015 : memref<128x128xf32, #tpu.memory_space<vmem>>)
      %sub3A = arith.constant 100 : i32
      %sub3A_2022 = arith.subi %add3A_2008, %sub3A : i32
      %mul3A_2023 = arith.constant 128 : i32
      %mul3A_2024 = arith.muli %add3A, %mul3A_2023 : i32
      %dma_start3A_2025 = arith.constant 4 : i32
      %dma_start3A_2026 = arith.constant 0 : i32
      %dma_start3A_2027 = arith.constant 0 : i32
      %dma_start3A_2028 = tpu.memref_slice %arg9[%dma_start3A_2025, %dma_start3A_2026, %dma_start3A_2027] : memref<6x128x128xf32, #tpu.memory_space<vmem>> -> memref<1x128x128xf32, #tpu.memory_space<vmem>>
      %dma_start3A_2029 = tpu.memref_squeeze %dma_start3A_2028 : memref<1x128x128xf32, #tpu.memory_space<vmem>> -> memref<128x128xf32, #tpu.memory_space<vmem>>
      %dma_start3A_2030 = arith.constant 0 : i32
      %dma_start3A_2031 = tpu.memref_slice %arg6[%sub3A_2022, %mul3A_2024, %dma_start3A_2030] : memref<50x4096x128xf32, #tpu.memory_space<hbm>> -> memref<1x128x128xf32, #tpu.memory_space<hbm>>
      %dma_start3A_2032 = tpu.memref_squeeze %dma_start3A_2031 : memref<1x128x128xf32, #tpu.memory_space<hbm>> -> memref<128x128xf32, #tpu.memory_space<hbm>>
      %dma_start3A_2033 = arith.constant 0 : i32
      %dma_start3A_2034 = tpu.memref_slice %arg6[%sub3A_2022, %mul3A_2024, %dma_start3A_2033] : memref<50x4096x128xf32, #tpu.memory_space<hbm>> -> memref<1x128x128xf32, #tpu.memory_space<hbm>>
      %dma_start3A_2035 = tpu.memref_squeeze %dma_start3A_2034 : memref<1x128x128xf32, #tpu.memory_space<hbm>> -> memref<128x128xf32, #tpu.memory_space<hbm>>
      %dma_start3A_2036 = arith.constant 0 : i32
      %dma_start3A_2037 = arith.constant 0 : i32
      %dma_start3A_2038 = tpu.memref_slice %arg9[%dma_start3A_2025, %dma_start3A_2036, %dma_start3A_2037] : memref<6x128x128xf32, #tpu.memory_space<vmem>> -> memref<1x128x128xf32, #tpu.memory_space<vmem>>
      %dma_start3A_2039 = tpu.memref_squeeze %dma_start3A_2038 : memref<1x128x128xf32, #tpu.memory_space<vmem>> -> memref<128x128xf32, #tpu.memory_space<vmem>>
      tpu.enqueue_dma source(%dma_start3A_2039 : memref<128x128xf32, #tpu.memory_space<vmem>>) target(%dma_start3A_2035 : memref<128x128xf32, #tpu.memory_space<hbm>>) target_semaphore(%arg20 : memref<!tpu.dma_semaphore, #tpu.memory_space<semaphore_mem>>)
      %dma_wait3A_2040 = arith.constant 2 : i32
      %dma_wait3A_2041 = arith.constant 0 : i32
      %dma_wait3A_2042 = arith.constant 0 : i32
      %dma_wait3A_2043 = arith.constant 0 : i32
      %dma_wait3A_2044 = tpu.memref_slice %arg9[%dma_wait3A_2040, %dma_wait3A_2042, %dma_wait3A_2043] : memref<6x128x128xf32, #tpu.memory_space<vmem>> -> memref<1x128x128xf32, #tpu.memory_space<vmem>>
      %dma_wait3A_2045 = tpu.memref_squeeze %dma_wait3A_2044 : memref<1x128x128xf32, #tpu.memory_space<vmem>> -> memref<128x128xf32, #tpu.memory_space<vmem>>
      %dma_wait3A_2046 = arith.constant 0 : i32
      %dma_wait3A_2047 = arith.constant 0 : i32
      %dma_wait3A_2048 = tpu.memref_slice %arg4[%dma_wait3A_2041, %dma_wait3A_2046, %dma_wait3A_2047] : memref<50x4096x128xf32, #tpu.memory_space<hbm>> -> memref<1x128x128xf32, #tpu.memory_space<hbm>>
      %dma_wait3A_2049 = tpu.memref_squeeze %dma_wait3A_2048 : memref<1x128x128xf32, #tpu.memory_space<hbm>> -> memref<128x128xf32, #tpu.memory_space<hbm>>
      %dma_wait3A_2050 = arith.constant 0 : i32
      %dma_wait3A_2051 = arith.constant 0 : i32
      %dma_wait3A_2052 = tpu.memref_slice %arg4[%dma_wait3A_2041, %dma_wait3A_2050, %dma_wait3A_2051] : memref<50x4096x128xf32, #tpu.memory_space<hbm>> -> memref<1x128x128xf32, #tpu.memory_space<hbm>>
      %dma_wait3A_2053 = tpu.memref_squeeze %dma_wait3A_2052 : memref<1x128x128xf32, #tpu.memory_space<hbm>> -> memref<128x128xf32, #tpu.memory_space<hbm>>
      %dma_wait3A_2054 = arith.constant 0 : i32
      %dma_wait3A_2055 = arith.constant 0 : i32
      %dma_wait3A_2056 = tpu.memref_slice %arg9[%dma_wait3A_2040, %dma_wait3A_2054, %dma_wait3A_2055] : memref<6x128x128xf32, #tpu.memory_space<vmem>> -> memref<1x128x128xf32, #tpu.memory_space<vmem>>
      %dma_wait3A_2057 = tpu.memref_squeeze %dma_wait3A_2056 : memref<1x128x128xf32, #tpu.memory_space<vmem>> -> memref<128x128xf32, #tpu.memory_space<vmem>>
      tpu.wait_dma2 semaphore(%arg18 : memref<!tpu.dma_semaphore, #tpu.memory_space<semaphore_mem>>) src(%dma_wait3A_2057 : memref<128x128xf32, #tpu.memory_space<vmem>>) dst(%dma_wait3A_2053 : memref<128x128xf32, #tpu.memory_space<hbm>>)
      %sub3A_2058 = arith.constant 100 : i32
      %sub3A_2059 = arith.subi %add3A_2008, %sub3A_2058 : i32
      %add3A_2060 = arith.constant 4 : i32
      %add3A_2061 = arith.addi %sub3A_2059, %add3A_2060 : i32
      %dma_start3A_2062 = arith.constant 2 : i32
      %dma_start3A_2063 = arith.constant 2 : i32
      %dma_start3A_2064 = arith.constant 0 : i32
      %dma_start3A_2065 = arith.constant 0 : i32
      %dma_start3A_2066 = tpu.memref_slice %arg9[%dma_start3A_2063, %dma_start3A_2064, %dma_start3A_2065] : memref<6x128x128xf32, #tpu.memory_space<vmem>> -> memref<1x128x128xf32, #tpu.memory_space<vmem>>
      %dma_start3A_2067 = tpu.memref_squeeze %dma_start3A_2066 : memref<1x128x128xf32, #tpu.memory_space<vmem>> -> memref<128x128xf32, #tpu.memory_space<vmem>>
      %dma_start3A_2068 = arith.constant 0 : i32
      %dma_start3A_2069 = tpu.memref_slice %arg8[%dma_start3A_2062, %add3A_2061, %dma_start3A_2068] : memref<4x50x128xi32, #tpu.memory_space<vmem>> -> memref<1x1x128xi32, #tpu.memory_space<vmem>>
      %dma_start3A_2070 = tpu.memref_squeeze %dma_start3A_2069 : memref<1x1x128xi32, #tpu.memory_space<vmem>> -> memref<128xi32, #tpu.memory_space<vmem>>
      %dma_start3A_2071 = arith.constant 0 : i32
      %dma_start3A_2072 = arith.constant 0 : i32
      %dma_start3A_2073 = tpu.memref_slice %arg2[%dma_start3A_2071, %dma_start3A_2072] : memref<100000x128xf32, #tpu.memory_space<hbm>> -> memref<100000x128xf32, #tpu.memory_space<hbm>>
      tpu.enqueue_indirect_dma source(%dma_start3A_2073 : memref<100000x128xf32, #tpu.memory_space<hbm>>) target(%dma_start3A_2067 : memref<128x128xf32, #tpu.memory_space<vmem>>) offsets(%dma_start3A_2070 : memref<128xi32, #tpu.memory_space<vmem>>) semaphore(%arg12 : memref<!tpu.dma_semaphore, #tpu.memory_space<semaphore_mem>>)
      %add3A_2074 = arith.constant 1 : i32
      %add3A_2075 = arith.addi %add3A_2006, %add3A_2074 : i32
      %dma_wait3A_2076 = arith.constant 0 : i32
      %dma_wait3A_2077 = arith.constant 0 : i32
      %dma_wait3A_2078 = arith.constant 5 : i32
      %dma_wait3A_2079 = arith.constant 0 : i32
      %dma_wait3A_2080 = arith.constant 0 : i32
      %dma_wait3A_2081 = tpu.memref_slice %arg9[%dma_wait3A_2078, %dma_wait3A_2079, %dma_wait3A_2080] : memref<6x128x128xf32, #tpu.memory_space<vmem>> -> memref<1x128x128xf32, #tpu.memory_space<vmem>>
      %dma_wait3A_2082 = tpu.memref_squeeze %dma_wait3A_2081 : memref<1x128x128xf32, #tpu.memory_space<vmem>> -> memref<128x128xf32, #tpu.memory_space<vmem>>
      %dma_wait3A_2083 = arith.constant 0 : i32
      %dma_wait3A_2084 = tpu.memref_slice %arg8[%dma_wait3A_2076, %dma_wait3A_2077, %dma_wait3A_2083] : memref<4x50x128xi32, #tpu.memory_space<vmem>> -> memref<1x1x128xi32, #tpu.memory_space<vmem>>
      %dma_wait3A_2085 = tpu.memref_squeeze %dma_wait3A_2084 : memref<1x1x128xi32, #tpu.memory_space<vmem>> -> memref<128xi32, #tpu.memory_space<vmem>>
      %dma_wait3A_2086 = arith.constant 0 : i32
      %dma_wait3A_2087 = arith.constant 0 : i32
      %dma_wait3A_2088 = tpu.memref_slice %arg2[%dma_wait3A_2086, %dma_wait3A_2087] : memref<100000x128xf32, #tpu.memory_space<hbm>> -> memref<100000x128xf32, #tpu.memory_space<hbm>>
      tpu.wait_indirect_dma semaphore(%arg15 : memref<!tpu.dma_semaphore, #tpu.memory_space<semaphore_mem>>) src(%dma_wait3A_2088 : memref<100000x128xf32, #tpu.memory_space<hbm>>) dst(%dma_wait3A_2082 : memref<128x128xf32, #tpu.memory_space<vmem>>)
      %sub3A_2089 = arith.constant 100 : i32
      %sub3A_2090 = arith.subi %add3A_2075, %sub3A_2089 : i32
      %mul3A_2091 = arith.constant 128 : i32
      %mul3A_2092 = arith.muli %add3A, %mul3A_2091 : i32
      %dma_start3A_2093 = arith.constant 5 : i32
      %dma_start3A_2094 = arith.constant 0 : i32
      %dma_start3A_2095 = arith.constant 0 : i32
      %dma_start3A_2096 = tpu.memref_slice %arg9[%dma_start3A_2093, %dma_start3A_2094, %dma_start3A_2095] : memref<6x128x128xf32, #tpu.memory_space<vmem>> -> memref<1x128x128xf32, #tpu.memory_space<vmem>>
      %dma_start3A_2097 = tpu.memref_squeeze %dma_start3A_2096 : memref<1x128x128xf32, #tpu.memory_space<vmem>> -> memref<128x128xf32, #tpu.memory_space<vmem>>
      %dma_start3A_2098 = arith.constant 0 : i32
      %dma_start3A_2099 = tpu.memref_slice %arg6[%sub3A_2090, %mul3A_2092, %dma_start3A_2098] : memref<50x4096x128xf32, #tpu.memory_space<hbm>> -> memref<1x128x128xf32, #tpu.memory_space<hbm>>
      %dma_start3A_2100 = tpu.memref_squeeze %dma_start3A_2099 : memref<1x128x128xf32, #tpu.memory_space<hbm>> -> memref<128x128xf32, #tpu.memory_space<hbm>>
      %dma_start3A_2101 = arith.constant 0 : i32
      %dma_start3A_2102 = tpu.memref_slice %arg6[%sub3A_2090, %mul3A_2092, %dma_start3A_2101] : memref<50x4096x128xf32, #tpu.memory_space<hbm>> -> memref<1x128x128xf32, #tpu.memory_space<hbm>>
      %dma_start3A_2103 = tpu.memref_squeeze %dma_start3A_2102 : memref<1x128x128xf32, #tpu.memory_space<hbm>> -> memref<128x128xf32, #tpu.memory_space<hbm>>
      %dma_start3A_2104 = arith.constant 0 : i32
      %dma_start3A_2105 = arith.constant 0 : i32
      %dma_start3A_2106 = tpu.memref_slice %arg9[%dma_start3A_2093, %dma_start3A_2104, %dma_start3A_2105] : memref<6x128x128xf32, #tpu.memory_space<vmem>> -> memref<1x128x128xf32, #tpu.memory_space<vmem>>
      %dma_start3A_2107 = tpu.memref_squeeze %dma_start3A_2106 : memref<1x128x128xf32, #tpu.memory_space<vmem>> -> memref<128x128xf32, #tpu.memory_space<vmem>>
      tpu.enqueue_dma source(%dma_start3A_2107 : memref<128x128xf32, #tpu.memory_space<vmem>>) target(%dma_start3A_2103 : memref<128x128xf32, #tpu.memory_space<hbm>>) target_semaphore(%arg21 : memref<!tpu.dma_semaphore, #tpu.memory_space<semaphore_mem>>)
      %dma_wait3A_2108 = arith.constant 3 : i32
      %dma_wait3A_2109 = arith.constant 0 : i32
      %dma_wait3A_2110 = arith.constant 0 : i32
      %dma_wait3A_2111 = arith.constant 0 : i32
      %dma_wait3A_2112 = tpu.memref_slice %arg9[%dma_wait3A_2108, %dma_wait3A_2110, %dma_wait3A_2111] : memref<6x128x128xf32, #tpu.memory_space<vmem>> -> memref<1x128x128xf32, #tpu.memory_space<vmem>>
      %dma_wait3A_2113 = tpu.memref_squeeze %dma_wait3A_2112 : memref<1x128x128xf32, #tpu.memory_space<vmem>> -> memref<128x128xf32, #tpu.memory_space<vmem>>
      %dma_wait3A_2114 = arith.constant 0 : i32
      %dma_wait3A_2115 = arith.constant 0 : i32
      %dma_wait3A_2116 = tpu.memref_slice %arg4[%dma_wait3A_2109, %dma_wait3A_2114, %dma_wait3A_2115] : memref<50x4096x128xf32, #tpu.memory_space<hbm>> -> memref<1x128x128xf32, #tpu.memory_space<hbm>>
      %dma_wait3A_2117 = tpu.memref_squeeze %dma_wait3A_2116 : memref<1x128x128xf32, #tpu.memory_space<hbm>> -> memref<128x128xf32, #tpu.memory_space<hbm>>
      %dma_wait3A_2118 = arith.constant 0 : i32
      %dma_wait3A_2119 = arith.constant 0 : i32
      %dma_wait3A_2120 = tpu.memref_slice %arg4[%dma_wait3A_2109, %dma_wait3A_2118, %dma_wait3A_2119] : memref<50x4096x128xf32, #tpu.memory_space<hbm>> -> memref<1x128x128xf32, #tpu.memory_space<hbm>>
      %dma_wait3A_2121 = tpu.memref_squeeze %dma_wait3A_2120 : memref<1x128x128xf32, #tpu.memory_space<hbm>> -> memref<128x128xf32, #tpu.memory_space<hbm>>
      %dma_wait3A_2122 = arith.constant 0 : i32
      %dma_wait3A_2123 = arith.constant 0 : i32
      %dma_wait3A_2124 = tpu.memref_slice %arg9[%dma_wait3A_2108, %dma_wait3A_2122, %dma_wait3A_2123] : memref<6x128x128xf32, #tpu.memory_space<vmem>> -> memref<1x128x128xf32, #tpu.memory_space<vmem>>
      %dma_wait3A_2125 = tpu.memref_squeeze %dma_wait3A_2124 : memref<1x128x128xf32, #tpu.memory_space<vmem>> -> memref<128x128xf32, #tpu.memory_space<vmem>>
      tpu.wait_dma2 semaphore(%arg19 : memref<!tpu.dma_semaphore, #tpu.memory_space<semaphore_mem>>) src(%dma_wait3A_2125 : memref<128x128xf32, #tpu.memory_space<vmem>>) dst(%dma_wait3A_2121 : memref<128x128xf32, #tpu.memory_space<hbm>>)
      %sub3A_2126 = arith.constant 100 : i32
      %sub3A_2127 = arith.subi %add3A_2075, %sub3A_2126 : i32
      %add3A_2128 = arith.constant 4 : i32
      %add3A_2129 = arith.addi %sub3A_2127, %add3A_2128 : i32
      %dma_start3A_2130 = arith.constant 2 : i32
      %dma_start3A_2131 = arith.constant 3 : i32
      %dma_start3A_2132 = arith.constant 0 : i32
      %dma_start3A_2133 = arith.constant 0 : i32
      %dma_start3A_2134 = tpu.memref_slice %arg9[%dma_start3A_2131, %dma_start3A_2132, %dma_start3A_2133] : memref<6x128x128xf32, #tpu.memory_space<vmem>> -> memref<1x128x128xf32, #tpu.memory_space<vmem>>
      %dma_start3A_2135 = tpu.memref_squeeze %dma_start3A_2134 : memref<1x128x128xf32, #tpu.memory_space<vmem>> -> memref<128x128xf32, #tpu.memory_space<vmem>>
      %dma_start3A_2136 = arith.constant 0 : i32
      %dma_start3A_2137 = tpu.memref_slice %arg8[%dma_start3A_2130, %add3A_2129, %dma_start3A_2136] : memref<4x50x128xi32, #tpu.memory_space<vmem>> -> memref<1x1x128xi32, #tpu.memory_space<vmem>>
      %dma_start3A_2138 = tpu.memref_squeeze %dma_start3A_2137 : memref<1x1x128xi32, #tpu.memory_space<vmem>> -> memref<128xi32, #tpu.memory_space<vmem>>
      %dma_start3A_2139 = arith.constant 0 : i32
      %dma_start3A_2140 = arith.constant 0 : i32
      %dma_start3A_2141 = tpu.memref_slice %arg2[%dma_start3A_2139, %dma_start3A_2140] : memref<100000x128xf32, #tpu.memory_space<hbm>> -> memref<100000x128xf32, #tpu.memory_space<hbm>>
      tpu.enqueue_indirect_dma source(%dma_start3A_2141 : memref<100000x128xf32, #tpu.memory_space<hbm>>) target(%dma_start3A_2135 : memref<128x128xf32, #tpu.memory_space<vmem>>) offsets(%dma_start3A_2138 : memref<128xi32, #tpu.memory_space<vmem>>) semaphore(%arg13 : memref<!tpu.dma_semaphore, #tpu.memory_space<semaphore_mem>>)
      %add3A_2142 = arith.constant 2 : i32
      %add3A_2143 = arith.addi %add3A_2006, %add3A_2142 : i32
      %dma_wait3A_2144 = arith.constant 0 : i32
      %dma_wait3A_2145 = arith.constant 0 : i32
      %dma_wait3A_2146 = arith.constant 0 : i32
      %dma_wait3A_2147 = arith.constant 0 : i32
      %dma_wait3A_2148 = arith.constant 0 : i32
      %dma_wait3A_2149 = tpu.memref_slice %arg9[%dma_wait3A_2146, %dma_wait3A_2147, %dma_wait3A_2148] : memref<6x128x128xf32, #tpu.memory_space<vmem>> -> memref<1x128x128xf32, #tpu.memory_space<vmem>>
      %dma_wait3A_2150 = tpu.memref_squeeze %dma_wait3A_2149 : memref<1x128x128xf32, #tpu.memory_space<vmem>> -> memref<128x128xf32, #tpu.memory_space<vmem>>
      %dma_wait3A_2151 = arith.constant 0 : i32
      %dma_wait3A_2152 = tpu.memref_slice %arg8[%dma_wait3A_2144, %dma_wait3A_2145, %dma_wait3A_2151] : memref<4x50x128xi32, #tpu.memory_space<vmem>> -> memref<1x1x128xi32, #tpu.memory_space<vmem>>
      %dma_wait3A_2153 = tpu.memref_squeeze %dma_wait3A_2152 : memref<1x1x128xi32, #tpu.memory_space<vmem>> -> memref<128xi32, #tpu.memory_space<vmem>>
      %dma_wait3A_2154 = arith.constant 0 : i32
      %dma_wait3A_2155 = arith.constant 0 : i32
      %dma_wait3A_2156 = tpu.memref_slice %arg2[%dma_wait3A_2154, %dma_wait3A_2155] : memref<100000x128xf32, #tpu.memory_space<hbm>> -> memref<100000x128xf32, #tpu.memory_space<hbm>>
      tpu.wait_indirect_dma semaphore(%arg10 : memref<!tpu.dma_semaphore, #tpu.memory_space<semaphore_mem>>) src(%dma_wait3A_2156 : memref<100000x128xf32, #tpu.memory_space<hbm>>) dst(%dma_wait3A_2150 : memref<128x128xf32, #tpu.memory_space<vmem>>)
      %sub3A_2157 = arith.constant 100 : i32
      %sub3A_2158 = arith.subi %add3A_2143, %sub3A_2157 : i32
      %mul3A_2159 = arith.constant 128 : i32
      %mul3A_2160 = arith.muli %add3A, %mul3A_2159 : i32
      %dma_start3A_2161 = arith.constant 0 : i32
      %dma_start3A_2162 = arith.constant 0 : i32
      %dma_start3A_2163 = arith.constant 0 : i32
      %dma_start3A_2164 = tpu.memref_slice %arg9[%dma_start3A_2161, %dma_start3A_2162, %dma_start3A_2163] : memref<6x128x128xf32, #tpu.memory_space<vmem>> -> memref<1x128x128xf32, #tpu.memory_space<vmem>>
      %dma_start3A_2165 = tpu.memref_squeeze %dma_start3A_2164 : memref<1x128x128xf32, #tpu.memory_space<vmem>> -> memref<128x128xf32, #tpu.memory_space<vmem>>
      %dma_start3A_2166 = arith.constant 0 : i32
      %dma_start3A_2167 = tpu.memref_slice %arg6[%sub3A_2158, %mul3A_2160, %dma_start3A_2166] : memref<50x4096x128xf32, #tpu.memory_space<hbm>> -> memref<1x128x128xf32, #tpu.memory_space<hbm>>
      %dma_start3A_2168 = tpu.memref_squeeze %dma_start3A_2167 : memref<1x128x128xf32, #tpu.memory_space<hbm>> -> memref<128x128xf32, #tpu.memory_space<hbm>>
      %dma_start3A_2169 = arith.constant 0 : i32
      %dma_start3A_2170 = tpu.memref_slice %arg6[%sub3A_2158, %mul3A_2160, %dma_start3A_2169] : memref<50x4096x128xf32, #tpu.memory_space<hbm>> -> memref<1x128x128xf32, #tpu.memory_space<hbm>>
      %dma_start3A_2171 = tpu.memref_squeeze %dma_start3A_2170 : memref<1x128x128xf32, #tpu.memory_space<hbm>> -> memref<128x128xf32, #tpu.memory_space<hbm>>
      %dma_start3A_2172 = arith.constant 0 : i32
      %dma_start3A_2173 = arith.constant 0 : i32
      %dma_start3A_2174 = tpu.memref_slice %arg9[%dma_start3A_2161, %dma_start3A_2172, %dma_start3A_2173] : memref<6x128x128xf32, #tpu.memory_space<vmem>> -> memref<1x128x128xf32, #tpu.memory_space<vmem>>
      %dma_start3A_2175 = tpu.memref_squeeze %dma_start3A_2174 : memref<1x128x128xf32, #tpu.memory_space<vmem>> -> memref<128x128xf32, #tpu.memory_space<vmem>>
      tpu.enqueue_dma source(%dma_start3A_2175 : memref<128x128xf32, #tpu.memory_space<vmem>>) target(%dma_start3A_2171 : memref<128x128xf32, #tpu.memory_space<hbm>>) target_semaphore(%arg16 : memref<!tpu.dma_semaphore, #tpu.memory_space<semaphore_mem>>)
      %dma_wait3A_2176 = arith.constant 4 : i32
      %dma_wait3A_2177 = arith.constant 0 : i32
      %dma_wait3A_2178 = arith.constant 0 : i32
      %dma_wait3A_2179 = arith.constant 0 : i32
      %dma_wait3A_2180 = tpu.memref_slice %arg9[%dma_wait3A_2176, %dma_wait3A_2178, %dma_wait3A_2179] : memref<6x128x128xf32, #tpu.memory_space<vmem>> -> memref<1x128x128xf32, #tpu.memory_space<vmem>>
      %dma_wait3A_2181 = tpu.memref_squeeze %dma_wait3A_2180 : memref<1x128x128xf32, #tpu.memory_space<vmem>> -> memref<128x128xf32, #tpu.memory_space<vmem>>
      %dma_wait3A_2182 = arith.constant 0 : i32
      %dma_wait3A_2183 = arith.constant 0 : i32
      %dma_wait3A_2184 = tpu.memref_slice %arg4[%dma_wait3A_2177, %dma_wait3A_2182, %dma_wait3A_2183] : memref<50x4096x128xf32, #tpu.memory_space<hbm>> -> memref<1x128x128xf32, #tpu.memory_space<hbm>>
      %dma_wait3A_2185 = tpu.memref_squeeze %dma_wait3A_2184 : memref<1x128x128xf32, #tpu.memory_space<hbm>> -> memref<128x128xf32, #tpu.memory_space<hbm>>
      %dma_wait3A_2186 = arith.constant 0 : i32
      %dma_wait3A_2187 = arith.constant 0 : i32
      %dma_wait3A_2188 = tpu.memref_slice %arg4[%dma_wait3A_2177, %dma_wait3A_2186, %dma_wait3A_2187] : memref<50x4096x128xf32, #tpu.memory_space<hbm>> -> memref<1x128x128xf32, #tpu.memory_space<hbm>>
      %dma_wait3A_2189 = tpu.memref_squeeze %dma_wait3A_2188 : memref<1x128x128xf32, #tpu.memory_space<hbm>> -> memref<128x128xf32, #tpu.memory_space<hbm>>
      %dma_wait3A_2190 = arith.constant 0 : i32
      %dma_wait3A_2191 = arith.constant 0 : i32
      %dma_wait3A_2192 = tpu.memref_slice %arg9[%dma_wait3A_2176, %dma_wait3A_2190, %dma_wait3A_2191] : memref<6x128x128xf32, #tpu.memory_space<vmem>> -> memref<1x128x128xf32, #tpu.memory_space<vmem>>
      %dma_wait3A_2193 = tpu.memref_squeeze %dma_wait3A_2192 : memref<1x128x128xf32, #tpu.memory_space<vmem>> -> memref<128x128xf32, #tpu.memory_space<vmem>>
      tpu.wait_dma2 semaphore(%arg20 : memref<!tpu.dma_semaphore, #tpu.memory_space<semaphore_mem>>) src(%dma_wait3A_2193 : memref<128x128xf32, #tpu.memory_space<vmem>>) dst(%dma_wait3A_2189 : memref<128x128xf32, #tpu.memory_space<hbm>>)
      %sub3A_2194 = arith.constant 100 : i32
      %sub3A_2195 = arith.subi %add3A_2143, %sub3A_2194 : i32
      %add3A_2196 = arith.constant 4 : i32
      %add3A_2197 = arith.addi %sub3A_2195, %add3A_2196 : i32
      %dma_start3A_2198 = arith.constant 2 : i32
      %dma_start3A_2199 = arith.constant 4 : i32
      %dma_start3A_2200 = arith.constant 0 : i32
      %dma_start3A_2201 = arith.constant 0 : i32
      %dma_start3A_2202 = tpu.memref_slice %arg9[%dma_start3A_2199, %dma_start3A_2200, %dma_start3A_2201] : memref<6x128x128xf32, #tpu.memory_space<vmem>> -> memref<1x128x128xf32, #tpu.memory_space<vmem>>
      %dma_start3A_2203 = tpu.memref_squeeze %dma_start3A_2202 : memref<1x128x128xf32, #tpu.memory_space<vmem>> -> memref<128x128xf32, #tpu.memory_space<vmem>>
      %dma_start3A_2204 = arith.constant 0 : i32
      %dma_start3A_2205 = tpu.memref_slice %arg8[%dma_start3A_2198, %add3A_2197, %dma_start3A_2204] : memref<4x50x128xi32, #tpu.memory_space<vmem>> -> memref<1x1x128xi32, #tpu.memory_space<vmem>>
      %dma_start3A_2206 = tpu.memref_squeeze %dma_start3A_2205 : memref<1x1x128xi32, #tpu.memory_space<vmem>> -> memref<128xi32, #tpu.memory_space<vmem>>
      %dma_start3A_2207 = arith.constant 0 : i32
      %dma_start3A_2208 = arith.constant 0 : i32
      %dma_start3A_2209 = tpu.memref_slice %arg2[%dma_start3A_2207, %dma_start3A_2208] : memref<100000x128xf32, #tpu.memory_space<hbm>> -> memref<100000x128xf32, #tpu.memory_space<hbm>>
      tpu.enqueue_indirect_dma source(%dma_start3A_2209 : memref<100000x128xf32, #tpu.memory_space<hbm>>) target(%dma_start3A_2203 : memref<128x128xf32, #tpu.memory_space<vmem>>) offsets(%dma_start3A_2206 : memref<128xi32, #tpu.memory_space<vmem>>) semaphore(%arg14 : memref<!tpu.dma_semaphore, #tpu.memory_space<semaphore_mem>>)
      %add3A_2210 = arith.constant 3 : i32
      %add3A_2211 = arith.addi %add3A_2006, %add3A_2210 : i32
      %dma_wait3A_2212 = arith.constant 0 : i32
      %dma_wait3A_2213 = arith.constant 0 : i32
      %dma_wait3A_2214 = arith.constant 1 : i32
      %dma_wait3A_2215 = arith.constant 0 : i32
      %dma_wait3A_2216 = arith.constant 0 : i32
      %dma_wait3A_2217 = tpu.memref_slice %arg9[%dma_wait3A_2214, %dma_wait3A_2215, %dma_wait3A_2216] : memref<6x128x128xf32, #tpu.memory_space<vmem>> -> memref<1x128x128xf32, #tpu.memory_space<vmem>>
      %dma_wait3A_2218 = tpu.memref_squeeze %dma_wait3A_2217 : memref<1x128x128xf32, #tpu.memory_space<vmem>> -> memref<128x128xf32, #tpu.memory_space<vmem>>
      %dma_wait3A_2219 = arith.constant 0 : i32
      %dma_wait3A_2220 = tpu.memref_slice %arg8[%dma_wait3A_2212, %dma_wait3A_2213, %dma_wait3A_2219] : memref<4x50x128xi32, #tpu.memory_space<vmem>> -> memref<1x1x128xi32, #tpu.memory_space<vmem>>
      %dma_wait3A_2221 = tpu.memref_squeeze %dma_wait3A_2220 : memref<1x1x128xi32, #tpu.memory_space<vmem>> -> memref<128xi32, #tpu.memory_space<vmem>>
      %dma_wait3A_2222 = arith.constant 0 : i32
      %dma_wait3A_2223 = arith.constant 0 : i32
      %dma_wait3A_2224 = tpu.memref_slice %arg2[%dma_wait3A_2222, %dma_wait3A_2223] : memref<100000x128xf32, #tpu.memory_space<hbm>> -> memref<100000x128xf32, #tpu.memory_space<hbm>>
      tpu.wait_indirect_dma semaphore(%arg11 : memref<!tpu.dma_semaphore, #tpu.memory_space<semaphore_mem>>) src(%dma_wait3A_2224 : memref<100000x128xf32, #tpu.memory_space<hbm>>) dst(%dma_wait3A_2218 : memref<128x128xf32, #tpu.memory_space<vmem>>)
      %sub3A_2225 = arith.constant 100 : i32
      %sub3A_2226 = arith.subi %add3A_2211, %sub3A_2225 : i32
      %mul3A_2227 = arith.constant 128 : i32
      %mul3A_2228 = arith.muli %add3A, %mul3A_2227 : i32
      %dma_start3A_2229 = arith.constant 1 : i32
      %dma_start3A_2230 = arith.constant 0 : i32
      %dma_start3A_2231 = arith.constant 0 : i32
      %dma_start3A_2232 = tpu.memref_slice %arg9[%dma_start3A_2229, %dma_start3A_2230, %dma_start3A_2231] : memref<6x128x128xf32, #tpu.memory_space<vmem>> -> memref<1x128x128xf32, #tpu.memory_space<vmem>>
      %dma_start3A_2233 = tpu.memref_squeeze %dma_start3A_2232 : memref<1x128x128xf32, #tpu.memory_space<vmem>> -> memref<128x128xf32, #tpu.memory_space<vmem>>
      %dma_start3A_2234 = arith.constant 0 : i32
      %dma_start3A_2235 = tpu.memref_slice %arg6[%sub3A_2226, %mul3A_2228, %dma_start3A_2234] : memref<50x4096x128xf32, #tpu.memory_space<hbm>> -> memref<1x128x128xf32, #tpu.memory_space<hbm>>
      %dma_start3A_2236 = tpu.memref_squeeze %dma_start3A_2235 : memref<1x128x128xf32, #tpu.memory_space<hbm>> -> memref<128x128xf32, #tpu.memory_space<hbm>>
      %dma_start3A_2237 = arith.constant 0 : i32
      %dma_start3A_2238 = tpu.memref_slice %arg6[%sub3A_2226, %mul3A_2228, %dma_start3A_2237] : memref<50x4096x128xf32, #tpu.memory_space<hbm>> -> memref<1x128x128xf32, #tpu.memory_space<hbm>>
      %dma_start3A_2239 = tpu.memref_squeeze %dma_start3A_2238 : memref<1x128x128xf32, #tpu.memory_space<hbm>> -> memref<128x128xf32, #tpu.memory_space<hbm>>
      %dma_start3A_2240 = arith.constant 0 : i32
      %dma_start3A_2241 = arith.constant 0 : i32
      %dma_start3A_2242 = tpu.memref_slice %arg9[%dma_start3A_2229, %dma_start3A_2240, %dma_start3A_2241] : memref<6x128x128xf32, #tpu.memory_space<vmem>> -> memref<1x128x128xf32, #tpu.memory_space<vmem>>
      %dma_start3A_2243 = tpu.memref_squeeze %dma_start3A_2242 : memref<1x128x128xf32, #tpu.memory_space<vmem>> -> memref<128x128xf32, #tpu.memory_space<vmem>>
      tpu.enqueue_dma source(%dma_start3A_2243 : memref<128x128xf32, #tpu.memory_space<vmem>>) target(%dma_start3A_2239 : memref<128x128xf32, #tpu.memory_space<hbm>>) target_semaphore(%arg17 : memref<!tpu.dma_semaphore, #tpu.memory_space<semaphore_mem>>)
      %dma_wait3A_2244 = arith.constant 5 : i32
      %dma_wait3A_2245 = arith.constant 0 : i32
      %dma_wait3A_2246 = arith.constant 0 : i32
      %dma_wait3A_2247 = arith.constant 0 : i32
      %dma_wait3A_2248 = tpu.memref_slice %arg9[%dma_wait3A_2244, %dma_wait3A_2246, %dma_wait3A_2247] : memref<6x128x128xf32, #tpu.memory_space<vmem>> -> memref<1x128x128xf32, #tpu.memory_space<vmem>>
      %dma_wait3A_2249 = tpu.memref_squeeze %dma_wait3A_2248 : memref<1x128x128xf32, #tpu.memory_space<vmem>> -> memref<128x128xf32, #tpu.memory_space<vmem>>
      %dma_wait3A_2250 = arith.constant 0 : i32
      %dma_wait3A_2251 = arith.constant 0 : i32
      %dma_wait3A_2252 = tpu.memref_slice %arg4[%dma_wait3A_2245, %dma_wait3A_2250, %dma_wait3A_2251] : memref<50x4096x128xf32, #tpu.memory_space<hbm>> -> memref<1x128x128xf32, #tpu.memory_space<hbm>>
      %dma_wait3A_2253 = tpu.memref_squeeze %dma_wait3A_2252 : memref<1x128x128xf32, #tpu.memory_space<hbm>> -> memref<128x128xf32, #tpu.memory_space<hbm>>
      %dma_wait3A_2254 = arith.constant 0 : i32
      %dma_wait3A_2255 = arith.constant 0 : i32
      %dma_wait3A_2256 = tpu.memref_slice %arg4[%dma_wait3A_2245, %dma_wait3A_2254, %dma_wait3A_2255] : memref<50x4096x128xf32, #tpu.memory_space<hbm>> -> memref<1x128x128xf32, #tpu.memory_space<hbm>>
      %dma_wait3A_2257 = tpu.memref_squeeze %dma_wait3A_2256 : memref<1x128x128xf32, #tpu.memory_space<hbm>> -> memref<128x128xf32, #tpu.memory_space<hbm>>
      %dma_wait3A_2258 = arith.constant 0 : i32
      %dma_wait3A_2259 = arith.constant 0 : i32
      %dma_wait3A_2260 = tpu.memref_slice %arg9[%dma_wait3A_2244, %dma_wait3A_2258, %dma_wait3A_2259] : memref<6x128x128xf32, #tpu.memory_space<vmem>> -> memref<1x128x128xf32, #tpu.memory_space<vmem>>
      %dma_wait3A_2261 = tpu.memref_squeeze %dma_wait3A_2260 : memref<1x128x128xf32, #tpu.memory_space<vmem>> -> memref<128x128xf32, #tpu.memory_space<vmem>>
      tpu.wait_dma2 semaphore(%arg21 : memref<!tpu.dma_semaphore, #tpu.memory_space<semaphore_mem>>) src(%dma_wait3A_2261 : memref<128x128xf32, #tpu.memory_space<vmem>>) dst(%dma_wait3A_2257 : memref<128x128xf32, #tpu.memory_space<hbm>>)
      %sub3A_2262 = arith.constant 100 : i32
      %sub3A_2263 = arith.subi %add3A_2211, %sub3A_2262 : i32
      %add3A_2264 = arith.constant 4 : i32
      %add3A_2265 = arith.addi %sub3A_2263, %add3A_2264 : i32
      %dma_start3A_2266 = arith.constant 2 : i32
      %dma_start3A_2267 = arith.constant 5 : i32
      %dma_start3A_2268 = arith.constant 0 : i32
      %dma_start3A_2269 = arith.constant 0 : i32
      %dma_start3A_2270 = tpu.memref_slice %arg9[%dma_start3A_2267, %dma_start3A_2268, %dma_start3A_2269] : memref<6x128x128xf32, #tpu.memory_space<vmem>> -> memref<1x128x128xf32, #tpu.memory_space<vmem>>
      %dma_start3A_2271 = tpu.memref_squeeze %dma_start3A_2270 : memref<1x128x128xf32, #tpu.memory_space<vmem>> -> memref<128x128xf32, #tpu.memory_space<vmem>>
      %dma_start3A_2272 = arith.constant 0 : i32
      %dma_start3A_2273 = tpu.memref_slice %arg8[%dma_start3A_2266, %add3A_2265, %dma_start3A_2272] : memref<4x50x128xi32, #tpu.memory_space<vmem>> -> memref<1x1x128xi32, #tpu.memory_space<vmem>>
      %dma_start3A_2274 = tpu.memref_squeeze %dma_start3A_2273 : memref<1x1x128xi32, #tpu.memory_space<vmem>> -> memref<128xi32, #tpu.memory_space<vmem>>
      %dma_start3A_2275 = arith.constant 0 : i32
      %dma_start3A_2276 = arith.constant 0 : i32
      %dma_start3A_2277 = tpu.memref_slice %arg2[%dma_start3A_2275, %dma_start3A_2276] : memref<100000x128xf32, #tpu.memory_space<hbm>> -> memref<100000x128xf32, #tpu.memory_space<hbm>>
      tpu.enqueue_indirect_dma source(%dma_start3A_2277 : memref<100000x128xf32, #tpu.memory_space<hbm>>) target(%dma_start3A_2271 : memref<128x128xf32, #tpu.memory_space<vmem>>) offsets(%dma_start3A_2274 : memref<128xi32, #tpu.memory_space<vmem>>) semaphore(%arg15 : memref<!tpu.dma_semaphore, #tpu.memory_space<semaphore_mem>>)
      %add3A_2278 = arith.constant 4 : i32
      %add3A_2279 = arith.addi %add3A_2006, %add3A_2278 : i32
      %dma_wait3A_2280 = arith.constant 0 : i32
      %dma_wait3A_2281 = arith.constant 0 : i32
      %dma_wait3A_2282 = arith.constant 2 : i32
      %dma_wait3A_2283 = arith.constant 0 : i32
      %dma_wait3A_2284 = arith.constant 0 : i32
      %dma_wait3A_2285 = tpu.memref_slice %arg9[%dma_wait3A_2282, %dma_wait3A_2283, %dma_wait3A_2284] : memref<6x128x128xf32, #tpu.memory_space<vmem>> -> memref<1x128x128xf32, #tpu.memory_space<vmem>>
      %dma_wait3A_2286 = tpu.memref_squeeze %dma_wait3A_2285 : memref<1x128x128xf32, #tpu.memory_space<vmem>> -> memref<128x128xf32, #tpu.memory_space<vmem>>
      %dma_wait3A_2287 = arith.constant 0 : i32
      %dma_wait3A_2288 = tpu.memref_slice %arg8[%dma_wait3A_2280, %dma_wait3A_2281, %dma_wait3A_2287] : memref<4x50x128xi32, #tpu.memory_space<vmem>> -> memref<1x1x128xi32, #tpu.memory_space<vmem>>
      %dma_wait3A_2289 = tpu.memref_squeeze %dma_wait3A_2288 : memref<1x1x128xi32, #tpu.memory_space<vmem>> -> memref<128xi32, #tpu.memory_space<vmem>>
      %dma_wait3A_2290 = arith.constant 0 : i32
      %dma_wait3A_2291 = arith.constant 0 : i32
      %dma_wait3A_2292 = tpu.memref_slice %arg2[%dma_wait3A_2290, %dma_wait3A_2291] : memref<100000x128xf32, #tpu.memory_space<hbm>> -> memref<100000x128xf32, #tpu.memory_space<hbm>>
      tpu.wait_indirect_dma semaphore(%arg12 : memref<!tpu.dma_semaphore, #tpu.memory_space<semaphore_mem>>) src(%dma_wait3A_2292 : memref<100000x128xf32, #tpu.memory_space<hbm>>) dst(%dma_wait3A_2286 : memref<128x128xf32, #tpu.memory_space<vmem>>)
      %sub3A_2293 = arith.constant 100 : i32
      %sub3A_2294 = arith.subi %add3A_2279, %sub3A_2293 : i32
      %mul3A_2295 = arith.constant 128 : i32
      %mul3A_2296 = arith.muli %add3A, %mul3A_2295 : i32
      %dma_start3A_2297 = arith.constant 2 : i32
      %dma_start3A_2298 = arith.constant 0 : i32
      %dma_start3A_2299 = arith.constant 0 : i32
      %dma_start3A_2300 = tpu.memref_slice %arg9[%dma_start3A_2297, %dma_start3A_2298, %dma_start3A_2299] : memref<6x128x128xf32, #tpu.memory_space<vmem>> -> memref<1x128x128xf32, #tpu.memory_space<vmem>>
      %dma_start3A_2301 = tpu.memref_squeeze %dma_start3A_2300 : memref<1x128x128xf32, #tpu.memory_space<vmem>> -> memref<128x128xf32, #tpu.memory_space<vmem>>
      %dma_start3A_2302 = arith.constant 0 : i32
      %dma_start3A_2303 = tpu.memref_slice %arg6[%sub3A_2294, %mul3A_2296, %dma_start3A_2302] : memref<50x4096x128xf32, #tpu.memory_space<hbm>> -> memref<1x128x128xf32, #tpu.memory_space<hbm>>
      %dma_start3A_2304 = tpu.memref_squeeze %dma_start3A_2303 : memref<1x128x128xf32, #tpu.memory_space<hbm>> -> memref<128x128xf32, #tpu.memory_space<hbm>>
      %dma_start3A_2305 = arith.constant 0 : i32
      %dma_start3A_2306 = tpu.memref_slice %arg6[%sub3A_2294, %mul3A_2296, %dma_start3A_2305] : memref<50x4096x128xf32, #tpu.memory_space<hbm>> -> memref<1x128x128xf32, #tpu.memory_space<hbm>>
      %dma_start3A_2307 = tpu.memref_squeeze %dma_start3A_2306 : memref<1x128x128xf32, #tpu.memory_space<hbm>> -> memref<128x128xf32, #tpu.memory_space<hbm>>
      %dma_start3A_2308 = arith.constant 0 : i32
      %dma_start3A_2309 = arith.constant 0 : i32
      %dma_start3A_2310 = tpu.memref_slice %arg9[%dma_start3A_2297, %dma_start3A_2308, %dma_start3A_2309] : memref<6x128x128xf32, #tpu.memory_space<vmem>> -> memref<1x128x128xf32, #tpu.memory_space<vmem>>
      %dma_start3A_2311 = tpu.memref_squeeze %dma_start3A_2310 : memref<1x128x128xf32, #tpu.memory_space<vmem>> -> memref<128x128xf32, #tpu.memory_space<vmem>>
      tpu.enqueue_dma source(%dma_start3A_2311 : memref<128x128xf32, #tpu.memory_space<vmem>>) target(%dma_start3A_2307 : memref<128x128xf32, #tpu.memory_space<hbm>>) target_semaphore(%arg18 : memref<!tpu.dma_semaphore, #tpu.memory_space<semaphore_mem>>)
      %dma_wait3A_2312 = arith.constant 0 : i32
      %dma_wait3A_2313 = arith.constant 0 : i32
      %dma_wait3A_2314 = arith.constant 0 : i32
      %dma_wait3A_2315 = arith.constant 0 : i32
      %dma_wait3A_2316 = tpu.memref_slice %arg9[%dma_wait3A_2312, %dma_wait3A_2314, %dma_wait3A_2315] : memref<6x128x128xf32, #tpu.memory_space<vmem>> -> memref<1x128x128xf32, #tpu.memory_space<vmem>>
      %dma_wait3A_2317 = tpu.memref_squeeze %dma_wait3A_2316 : memref<1x128x128xf32, #tpu.memory_space<vmem>> -> memref<128x128xf32, #tpu.memory_space<vmem>>
      %dma_wait3A_2318 = arith.constant 0 : i32
      %dma_wait3A_2319 = arith.constant 0 : i32
      %dma_wait3A_2320 = tpu.memref_slice %arg4[%dma_wait3A_2313, %dma_wait3A_2318, %dma_wait3A_2319] : memref<50x4096x128xf32, #tpu.memory_space<hbm>> -> memref<1x128x128xf32, #tpu.memory_space<hbm>>
      %dma_wait3A_2321 = tpu.memref_squeeze %dma_wait3A_2320 : memref<1x128x128xf32, #tpu.memory_space<hbm>> -> memref<128x128xf32, #tpu.memory_space<hbm>>
      %dma_wait3A_2322 = arith.constant 0 : i32
      %dma_wait3A_2323 = arith.constant 0 : i32
      %dma_wait3A_2324 = tpu.memref_slice %arg4[%dma_wait3A_2313, %dma_wait3A_2322, %dma_wait3A_2323] : memref<50x4096x128xf32, #tpu.memory_space<hbm>> -> memref<1x128x128xf32, #tpu.memory_space<hbm>>
      %dma_wait3A_2325 = tpu.memref_squeeze %dma_wait3A_2324 : memref<1x128x128xf32, #tpu.memory_space<hbm>> -> memref<128x128xf32, #tpu.memory_space<hbm>>
      %dma_wait3A_2326 = arith.constant 0 : i32
      %dma_wait3A_2327 = arith.constant 0 : i32
      %dma_wait3A_2328 = tpu.memref_slice %arg9[%dma_wait3A_2312, %dma_wait3A_2326, %dma_wait3A_2327] : memref<6x128x128xf32, #tpu.memory_space<vmem>> -> memref<1x128x128xf32, #tpu.memory_space<vmem>>
      %dma_wait3A_2329 = tpu.memref_squeeze %dma_wait3A_2328 : memref<1x128x128xf32, #tpu.memory_space<vmem>> -> memref<128x128xf32, #tpu.memory_space<vmem>>
      tpu.wait_dma2 semaphore(%arg16 : memref<!tpu.dma_semaphore, #tpu.memory_space<semaphore_mem>>) src(%dma_wait3A_2329 : memref<128x128xf32, #tpu.memory_space<vmem>>) dst(%dma_wait3A_2325 : memref<128x128xf32, #tpu.memory_space<hbm>>)
      %sub3A_2330 = arith.constant 100 : i32
      %sub3A_2331 = arith.subi %add3A_2279, %sub3A_2330 : i32
      %add3A_2332 = arith.constant 4 : i32
      %add3A_2333 = arith.addi %sub3A_2331, %add3A_2332 : i32
      %dma_start3A_2334 = arith.constant 2 : i32
      %dma_start3A_2335 = arith.constant 0 : i32
      %dma_start3A_2336 = arith.constant 0 : i32
      %dma_start3A_2337 = arith.constant 0 : i32
      %dma_start3A_2338 = tpu.memref_slice %arg9[%dma_start3A_2335, %dma_start3A_2336, %dma_start3A_2337] : memref<6x128x128xf32, #tpu.memory_space<vmem>> -> memref<1x128x128xf32, #tpu.memory_space<vmem>>
      %dma_start3A_2339 = tpu.memref_squeeze %dma_start3A_2338 : memref<1x128x128xf32, #tpu.memory_space<vmem>> -> memref<128x128xf32, #tpu.memory_space<vmem>>
      %dma_start3A_2340 = arith.constant 0 : i32
      %dma_start3A_2341 = tpu.memref_slice %arg8[%dma_start3A_2334, %add3A_2333, %dma_start3A_2340] : memref<4x50x128xi32, #tpu.memory_space<vmem>> -> memref<1x1x128xi32, #tpu.memory_space<vmem>>
      %dma_start3A_2342 = tpu.memref_squeeze %dma_start3A_2341 : memref<1x1x128xi32, #tpu.memory_space<vmem>> -> memref<128xi32, #tpu.memory_space<vmem>>
      %dma_start3A_2343 = arith.constant 0 : i32
      %dma_start3A_2344 = arith.constant 0 : i32
      %dma_start3A_2345 = tpu.memref_slice %arg2[%dma_start3A_2343, %dma_start3A_2344] : memref<100000x128xf32, #tpu.memory_space<hbm>> -> memref<100000x128xf32, #tpu.memory_space<hbm>>
      tpu.enqueue_indirect_dma source(%dma_start3A_2345 : memref<100000x128xf32, #tpu.memory_space<hbm>>) target(%dma_start3A_2339 : memref<128x128xf32, #tpu.memory_space<vmem>>) offsets(%dma_start3A_2342 : memref<128xi32, #tpu.memory_space<vmem>>) semaphore(%arg10 : memref<!tpu.dma_semaphore, #tpu.memory_space<semaphore_mem>>)
      %add3A_2346 = arith.constant 5 : i32
      %add3A_2347 = arith.addi %add3A_2006, %add3A_2346 : i32
      %dma_wait3A_2348 = arith.constant 0 : i32
      %dma_wait3A_2349 = arith.constant 0 : i32
      %dma_wait3A_2350 = arith.constant 3 : i32
      %dma_wait3A_2351 = arith.constant 0 : i32
      %dma_wait3A_2352 = arith.constant 0 : i32
      %dma_wait3A_2353 = tpu.memref_slice %arg9[%dma_wait3A_2350, %dma_wait3A_2351, %dma_wait3A_2352] : memref<6x128x128xf32, #tpu.memory_space<vmem>> -> memref<1x128x128xf32, #tpu.memory_space<vmem>>
      %dma_wait3A_2354 = tpu.memref_squeeze %dma_wait3A_2353 : memref<1x128x128xf32, #tpu.memory_space<vmem>> -> memref<128x128xf32, #tpu.memory_space<vmem>>
      %dma_wait3A_2355 = arith.constant 0 : i32
      %dma_wait3A_2356 = tpu.memref_slice %arg8[%dma_wait3A_2348, %dma_wait3A_2349, %dma_wait3A_2355] : memref<4x50x128xi32, #tpu.memory_space<vmem>> -> memref<1x1x128xi32, #tpu.memory_space<vmem>>
      %dma_wait3A_2357 = tpu.memref_squeeze %dma_wait3A_2356 : memref<1x1x128xi32, #tpu.memory_space<vmem>> -> memref<128xi32, #tpu.memory_space<vmem>>
      %dma_wait3A_2358 = arith.constant 0 : i32
      %dma_wait3A_2359 = arith.constant 0 : i32
      %dma_wait3A_2360 = tpu.memref_slice %arg2[%dma_wait3A_2358, %dma_wait3A_2359] : memref<100000x128xf32, #tpu.memory_space<hbm>> -> memref<100000x128xf32, #tpu.memory_space<hbm>>
      tpu.wait_indirect_dma semaphore(%arg13 : memref<!tpu.dma_semaphore, #tpu.memory_space<semaphore_mem>>) src(%dma_wait3A_2360 : memref<100000x128xf32, #tpu.memory_space<hbm>>) dst(%dma_wait3A_2354 : memref<128x128xf32, #tpu.memory_space<vmem>>)
      %sub3A_2361 = arith.constant 100 : i32
      %sub3A_2362 = arith.subi %add3A_2347, %sub3A_2361 : i32
      %mul3A_2363 = arith.constant 128 : i32
      %mul3A_2364 = arith.muli %add3A, %mul3A_2363 : i32
      %dma_start3A_2365 = arith.constant 3 : i32
      %dma_start3A_2366 = arith.constant 0 : i32
      %dma_start3A_2367 = arith.constant 0 : i32
      %dma_start3A_2368 = tpu.memref_slice %arg9[%dma_start3A_2365, %dma_start3A_2366, %dma_start3A_2367] : memref<6x128x128xf32, #tpu.memory_space<vmem>> -> memref<1x128x128xf32, #tpu.memory_space<vmem>>
      %dma_start3A_2369 = tpu.memref_squeeze %dma_start3A_2368 : memref<1x128x128xf32, #tpu.memory_space<vmem>> -> memref<128x128xf32, #tpu.memory_space<vmem>>
      %dma_start3A_2370 = arith.constant 0 : i32
      %dma_start3A_2371 = tpu.memref_slice %arg6[%sub3A_2362, %mul3A_2364, %dma_start3A_2370] : memref<50x4096x128xf32, #tpu.memory_space<hbm>> -> memref<1x128x128xf32, #tpu.memory_space<hbm>>
      %dma_start3A_2372 = tpu.memref_squeeze %dma_start3A_2371 : memref<1x128x128xf32, #tpu.memory_space<hbm>> -> memref<128x128xf32, #tpu.memory_space<hbm>>
      %dma_start3A_2373 = arith.constant 0 : i32
      %dma_start3A_2374 = tpu.memref_slice %arg6[%sub3A_2362, %mul3A_2364, %dma_start3A_2373] : memref<50x4096x128xf32, #tpu.memory_space<hbm>> -> memref<1x128x128xf32, #tpu.memory_space<hbm>>
      %dma_start3A_2375 = tpu.memref_squeeze %dma_start3A_2374 : memref<1x128x128xf32, #tpu.memory_space<hbm>> -> memref<128x128xf32, #tpu.memory_space<hbm>>
      %dma_start3A_2376 = arith.constant 0 : i32
      %dma_start3A_2377 = arith.constant 0 : i32
      %dma_start3A_2378 = tpu.memref_slice %arg9[%dma_start3A_2365, %dma_start3A_2376, %dma_start3A_2377] : memref<6x128x128xf32, #tpu.memory_space<vmem>> -> memref<1x128x128xf32, #tpu.memory_space<vmem>>
      %dma_start3A_2379 = tpu.memref_squeeze %dma_start3A_2378 : memref<1x128x128xf32, #tpu.memory_space<vmem>> -> memref<128x128xf32, #tpu.memory_space<vmem>>
      tpu.enqueue_dma source(%dma_start3A_2379 : memref<128x128xf32, #tpu.memory_space<vmem>>) target(%dma_start3A_2375 : memref<128x128xf32, #tpu.memory_space<hbm>>) target_semaphore(%arg19 : memref<!tpu.dma_semaphore, #tpu.memory_space<semaphore_mem>>)
      %dma_wait3A_2380 = arith.constant 1 : i32
      %dma_wait3A_2381 = arith.constant 0 : i32
      %dma_wait3A_2382 = arith.constant 0 : i32
      %dma_wait3A_2383 = arith.constant 0 : i32
      %dma_wait3A_2384 = tpu.memref_slice %arg9[%dma_wait3A_2380, %dma_wait3A_2382, %dma_wait3A_2383] : memref<6x128x128xf32, #tpu.memory_space<vmem>> -> memref<1x128x128xf32, #tpu.memory_space<vmem>>
      %dma_wait3A_2385 = tpu.memref_squeeze %dma_wait3A_2384 : memref<1x128x128xf32, #tpu.memory_space<vmem>> -> memref<128x128xf32, #tpu.memory_space<vmem>>
      %dma_wait3A_2386 = arith.constant 0 : i32
      %dma_wait3A_2387 = arith.constant 0 : i32
      %dma_wait3A_2388 = tpu.memref_slice %arg4[%dma_wait3A_2381, %dma_wait3A_2386, %dma_wait3A_2387] : memref<50x4096x128xf32, #tpu.memory_space<hbm>> -> memref<1x128x128xf32, #tpu.memory_space<hbm>>
      %dma_wait3A_2389 = tpu.memref_squeeze %dma_wait3A_2388 : memref<1x128x128xf32, #tpu.memory_space<hbm>> -> memref<128x128xf32, #tpu.memory_space<hbm>>
      %dma_wait3A_2390 = arith.constant 0 : i32
      %dma_wait3A_2391 = arith.constant 0 : i32
      %dma_wait3A_2392 = tpu.memref_slice %arg4[%dma_wait3A_2381, %dma_wait3A_2390, %dma_wait3A_2391] : memref<50x4096x128xf32, #tpu.memory_space<hbm>> -> memref<1x128x128xf32, #tpu.memory_space<hbm>>
      %dma_wait3A_2393 = tpu.memref_squeeze %dma_wait3A_2392 : memref<1x128x128xf32, #tpu.memory_space<hbm>> -> memref<128x128xf32, #tpu.memory_space<hbm>>
      %dma_wait3A_2394 = arith.constant 0 : i32
      %dma_wait3A_2395 = arith.constant 0 : i32
      %dma_wait3A_2396 = tpu.memref_slice %arg9[%dma_wait3A_2380, %dma_wait3A_2394, %dma_wait3A_2395] : memref<6x128x128xf32, #tpu.memory_space<vmem>> -> memref<1x128x128xf32, #tpu.memory_space<vmem>>
      %dma_wait3A_2397 = tpu.memref_squeeze %dma_wait3A_2396 : memref<1x128x128xf32, #tpu.memory_space<vmem>> -> memref<128x128xf32, #tpu.memory_space<vmem>>
      tpu.wait_dma2 semaphore(%arg17 : memref<!tpu.dma_semaphore, #tpu.memory_space<semaphore_mem>>) src(%dma_wait3A_2397 : memref<128x128xf32, #tpu.memory_space<vmem>>) dst(%dma_wait3A_2393 : memref<128x128xf32, #tpu.memory_space<hbm>>)
      %sub3A_2398 = arith.constant 100 : i32
      %sub3A_2399 = arith.subi %add3A_2347, %sub3A_2398 : i32
      %add3A_2400 = arith.constant 4 : i32
      %add3A_2401 = arith.addi %sub3A_2399, %add3A_2400 : i32
      %dma_start3A_2402 = arith.constant 2 : i32
      %dma_start3A_2403 = arith.constant 1 : i32
      %dma_start3A_2404 = arith.constant 0 : i32
      %dma_start3A_2405 = arith.constant 0 : i32
      %dma_start3A_2406 = tpu.memref_slice %arg9[%dma_start3A_2403, %dma_start3A_2404, %dma_start3A_2405] : memref<6x128x128xf32, #tpu.memory_space<vmem>> -> memref<1x128x128xf32, #tpu.memory_space<vmem>>
      %dma_start3A_2407 = tpu.memref_squeeze %dma_start3A_2406 : memref<1x128x128xf32, #tpu.memory_space<vmem>> -> memref<128x128xf32, #tpu.memory_space<vmem>>
      %dma_start3A_2408 = arith.constant 0 : i32
      %dma_start3A_2409 = tpu.memref_slice %arg8[%dma_start3A_2402, %add3A_2401, %dma_start3A_2408] : memref<4x50x128xi32, #tpu.memory_space<vmem>> -> memref<1x1x128xi32, #tpu.memory_space<vmem>>
      %dma_start3A_2410 = tpu.memref_squeeze %dma_start3A_2409 : memref<1x1x128xi32, #tpu.memory_space<vmem>> -> memref<128xi32, #tpu.memory_space<vmem>>
      %dma_start3A_2411 = arith.constant 0 : i32
      %dma_start3A_2412 = arith.constant 0 : i32
      %dma_start3A_2413 = tpu.memref_slice %arg2[%dma_start3A_2411, %dma_start3A_2412] : memref<100000x128xf32, #tpu.memory_space<hbm>> -> memref<100000x128xf32, #tpu.memory_space<hbm>>
      tpu.enqueue_indirect_dma source(%dma_start3A_2413 : memref<100000x128xf32, #tpu.memory_space<hbm>>) target(%dma_start3A_2407 : memref<128x128xf32, #tpu.memory_space<vmem>>) offsets(%dma_start3A_2410 : memref<128xi32, #tpu.memory_space<vmem>>) semaphore(%arg11 : memref<!tpu.dma_semaphore, #tpu.memory_space<semaphore_mem>>)
    }
    %scan3A_1020 = arith.constant 7 : i32
    %dma_wait3A_1021 = arith.constant 0 : i32
    %dma_wait3A_1022 = arith.constant 0 : i32
    %dma_wait3A_1023 = arith.constant 4 : i32
    %dma_wait3A_1024 = arith.constant 0 : i32
    %dma_wait3A_1025 = arith.constant 0 : i32
    %dma_wait3A_1026 = tpu.memref_slice %arg9[%dma_wait3A_1023, %dma_wait3A_1024, %dma_wait3A_1025] : memref<6x128x128xf32, #tpu.memory_space<vmem>> -> memref<1x128x128xf32, #tpu.memory_space<vmem>>
    %dma_wait3A_1027 = tpu.memref_squeeze %dma_wait3A_1026 : memref<1x128x128xf32, #tpu.memory_space<vmem>> -> memref<128x128xf32, #tpu.memory_space<vmem>>
    %dma_wait3A_1028 = arith.constant 0 : i32
    %dma_wait3A_1029 = tpu.memref_slice %arg8[%dma_wait3A_1021, %dma_wait3A_1022, %dma_wait3A_1028] : memref<4x50x128xi32, #tpu.memory_space<vmem>> -> memref<1x1x128xi32, #tpu.memory_space<vmem>>
    %dma_wait3A_1030 = tpu.memref_squeeze %dma_wait3A_1029 : memref<1x1x128xi32, #tpu.memory_space<vmem>> -> memref<128xi32, #tpu.memory_space<vmem>>
    %dma_wait3A_1031 = arith.constant 0 : i32
    %dma_wait3A_1032 = arith.constant 0 : i32
    %dma_wait3A_1033 = tpu.memref_slice %arg2[%dma_wait3A_1031, %dma_wait3A_1032] : memref<100000x128xf32, #tpu.memory_space<hbm>> -> memref<100000x128xf32, #tpu.memory_space<hbm>>
    tpu.wait_indirect_dma semaphore(%arg14 : memref<!tpu.dma_semaphore, #tpu.memory_space<semaphore_mem>>) src(%dma_wait3A_1033 : memref<100000x128xf32, #tpu.memory_space<hbm>>) dst(%dma_wait3A_1027 : memref<128x128xf32, #tpu.memory_space<vmem>>)
    %mul3A_1034 = arith.constant 128 : i32
    %mul3A_1035 = arith.muli %add3A, %mul3A_1034 : i32
    %dma_start3A_1036 = arith.constant 4 : i32
    %dma_start3A_1037 = arith.constant 42 : i32
    %dma_start3A_1038 = arith.constant 0 : i32
    %dma_start3A_1039 = arith.constant 0 : i32
    %dma_start3A_1040 = tpu.memref_slice %arg9[%dma_start3A_1036, %dma_start3A_1038, %dma_start3A_1039] : memref<6x128x128xf32, #tpu.memory_space<vmem>> -> memref<1x128x128xf32, #tpu.memory_space<vmem>>
    %dma_start3A_1041 = tpu.memref_squeeze %dma_start3A_1040 : memref<1x128x128xf32, #tpu.memory_space<vmem>> -> memref<128x128xf32, #tpu.memory_space<vmem>>
    %dma_start3A_1042 = arith.constant 0 : i32
    %dma_start3A_1043 = tpu.memref_slice %arg6[%dma_start3A_1037, %mul3A_1035, %dma_start3A_1042] : memref<50x4096x128xf32, #tpu.memory_space<hbm>> -> memref<1x128x128xf32, #tpu.memory_space<hbm>>
    %dma_start3A_1044 = tpu.memref_squeeze %dma_start3A_1043 : memref<1x128x128xf32, #tpu.memory_space<hbm>> -> memref<128x128xf32, #tpu.memory_space<hbm>>
    %dma_start3A_1045 = arith.constant 0 : i32
    %dma_start3A_1046 = tpu.memref_slice %arg6[%dma_start3A_1037, %mul3A_1035, %dma_start3A_1045] : memref<50x4096x128xf32, #tpu.memory_space<hbm>> -> memref<1x128x128xf32, #tpu.memory_space<hbm>>
    %dma_start3A_1047 = tpu.memref_squeeze %dma_start3A_1046 : memref<1x128x128xf32, #tpu.memory_space<hbm>> -> memref<128x128xf32, #tpu.memory_space<hbm>>
    %dma_start3A_1048 = arith.constant 0 : i32
    %dma_start3A_1049 = arith.constant 0 : i32
    %dma_start3A_1050 = tpu.memref_slice %arg9[%dma_start3A_1036, %dma_start3A_1048, %dma_start3A_1049] : memref<6x128x128xf32, #tpu.memory_space<vmem>> -> memref<1x128x128xf32, #tpu.memory_space<vmem>>
    %dma_start3A_1051 = tpu.memref_squeeze %dma_start3A_1050 : memref<1x128x128xf32, #tpu.memory_space<vmem>> -> memref<128x128xf32, #tpu.memory_space<vmem>>
    tpu.enqueue_dma source(%dma_start3A_1051 : memref<128x128xf32, #tpu.memory_space<vmem>>) target(%dma_start3A_1047 : memref<128x128xf32, #tpu.memory_space<hbm>>) target_semaphore(%arg20 : memref<!tpu.dma_semaphore, #tpu.memory_space<semaphore_mem>>)
    %dma_wait3A_1052 = arith.constant 2 : i32
    %dma_wait3A_1053 = arith.constant 0 : i32
    %dma_wait3A_1054 = arith.constant 0 : i32
    %dma_wait3A_1055 = arith.constant 0 : i32
    %dma_wait3A_1056 = tpu.memref_slice %arg9[%dma_wait3A_1052, %dma_wait3A_1054, %dma_wait3A_1055] : memref<6x128x128xf32, #tpu.memory_space<vmem>> -> memref<1x128x128xf32, #tpu.memory_space<vmem>>
    %dma_wait3A_1057 = tpu.memref_squeeze %dma_wait3A_1056 : memref<1x128x128xf32, #tpu.memory_space<vmem>> -> memref<128x128xf32, #tpu.memory_space<vmem>>
    %dma_wait3A_1058 = arith.constant 0 : i32
    %dma_wait3A_1059 = arith.constant 0 : i32
    %dma_wait3A_1060 = tpu.memref_slice %arg4[%dma_wait3A_1053, %dma_wait3A_1058, %dma_wait3A_1059] : memref<50x4096x128xf32, #tpu.memory_space<hbm>> -> memref<1x128x128xf32, #tpu.memory_space<hbm>>
    %dma_wait3A_1061 = tpu.memref_squeeze %dma_wait3A_1060 : memref<1x128x128xf32, #tpu.memory_space<hbm>> -> memref<128x128xf32, #tpu.memory_space<hbm>>
    %dma_wait3A_1062 = arith.constant 0 : i32
    %dma_wait3A_1063 = arith.constant 0 : i32
    %dma_wait3A_1064 = tpu.memref_slice %arg4[%dma_wait3A_1053, %dma_wait3A_1062, %dma_wait3A_1063] : memref<50x4096x128xf32, #tpu.memory_space<hbm>> -> memref<1x128x128xf32, #tpu.memory_space<hbm>>
    %dma_wait3A_1065 = tpu.memref_squeeze %dma_wait3A_1064 : memref<1x128x128xf32, #tpu.memory_space<hbm>> -> memref<128x128xf32, #tpu.memory_space<hbm>>
    %dma_wait3A_1066 = arith.constant 0 : i32
    %dma_wait3A_1067 = arith.constant 0 : i32
    %dma_wait3A_1068 = tpu.memref_slice %arg9[%dma_wait3A_1052, %dma_wait3A_1066, %dma_wait3A_1067] : memref<6x128x128xf32, #tpu.memory_space<vmem>> -> memref<1x128x128xf32, #tpu.memory_space<vmem>>
    %dma_wait3A_1069 = tpu.memref_squeeze %dma_wait3A_1068 : memref<1x128x128xf32, #tpu.memory_space<vmem>> -> memref<128x128xf32, #tpu.memory_space<vmem>>
    tpu.wait_dma2 semaphore(%arg18 : memref<!tpu.dma_semaphore, #tpu.memory_space<semaphore_mem>>) src(%dma_wait3A_1069 : memref<128x128xf32, #tpu.memory_space<vmem>>) dst(%dma_wait3A_1065 : memref<128x128xf32, #tpu.memory_space<hbm>>)
    %dma_start3A_1070 = arith.constant 2 : i32
    %dma_start3A_1071 = arith.constant 46 : i32
    %dma_start3A_1072 = arith.constant 2 : i32
    %dma_start3A_1073 = arith.constant 0 : i32
    %dma_start3A_1074 = arith.constant 0 : i32
    %dma_start3A_1075 = tpu.memref_slice %arg9[%dma_start3A_1072, %dma_start3A_1073, %dma_start3A_1074] : memref<6x128x128xf32, #tpu.memory_space<vmem>> -> memref<1x128x128xf32, #tpu.memory_space<vmem>>
    %dma_start3A_1076 = tpu.memref_squeeze %dma_start3A_1075 : memref<1x128x128xf32, #tpu.memory_space<vmem>> -> memref<128x128xf32, #tpu.memory_space<vmem>>
    %dma_start3A_1077 = arith.constant 0 : i32
    %dma_start3A_1078 = tpu.memref_slice %arg8[%dma_start3A_1070, %dma_start3A_1071, %dma_start3A_1077] : memref<4x50x128xi32, #tpu.memory_space<vmem>> -> memref<1x1x128xi32, #tpu.memory_space<vmem>>
    %dma_start3A_1079 = tpu.memref_squeeze %dma_start3A_1078 : memref<1x1x128xi32, #tpu.memory_space<vmem>> -> memref<128xi32, #tpu.memory_space<vmem>>
    %dma_start3A_1080 = arith.constant 0 : i32
    %dma_start3A_1081 = arith.constant 0 : i32
    %dma_start3A_1082 = tpu.memref_slice %arg2[%dma_start3A_1080, %dma_start3A_1081] : memref<100000x128xf32, #tpu.memory_space<hbm>> -> memref<100000x128xf32, #tpu.memory_space<hbm>>
    tpu.enqueue_indirect_dma source(%dma_start3A_1082 : memref<100000x128xf32, #tpu.memory_space<hbm>>) target(%dma_start3A_1076 : memref<128x128xf32, #tpu.memory_space<vmem>>) offsets(%dma_start3A_1079 : memref<128xi32, #tpu.memory_space<vmem>>) semaphore(%arg12 : memref<!tpu.dma_semaphore, #tpu.memory_space<semaphore_mem>>)
    %dma_wait3A_1083 = arith.constant 0 : i32
    %dma_wait3A_1084 = arith.constant 0 : i32
    %dma_wait3A_1085 = arith.constant 5 : i32
    %dma_wait3A_1086 = arith.constant 0 : i32
    %dma_wait3A_1087 = arith.constant 0 : i32
    %dma_wait3A_1088 = tpu.memref_slice %arg9[%dma_wait3A_1085, %dma_wait3A_1086, %dma_wait3A_1087] : memref<6x128x128xf32, #tpu.memory_space<vmem>> -> memref<1x128x128xf32, #tpu.memory_space<vmem>>
    %dma_wait3A_1089 = tpu.memref_squeeze %dma_wait3A_1088 : memref<1x128x128xf32, #tpu.memory_space<vmem>> -> memref<128x128xf32, #tpu.memory_space<vmem>>
    %dma_wait3A_1090 = arith.constant 0 : i32
    %dma_wait3A_1091 = tpu.memref_slice %arg8[%dma_wait3A_1083, %dma_wait3A_1084, %dma_wait3A_1090] : memref<4x50x128xi32, #tpu.memory_space<vmem>> -> memref<1x1x128xi32, #tpu.memory_space<vmem>>
    %dma_wait3A_1092 = tpu.memref_squeeze %dma_wait3A_1091 : memref<1x1x128xi32, #tpu.memory_space<vmem>> -> memref<128xi32, #tpu.memory_space<vmem>>
    %dma_wait3A_1093 = arith.constant 0 : i32
    %dma_wait3A_1094 = arith.constant 0 : i32
    %dma_wait3A_1095 = tpu.memref_slice %arg2[%dma_wait3A_1093, %dma_wait3A_1094] : memref<100000x128xf32, #tpu.memory_space<hbm>> -> memref<100000x128xf32, #tpu.memory_space<hbm>>
    tpu.wait_indirect_dma semaphore(%arg15 : memref<!tpu.dma_semaphore, #tpu.memory_space<semaphore_mem>>) src(%dma_wait3A_1095 : memref<100000x128xf32, #tpu.memory_space<hbm>>) dst(%dma_wait3A_1089 : memref<128x128xf32, #tpu.memory_space<vmem>>)
    %mul3A_1096 = arith.constant 128 : i32
    %mul3A_1097 = arith.muli %add3A, %mul3A_1096 : i32
    %dma_start3A_1098 = arith.constant 5 : i32
    %dma_start3A_1099 = arith.constant 43 : i32
    %dma_start3A_1100 = arith.constant 0 : i32
    %dma_start3A_1101 = arith.constant 0 : i32
    %dma_start3A_1102 = tpu.memref_slice %arg9[%dma_start3A_1098, %dma_start3A_1100, %dma_start3A_1101] : memref<6x128x128xf32, #tpu.memory_space<vmem>> -> memref<1x128x128xf32, #tpu.memory_space<vmem>>
    %dma_start3A_1103 = tpu.memref_squeeze %dma_start3A_1102 : memref<1x128x128xf32, #tpu.memory_space<vmem>> -> memref<128x128xf32, #tpu.memory_space<vmem>>
    %dma_start3A_1104 = arith.constant 0 : i32
    %dma_start3A_1105 = tpu.memref_slice %arg6[%dma_start3A_1099, %mul3A_1097, %dma_start3A_1104] : memref<50x4096x128xf32, #tpu.memory_space<hbm>> -> memref<1x128x128xf32, #tpu.memory_space<hbm>>
    %dma_start3A_1106 = tpu.memref_squeeze %dma_start3A_1105 : memref<1x128x128xf32, #tpu.memory_space<hbm>> -> memref<128x128xf32, #tpu.memory_space<hbm>>
    %dma_start3A_1107 = arith.constant 0 : i32
    %dma_start3A_1108 = tpu.memref_slice %arg6[%dma_start3A_1099, %mul3A_1097, %dma_start3A_1107] : memref<50x4096x128xf32, #tpu.memory_space<hbm>> -> memref<1x128x128xf32, #tpu.memory_space<hbm>>
    %dma_start3A_1109 = tpu.memref_squeeze %dma_start3A_1108 : memref<1x128x128xf32, #tpu.memory_space<hbm>> -> memref<128x128xf32, #tpu.memory_space<hbm>>
    %dma_start3A_1110 = arith.constant 0 : i32
    %dma_start3A_1111 = arith.constant 0 : i32
    %dma_start3A_1112 = tpu.memref_slice %arg9[%dma_start3A_1098, %dma_start3A_1110, %dma_start3A_1111] : memref<6x128x128xf32, #tpu.memory_space<vmem>> -> memref<1x128x128xf32, #tpu.memory_space<vmem>>
    %dma_start3A_1113 = tpu.memref_squeeze %dma_start3A_1112 : memref<1x128x128xf32, #tpu.memory_space<vmem>> -> memref<128x128xf32, #tpu.memory_space<vmem>>
    tpu.enqueue_dma source(%dma_start3A_1113 : memref<128x128xf32, #tpu.memory_space<vmem>>) target(%dma_start3A_1109 : memref<128x128xf32, #tpu.memory_space<hbm>>) target_semaphore(%arg21 : memref<!tpu.dma_semaphore, #tpu.memory_space<semaphore_mem>>)
    %dma_wait3A_1114 = arith.constant 3 : i32
    %dma_wait3A_1115 = arith.constant 0 : i32
    %dma_wait3A_1116 = arith.constant 0 : i32
    %dma_wait3A_1117 = arith.constant 0 : i32
    %dma_wait3A_1118 = tpu.memref_slice %arg9[%dma_wait3A_1114, %dma_wait3A_1116, %dma_wait3A_1117] : memref<6x128x128xf32, #tpu.memory_space<vmem>> -> memref<1x128x128xf32, #tpu.memory_space<vmem>>
    %dma_wait3A_1119 = tpu.memref_squeeze %dma_wait3A_1118 : memref<1x128x128xf32, #tpu.memory_space<vmem>> -> memref<128x128xf32, #tpu.memory_space<vmem>>
    %dma_wait3A_1120 = arith.constant 0 : i32
    %dma_wait3A_1121 = arith.constant 0 : i32
    %dma_wait3A_1122 = tpu.memref_slice %arg4[%dma_wait3A_1115, %dma_wait3A_1120, %dma_wait3A_1121] : memref<50x4096x128xf32, #tpu.memory_space<hbm>> -> memref<1x128x128xf32, #tpu.memory_space<hbm>>
    %dma_wait3A_1123 = tpu.memref_squeeze %dma_wait3A_1122 : memref<1x128x128xf32, #tpu.memory_space<hbm>> -> memref<128x128xf32, #tpu.memory_space<hbm>>
    %dma_wait3A_1124 = arith.constant 0 : i32
    %dma_wait3A_1125 = arith.constant 0 : i32
    %dma_wait3A_1126 = tpu.memref_slice %arg4[%dma_wait3A_1115, %dma_wait3A_1124, %dma_wait3A_1125] : memref<50x4096x128xf32, #tpu.memory_space<hbm>> -> memref<1x128x128xf32, #tpu.memory_space<hbm>>
    %dma_wait3A_1127 = tpu.memref_squeeze %dma_wait3A_1126 : memref<1x128x128xf32, #tpu.memory_space<hbm>> -> memref<128x128xf32, #tpu.memory_space<hbm>>
    %dma_wait3A_1128 = arith.constant 0 : i32
    %dma_wait3A_1129 = arith.constant 0 : i32
    %dma_wait3A_1130 = tpu.memref_slice %arg9[%dma_wait3A_1114, %dma_wait3A_1128, %dma_wait3A_1129] : memref<6x128x128xf32, #tpu.memory_space<vmem>> -> memref<1x128x128xf32, #tpu.memory_space<vmem>>
    %dma_wait3A_1131 = tpu.memref_squeeze %dma_wait3A_1130 : memref<1x128x128xf32, #tpu.memory_space<vmem>> -> memref<128x128xf32, #tpu.memory_space<vmem>>
    tpu.wait_dma2 semaphore(%arg19 : memref<!tpu.dma_semaphore, #tpu.memory_space<semaphore_mem>>) src(%dma_wait3A_1131 : memref<128x128xf32, #tpu.memory_space<vmem>>) dst(%dma_wait3A_1127 : memref<128x128xf32, #tpu.memory_space<hbm>>)
    %dma_start3A_1132 = arith.constant 2 : i32
    %dma_start3A_1133 = arith.constant 47 : i32
    %dma_start3A_1134 = arith.constant 3 : i32
    %dma_start3A_1135 = arith.constant 0 : i32
    %dma_start3A_1136 = arith.constant 0 : i32
    %dma_start3A_1137 = tpu.memref_slice %arg9[%dma_start3A_1134, %dma_start3A_1135, %dma_start3A_1136] : memref<6x128x128xf32, #tpu.memory_space<vmem>> -> memref<1x128x128xf32, #tpu.memory_space<vmem>>
    %dma_start3A_1138 = tpu.memref_squeeze %dma_start3A_1137 : memref<1x128x128xf32, #tpu.memory_space<vmem>> -> memref<128x128xf32, #tpu.memory_space<vmem>>
    %dma_start3A_1139 = arith.constant 0 : i32
    %dma_start3A_1140 = tpu.memref_slice %arg8[%dma_start3A_1132, %dma_start3A_1133, %dma_start3A_1139] : memref<4x50x128xi32, #tpu.memory_space<vmem>> -> memref<1x1x128xi32, #tpu.memory_space<vmem>>
    %dma_start3A_1141 = tpu.memref_squeeze %dma_start3A_1140 : memref<1x1x128xi32, #tpu.memory_space<vmem>> -> memref<128xi32, #tpu.memory_space<vmem>>
    %dma_start3A_1142 = arith.constant 0 : i32
    %dma_start3A_1143 = arith.constant 0 : i32
    %dma_start3A_1144 = tpu.memref_slice %arg2[%dma_start3A_1142, %dma_start3A_1143] : memref<100000x128xf32, #tpu.memory_space<hbm>> -> memref<100000x128xf32, #tpu.memory_space<hbm>>
    tpu.enqueue_indirect_dma source(%dma_start3A_1144 : memref<100000x128xf32, #tpu.memory_space<hbm>>) target(%dma_start3A_1138 : memref<128x128xf32, #tpu.memory_space<vmem>>) offsets(%dma_start3A_1141 : memref<128xi32, #tpu.memory_space<vmem>>) semaphore(%arg13 : memref<!tpu.dma_semaphore, #tpu.memory_space<semaphore_mem>>)
    %dma_wait3A_1145 = arith.constant 0 : i32
    %dma_wait3A_1146 = arith.constant 0 : i32
    %dma_wait3A_1147 = arith.constant 0 : i32
    %dma_wait3A_1148 = arith.constant 0 : i32
    %dma_wait3A_1149 = arith.constant 0 : i32
    %dma_wait3A_1150 = tpu.memref_slice %arg9[%dma_wait3A_1147, %dma_wait3A_1148, %dma_wait3A_1149] : memref<6x128x128xf32, #tpu.memory_space<vmem>> -> memref<1x128x128xf32, #tpu.memory_space<vmem>>
    %dma_wait3A_1151 = tpu.memref_squeeze %dma_wait3A_1150 : memref<1x128x128xf32, #tpu.memory_space<vmem>> -> memref<128x128xf32, #tpu.memory_space<vmem>>
    %dma_wait3A_1152 = arith.constant 0 : i32
    %dma_wait3A_1153 = tpu.memref_slice %arg8[%dma_wait3A_1145, %dma_wait3A_1146, %dma_wait3A_1152] : memref<4x50x128xi32, #tpu.memory_space<vmem>> -> memref<1x1x128xi32, #tpu.memory_space<vmem>>
    %dma_wait3A_1154 = tpu.memref_squeeze %dma_wait3A_1153 : memref<1x1x128xi32, #tpu.memory_space<vmem>> -> memref<128xi32, #tpu.memory_space<vmem>>
    %dma_wait3A_1155 = arith.constant 0 : i32
    %dma_wait3A_1156 = arith.constant 0 : i32
    %dma_wait3A_1157 = tpu.memref_slice %arg2[%dma_wait3A_1155, %dma_wait3A_1156] : memref<100000x128xf32, #tpu.memory_space<hbm>> -> memref<100000x128xf32, #tpu.memory_space<hbm>>
    tpu.wait_indirect_dma semaphore(%arg10 : memref<!tpu.dma_semaphore, #tpu.memory_space<semaphore_mem>>) src(%dma_wait3A_1157 : memref<100000x128xf32, #tpu.memory_space<hbm>>) dst(%dma_wait3A_1151 : memref<128x128xf32, #tpu.memory_space<vmem>>)
    %mul3A_1158 = arith.constant 128 : i32
    %mul3A_1159 = arith.muli %add3A, %mul3A_1158 : i32
    %dma_start3A_1160 = arith.constant 0 : i32
    %dma_start3A_1161 = arith.constant 44 : i32
    %dma_start3A_1162 = arith.constant 0 : i32
    %dma_start3A_1163 = arith.constant 0 : i32
    %dma_start3A_1164 = tpu.memref_slice %arg9[%dma_start3A_1160, %dma_start3A_1162, %dma_start3A_1163] : memref<6x128x128xf32, #tpu.memory_space<vmem>> -> memref<1x128x128xf32, #tpu.memory_space<vmem>>
    %dma_start3A_1165 = tpu.memref_squeeze %dma_start3A_1164 : memref<1x128x128xf32, #tpu.memory_space<vmem>> -> memref<128x128xf32, #tpu.memory_space<vmem>>
    %dma_start3A_1166 = arith.constant 0 : i32
    %dma_start3A_1167 = tpu.memref_slice %arg6[%dma_start3A_1161, %mul3A_1159, %dma_start3A_1166] : memref<50x4096x128xf32, #tpu.memory_space<hbm>> -> memref<1x128x128xf32, #tpu.memory_space<hbm>>
    %dma_start3A_1168 = tpu.memref_squeeze %dma_start3A_1167 : memref<1x128x128xf32, #tpu.memory_space<hbm>> -> memref<128x128xf32, #tpu.memory_space<hbm>>
    %dma_start3A_1169 = arith.constant 0 : i32
    %dma_start3A_1170 = tpu.memref_slice %arg6[%dma_start3A_1161, %mul3A_1159, %dma_start3A_1169] : memref<50x4096x128xf32, #tpu.memory_space<hbm>> -> memref<1x128x128xf32, #tpu.memory_space<hbm>>
    %dma_start3A_1171 = tpu.memref_squeeze %dma_start3A_1170 : memref<1x128x128xf32, #tpu.memory_space<hbm>> -> memref<128x128xf32, #tpu.memory_space<hbm>>
    %dma_start3A_1172 = arith.constant 0 : i32
    %dma_start3A_1173 = arith.constant 0 : i32
    %dma_start3A_1174 = tpu.memref_slice %arg9[%dma_start3A_1160, %dma_start3A_1172, %dma_start3A_1173] : memref<6x128x128xf32, #tpu.memory_space<vmem>> -> memref<1x128x128xf32, #tpu.memory_space<vmem>>
    %dma_start3A_1175 = tpu.memref_squeeze %dma_start3A_1174 : memref<1x128x128xf32, #tpu.memory_space<vmem>> -> memref<128x128xf32, #tpu.memory_space<vmem>>
    tpu.enqueue_dma source(%dma_start3A_1175 : memref<128x128xf32, #tpu.memory_space<vmem>>) target(%dma_start3A_1171 : memref<128x128xf32, #tpu.memory_space<hbm>>) target_semaphore(%arg16 : memref<!tpu.dma_semaphore, #tpu.memory_space<semaphore_mem>>)
    %dma_wait3A_1176 = arith.constant 4 : i32
    %dma_wait3A_1177 = arith.constant 0 : i32
    %dma_wait3A_1178 = arith.constant 0 : i32
    %dma_wait3A_1179 = arith.constant 0 : i32
    %dma_wait3A_1180 = tpu.memref_slice %arg9[%dma_wait3A_1176, %dma_wait3A_1178, %dma_wait3A_1179] : memref<6x128x128xf32, #tpu.memory_space<vmem>> -> memref<1x128x128xf32, #tpu.memory_space<vmem>>
    %dma_wait3A_1181 = tpu.memref_squeeze %dma_wait3A_1180 : memref<1x128x128xf32, #tpu.memory_space<vmem>> -> memref<128x128xf32, #tpu.memory_space<vmem>>
    %dma_wait3A_1182 = arith.constant 0 : i32
    %dma_wait3A_1183 = arith.constant 0 : i32
    %dma_wait3A_1184 = tpu.memref_slice %arg4[%dma_wait3A_1177, %dma_wait3A_1182, %dma_wait3A_1183] : memref<50x4096x128xf32, #tpu.memory_space<hbm>> -> memref<1x128x128xf32, #tpu.memory_space<hbm>>
    %dma_wait3A_1185 = tpu.memref_squeeze %dma_wait3A_1184 : memref<1x128x128xf32, #tpu.memory_space<hbm>> -> memref<128x128xf32, #tpu.memory_space<hbm>>
    %dma_wait3A_1186 = arith.constant 0 : i32
    %dma_wait3A_1187 = arith.constant 0 : i32
    %dma_wait3A_1188 = tpu.memref_slice %arg4[%dma_wait3A_1177, %dma_wait3A_1186, %dma_wait3A_1187] : memref<50x4096x128xf32, #tpu.memory_space<hbm>> -> memref<1x128x128xf32, #tpu.memory_space<hbm>>
    %dma_wait3A_1189 = tpu.memref_squeeze %dma_wait3A_1188 : memref<1x128x128xf32, #tpu.memory_space<hbm>> -> memref<128x128xf32, #tpu.memory_space<hbm>>
    %dma_wait3A_1190 = arith.constant 0 : i32
    %dma_wait3A_1191 = arith.constant 0 : i32
    %dma_wait3A_1192 = tpu.memref_slice %arg9[%dma_wait3A_1176, %dma_wait3A_1190, %dma_wait3A_1191] : memref<6x128x128xf32, #tpu.memory_space<vmem>> -> memref<1x128x128xf32, #tpu.memory_space<vmem>>
    %dma_wait3A_1193 = tpu.memref_squeeze %dma_wait3A_1192 : memref<1x128x128xf32, #tpu.memory_space<vmem>> -> memref<128x128xf32, #tpu.memory_space<vmem>>
    tpu.wait_dma2 semaphore(%arg20 : memref<!tpu.dma_semaphore, #tpu.memory_space<semaphore_mem>>) src(%dma_wait3A_1193 : memref<128x128xf32, #tpu.memory_space<vmem>>) dst(%dma_wait3A_1189 : memref<128x128xf32, #tpu.memory_space<hbm>>)
    %dma_start3A_1194 = arith.constant 2 : i32
    %dma_start3A_1195 = arith.constant 48 : i32
    %dma_start3A_1196 = arith.constant 4 : i32
    %dma_start3A_1197 = arith.constant 0 : i32
    %dma_start3A_1198 = arith.constant 0 : i32
    %dma_start3A_1199 = tpu.memref_slice %arg9[%dma_start3A_1196, %dma_start3A_1197, %dma_start3A_1198] : memref<6x128x128xf32, #tpu.memory_space<vmem>> -> memref<1x128x128xf32, #tpu.memory_space<vmem>>
    %dma_start3A_1200 = tpu.memref_squeeze %dma_start3A_1199 : memref<1x128x128xf32, #tpu.memory_space<vmem>> -> memref<128x128xf32, #tpu.memory_space<vmem>>
    %dma_start3A_1201 = arith.constant 0 : i32
    %dma_start3A_1202 = tpu.memref_slice %arg8[%dma_start3A_1194, %dma_start3A_1195, %dma_start3A_1201] : memref<4x50x128xi32, #tpu.memory_space<vmem>> -> memref<1x1x128xi32, #tpu.memory_space<vmem>>
    %dma_start3A_1203 = tpu.memref_squeeze %dma_start3A_1202 : memref<1x1x128xi32, #tpu.memory_space<vmem>> -> memref<128xi32, #tpu.memory_space<vmem>>
    %dma_start3A_1204 = arith.constant 0 : i32
    %dma_start3A_1205 = arith.constant 0 : i32
    %dma_start3A_1206 = tpu.memref_slice %arg2[%dma_start3A_1204, %dma_start3A_1205] : memref<100000x128xf32, #tpu.memory_space<hbm>> -> memref<100000x128xf32, #tpu.memory_space<hbm>>
    tpu.enqueue_indirect_dma source(%dma_start3A_1206 : memref<100000x128xf32, #tpu.memory_space<hbm>>) target(%dma_start3A_1200 : memref<128x128xf32, #tpu.memory_space<vmem>>) offsets(%dma_start3A_1203 : memref<128xi32, #tpu.memory_space<vmem>>) semaphore(%arg14 : memref<!tpu.dma_semaphore, #tpu.memory_space<semaphore_mem>>)
    %dma_wait3A_1207 = arith.constant 0 : i32
    %dma_wait3A_1208 = arith.constant 0 : i32
    %dma_wait3A_1209 = arith.constant 1 : i32
    %dma_wait3A_1210 = arith.constant 0 : i32
    %dma_wait3A_1211 = arith.constant 0 : i32
    %dma_wait3A_1212 = tpu.memref_slice %arg9[%dma_wait3A_1209, %dma_wait3A_1210, %dma_wait3A_1211] : memref<6x128x128xf32, #tpu.memory_space<vmem>> -> memref<1x128x128xf32, #tpu.memory_space<vmem>>
    %dma_wait3A_1213 = tpu.memref_squeeze %dma_wait3A_1212 : memref<1x128x128xf32, #tpu.memory_space<vmem>> -> memref<128x128xf32, #tpu.memory_space<vmem>>
    %dma_wait3A_1214 = arith.constant 0 : i32
    %dma_wait3A_1215 = tpu.memref_slice %arg8[%dma_wait3A_1207, %dma_wait3A_1208, %dma_wait3A_1214] : memref<4x50x128xi32, #tpu.memory_space<vmem>> -> memref<1x1x128xi32, #tpu.memory_space<vmem>>
    %dma_wait3A_1216 = tpu.memref_squeeze %dma_wait3A_1215 : memref<1x1x128xi32, #tpu.memory_space<vmem>> -> memref<128xi32, #tpu.memory_space<vmem>>
    %dma_wait3A_1217 = arith.constant 0 : i32
    %dma_wait3A_1218 = arith.constant 0 : i32
    %dma_wait3A_1219 = tpu.memref_slice %arg2[%dma_wait3A_1217, %dma_wait3A_1218] : memref<100000x128xf32, #tpu.memory_space<hbm>> -> memref<100000x128xf32, #tpu.memory_space<hbm>>
    tpu.wait_indirect_dma semaphore(%arg11 : memref<!tpu.dma_semaphore, #tpu.memory_space<semaphore_mem>>) src(%dma_wait3A_1219 : memref<100000x128xf32, #tpu.memory_space<hbm>>) dst(%dma_wait3A_1213 : memref<128x128xf32, #tpu.memory_space<vmem>>)
    %mul3A_1220 = arith.constant 128 : i32
    %mul3A_1221 = arith.muli %add3A, %mul3A_1220 : i32
    %dma_start3A_1222 = arith.constant 1 : i32
    %dma_start3A_1223 = arith.constant 45 : i32
    %dma_start3A_1224 = arith.constant 0 : i32
    %dma_start3A_1225 = arith.constant 0 : i32
    %dma_start3A_1226 = tpu.memref_slice %arg9[%dma_start3A_1222, %dma_start3A_1224, %dma_start3A_1225] : memref<6x128x128xf32, #tpu.memory_space<vmem>> -> memref<1x128x128xf32, #tpu.memory_space<vmem>>
    %dma_start3A_1227 = tpu.memref_squeeze %dma_start3A_1226 : memref<1x128x128xf32, #tpu.memory_space<vmem>> -> memref<128x128xf32, #tpu.memory_space<vmem>>
    %dma_start3A_1228 = arith.constant 0 : i32
    %dma_start3A_1229 = tpu.memref_slice %arg6[%dma_start3A_1223, %mul3A_1221, %dma_start3A_1228] : memref<50x4096x128xf32, #tpu.memory_space<hbm>> -> memref<1x128x128xf32, #tpu.memory_space<hbm>>
    %dma_start3A_1230 = tpu.memref_squeeze %dma_start3A_1229 : memref<1x128x128xf32, #tpu.memory_space<hbm>> -> memref<128x128xf32, #tpu.memory_space<hbm>>
    %dma_start3A_1231 = arith.constant 0 : i32
    %dma_start3A_1232 = tpu.memref_slice %arg6[%dma_start3A_1223, %mul3A_1221, %dma_start3A_1231] : memref<50x4096x128xf32, #tpu.memory_space<hbm>> -> memref<1x128x128xf32, #tpu.memory_space<hbm>>
    %dma_start3A_1233 = tpu.memref_squeeze %dma_start3A_1232 : memref<1x128x128xf32, #tpu.memory_space<hbm>> -> memref<128x128xf32, #tpu.memory_space<hbm>>
    %dma_start3A_1234 = arith.constant 0 : i32
    %dma_start3A_1235 = arith.constant 0 : i32
    %dma_start3A_1236 = tpu.memref_slice %arg9[%dma_start3A_1222, %dma_start3A_1234, %dma_start3A_1235] : memref<6x128x128xf32, #tpu.memory_space<vmem>> -> memref<1x128x128xf32, #tpu.memory_space<vmem>>
    %dma_start3A_1237 = tpu.memref_squeeze %dma_start3A_1236 : memref<1x128x128xf32, #tpu.memory_space<vmem>> -> memref<128x128xf32, #tpu.memory_space<vmem>>
    tpu.enqueue_dma source(%dma_start3A_1237 : memref<128x128xf32, #tpu.memory_space<vmem>>) target(%dma_start3A_1233 : memref<128x128xf32, #tpu.memory_space<hbm>>) target_semaphore(%arg17 : memref<!tpu.dma_semaphore, #tpu.memory_space<semaphore_mem>>)
    %dma_wait3A_1238 = arith.constant 5 : i32
    %dma_wait3A_1239 = arith.constant 0 : i32
    %dma_wait3A_1240 = arith.constant 0 : i32
    %dma_wait3A_1241 = arith.constant 0 : i32
    %dma_wait3A_1242 = tpu.memref_slice %arg9[%dma_wait3A_1238, %dma_wait3A_1240, %dma_wait3A_1241] : memref<6x128x128xf32, #tpu.memory_space<vmem>> -> memref<1x128x128xf32, #tpu.memory_space<vmem>>
    %dma_wait3A_1243 = tpu.memref_squeeze %dma_wait3A_1242 : memref<1x128x128xf32, #tpu.memory_space<vmem>> -> memref<128x128xf32, #tpu.memory_space<vmem>>
    %dma_wait3A_1244 = arith.constant 0 : i32
    %dma_wait3A_1245 = arith.constant 0 : i32
    %dma_wait3A_1246 = tpu.memref_slice %arg4[%dma_wait3A_1239, %dma_wait3A_1244, %dma_wait3A_1245] : memref<50x4096x128xf32, #tpu.memory_space<hbm>> -> memref<1x128x128xf32, #tpu.memory_space<hbm>>
    %dma_wait3A_1247 = tpu.memref_squeeze %dma_wait3A_1246 : memref<1x128x128xf32, #tpu.memory_space<hbm>> -> memref<128x128xf32, #tpu.memory_space<hbm>>
    %dma_wait3A_1248 = arith.constant 0 : i32
    %dma_wait3A_1249 = arith.constant 0 : i32
    %dma_wait3A_1250 = tpu.memref_slice %arg4[%dma_wait3A_1239, %dma_wait3A_1248, %dma_wait3A_1249] : memref<50x4096x128xf32, #tpu.memory_space<hbm>> -> memref<1x128x128xf32, #tpu.memory_space<hbm>>
    %dma_wait3A_1251 = tpu.memref_squeeze %dma_wait3A_1250 : memref<1x128x128xf32, #tpu.memory_space<hbm>> -> memref<128x128xf32, #tpu.memory_space<hbm>>
    %dma_wait3A_1252 = arith.constant 0 : i32
    %dma_wait3A_1253 = arith.constant 0 : i32
    %dma_wait3A_1254 = tpu.memref_slice %arg9[%dma_wait3A_1238, %dma_wait3A_1252, %dma_wait3A_1253] : memref<6x128x128xf32, #tpu.memory_space<vmem>> -> memref<1x128x128xf32, #tpu.memory_space<vmem>>
    %dma_wait3A_1255 = tpu.memref_squeeze %dma_wait3A_1254 : memref<1x128x128xf32, #tpu.memory_space<vmem>> -> memref<128x128xf32, #tpu.memory_space<vmem>>
    tpu.wait_dma2 semaphore(%arg21 : memref<!tpu.dma_semaphore, #tpu.memory_space<semaphore_mem>>) src(%dma_wait3A_1255 : memref<128x128xf32, #tpu.memory_space<vmem>>) dst(%dma_wait3A_1251 : memref<128x128xf32, #tpu.memory_space<hbm>>)
    %dma_start3A_1256 = arith.constant 2 : i32
    %dma_start3A_1257 = arith.constant 49 : i32
    %dma_start3A_1258 = arith.constant 5 : i32
    %dma_start3A_1259 = arith.constant 0 : i32
    %dma_start3A_1260 = arith.constant 0 : i32
    %dma_start3A_1261 = tpu.memref_slice %arg9[%dma_start3A_1258, %dma_start3A_1259, %dma_start3A_1260] : memref<6x128x128xf32, #tpu.memory_space<vmem>> -> memref<1x128x128xf32, #tpu.memory_space<vmem>>
    %dma_start3A_1262 = tpu.memref_squeeze %dma_start3A_1261 : memref<1x128x128xf32, #tpu.memory_space<vmem>> -> memref<128x128xf32, #tpu.memory_space<vmem>>
    %dma_start3A_1263 = arith.constant 0 : i32
    %dma_start3A_1264 = tpu.memref_slice %arg8[%dma_start3A_1256, %dma_start3A_1257, %dma_start3A_1263] : memref<4x50x128xi32, #tpu.memory_space<vmem>> -> memref<1x1x128xi32, #tpu.memory_space<vmem>>
    %dma_start3A_1265 = tpu.memref_squeeze %dma_start3A_1264 : memref<1x1x128xi32, #tpu.memory_space<vmem>> -> memref<128xi32, #tpu.memory_space<vmem>>
    %dma_start3A_1266 = arith.constant 0 : i32
    %dma_start3A_1267 = arith.constant 0 : i32
    %dma_start3A_1268 = tpu.memref_slice %arg2[%dma_start3A_1266, %dma_start3A_1267] : memref<100000x128xf32, #tpu.memory_space<hbm>> -> memref<100000x128xf32, #tpu.memory_space<hbm>>
    tpu.enqueue_indirect_dma source(%dma_start3A_1268 : memref<100000x128xf32, #tpu.memory_space<hbm>>) target(%dma_start3A_1262 : memref<128x128xf32, #tpu.memory_space<vmem>>) offsets(%dma_start3A_1265 : memref<128xi32, #tpu.memory_space<vmem>>) semaphore(%arg15 : memref<!tpu.dma_semaphore, #tpu.memory_space<semaphore_mem>>)
    %dma_wait3A_1269 = arith.constant 0 : i32
    %dma_wait3A_1270 = arith.constant 0 : i32
    %dma_wait3A_1271 = arith.constant 2 : i32
    %dma_wait3A_1272 = arith.constant 0 : i32
    %dma_wait3A_1273 = arith.constant 0 : i32
    %dma_wait3A_1274 = tpu.memref_slice %arg9[%dma_wait3A_1271, %dma_wait3A_1272, %dma_wait3A_1273] : memref<6x128x128xf32, #tpu.memory_space<vmem>> -> memref<1x128x128xf32, #tpu.memory_space<vmem>>
    %dma_wait3A_1275 = tpu.memref_squeeze %dma_wait3A_1274 : memref<1x128x128xf32, #tpu.memory_space<vmem>> -> memref<128x128xf32, #tpu.memory_space<vmem>>
    %dma_wait3A_1276 = arith.constant 0 : i32
    %dma_wait3A_1277 = tpu.memref_slice %arg8[%dma_wait3A_1269, %dma_wait3A_1270, %dma_wait3A_1276] : memref<4x50x128xi32, #tpu.memory_space<vmem>> -> memref<1x1x128xi32, #tpu.memory_space<vmem>>
    %dma_wait3A_1278 = tpu.memref_squeeze %dma_wait3A_1277 : memref<1x1x128xi32, #tpu.memory_space<vmem>> -> memref<128xi32, #tpu.memory_space<vmem>>
    %dma_wait3A_1279 = arith.constant 0 : i32
    %dma_wait3A_1280 = arith.constant 0 : i32
    %dma_wait3A_1281 = tpu.memref_slice %arg2[%dma_wait3A_1279, %dma_wait3A_1280] : memref<100000x128xf32, #tpu.memory_space<hbm>> -> memref<100000x128xf32, #tpu.memory_space<hbm>>
    tpu.wait_indirect_dma semaphore(%arg12 : memref<!tpu.dma_semaphore, #tpu.memory_space<semaphore_mem>>) src(%dma_wait3A_1281 : memref<100000x128xf32, #tpu.memory_space<hbm>>) dst(%dma_wait3A_1275 : memref<128x128xf32, #tpu.memory_space<vmem>>)
    %mul3A_1282 = arith.constant 128 : i32
    %mul3A_1283 = arith.muli %add3A, %mul3A_1282 : i32
    %dma_start3A_1284 = arith.constant 2 : i32
    %dma_start3A_1285 = arith.constant 46 : i32
    %dma_start3A_1286 = arith.constant 0 : i32
    %dma_start3A_1287 = arith.constant 0 : i32
    %dma_start3A_1288 = tpu.memref_slice %arg9[%dma_start3A_1284, %dma_start3A_1286, %dma_start3A_1287] : memref<6x128x128xf32, #tpu.memory_space<vmem>> -> memref<1x128x128xf32, #tpu.memory_space<vmem>>
    %dma_start3A_1289 = tpu.memref_squeeze %dma_start3A_1288 : memref<1x128x128xf32, #tpu.memory_space<vmem>> -> memref<128x128xf32, #tpu.memory_space<vmem>>
    %dma_start3A_1290 = arith.constant 0 : i32
    %dma_start3A_1291 = tpu.memref_slice %arg6[%dma_start3A_1285, %mul3A_1283, %dma_start3A_1290] : memref<50x4096x128xf32, #tpu.memory_space<hbm>> -> memref<1x128x128xf32, #tpu.memory_space<hbm>>
    %dma_start3A_1292 = tpu.memref_squeeze %dma_start3A_1291 : memref<1x128x128xf32, #tpu.memory_space<hbm>> -> memref<128x128xf32, #tpu.memory_space<hbm>>
    %dma_start3A_1293 = arith.constant 0 : i32
    %dma_start3A_1294 = tpu.memref_slice %arg6[%dma_start3A_1285, %mul3A_1283, %dma_start3A_1293] : memref<50x4096x128xf32, #tpu.memory_space<hbm>> -> memref<1x128x128xf32, #tpu.memory_space<hbm>>
    %dma_start3A_1295 = tpu.memref_squeeze %dma_start3A_1294 : memref<1x128x128xf32, #tpu.memory_space<hbm>> -> memref<128x128xf32, #tpu.memory_space<hbm>>
    %dma_start3A_1296 = arith.constant 0 : i32
    %dma_start3A_1297 = arith.constant 0 : i32
    %dma_start3A_1298 = tpu.memref_slice %arg9[%dma_start3A_1284, %dma_start3A_1296, %dma_start3A_1297] : memref<6x128x128xf32, #tpu.memory_space<vmem>> -> memref<1x128x128xf32, #tpu.memory_space<vmem>>
    %dma_start3A_1299 = tpu.memref_squeeze %dma_start3A_1298 : memref<1x128x128xf32, #tpu.memory_space<vmem>> -> memref<128x128xf32, #tpu.memory_space<vmem>>
    tpu.enqueue_dma source(%dma_start3A_1299 : memref<128x128xf32, #tpu.memory_space<vmem>>) target(%dma_start3A_1295 : memref<128x128xf32, #tpu.memory_space<hbm>>) target_semaphore(%arg18 : memref<!tpu.dma_semaphore, #tpu.memory_space<semaphore_mem>>)
    %dma_wait3A_1300 = arith.constant 0 : i32
    %dma_wait3A_1301 = arith.constant 0 : i32
    %dma_wait3A_1302 = arith.constant 0 : i32
    %dma_wait3A_1303 = arith.constant 0 : i32
    %dma_wait3A_1304 = tpu.memref_slice %arg9[%dma_wait3A_1300, %dma_wait3A_1302, %dma_wait3A_1303] : memref<6x128x128xf32, #tpu.memory_space<vmem>> -> memref<1x128x128xf32, #tpu.memory_space<vmem>>
    %dma_wait3A_1305 = tpu.memref_squeeze %dma_wait3A_1304 : memref<1x128x128xf32, #tpu.memory_space<vmem>> -> memref<128x128xf32, #tpu.memory_space<vmem>>
    %dma_wait3A_1306 = arith.constant 0 : i32
    %dma_wait3A_1307 = arith.constant 0 : i32
    %dma_wait3A_1308 = tpu.memref_slice %arg4[%dma_wait3A_1301, %dma_wait3A_1306, %dma_wait3A_1307] : memref<50x4096x128xf32, #tpu.memory_space<hbm>> -> memref<1x128x128xf32, #tpu.memory_space<hbm>>
    %dma_wait3A_1309 = tpu.memref_squeeze %dma_wait3A_1308 : memref<1x128x128xf32, #tpu.memory_space<hbm>> -> memref<128x128xf32, #tpu.memory_space<hbm>>
    %dma_wait3A_1310 = arith.constant 0 : i32
    %dma_wait3A_1311 = arith.constant 0 : i32
    %dma_wait3A_1312 = tpu.memref_slice %arg4[%dma_wait3A_1301, %dma_wait3A_1310, %dma_wait3A_1311] : memref<50x4096x128xf32, #tpu.memory_space<hbm>> -> memref<1x128x128xf32, #tpu.memory_space<hbm>>
    %dma_wait3A_1313 = tpu.memref_squeeze %dma_wait3A_1312 : memref<1x128x128xf32, #tpu.memory_space<hbm>> -> memref<128x128xf32, #tpu.memory_space<hbm>>
    %dma_wait3A_1314 = arith.constant 0 : i32
    %dma_wait3A_1315 = arith.constant 0 : i32
    %dma_wait3A_1316 = tpu.memref_slice %arg9[%dma_wait3A_1300, %dma_wait3A_1314, %dma_wait3A_1315] : memref<6x128x128xf32, #tpu.memory_space<vmem>> -> memref<1x128x128xf32, #tpu.memory_space<vmem>>
    %dma_wait3A_1317 = tpu.memref_squeeze %dma_wait3A_1316 : memref<1x128x128xf32, #tpu.memory_space<vmem>> -> memref<128x128xf32, #tpu.memory_space<vmem>>
    tpu.wait_dma2 semaphore(%arg16 : memref<!tpu.dma_semaphore, #tpu.memory_space<semaphore_mem>>) src(%dma_wait3A_1317 : memref<128x128xf32, #tpu.memory_space<vmem>>) dst(%dma_wait3A_1313 : memref<128x128xf32, #tpu.memory_space<hbm>>)
    %dma_start3A_1318 = arith.constant 3 : i32
    %dma_start3A_1319 = arith.constant 0 : i32
    %dma_start3A_1320 = arith.constant 0 : i32
    %dma_start3A_1321 = arith.constant 0 : i32
    %dma_start3A_1322 = arith.constant 0 : i32
    %dma_start3A_1323 = tpu.memref_slice %arg9[%dma_start3A_1320, %dma_start3A_1321, %dma_start3A_1322] : memref<6x128x128xf32, #tpu.memory_space<vmem>> -> memref<1x128x128xf32, #tpu.memory_space<vmem>>
    %dma_start3A_1324 = tpu.memref_squeeze %dma_start3A_1323 : memref<1x128x128xf32, #tpu.memory_space<vmem>> -> memref<128x128xf32, #tpu.memory_space<vmem>>
    %dma_start3A_1325 = arith.constant 0 : i32
    %dma_start3A_1326 = tpu.memref_slice %arg8[%dma_start3A_1318, %dma_start3A_1319, %dma_start3A_1325] : memref<4x50x128xi32, #tpu.memory_space<vmem>> -> memref<1x1x128xi32, #tpu.memory_space<vmem>>
    %dma_start3A_1327 = tpu.memref_squeeze %dma_start3A_1326 : memref<1x1x128xi32, #tpu.memory_space<vmem>> -> memref<128xi32, #tpu.memory_space<vmem>>
    %dma_start3A_1328 = arith.constant 0 : i32
    %dma_start3A_1329 = arith.constant 0 : i32
    %dma_start3A_1330 = tpu.memref_slice %arg2[%dma_start3A_1328, %dma_start3A_1329] : memref<100000x128xf32, #tpu.memory_space<hbm>> -> memref<100000x128xf32, #tpu.memory_space<hbm>>
    tpu.enqueue_indirect_dma source(%dma_start3A_1330 : memref<100000x128xf32, #tpu.memory_space<hbm>>) target(%dma_start3A_1324 : memref<128x128xf32, #tpu.memory_space<vmem>>) offsets(%dma_start3A_1327 : memref<128xi32, #tpu.memory_space<vmem>>) semaphore(%arg10 : memref<!tpu.dma_semaphore, #tpu.memory_space<semaphore_mem>>)
    %dma_wait3A_1331 = arith.constant 0 : i32
    %dma_wait3A_1332 = arith.constant 0 : i32
    %dma_wait3A_1333 = arith.constant 3 : i32
    %dma_wait3A_1334 = arith.constant 0 : i32
    %dma_wait3A_1335 = arith.constant 0 : i32
    %dma_wait3A_1336 = tpu.memref_slice %arg9[%dma_wait3A_1333, %dma_wait3A_1334, %dma_wait3A_1335] : memref<6x128x128xf32, #tpu.memory_space<vmem>> -> memref<1x128x128xf32, #tpu.memory_space<vmem>>
    %dma_wait3A_1337 = tpu.memref_squeeze %dma_wait3A_1336 : memref<1x128x128xf32, #tpu.memory_space<vmem>> -> memref<128x128xf32, #tpu.memory_space<vmem>>
    %dma_wait3A_1338 = arith.constant 0 : i32
    %dma_wait3A_1339 = tpu.memref_slice %arg8[%dma_wait3A_1331, %dma_wait3A_1332, %dma_wait3A_1338] : memref<4x50x128xi32, #tpu.memory_space<vmem>> -> memref<1x1x128xi32, #tpu.memory_space<vmem>>
    %dma_wait3A_1340 = tpu.memref_squeeze %dma_wait3A_1339 : memref<1x1x128xi32, #tpu.memory_space<vmem>> -> memref<128xi32, #tpu.memory_space<vmem>>
    %dma_wait3A_1341 = arith.constant 0 : i32
    %dma_wait3A_1342 = arith.constant 0 : i32
    %dma_wait3A_1343 = tpu.memref_slice %arg2[%dma_wait3A_1341, %dma_wait3A_1342] : memref<100000x128xf32, #tpu.memory_space<hbm>> -> memref<100000x128xf32, #tpu.memory_space<hbm>>
    tpu.wait_indirect_dma semaphore(%arg13 : memref<!tpu.dma_semaphore, #tpu.memory_space<semaphore_mem>>) src(%dma_wait3A_1343 : memref<100000x128xf32, #tpu.memory_space<hbm>>) dst(%dma_wait3A_1337 : memref<128x128xf32, #tpu.memory_space<vmem>>)
    %mul3A_1344 = arith.constant 128 : i32
    %mul3A_1345 = arith.muli %add3A, %mul3A_1344 : i32
    %dma_start3A_1346 = arith.constant 3 : i32
    %dma_start3A_1347 = arith.constant 47 : i32
    %dma_start3A_1348 = arith.constant 0 : i32
    %dma_start3A_1349 = arith.constant 0 : i32
    %dma_start3A_1350 = tpu.memref_slice %arg9[%dma_start3A_1346, %dma_start3A_1348, %dma_start3A_1349] : memref<6x128x128xf32, #tpu.memory_space<vmem>> -> memref<1x128x128xf32, #tpu.memory_space<vmem>>
    %dma_start3A_1351 = tpu.memref_squeeze %dma_start3A_1350 : memref<1x128x128xf32, #tpu.memory_space<vmem>> -> memref<128x128xf32, #tpu.memory_space<vmem>>
    %dma_start3A_1352 = arith.constant 0 : i32
    %dma_start3A_1353 = tpu.memref_slice %arg6[%dma_start3A_1347, %mul3A_1345, %dma_start3A_1352] : memref<50x4096x128xf32, #tpu.memory_space<hbm>> -> memref<1x128x128xf32, #tpu.memory_space<hbm>>
    %dma_start3A_1354 = tpu.memref_squeeze %dma_start3A_1353 : memref<1x128x128xf32, #tpu.memory_space<hbm>> -> memref<128x128xf32, #tpu.memory_space<hbm>>
    %dma_start3A_1355 = arith.constant 0 : i32
    %dma_start3A_1356 = tpu.memref_slice %arg6[%dma_start3A_1347, %mul3A_1345, %dma_start3A_1355] : memref<50x4096x128xf32, #tpu.memory_space<hbm>> -> memref<1x128x128xf32, #tpu.memory_space<hbm>>
    %dma_start3A_1357 = tpu.memref_squeeze %dma_start3A_1356 : memref<1x128x128xf32, #tpu.memory_space<hbm>> -> memref<128x128xf32, #tpu.memory_space<hbm>>
    %dma_start3A_1358 = arith.constant 0 : i32
    %dma_start3A_1359 = arith.constant 0 : i32
    %dma_start3A_1360 = tpu.memref_slice %arg9[%dma_start3A_1346, %dma_start3A_1358, %dma_start3A_1359] : memref<6x128x128xf32, #tpu.memory_space<vmem>> -> memref<1x128x128xf32, #tpu.memory_space<vmem>>
    %dma_start3A_1361 = tpu.memref_squeeze %dma_start3A_1360 : memref<1x128x128xf32, #tpu.memory_space<vmem>> -> memref<128x128xf32, #tpu.memory_space<vmem>>
    tpu.enqueue_dma source(%dma_start3A_1361 : memref<128x128xf32, #tpu.memory_space<vmem>>) target(%dma_start3A_1357 : memref<128x128xf32, #tpu.memory_space<hbm>>) target_semaphore(%arg19 : memref<!tpu.dma_semaphore, #tpu.memory_space<semaphore_mem>>)
    %dma_wait3A_1362 = arith.constant 1 : i32
    %dma_wait3A_1363 = arith.constant 0 : i32
    %dma_wait3A_1364 = arith.constant 0 : i32
    %dma_wait3A_1365 = arith.constant 0 : i32
    %dma_wait3A_1366 = tpu.memref_slice %arg9[%dma_wait3A_1362, %dma_wait3A_1364, %dma_wait3A_1365] : memref<6x128x128xf32, #tpu.memory_space<vmem>> -> memref<1x128x128xf32, #tpu.memory_space<vmem>>
    %dma_wait3A_1367 = tpu.memref_squeeze %dma_wait3A_1366 : memref<1x128x128xf32, #tpu.memory_space<vmem>> -> memref<128x128xf32, #tpu.memory_space<vmem>>
    %dma_wait3A_1368 = arith.constant 0 : i32
    %dma_wait3A_1369 = arith.constant 0 : i32
    %dma_wait3A_1370 = tpu.memref_slice %arg4[%dma_wait3A_1363, %dma_wait3A_1368, %dma_wait3A_1369] : memref<50x4096x128xf32, #tpu.memory_space<hbm>> -> memref<1x128x128xf32, #tpu.memory_space<hbm>>
    %dma_wait3A_1371 = tpu.memref_squeeze %dma_wait3A_1370 : memref<1x128x128xf32, #tpu.memory_space<hbm>> -> memref<128x128xf32, #tpu.memory_space<hbm>>
    %dma_wait3A_1372 = arith.constant 0 : i32
    %dma_wait3A_1373 = arith.constant 0 : i32
    %dma_wait3A_1374 = tpu.memref_slice %arg4[%dma_wait3A_1363, %dma_wait3A_1372, %dma_wait3A_1373] : memref<50x4096x128xf32, #tpu.memory_space<hbm>> -> memref<1x128x128xf32, #tpu.memory_space<hbm>>
    %dma_wait3A_1375 = tpu.memref_squeeze %dma_wait3A_1374 : memref<1x128x128xf32, #tpu.memory_space<hbm>> -> memref<128x128xf32, #tpu.memory_space<hbm>>
    %dma_wait3A_1376 = arith.constant 0 : i32
    %dma_wait3A_1377 = arith.constant 0 : i32
    %dma_wait3A_1378 = tpu.memref_slice %arg9[%dma_wait3A_1362, %dma_wait3A_1376, %dma_wait3A_1377] : memref<6x128x128xf32, #tpu.memory_space<vmem>> -> memref<1x128x128xf32, #tpu.memory_space<vmem>>
    %dma_wait3A_1379 = tpu.memref_squeeze %dma_wait3A_1378 : memref<1x128x128xf32, #tpu.memory_space<vmem>> -> memref<128x128xf32, #tpu.memory_space<vmem>>
    tpu.wait_dma2 semaphore(%arg17 : memref<!tpu.dma_semaphore, #tpu.memory_space<semaphore_mem>>) src(%dma_wait3A_1379 : memref<128x128xf32, #tpu.memory_space<vmem>>) dst(%dma_wait3A_1375 : memref<128x128xf32, #tpu.memory_space<hbm>>)
    %dma_start3A_1380 = arith.constant 3 : i32
    %dma_start3A_1381 = arith.constant 1 : i32
    %dma_start3A_1382 = arith.constant 1 : i32
    %dma_start3A_1383 = arith.constant 0 : i32
    %dma_start3A_1384 = arith.constant 0 : i32
    %dma_start3A_1385 = tpu.memref_slice %arg9[%dma_start3A_1382, %dma_start3A_1383, %dma_start3A_1384] : memref<6x128x128xf32, #tpu.memory_space<vmem>> -> memref<1x128x128xf32, #tpu.memory_space<vmem>>
    %dma_start3A_1386 = tpu.memref_squeeze %dma_start3A_1385 : memref<1x128x128xf32, #tpu.memory_space<vmem>> -> memref<128x128xf32, #tpu.memory_space<vmem>>
    %dma_start3A_1387 = arith.constant 0 : i32
    %dma_start3A_1388 = tpu.memref_slice %arg8[%dma_start3A_1380, %dma_start3A_1381, %dma_start3A_1387] : memref<4x50x128xi32, #tpu.memory_space<vmem>> -> memref<1x1x128xi32, #tpu.memory_space<vmem>>
    %dma_start3A_1389 = tpu.memref_squeeze %dma_start3A_1388 : memref<1x1x128xi32, #tpu.memory_space<vmem>> -> memref<128xi32, #tpu.memory_space<vmem>>
    %dma_start3A_1390 = arith.constant 0 : i32
    %dma_start3A_1391 = arith.constant 0 : i32
    %dma_start3A_1392 = tpu.memref_slice %arg2[%dma_start3A_1390, %dma_start3A_1391] : memref<100000x128xf32, #tpu.memory_space<hbm>> -> memref<100000x128xf32, #tpu.memory_space<hbm>>
    tpu.enqueue_indirect_dma source(%dma_start3A_1392 : memref<100000x128xf32, #tpu.memory_space<hbm>>) target(%dma_start3A_1386 : memref<128x128xf32, #tpu.memory_space<vmem>>) offsets(%dma_start3A_1389 : memref<128xi32, #tpu.memory_space<vmem>>) semaphore(%arg11 : memref<!tpu.dma_semaphore, #tpu.memory_space<semaphore_mem>>)
    %dma_wait3A_1393 = arith.constant 0 : i32
    %dma_wait3A_1394 = arith.constant 0 : i32
    %dma_wait3A_1395 = arith.constant 4 : i32
    %dma_wait3A_1396 = arith.constant 0 : i32
    %dma_wait3A_1397 = arith.constant 0 : i32
    %dma_wait3A_1398 = tpu.memref_slice %arg9[%dma_wait3A_1395, %dma_wait3A_1396, %dma_wait3A_1397] : memref<6x128x128xf32, #tpu.memory_space<vmem>> -> memref<1x128x128xf32, #tpu.memory_space<vmem>>
    %dma_wait3A_1399 = tpu.memref_squeeze %dma_wait3A_1398 : memref<1x128x128xf32, #tpu.memory_space<vmem>> -> memref<128x128xf32, #tpu.memory_space<vmem>>
    %dma_wait3A_1400 = arith.constant 0 : i32
    %dma_wait3A_1401 = tpu.memref_slice %arg8[%dma_wait3A_1393, %dma_wait3A_1394, %dma_wait3A_1400] : memref<4x50x128xi32, #tpu.memory_space<vmem>> -> memref<1x1x128xi32, #tpu.memory_space<vmem>>
    %dma_wait3A_1402 = tpu.memref_squeeze %dma_wait3A_1401 : memref<1x1x128xi32, #tpu.memory_space<vmem>> -> memref<128xi32, #tpu.memory_space<vmem>>
    %dma_wait3A_1403 = arith.constant 0 : i32
    %dma_wait3A_1404 = arith.constant 0 : i32
    %dma_wait3A_1405 = tpu.memref_slice %arg2[%dma_wait3A_1403, %dma_wait3A_1404] : memref<100000x128xf32, #tpu.memory_space<hbm>> -> memref<100000x128xf32, #tpu.memory_space<hbm>>
    tpu.wait_indirect_dma semaphore(%arg14 : memref<!tpu.dma_semaphore, #tpu.memory_space<semaphore_mem>>) src(%dma_wait3A_1405 : memref<100000x128xf32, #tpu.memory_space<hbm>>) dst(%dma_wait3A_1399 : memref<128x128xf32, #tpu.memory_space<vmem>>)
    %mul3A_1406 = arith.constant 128 : i32
    %mul3A_1407 = arith.muli %add3A, %mul3A_1406 : i32
    %dma_start3A_1408 = arith.constant 4 : i32
    %dma_start3A_1409 = arith.constant 48 : i32
    %dma_start3A_1410 = arith.constant 0 : i32
    %dma_start3A_1411 = arith.constant 0 : i32
    %dma_start3A_1412 = tpu.memref_slice %arg9[%dma_start3A_1408, %dma_start3A_1410, %dma_start3A_1411] : memref<6x128x128xf32, #tpu.memory_space<vmem>> -> memref<1x128x128xf32, #tpu.memory_space<vmem>>
    %dma_start3A_1413 = tpu.memref_squeeze %dma_start3A_1412 : memref<1x128x128xf32, #tpu.memory_space<vmem>> -> memref<128x128xf32, #tpu.memory_space<vmem>>
    %dma_start3A_1414 = arith.constant 0 : i32
    %dma_start3A_1415 = tpu.memref_slice %arg6[%dma_start3A_1409, %mul3A_1407, %dma_start3A_1414] : memref<50x4096x128xf32, #tpu.memory_space<hbm>> -> memref<1x128x128xf32, #tpu.memory_space<hbm>>
    %dma_start3A_1416 = tpu.memref_squeeze %dma_start3A_1415 : memref<1x128x128xf32, #tpu.memory_space<hbm>> -> memref<128x128xf32, #tpu.memory_space<hbm>>
    %dma_start3A_1417 = arith.constant 0 : i32
    %dma_start3A_1418 = tpu.memref_slice %arg6[%dma_start3A_1409, %mul3A_1407, %dma_start3A_1417] : memref<50x4096x128xf32, #tpu.memory_space<hbm>> -> memref<1x128x128xf32, #tpu.memory_space<hbm>>
    %dma_start3A_1419 = tpu.memref_squeeze %dma_start3A_1418 : memref<1x128x128xf32, #tpu.memory_space<hbm>> -> memref<128x128xf32, #tpu.memory_space<hbm>>
    %dma_start3A_1420 = arith.constant 0 : i32
    %dma_start3A_1421 = arith.constant 0 : i32
    %dma_start3A_1422 = tpu.memref_slice %arg9[%dma_start3A_1408, %dma_start3A_1420, %dma_start3A_1421] : memref<6x128x128xf32, #tpu.memory_space<vmem>> -> memref<1x128x128xf32, #tpu.memory_space<vmem>>
    %dma_start3A_1423 = tpu.memref_squeeze %dma_start3A_1422 : memref<1x128x128xf32, #tpu.memory_space<vmem>> -> memref<128x128xf32, #tpu.memory_space<vmem>>
    tpu.enqueue_dma source(%dma_start3A_1423 : memref<128x128xf32, #tpu.memory_space<vmem>>) target(%dma_start3A_1419 : memref<128x128xf32, #tpu.memory_space<hbm>>) target_semaphore(%arg20 : memref<!tpu.dma_semaphore, #tpu.memory_space<semaphore_mem>>)
    %dma_wait3A_1424 = arith.constant 2 : i32
    %dma_wait3A_1425 = arith.constant 0 : i32
    %dma_wait3A_1426 = arith.constant 0 : i32
    %dma_wait3A_1427 = arith.constant 0 : i32
    %dma_wait3A_1428 = tpu.memref_slice %arg9[%dma_wait3A_1424, %dma_wait3A_1426, %dma_wait3A_1427] : memref<6x128x128xf32, #tpu.memory_space<vmem>> -> memref<1x128x128xf32, #tpu.memory_space<vmem>>
    %dma_wait3A_1429 = tpu.memref_squeeze %dma_wait3A_1428 : memref<1x128x128xf32, #tpu.memory_space<vmem>> -> memref<128x128xf32, #tpu.memory_space<vmem>>
    %dma_wait3A_1430 = arith.constant 0 : i32
    %dma_wait3A_1431 = arith.constant 0 : i32
    %dma_wait3A_1432 = tpu.memref_slice %arg4[%dma_wait3A_1425, %dma_wait3A_1430, %dma_wait3A_1431] : memref<50x4096x128xf32, #tpu.memory_space<hbm>> -> memref<1x128x128xf32, #tpu.memory_space<hbm>>
    %dma_wait3A_1433 = tpu.memref_squeeze %dma_wait3A_1432 : memref<1x128x128xf32, #tpu.memory_space<hbm>> -> memref<128x128xf32, #tpu.memory_space<hbm>>
    %dma_wait3A_1434 = arith.constant 0 : i32
    %dma_wait3A_1435 = arith.constant 0 : i32
    %dma_wait3A_1436 = tpu.memref_slice %arg4[%dma_wait3A_1425, %dma_wait3A_1434, %dma_wait3A_1435] : memref<50x4096x128xf32, #tpu.memory_space<hbm>> -> memref<1x128x128xf32, #tpu.memory_space<hbm>>
    %dma_wait3A_1437 = tpu.memref_squeeze %dma_wait3A_1436 : memref<1x128x128xf32, #tpu.memory_space<hbm>> -> memref<128x128xf32, #tpu.memory_space<hbm>>
    %dma_wait3A_1438 = arith.constant 0 : i32
    %dma_wait3A_1439 = arith.constant 0 : i32
    %dma_wait3A_1440 = tpu.memref_slice %arg9[%dma_wait3A_1424, %dma_wait3A_1438, %dma_wait3A_1439] : memref<6x128x128xf32, #tpu.memory_space<vmem>> -> memref<1x128x128xf32, #tpu.memory_space<vmem>>
    %dma_wait3A_1441 = tpu.memref_squeeze %dma_wait3A_1440 : memref<1x128x128xf32, #tpu.memory_space<vmem>> -> memref<128x128xf32, #tpu.memory_space<vmem>>
    tpu.wait_dma2 semaphore(%arg18 : memref<!tpu.dma_semaphore, #tpu.memory_space<semaphore_mem>>) src(%dma_wait3A_1441 : memref<128x128xf32, #tpu.memory_space<vmem>>) dst(%dma_wait3A_1437 : memref<128x128xf32, #tpu.memory_space<hbm>>)
    %dma_start3A_1442 = arith.constant 3 : i32
    %dma_start3A_1443 = arith.constant 2 : i32
    %dma_start3A_1444 = arith.constant 2 : i32
    %dma_start3A_1445 = arith.constant 0 : i32
    %dma_start3A_1446 = arith.constant 0 : i32
    %dma_start3A_1447 = tpu.memref_slice %arg9[%dma_start3A_1444, %dma_start3A_1445, %dma_start3A_1446] : memref<6x128x128xf32, #tpu.memory_space<vmem>> -> memref<1x128x128xf32, #tpu.memory_space<vmem>>
    %dma_start3A_1448 = tpu.memref_squeeze %dma_start3A_1447 : memref<1x128x128xf32, #tpu.memory_space<vmem>> -> memref<128x128xf32, #tpu.memory_space<vmem>>
    %dma_start3A_1449 = arith.constant 0 : i32
    %dma_start3A_1450 = tpu.memref_slice %arg8[%dma_start3A_1442, %dma_start3A_1443, %dma_start3A_1449] : memref<4x50x128xi32, #tpu.memory_space<vmem>> -> memref<1x1x128xi32, #tpu.memory_space<vmem>>
    %dma_start3A_1451 = tpu.memref_squeeze %dma_start3A_1450 : memref<1x1x128xi32, #tpu.memory_space<vmem>> -> memref<128xi32, #tpu.memory_space<vmem>>
    %dma_start3A_1452 = arith.constant 0 : i32
    %dma_start3A_1453 = arith.constant 0 : i32
    %dma_start3A_1454 = tpu.memref_slice %arg2[%dma_start3A_1452, %dma_start3A_1453] : memref<100000x128xf32, #tpu.memory_space<hbm>> -> memref<100000x128xf32, #tpu.memory_space<hbm>>
    tpu.enqueue_indirect_dma source(%dma_start3A_1454 : memref<100000x128xf32, #tpu.memory_space<hbm>>) target(%dma_start3A_1448 : memref<128x128xf32, #tpu.memory_space<vmem>>) offsets(%dma_start3A_1451 : memref<128xi32, #tpu.memory_space<vmem>>) semaphore(%arg12 : memref<!tpu.dma_semaphore, #tpu.memory_space<semaphore_mem>>)
    %dma_wait3A_1455 = arith.constant 0 : i32
    %dma_wait3A_1456 = arith.constant 0 : i32
    %dma_wait3A_1457 = arith.constant 5 : i32
    %dma_wait3A_1458 = arith.constant 0 : i32
    %dma_wait3A_1459 = arith.constant 0 : i32
    %dma_wait3A_1460 = tpu.memref_slice %arg9[%dma_wait3A_1457, %dma_wait3A_1458, %dma_wait3A_1459] : memref<6x128x128xf32, #tpu.memory_space<vmem>> -> memref<1x128x128xf32, #tpu.memory_space<vmem>>
    %dma_wait3A_1461 = tpu.memref_squeeze %dma_wait3A_1460 : memref<1x128x128xf32, #tpu.memory_space<vmem>> -> memref<128x128xf32, #tpu.memory_space<vmem>>
    %dma_wait3A_1462 = arith.constant 0 : i32
    %dma_wait3A_1463 = tpu.memref_slice %arg8[%dma_wait3A_1455, %dma_wait3A_1456, %dma_wait3A_1462] : memref<4x50x128xi32, #tpu.memory_space<vmem>> -> memref<1x1x128xi32, #tpu.memory_space<vmem>>
    %dma_wait3A_1464 = tpu.memref_squeeze %dma_wait3A_1463 : memref<1x1x128xi32, #tpu.memory_space<vmem>> -> memref<128xi32, #tpu.memory_space<vmem>>
    %dma_wait3A_1465 = arith.constant 0 : i32
    %dma_wait3A_1466 = arith.constant 0 : i32
    %dma_wait3A_1467 = tpu.memref_slice %arg2[%dma_wait3A_1465, %dma_wait3A_1466] : memref<100000x128xf32, #tpu.memory_space<hbm>> -> memref<100000x128xf32, #tpu.memory_space<hbm>>
    tpu.wait_indirect_dma semaphore(%arg15 : memref<!tpu.dma_semaphore, #tpu.memory_space<semaphore_mem>>) src(%dma_wait3A_1467 : memref<100000x128xf32, #tpu.memory_space<hbm>>) dst(%dma_wait3A_1461 : memref<128x128xf32, #tpu.memory_space<vmem>>)
    %mul3A_1468 = arith.constant 128 : i32
    %mul3A_1469 = arith.muli %add3A, %mul3A_1468 : i32
    %dma_start3A_1470 = arith.constant 5 : i32
    %dma_start3A_1471 = arith.constant 49 : i32
    %dma_start3A_1472 = arith.constant 0 : i32
    %dma_start3A_1473 = arith.constant 0 : i32
    %dma_start3A_1474 = tpu.memref_slice %arg9[%dma_start3A_1470, %dma_start3A_1472, %dma_start3A_1473] : memref<6x128x128xf32, #tpu.memory_space<vmem>> -> memref<1x128x128xf32, #tpu.memory_space<vmem>>
    %dma_start3A_1475 = tpu.memref_squeeze %dma_start3A_1474 : memref<1x128x128xf32, #tpu.memory_space<vmem>> -> memref<128x128xf32, #tpu.memory_space<vmem>>
    %dma_start3A_1476 = arith.constant 0 : i32
    %dma_start3A_1477 = tpu.memref_slice %arg6[%dma_start3A_1471, %mul3A_1469, %dma_start3A_1476] : memref<50x4096x128xf32, #tpu.memory_space<hbm>> -> memref<1x128x128xf32, #tpu.memory_space<hbm>>
    %dma_start3A_1478 = tpu.memref_squeeze %dma_start3A_1477 : memref<1x128x128xf32, #tpu.memory_space<hbm>> -> memref<128x128xf32, #tpu.memory_space<hbm>>
    %dma_start3A_1479 = arith.constant 0 : i32
    %dma_start3A_1480 = tpu.memref_slice %arg6[%dma_start3A_1471, %mul3A_1469, %dma_start3A_1479] : memref<50x4096x128xf32, #tpu.memory_space<hbm>> -> memref<1x128x128xf32, #tpu.memory_space<hbm>>
    %dma_start3A_1481 = tpu.memref_squeeze %dma_start3A_1480 : memref<1x128x128xf32, #tpu.memory_space<hbm>> -> memref<128x128xf32, #tpu.memory_space<hbm>>
    %dma_start3A_1482 = arith.constant 0 : i32
    %dma_start3A_1483 = arith.constant 0 : i32
    %dma_start3A_1484 = tpu.memref_slice %arg9[%dma_start3A_1470, %dma_start3A_1482, %dma_start3A_1483] : memref<6x128x128xf32, #tpu.memory_space<vmem>> -> memref<1x128x128xf32, #tpu.memory_space<vmem>>
    %dma_start3A_1485 = tpu.memref_squeeze %dma_start3A_1484 : memref<1x128x128xf32, #tpu.memory_space<vmem>> -> memref<128x128xf32, #tpu.memory_space<vmem>>
    tpu.enqueue_dma source(%dma_start3A_1485 : memref<128x128xf32, #tpu.memory_space<vmem>>) target(%dma_start3A_1481 : memref<128x128xf32, #tpu.memory_space<hbm>>) target_semaphore(%arg21 : memref<!tpu.dma_semaphore, #tpu.memory_space<semaphore_mem>>)
    %dma_wait3A_1486 = arith.constant 3 : i32
    %dma_wait3A_1487 = arith.constant 0 : i32
    %dma_wait3A_1488 = arith.constant 0 : i32
    %dma_wait3A_1489 = arith.constant 0 : i32
    %dma_wait3A_1490 = tpu.memref_slice %arg9[%dma_wait3A_1486, %dma_wait3A_1488, %dma_wait3A_1489] : memref<6x128x128xf32, #tpu.memory_space<vmem>> -> memref<1x128x128xf32, #tpu.memory_space<vmem>>
    %dma_wait3A_1491 = tpu.memref_squeeze %dma_wait3A_1490 : memref<1x128x128xf32, #tpu.memory_space<vmem>> -> memref<128x128xf32, #tpu.memory_space<vmem>>
    %dma_wait3A_1492 = arith.constant 0 : i32
    %dma_wait3A_1493 = arith.constant 0 : i32
    %dma_wait3A_1494 = tpu.memref_slice %arg4[%dma_wait3A_1487, %dma_wait3A_1492, %dma_wait3A_1493] : memref<50x4096x128xf32, #tpu.memory_space<hbm>> -> memref<1x128x128xf32, #tpu.memory_space<hbm>>
    %dma_wait3A_1495 = tpu.memref_squeeze %dma_wait3A_1494 : memref<1x128x128xf32, #tpu.memory_space<hbm>> -> memref<128x128xf32, #tpu.memory_space<hbm>>
    %dma_wait3A_1496 = arith.constant 0 : i32
    %dma_wait3A_1497 = arith.constant 0 : i32
    %dma_wait3A_1498 = tpu.memref_slice %arg4[%dma_wait3A_1487, %dma_wait3A_1496, %dma_wait3A_1497] : memref<50x4096x128xf32, #tpu.memory_space<hbm>> -> memref<1x128x128xf32, #tpu.memory_space<hbm>>
    %dma_wait3A_1499 = tpu.memref_squeeze %dma_wait3A_1498 : memref<1x128x128xf32, #tpu.memory_space<hbm>> -> memref<128x128xf32, #tpu.memory_space<hbm>>
    %dma_wait3A_1500 = arith.constant 0 : i32
    %dma_wait3A_1501 = arith.constant 0 : i32
    %dma_wait3A_1502 = tpu.memref_slice %arg9[%dma_wait3A_1486, %dma_wait3A_1500, %dma_wait3A_1501] : memref<6x128x128xf32, #tpu.memory_space<vmem>> -> memref<1x128x128xf32, #tpu.memory_space<vmem>>
    %dma_wait3A_1503 = tpu.memref_squeeze %dma_wait3A_1502 : memref<1x128x128xf32, #tpu.memory_space<vmem>> -> memref<128x128xf32, #tpu.memory_space<vmem>>
    tpu.wait_dma2 semaphore(%arg19 : memref<!tpu.dma_semaphore, #tpu.memory_space<semaphore_mem>>) src(%dma_wait3A_1503 : memref<128x128xf32, #tpu.memory_space<vmem>>) dst(%dma_wait3A_1499 : memref<128x128xf32, #tpu.memory_space<hbm>>)
    %dma_start3A_1504 = arith.constant 3 : i32
    %dma_start3A_1505 = arith.constant 3 : i32
    %dma_start3A_1506 = arith.constant 3 : i32
    %dma_start3A_1507 = arith.constant 0 : i32
    %dma_start3A_1508 = arith.constant 0 : i32
    %dma_start3A_1509 = tpu.memref_slice %arg9[%dma_start3A_1506, %dma_start3A_1507, %dma_start3A_1508] : memref<6x128x128xf32, #tpu.memory_space<vmem>> -> memref<1x128x128xf32, #tpu.memory_space<vmem>>
    %dma_start3A_1510 = tpu.memref_squeeze %dma_start3A_1509 : memref<1x128x128xf32, #tpu.memory_space<vmem>> -> memref<128x128xf32, #tpu.memory_space<vmem>>
    %dma_start3A_1511 = arith.constant 0 : i32
    %dma_start3A_1512 = tpu.memref_slice %arg8[%dma_start3A_1504, %dma_start3A_1505, %dma_start3A_1511] : memref<4x50x128xi32, #tpu.memory_space<vmem>> -> memref<1x1x128xi32, #tpu.memory_space<vmem>>
    %dma_start3A_1513 = tpu.memref_squeeze %dma_start3A_1512 : memref<1x1x128xi32, #tpu.memory_space<vmem>> -> memref<128xi32, #tpu.memory_space<vmem>>
    %dma_start3A_1514 = arith.constant 0 : i32
    %dma_start3A_1515 = arith.constant 0 : i32
    %dma_start3A_1516 = tpu.memref_slice %arg2[%dma_start3A_1514, %dma_start3A_1515] : memref<100000x128xf32, #tpu.memory_space<hbm>> -> memref<100000x128xf32, #tpu.memory_space<hbm>>
    tpu.enqueue_indirect_dma source(%dma_start3A_1516 : memref<100000x128xf32, #tpu.memory_space<hbm>>) target(%dma_start3A_1510 : memref<128x128xf32, #tpu.memory_space<vmem>>) offsets(%dma_start3A_1513 : memref<128xi32, #tpu.memory_space<vmem>>) semaphore(%arg13 : memref<!tpu.dma_semaphore, #tpu.memory_space<semaphore_mem>>)
    %scan3A_1517 = arith.constant 0 : i32
    %scan3A_1518 = arith.constant 7 : i32
    %scan3A_1519 = arith.addi %scan3A_1517, %scan3A_1518 : i32
    %scan3A_1520 = arith.constant 1 : i32
    scf.for %scan3A_2002 = %scan3A_1517 to %scan3A_1519 step %scan3A_1520  : i32 {
      %mul3A_2003 = arith.constant 6 : i32
      %mul3A_2004 = arith.muli %scan3A_2002, %mul3A_2003 : i32
      %add3A_2005 = arith.constant 150 : i32
      %add3A_2006 = arith.addi %add3A_2005, %mul3A_2004 : i32
      %add3A_2007 = arith.constant 0 : i32
      %add3A_2008 = arith.addi %add3A_2006, %add3A_2007 : i32
      %dma_wait3A_2009 = arith.constant 0 : i32
      %dma_wait3A_2010 = arith.constant 0 : i32
      %dma_wait3A_2011 = arith.constant 0 : i32
      %dma_wait3A_2012 = arith.constant 0 : i32
      %dma_wait3A_2013 = arith.constant 0 : i32
      %dma_wait3A_2014 = tpu.memref_slice %arg9[%dma_wait3A_2011, %dma_wait3A_2012, %dma_wait3A_2013] : memref<6x128x128xf32, #tpu.memory_space<vmem>> -> memref<1x128x128xf32, #tpu.memory_space<vmem>>
      %dma_wait3A_2015 = tpu.memref_squeeze %dma_wait3A_2014 : memref<1x128x128xf32, #tpu.memory_space<vmem>> -> memref<128x128xf32, #tpu.memory_space<vmem>>
      %dma_wait3A_2016 = arith.constant 0 : i32
      %dma_wait3A_2017 = tpu.memref_slice %arg8[%dma_wait3A_2009, %dma_wait3A_2010, %dma_wait3A_2016] : memref<4x50x128xi32, #tpu.memory_space<vmem>> -> memref<1x1x128xi32, #tpu.memory_space<vmem>>
      %dma_wait3A_2018 = tpu.memref_squeeze %dma_wait3A_2017 : memref<1x1x128xi32, #tpu.memory_space<vmem>> -> memref<128xi32, #tpu.memory_space<vmem>>
      %dma_wait3A_2019 = arith.constant 0 : i32
      %dma_wait3A_2020 = arith.constant 0 : i32
      %dma_wait3A_2021 = tpu.memref_slice %arg2[%dma_wait3A_2019, %dma_wait3A_2020] : memref<100000x128xf32, #tpu.memory_space<hbm>> -> memref<100000x128xf32, #tpu.memory_space<hbm>>
      tpu.wait_indirect_dma semaphore(%arg10 : memref<!tpu.dma_semaphore, #tpu.memory_space<semaphore_mem>>) src(%dma_wait3A_2021 : memref<100000x128xf32, #tpu.memory_space<hbm>>) dst(%dma_wait3A_2015 : memref<128x128xf32, #tpu.memory_space<vmem>>)
      %sub3A = arith.constant 150 : i32
      %sub3A_2022 = arith.subi %add3A_2008, %sub3A : i32
      %mul3A_2023 = arith.constant 128 : i32
      %mul3A_2024 = arith.muli %add3A, %mul3A_2023 : i32
      %dma_start3A_2025 = arith.constant 0 : i32
      %dma_start3A_2026 = arith.constant 0 : i32
      %dma_start3A_2027 = arith.constant 0 : i32
      %dma_start3A_2028 = tpu.memref_slice %arg9[%dma_start3A_2025, %dma_start3A_2026, %dma_start3A_2027] : memref<6x128x128xf32, #tpu.memory_space<vmem>> -> memref<1x128x128xf32, #tpu.memory_space<vmem>>
      %dma_start3A_2029 = tpu.memref_squeeze %dma_start3A_2028 : memref<1x128x128xf32, #tpu.memory_space<vmem>> -> memref<128x128xf32, #tpu.memory_space<vmem>>
      %dma_start3A_2030 = arith.constant 0 : i32
      %dma_start3A_2031 = tpu.memref_slice %arg7[%sub3A_2022, %mul3A_2024, %dma_start3A_2030] : memref<50x4096x128xf32, #tpu.memory_space<hbm>> -> memref<1x128x128xf32, #tpu.memory_space<hbm>>
      %dma_start3A_2032 = tpu.memref_squeeze %dma_start3A_2031 : memref<1x128x128xf32, #tpu.memory_space<hbm>> -> memref<128x128xf32, #tpu.memory_space<hbm>>
      %dma_start3A_2033 = arith.constant 0 : i32
      %dma_start3A_2034 = tpu.memref_slice %arg7[%sub3A_2022, %mul3A_2024, %dma_start3A_2033] : memref<50x4096x128xf32, #tpu.memory_space<hbm>> -> memref<1x128x128xf32, #tpu.memory_space<hbm>>
      %dma_start3A_2035 = tpu.memref_squeeze %dma_start3A_2034 : memref<1x128x128xf32, #tpu.memory_space<hbm>> -> memref<128x128xf32, #tpu.memory_space<hbm>>
      %dma_start3A_2036 = arith.constant 0 : i32
      %dma_start3A_2037 = arith.constant 0 : i32
      %dma_start3A_2038 = tpu.memref_slice %arg9[%dma_start3A_2025, %dma_start3A_2036, %dma_start3A_2037] : memref<6x128x128xf32, #tpu.memory_space<vmem>> -> memref<1x128x128xf32, #tpu.memory_space<vmem>>
      %dma_start3A_2039 = tpu.memref_squeeze %dma_start3A_2038 : memref<1x128x128xf32, #tpu.memory_space<vmem>> -> memref<128x128xf32, #tpu.memory_space<vmem>>
      tpu.enqueue_dma source(%dma_start3A_2039 : memref<128x128xf32, #tpu.memory_space<vmem>>) target(%dma_start3A_2035 : memref<128x128xf32, #tpu.memory_space<hbm>>) target_semaphore(%arg16 : memref<!tpu.dma_semaphore, #tpu.memory_space<semaphore_mem>>)
      %dma_wait3A_2040 = arith.constant 4 : i32
      %dma_wait3A_2041 = arith.constant 0 : i32
      %dma_wait3A_2042 = arith.constant 0 : i32
      %dma_wait3A_2043 = arith.constant 0 : i32
      %dma_wait3A_2044 = tpu.memref_slice %arg9[%dma_wait3A_2040, %dma_wait3A_2042, %dma_wait3A_2043] : memref<6x128x128xf32, #tpu.memory_space<vmem>> -> memref<1x128x128xf32, #tpu.memory_space<vmem>>
      %dma_wait3A_2045 = tpu.memref_squeeze %dma_wait3A_2044 : memref<1x128x128xf32, #tpu.memory_space<vmem>> -> memref<128x128xf32, #tpu.memory_space<vmem>>
      %dma_wait3A_2046 = arith.constant 0 : i32
      %dma_wait3A_2047 = arith.constant 0 : i32
      %dma_wait3A_2048 = tpu.memref_slice %arg4[%dma_wait3A_2041, %dma_wait3A_2046, %dma_wait3A_2047] : memref<50x4096x128xf32, #tpu.memory_space<hbm>> -> memref<1x128x128xf32, #tpu.memory_space<hbm>>
      %dma_wait3A_2049 = tpu.memref_squeeze %dma_wait3A_2048 : memref<1x128x128xf32, #tpu.memory_space<hbm>> -> memref<128x128xf32, #tpu.memory_space<hbm>>
      %dma_wait3A_2050 = arith.constant 0 : i32
      %dma_wait3A_2051 = arith.constant 0 : i32
      %dma_wait3A_2052 = tpu.memref_slice %arg4[%dma_wait3A_2041, %dma_wait3A_2050, %dma_wait3A_2051] : memref<50x4096x128xf32, #tpu.memory_space<hbm>> -> memref<1x128x128xf32, #tpu.memory_space<hbm>>
      %dma_wait3A_2053 = tpu.memref_squeeze %dma_wait3A_2052 : memref<1x128x128xf32, #tpu.memory_space<hbm>> -> memref<128x128xf32, #tpu.memory_space<hbm>>
      %dma_wait3A_2054 = arith.constant 0 : i32
      %dma_wait3A_2055 = arith.constant 0 : i32
      %dma_wait3A_2056 = tpu.memref_slice %arg9[%dma_wait3A_2040, %dma_wait3A_2054, %dma_wait3A_2055] : memref<6x128x128xf32, #tpu.memory_space<vmem>> -> memref<1x128x128xf32, #tpu.memory_space<vmem>>
      %dma_wait3A_2057 = tpu.memref_squeeze %dma_wait3A_2056 : memref<1x128x128xf32, #tpu.memory_space<vmem>> -> memref<128x128xf32, #tpu.memory_space<vmem>>
      tpu.wait_dma2 semaphore(%arg20 : memref<!tpu.dma_semaphore, #tpu.memory_space<semaphore_mem>>) src(%dma_wait3A_2057 : memref<128x128xf32, #tpu.memory_space<vmem>>) dst(%dma_wait3A_2053 : memref<128x128xf32, #tpu.memory_space<hbm>>)
      %sub3A_2058 = arith.constant 150 : i32
      %sub3A_2059 = arith.subi %add3A_2008, %sub3A_2058 : i32
      %add3A_2060 = arith.constant 4 : i32
      %add3A_2061 = arith.addi %sub3A_2059, %add3A_2060 : i32
      %dma_start3A_2062 = arith.constant 3 : i32
      %dma_start3A_2063 = arith.constant 4 : i32
      %dma_start3A_2064 = arith.constant 0 : i32
      %dma_start3A_2065 = arith.constant 0 : i32
      %dma_start3A_2066 = tpu.memref_slice %arg9[%dma_start3A_2063, %dma_start3A_2064, %dma_start3A_2065] : memref<6x128x128xf32, #tpu.memory_space<vmem>> -> memref<1x128x128xf32, #tpu.memory_space<vmem>>
      %dma_start3A_2067 = tpu.memref_squeeze %dma_start3A_2066 : memref<1x128x128xf32, #tpu.memory_space<vmem>> -> memref<128x128xf32, #tpu.memory_space<vmem>>
      %dma_start3A_2068 = arith.constant 0 : i32
      %dma_start3A_2069 = tpu.memref_slice %arg8[%dma_start3A_2062, %add3A_2061, %dma_start3A_2068] : memref<4x50x128xi32, #tpu.memory_space<vmem>> -> memref<1x1x128xi32, #tpu.memory_space<vmem>>
      %dma_start3A_2070 = tpu.memref_squeeze %dma_start3A_2069 : memref<1x1x128xi32, #tpu.memory_space<vmem>> -> memref<128xi32, #tpu.memory_space<vmem>>
      %dma_start3A_2071 = arith.constant 0 : i32
      %dma_start3A_2072 = arith.constant 0 : i32
      %dma_start3A_2073 = tpu.memref_slice %arg2[%dma_start3A_2071, %dma_start3A_2072] : memref<100000x128xf32, #tpu.memory_space<hbm>> -> memref<100000x128xf32, #tpu.memory_space<hbm>>
      tpu.enqueue_indirect_dma source(%dma_start3A_2073 : memref<100000x128xf32, #tpu.memory_space<hbm>>) target(%dma_start3A_2067 : memref<128x128xf32, #tpu.memory_space<vmem>>) offsets(%dma_start3A_2070 : memref<128xi32, #tpu.memory_space<vmem>>) semaphore(%arg14 : memref<!tpu.dma_semaphore, #tpu.memory_space<semaphore_mem>>)
      %add3A_2074 = arith.constant 1 : i32
      %add3A_2075 = arith.addi %add3A_2006, %add3A_2074 : i32
      %dma_wait3A_2076 = arith.constant 0 : i32
      %dma_wait3A_2077 = arith.constant 0 : i32
      %dma_wait3A_2078 = arith.constant 1 : i32
      %dma_wait3A_2079 = arith.constant 0 : i32
      %dma_wait3A_2080 = arith.constant 0 : i32
      %dma_wait3A_2081 = tpu.memref_slice %arg9[%dma_wait3A_2078, %dma_wait3A_2079, %dma_wait3A_2080] : memref<6x128x128xf32, #tpu.memory_space<vmem>> -> memref<1x128x128xf32, #tpu.memory_space<vmem>>
      %dma_wait3A_2082 = tpu.memref_squeeze %dma_wait3A_2081 : memref<1x128x128xf32, #tpu.memory_space<vmem>> -> memref<128x128xf32, #tpu.memory_space<vmem>>
      %dma_wait3A_2083 = arith.constant 0 : i32
      %dma_wait3A_2084 = tpu.memref_slice %arg8[%dma_wait3A_2076, %dma_wait3A_2077, %dma_wait3A_2083] : memref<4x50x128xi32, #tpu.memory_space<vmem>> -> memref<1x1x128xi32, #tpu.memory_space<vmem>>
      %dma_wait3A_2085 = tpu.memref_squeeze %dma_wait3A_2084 : memref<1x1x128xi32, #tpu.memory_space<vmem>> -> memref<128xi32, #tpu.memory_space<vmem>>
      %dma_wait3A_2086 = arith.constant 0 : i32
      %dma_wait3A_2087 = arith.constant 0 : i32
      %dma_wait3A_2088 = tpu.memref_slice %arg2[%dma_wait3A_2086, %dma_wait3A_2087] : memref<100000x128xf32, #tpu.memory_space<hbm>> -> memref<100000x128xf32, #tpu.memory_space<hbm>>
      tpu.wait_indirect_dma semaphore(%arg11 : memref<!tpu.dma_semaphore, #tpu.memory_space<semaphore_mem>>) src(%dma_wait3A_2088 : memref<100000x128xf32, #tpu.memory_space<hbm>>) dst(%dma_wait3A_2082 : memref<128x128xf32, #tpu.memory_space<vmem>>)
      %sub3A_2089 = arith.constant 150 : i32
      %sub3A_2090 = arith.subi %add3A_2075, %sub3A_2089 : i32
      %mul3A_2091 = arith.constant 128 : i32
      %mul3A_2092 = arith.muli %add3A, %mul3A_2091 : i32
      %dma_start3A_2093 = arith.constant 1 : i32
      %dma_start3A_2094 = arith.constant 0 : i32
      %dma_start3A_2095 = arith.constant 0 : i32
      %dma_start3A_2096 = tpu.memref_slice %arg9[%dma_start3A_2093, %dma_start3A_2094, %dma_start3A_2095] : memref<6x128x128xf32, #tpu.memory_space<vmem>> -> memref<1x128x128xf32, #tpu.memory_space<vmem>>
      %dma_start3A_2097 = tpu.memref_squeeze %dma_start3A_2096 : memref<1x128x128xf32, #tpu.memory_space<vmem>> -> memref<128x128xf32, #tpu.memory_space<vmem>>
      %dma_start3A_2098 = arith.constant 0 : i32
      %dma_start3A_2099 = tpu.memref_slice %arg7[%sub3A_2090, %mul3A_2092, %dma_start3A_2098] : memref<50x4096x128xf32, #tpu.memory_space<hbm>> -> memref<1x128x128xf32, #tpu.memory_space<hbm>>
      %dma_start3A_2100 = tpu.memref_squeeze %dma_start3A_2099 : memref<1x128x128xf32, #tpu.memory_space<hbm>> -> memref<128x128xf32, #tpu.memory_space<hbm>>
      %dma_start3A_2101 = arith.constant 0 : i32
      %dma_start3A_2102 = tpu.memref_slice %arg7[%sub3A_2090, %mul3A_2092, %dma_start3A_2101] : memref<50x4096x128xf32, #tpu.memory_space<hbm>> -> memref<1x128x128xf32, #tpu.memory_space<hbm>>
      %dma_start3A_2103 = tpu.memref_squeeze %dma_start3A_2102 : memref<1x128x128xf32, #tpu.memory_space<hbm>> -> memref<128x128xf32, #tpu.memory_space<hbm>>
      %dma_start3A_2104 = arith.constant 0 : i32
      %dma_start3A_2105 = arith.constant 0 : i32
      %dma_start3A_2106 = tpu.memref_slice %arg9[%dma_start3A_2093, %dma_start3A_2104, %dma_start3A_2105] : memref<6x128x128xf32, #tpu.memory_space<vmem>> -> memref<1x128x128xf32, #tpu.memory_space<vmem>>
      %dma_start3A_2107 = tpu.memref_squeeze %dma_start3A_2106 : memref<1x128x128xf32, #tpu.memory_space<vmem>> -> memref<128x128xf32, #tpu.memory_space<vmem>>
      tpu.enqueue_dma source(%dma_start3A_2107 : memref<128x128xf32, #tpu.memory_space<vmem>>) target(%dma_start3A_2103 : memref<128x128xf32, #tpu.memory_space<hbm>>) target_semaphore(%arg17 : memref<!tpu.dma_semaphore, #tpu.memory_space<semaphore_mem>>)
      %dma_wait3A_2108 = arith.constant 5 : i32
      %dma_wait3A_2109 = arith.constant 0 : i32
      %dma_wait3A_2110 = arith.constant 0 : i32
      %dma_wait3A_2111 = arith.constant 0 : i32
      %dma_wait3A_2112 = tpu.memref_slice %arg9[%dma_wait3A_2108, %dma_wait3A_2110, %dma_wait3A_2111] : memref<6x128x128xf32, #tpu.memory_space<vmem>> -> memref<1x128x128xf32, #tpu.memory_space<vmem>>
      %dma_wait3A_2113 = tpu.memref_squeeze %dma_wait3A_2112 : memref<1x128x128xf32, #tpu.memory_space<vmem>> -> memref<128x128xf32, #tpu.memory_space<vmem>>
      %dma_wait3A_2114 = arith.constant 0 : i32
      %dma_wait3A_2115 = arith.constant 0 : i32
      %dma_wait3A_2116 = tpu.memref_slice %arg4[%dma_wait3A_2109, %dma_wait3A_2114, %dma_wait3A_2115] : memref<50x4096x128xf32, #tpu.memory_space<hbm>> -> memref<1x128x128xf32, #tpu.memory_space<hbm>>
      %dma_wait3A_2117 = tpu.memref_squeeze %dma_wait3A_2116 : memref<1x128x128xf32, #tpu.memory_space<hbm>> -> memref<128x128xf32, #tpu.memory_space<hbm>>
      %dma_wait3A_2118 = arith.constant 0 : i32
      %dma_wait3A_2119 = arith.constant 0 : i32
      %dma_wait3A_2120 = tpu.memref_slice %arg4[%dma_wait3A_2109, %dma_wait3A_2118, %dma_wait3A_2119] : memref<50x4096x128xf32, #tpu.memory_space<hbm>> -> memref<1x128x128xf32, #tpu.memory_space<hbm>>
      %dma_wait3A_2121 = tpu.memref_squeeze %dma_wait3A_2120 : memref<1x128x128xf32, #tpu.memory_space<hbm>> -> memref<128x128xf32, #tpu.memory_space<hbm>>
      %dma_wait3A_2122 = arith.constant 0 : i32
      %dma_wait3A_2123 = arith.constant 0 : i32
      %dma_wait3A_2124 = tpu.memref_slice %arg9[%dma_wait3A_2108, %dma_wait3A_2122, %dma_wait3A_2123] : memref<6x128x128xf32, #tpu.memory_space<vmem>> -> memref<1x128x128xf32, #tpu.memory_space<vmem>>
      %dma_wait3A_2125 = tpu.memref_squeeze %dma_wait3A_2124 : memref<1x128x128xf32, #tpu.memory_space<vmem>> -> memref<128x128xf32, #tpu.memory_space<vmem>>
      tpu.wait_dma2 semaphore(%arg21 : memref<!tpu.dma_semaphore, #tpu.memory_space<semaphore_mem>>) src(%dma_wait3A_2125 : memref<128x128xf32, #tpu.memory_space<vmem>>) dst(%dma_wait3A_2121 : memref<128x128xf32, #tpu.memory_space<hbm>>)
      %sub3A_2126 = arith.constant 150 : i32
      %sub3A_2127 = arith.subi %add3A_2075, %sub3A_2126 : i32
      %add3A_2128 = arith.constant 4 : i32
      %add3A_2129 = arith.addi %sub3A_2127, %add3A_2128 : i32
      %dma_start3A_2130 = arith.constant 3 : i32
      %dma_start3A_2131 = arith.constant 5 : i32
      %dma_start3A_2132 = arith.constant 0 : i32
      %dma_start3A_2133 = arith.constant 0 : i32
      %dma_start3A_2134 = tpu.memref_slice %arg9[%dma_start3A_2131, %dma_start3A_2132, %dma_start3A_2133] : memref<6x128x128xf32, #tpu.memory_space<vmem>> -> memref<1x128x128xf32, #tpu.memory_space<vmem>>
      %dma_start3A_2135 = tpu.memref_squeeze %dma_start3A_2134 : memref<1x128x128xf32, #tpu.memory_space<vmem>> -> memref<128x128xf32, #tpu.memory_space<vmem>>
      %dma_start3A_2136 = arith.constant 0 : i32
      %dma_start3A_2137 = tpu.memref_slice %arg8[%dma_start3A_2130, %add3A_2129, %dma_start3A_2136] : memref<4x50x128xi32, #tpu.memory_space<vmem>> -> memref<1x1x128xi32, #tpu.memory_space<vmem>>
      %dma_start3A_2138 = tpu.memref_squeeze %dma_start3A_2137 : memref<1x1x128xi32, #tpu.memory_space<vmem>> -> memref<128xi32, #tpu.memory_space<vmem>>
      %dma_start3A_2139 = arith.constant 0 : i32
      %dma_start3A_2140 = arith.constant 0 : i32
      %dma_start3A_2141 = tpu.memref_slice %arg2[%dma_start3A_2139, %dma_start3A_2140] : memref<100000x128xf32, #tpu.memory_space<hbm>> -> memref<100000x128xf32, #tpu.memory_space<hbm>>
      tpu.enqueue_indirect_dma source(%dma_start3A_2141 : memref<100000x128xf32, #tpu.memory_space<hbm>>) target(%dma_start3A_2135 : memref<128x128xf32, #tpu.memory_space<vmem>>) offsets(%dma_start3A_2138 : memref<128xi32, #tpu.memory_space<vmem>>) semaphore(%arg15 : memref<!tpu.dma_semaphore, #tpu.memory_space<semaphore_mem>>)
      %add3A_2142 = arith.constant 2 : i32
      %add3A_2143 = arith.addi %add3A_2006, %add3A_2142 : i32
      %dma_wait3A_2144 = arith.constant 0 : i32
      %dma_wait3A_2145 = arith.constant 0 : i32
      %dma_wait3A_2146 = arith.constant 2 : i32
      %dma_wait3A_2147 = arith.constant 0 : i32
      %dma_wait3A_2148 = arith.constant 0 : i32
      %dma_wait3A_2149 = tpu.memref_slice %arg9[%dma_wait3A_2146, %dma_wait3A_2147, %dma_wait3A_2148] : memref<6x128x128xf32, #tpu.memory_space<vmem>> -> memref<1x128x128xf32, #tpu.memory_space<vmem>>
      %dma_wait3A_2150 = tpu.memref_squeeze %dma_wait3A_2149 : memref<1x128x128xf32, #tpu.memory_space<vmem>> -> memref<128x128xf32, #tpu.memory_space<vmem>>
      %dma_wait3A_2151 = arith.constant 0 : i32
      %dma_wait3A_2152 = tpu.memref_slice %arg8[%dma_wait3A_2144, %dma_wait3A_2145, %dma_wait3A_2151] : memref<4x50x128xi32, #tpu.memory_space<vmem>> -> memref<1x1x128xi32, #tpu.memory_space<vmem>>
      %dma_wait3A_2153 = tpu.memref_squeeze %dma_wait3A_2152 : memref<1x1x128xi32, #tpu.memory_space<vmem>> -> memref<128xi32, #tpu.memory_space<vmem>>
      %dma_wait3A_2154 = arith.constant 0 : i32
      %dma_wait3A_2155 = arith.constant 0 : i32
      %dma_wait3A_2156 = tpu.memref_slice %arg2[%dma_wait3A_2154, %dma_wait3A_2155] : memref<100000x128xf32, #tpu.memory_space<hbm>> -> memref<100000x128xf32, #tpu.memory_space<hbm>>
      tpu.wait_indirect_dma semaphore(%arg12 : memref<!tpu.dma_semaphore, #tpu.memory_space<semaphore_mem>>) src(%dma_wait3A_2156 : memref<100000x128xf32, #tpu.memory_space<hbm>>) dst(%dma_wait3A_2150 : memref<128x128xf32, #tpu.memory_space<vmem>>)
      %sub3A_2157 = arith.constant 150 : i32
      %sub3A_2158 = arith.subi %add3A_2143, %sub3A_2157 : i32
      %mul3A_2159 = arith.constant 128 : i32
      %mul3A_2160 = arith.muli %add3A, %mul3A_2159 : i32
      %dma_start3A_2161 = arith.constant 2 : i32
      %dma_start3A_2162 = arith.constant 0 : i32
      %dma_start3A_2163 = arith.constant 0 : i32
      %dma_start3A_2164 = tpu.memref_slice %arg9[%dma_start3A_2161, %dma_start3A_2162, %dma_start3A_2163] : memref<6x128x128xf32, #tpu.memory_space<vmem>> -> memref<1x128x128xf32, #tpu.memory_space<vmem>>
      %dma_start3A_2165 = tpu.memref_squeeze %dma_start3A_2164 : memref<1x128x128xf32, #tpu.memory_space<vmem>> -> memref<128x128xf32, #tpu.memory_space<vmem>>
      %dma_start3A_2166 = arith.constant 0 : i32
      %dma_start3A_2167 = tpu.memref_slice %arg7[%sub3A_2158, %mul3A_2160, %dma_start3A_2166] : memref<50x4096x128xf32, #tpu.memory_space<hbm>> -> memref<1x128x128xf32, #tpu.memory_space<hbm>>
      %dma_start3A_2168 = tpu.memref_squeeze %dma_start3A_2167 : memref<1x128x128xf32, #tpu.memory_space<hbm>> -> memref<128x128xf32, #tpu.memory_space<hbm>>
      %dma_start3A_2169 = arith.constant 0 : i32
      %dma_start3A_2170 = tpu.memref_slice %arg7[%sub3A_2158, %mul3A_2160, %dma_start3A_2169] : memref<50x4096x128xf32, #tpu.memory_space<hbm>> -> memref<1x128x128xf32, #tpu.memory_space<hbm>>
      %dma_start3A_2171 = tpu.memref_squeeze %dma_start3A_2170 : memref<1x128x128xf32, #tpu.memory_space<hbm>> -> memref<128x128xf32, #tpu.memory_space<hbm>>
      %dma_start3A_2172 = arith.constant 0 : i32
      %dma_start3A_2173 = arith.constant 0 : i32
      %dma_start3A_2174 = tpu.memref_slice %arg9[%dma_start3A_2161, %dma_start3A_2172, %dma_start3A_2173] : memref<6x128x128xf32, #tpu.memory_space<vmem>> -> memref<1x128x128xf32, #tpu.memory_space<vmem>>
      %dma_start3A_2175 = tpu.memref_squeeze %dma_start3A_2174 : memref<1x128x128xf32, #tpu.memory_space<vmem>> -> memref<128x128xf32, #tpu.memory_space<vmem>>
      tpu.enqueue_dma source(%dma_start3A_2175 : memref<128x128xf32, #tpu.memory_space<vmem>>) target(%dma_start3A_2171 : memref<128x128xf32, #tpu.memory_space<hbm>>) target_semaphore(%arg18 : memref<!tpu.dma_semaphore, #tpu.memory_space<semaphore_mem>>)
      %dma_wait3A_2176 = arith.constant 0 : i32
      %dma_wait3A_2177 = arith.constant 0 : i32
      %dma_wait3A_2178 = arith.constant 0 : i32
      %dma_wait3A_2179 = arith.constant 0 : i32
      %dma_wait3A_2180 = tpu.memref_slice %arg9[%dma_wait3A_2176, %dma_wait3A_2178, %dma_wait3A_2179] : memref<6x128x128xf32, #tpu.memory_space<vmem>> -> memref<1x128x128xf32, #tpu.memory_space<vmem>>
      %dma_wait3A_2181 = tpu.memref_squeeze %dma_wait3A_2180 : memref<1x128x128xf32, #tpu.memory_space<vmem>> -> memref<128x128xf32, #tpu.memory_space<vmem>>
      %dma_wait3A_2182 = arith.constant 0 : i32
      %dma_wait3A_2183 = arith.constant 0 : i32
      %dma_wait3A_2184 = tpu.memref_slice %arg4[%dma_wait3A_2177, %dma_wait3A_2182, %dma_wait3A_2183] : memref<50x4096x128xf32, #tpu.memory_space<hbm>> -> memref<1x128x128xf32, #tpu.memory_space<hbm>>
      %dma_wait3A_2185 = tpu.memref_squeeze %dma_wait3A_2184 : memref<1x128x128xf32, #tpu.memory_space<hbm>> -> memref<128x128xf32, #tpu.memory_space<hbm>>
      %dma_wait3A_2186 = arith.constant 0 : i32
      %dma_wait3A_2187 = arith.constant 0 : i32
      %dma_wait3A_2188 = tpu.memref_slice %arg4[%dma_wait3A_2177, %dma_wait3A_2186, %dma_wait3A_2187] : memref<50x4096x128xf32, #tpu.memory_space<hbm>> -> memref<1x128x128xf32, #tpu.memory_space<hbm>>
      %dma_wait3A_2189 = tpu.memref_squeeze %dma_wait3A_2188 : memref<1x128x128xf32, #tpu.memory_space<hbm>> -> memref<128x128xf32, #tpu.memory_space<hbm>>
      %dma_wait3A_2190 = arith.constant 0 : i32
      %dma_wait3A_2191 = arith.constant 0 : i32
      %dma_wait3A_2192 = tpu.memref_slice %arg9[%dma_wait3A_2176, %dma_wait3A_2190, %dma_wait3A_2191] : memref<6x128x128xf32, #tpu.memory_space<vmem>> -> memref<1x128x128xf32, #tpu.memory_space<vmem>>
      %dma_wait3A_2193 = tpu.memref_squeeze %dma_wait3A_2192 : memref<1x128x128xf32, #tpu.memory_space<vmem>> -> memref<128x128xf32, #tpu.memory_space<vmem>>
      tpu.wait_dma2 semaphore(%arg16 : memref<!tpu.dma_semaphore, #tpu.memory_space<semaphore_mem>>) src(%dma_wait3A_2193 : memref<128x128xf32, #tpu.memory_space<vmem>>) dst(%dma_wait3A_2189 : memref<128x128xf32, #tpu.memory_space<hbm>>)
      %sub3A_2194 = arith.constant 150 : i32
      %sub3A_2195 = arith.subi %add3A_2143, %sub3A_2194 : i32
      %add3A_2196 = arith.constant 4 : i32
      %add3A_2197 = arith.addi %sub3A_2195, %add3A_2196 : i32
      %dma_start3A_2198 = arith.constant 3 : i32
      %dma_start3A_2199 = arith.constant 0 : i32
      %dma_start3A_2200 = arith.constant 0 : i32
      %dma_start3A_2201 = arith.constant 0 : i32
      %dma_start3A_2202 = tpu.memref_slice %arg9[%dma_start3A_2199, %dma_start3A_2200, %dma_start3A_2201] : memref<6x128x128xf32, #tpu.memory_space<vmem>> -> memref<1x128x128xf32, #tpu.memory_space<vmem>>
      %dma_start3A_2203 = tpu.memref_squeeze %dma_start3A_2202 : memref<1x128x128xf32, #tpu.memory_space<vmem>> -> memref<128x128xf32, #tpu.memory_space<vmem>>
      %dma_start3A_2204 = arith.constant 0 : i32
      %dma_start3A_2205 = tpu.memref_slice %arg8[%dma_start3A_2198, %add3A_2197, %dma_start3A_2204] : memref<4x50x128xi32, #tpu.memory_space<vmem>> -> memref<1x1x128xi32, #tpu.memory_space<vmem>>
      %dma_start3A_2206 = tpu.memref_squeeze %dma_start3A_2205 : memref<1x1x128xi32, #tpu.memory_space<vmem>> -> memref<128xi32, #tpu.memory_space<vmem>>
      %dma_start3A_2207 = arith.constant 0 : i32
      %dma_start3A_2208 = arith.constant 0 : i32
      %dma_start3A_2209 = tpu.memref_slice %arg2[%dma_start3A_2207, %dma_start3A_2208] : memref<100000x128xf32, #tpu.memory_space<hbm>> -> memref<100000x128xf32, #tpu.memory_space<hbm>>
      tpu.enqueue_indirect_dma source(%dma_start3A_2209 : memref<100000x128xf32, #tpu.memory_space<hbm>>) target(%dma_start3A_2203 : memref<128x128xf32, #tpu.memory_space<vmem>>) offsets(%dma_start3A_2206 : memref<128xi32, #tpu.memory_space<vmem>>) semaphore(%arg10 : memref<!tpu.dma_semaphore, #tpu.memory_space<semaphore_mem>>)
      %add3A_2210 = arith.constant 3 : i32
      %add3A_2211 = arith.addi %add3A_2006, %add3A_2210 : i32
      %dma_wait3A_2212 = arith.constant 0 : i32
      %dma_wait3A_2213 = arith.constant 0 : i32
      %dma_wait3A_2214 = arith.constant 3 : i32
      %dma_wait3A_2215 = arith.constant 0 : i32
      %dma_wait3A_2216 = arith.constant 0 : i32
      %dma_wait3A_2217 = tpu.memref_slice %arg9[%dma_wait3A_2214, %dma_wait3A_2215, %dma_wait3A_2216] : memref<6x128x128xf32, #tpu.memory_space<vmem>> -> memref<1x128x128xf32, #tpu.memory_space<vmem>>
      %dma_wait3A_2218 = tpu.memref_squeeze %dma_wait3A_2217 : memref<1x128x128xf32, #tpu.memory_space<vmem>> -> memref<128x128xf32, #tpu.memory_space<vmem>>
      %dma_wait3A_2219 = arith.constant 0 : i32
      %dma_wait3A_2220 = tpu.memref_slice %arg8[%dma_wait3A_2212, %dma_wait3A_2213, %dma_wait3A_2219] : memref<4x50x128xi32, #tpu.memory_space<vmem>> -> memref<1x1x128xi32, #tpu.memory_space<vmem>>
      %dma_wait3A_2221 = tpu.memref_squeeze %dma_wait3A_2220 : memref<1x1x128xi32, #tpu.memory_space<vmem>> -> memref<128xi32, #tpu.memory_space<vmem>>
      %dma_wait3A_2222 = arith.constant 0 : i32
      %dma_wait3A_2223 = arith.constant 0 : i32
      %dma_wait3A_2224 = tpu.memref_slice %arg2[%dma_wait3A_2222, %dma_wait3A_2223] : memref<100000x128xf32, #tpu.memory_space<hbm>> -> memref<100000x128xf32, #tpu.memory_space<hbm>>
      tpu.wait_indirect_dma semaphore(%arg13 : memref<!tpu.dma_semaphore, #tpu.memory_space<semaphore_mem>>) src(%dma_wait3A_2224 : memref<100000x128xf32, #tpu.memory_space<hbm>>) dst(%dma_wait3A_2218 : memref<128x128xf32, #tpu.memory_space<vmem>>)
      %sub3A_2225 = arith.constant 150 : i32
      %sub3A_2226 = arith.subi %add3A_2211, %sub3A_2225 : i32
      %mul3A_2227 = arith.constant 128 : i32
      %mul3A_2228 = arith.muli %add3A, %mul3A_2227 : i32
      %dma_start3A_2229 = arith.constant 3 : i32
      %dma_start3A_2230 = arith.constant 0 : i32
      %dma_start3A_2231 = arith.constant 0 : i32
      %dma_start3A_2232 = tpu.memref_slice %arg9[%dma_start3A_2229, %dma_start3A_2230, %dma_start3A_2231] : memref<6x128x128xf32, #tpu.memory_space<vmem>> -> memref<1x128x128xf32, #tpu.memory_space<vmem>>
      %dma_start3A_2233 = tpu.memref_squeeze %dma_start3A_2232 : memref<1x128x128xf32, #tpu.memory_space<vmem>> -> memref<128x128xf32, #tpu.memory_space<vmem>>
      %dma_start3A_2234 = arith.constant 0 : i32
      %dma_start3A_2235 = tpu.memref_slice %arg7[%sub3A_2226, %mul3A_2228, %dma_start3A_2234] : memref<50x4096x128xf32, #tpu.memory_space<hbm>> -> memref<1x128x128xf32, #tpu.memory_space<hbm>>
      %dma_start3A_2236 = tpu.memref_squeeze %dma_start3A_2235 : memref<1x128x128xf32, #tpu.memory_space<hbm>> -> memref<128x128xf32, #tpu.memory_space<hbm>>
      %dma_start3A_2237 = arith.constant 0 : i32
      %dma_start3A_2238 = tpu.memref_slice %arg7[%sub3A_2226, %mul3A_2228, %dma_start3A_2237] : memref<50x4096x128xf32, #tpu.memory_space<hbm>> -> memref<1x128x128xf32, #tpu.memory_space<hbm>>
      %dma_start3A_2239 = tpu.memref_squeeze %dma_start3A_2238 : memref<1x128x128xf32, #tpu.memory_space<hbm>> -> memref<128x128xf32, #tpu.memory_space<hbm>>
      %dma_start3A_2240 = arith.constant 0 : i32
      %dma_start3A_2241 = arith.constant 0 : i32
      %dma_start3A_2242 = tpu.memref_slice %arg9[%dma_start3A_2229, %dma_start3A_2240, %dma_start3A_2241] : memref<6x128x128xf32, #tpu.memory_space<vmem>> -> memref<1x128x128xf32, #tpu.memory_space<vmem>>
      %dma_start3A_2243 = tpu.memref_squeeze %dma_start3A_2242 : memref<1x128x128xf32, #tpu.memory_space<vmem>> -> memref<128x128xf32, #tpu.memory_space<vmem>>
      tpu.enqueue_dma source(%dma_start3A_2243 : memref<128x128xf32, #tpu.memory_space<vmem>>) target(%dma_start3A_2239 : memref<128x128xf32, #tpu.memory_space<hbm>>) target_semaphore(%arg19 : memref<!tpu.dma_semaphore, #tpu.memory_space<semaphore_mem>>)
      %dma_wait3A_2244 = arith.constant 1 : i32
      %dma_wait3A_2245 = arith.constant 0 : i32
      %dma_wait3A_2246 = arith.constant 0 : i32
      %dma_wait3A_2247 = arith.constant 0 : i32
      %dma_wait3A_2248 = tpu.memref_slice %arg9[%dma_wait3A_2244, %dma_wait3A_2246, %dma_wait3A_2247] : memref<6x128x128xf32, #tpu.memory_space<vmem>> -> memref<1x128x128xf32, #tpu.memory_space<vmem>>
      %dma_wait3A_2249 = tpu.memref_squeeze %dma_wait3A_2248 : memref<1x128x128xf32, #tpu.memory_space<vmem>> -> memref<128x128xf32, #tpu.memory_space<vmem>>
      %dma_wait3A_2250 = arith.constant 0 : i32
      %dma_wait3A_2251 = arith.constant 0 : i32
      %dma_wait3A_2252 = tpu.memref_slice %arg4[%dma_wait3A_2245, %dma_wait3A_2250, %dma_wait3A_2251] : memref<50x4096x128xf32, #tpu.memory_space<hbm>> -> memref<1x128x128xf32, #tpu.memory_space<hbm>>
      %dma_wait3A_2253 = tpu.memref_squeeze %dma_wait3A_2252 : memref<1x128x128xf32, #tpu.memory_space<hbm>> -> memref<128x128xf32, #tpu.memory_space<hbm>>
      %dma_wait3A_2254 = arith.constant 0 : i32
      %dma_wait3A_2255 = arith.constant 0 : i32
      %dma_wait3A_2256 = tpu.memref_slice %arg4[%dma_wait3A_2245, %dma_wait3A_2254, %dma_wait3A_2255] : memref<50x4096x128xf32, #tpu.memory_space<hbm>> -> memref<1x128x128xf32, #tpu.memory_space<hbm>>
      %dma_wait3A_2257 = tpu.memref_squeeze %dma_wait3A_2256 : memref<1x128x128xf32, #tpu.memory_space<hbm>> -> memref<128x128xf32, #tpu.memory_space<hbm>>
      %dma_wait3A_2258 = arith.constant 0 : i32
      %dma_wait3A_2259 = arith.constant 0 : i32
      %dma_wait3A_2260 = tpu.memref_slice %arg9[%dma_wait3A_2244, %dma_wait3A_2258, %dma_wait3A_2259] : memref<6x128x128xf32, #tpu.memory_space<vmem>> -> memref<1x128x128xf32, #tpu.memory_space<vmem>>
      %dma_wait3A_2261 = tpu.memref_squeeze %dma_wait3A_2260 : memref<1x128x128xf32, #tpu.memory_space<vmem>> -> memref<128x128xf32, #tpu.memory_space<vmem>>
      tpu.wait_dma2 semaphore(%arg17 : memref<!tpu.dma_semaphore, #tpu.memory_space<semaphore_mem>>) src(%dma_wait3A_2261 : memref<128x128xf32, #tpu.memory_space<vmem>>) dst(%dma_wait3A_2257 : memref<128x128xf32, #tpu.memory_space<hbm>>)
      %sub3A_2262 = arith.constant 150 : i32
      %sub3A_2263 = arith.subi %add3A_2211, %sub3A_2262 : i32
      %add3A_2264 = arith.constant 4 : i32
      %add3A_2265 = arith.addi %sub3A_2263, %add3A_2264 : i32
      %dma_start3A_2266 = arith.constant 3 : i32
      %dma_start3A_2267 = arith.constant 1 : i32
      %dma_start3A_2268 = arith.constant 0 : i32
      %dma_start3A_2269 = arith.constant 0 : i32
      %dma_start3A_2270 = tpu.memref_slice %arg9[%dma_start3A_2267, %dma_start3A_2268, %dma_start3A_2269] : memref<6x128x128xf32, #tpu.memory_space<vmem>> -> memref<1x128x128xf32, #tpu.memory_space<vmem>>
      %dma_start3A_2271 = tpu.memref_squeeze %dma_start3A_2270 : memref<1x128x128xf32, #tpu.memory_space<vmem>> -> memref<128x128xf32, #tpu.memory_space<vmem>>
      %dma_start3A_2272 = arith.constant 0 : i32
      %dma_start3A_2273 = tpu.memref_slice %arg8[%dma_start3A_2266, %add3A_2265, %dma_start3A_2272] : memref<4x50x128xi32, #tpu.memory_space<vmem>> -> memref<1x1x128xi32, #tpu.memory_space<vmem>>
      %dma_start3A_2274 = tpu.memref_squeeze %dma_start3A_2273 : memref<1x1x128xi32, #tpu.memory_space<vmem>> -> memref<128xi32, #tpu.memory_space<vmem>>
      %dma_start3A_2275 = arith.constant 0 : i32
      %dma_start3A_2276 = arith.constant 0 : i32
      %dma_start3A_2277 = tpu.memref_slice %arg2[%dma_start3A_2275, %dma_start3A_2276] : memref<100000x128xf32, #tpu.memory_space<hbm>> -> memref<100000x128xf32, #tpu.memory_space<hbm>>
      tpu.enqueue_indirect_dma source(%dma_start3A_2277 : memref<100000x128xf32, #tpu.memory_space<hbm>>) target(%dma_start3A_2271 : memref<128x128xf32, #tpu.memory_space<vmem>>) offsets(%dma_start3A_2274 : memref<128xi32, #tpu.memory_space<vmem>>) semaphore(%arg11 : memref<!tpu.dma_semaphore, #tpu.memory_space<semaphore_mem>>)
      %add3A_2278 = arith.constant 4 : i32
      %add3A_2279 = arith.addi %add3A_2006, %add3A_2278 : i32
      %dma_wait3A_2280 = arith.constant 0 : i32
      %dma_wait3A_2281 = arith.constant 0 : i32
      %dma_wait3A_2282 = arith.constant 4 : i32
      %dma_wait3A_2283 = arith.constant 0 : i32
      %dma_wait3A_2284 = arith.constant 0 : i32
      %dma_wait3A_2285 = tpu.memref_slice %arg9[%dma_wait3A_2282, %dma_wait3A_2283, %dma_wait3A_2284] : memref<6x128x128xf32, #tpu.memory_space<vmem>> -> memref<1x128x128xf32, #tpu.memory_space<vmem>>
      %dma_wait3A_2286 = tpu.memref_squeeze %dma_wait3A_2285 : memref<1x128x128xf32, #tpu.memory_space<vmem>> -> memref<128x128xf32, #tpu.memory_space<vmem>>
      %dma_wait3A_2287 = arith.constant 0 : i32
      %dma_wait3A_2288 = tpu.memref_slice %arg8[%dma_wait3A_2280, %dma_wait3A_2281, %dma_wait3A_2287] : memref<4x50x128xi32, #tpu.memory_space<vmem>> -> memref<1x1x128xi32, #tpu.memory_space<vmem>>
      %dma_wait3A_2289 = tpu.memref_squeeze %dma_wait3A_2288 : memref<1x1x128xi32, #tpu.memory_space<vmem>> -> memref<128xi32, #tpu.memory_space<vmem>>
      %dma_wait3A_2290 = arith.constant 0 : i32
      %dma_wait3A_2291 = arith.constant 0 : i32
      %dma_wait3A_2292 = tpu.memref_slice %arg2[%dma_wait3A_2290, %dma_wait3A_2291] : memref<100000x128xf32, #tpu.memory_space<hbm>> -> memref<100000x128xf32, #tpu.memory_space<hbm>>
      tpu.wait_indirect_dma semaphore(%arg14 : memref<!tpu.dma_semaphore, #tpu.memory_space<semaphore_mem>>) src(%dma_wait3A_2292 : memref<100000x128xf32, #tpu.memory_space<hbm>>) dst(%dma_wait3A_2286 : memref<128x128xf32, #tpu.memory_space<vmem>>)
      %sub3A_2293 = arith.constant 150 : i32
      %sub3A_2294 = arith.subi %add3A_2279, %sub3A_2293 : i32
      %mul3A_2295 = arith.constant 128 : i32
      %mul3A_2296 = arith.muli %add3A, %mul3A_2295 : i32
      %dma_start3A_2297 = arith.constant 4 : i32
      %dma_start3A_2298 = arith.constant 0 : i32
      %dma_start3A_2299 = arith.constant 0 : i32
      %dma_start3A_2300 = tpu.memref_slice %arg9[%dma_start3A_2297, %dma_start3A_2298, %dma_start3A_2299] : memref<6x128x128xf32, #tpu.memory_space<vmem>> -> memref<1x128x128xf32, #tpu.memory_space<vmem>>
      %dma_start3A_2301 = tpu.memref_squeeze %dma_start3A_2300 : memref<1x128x128xf32, #tpu.memory_space<vmem>> -> memref<128x128xf32, #tpu.memory_space<vmem>>
      %dma_start3A_2302 = arith.constant 0 : i32
      %dma_start3A_2303 = tpu.memref_slice %arg7[%sub3A_2294, %mul3A_2296, %dma_start3A_2302] : memref<50x4096x128xf32, #tpu.memory_space<hbm>> -> memref<1x128x128xf32, #tpu.memory_space<hbm>>
      %dma_start3A_2304 = tpu.memref_squeeze %dma_start3A_2303 : memref<1x128x128xf32, #tpu.memory_space<hbm>> -> memref<128x128xf32, #tpu.memory_space<hbm>>
      %dma_start3A_2305 = arith.constant 0 : i32
      %dma_start3A_2306 = tpu.memref_slice %arg7[%sub3A_2294, %mul3A_2296, %dma_start3A_2305] : memref<50x4096x128xf32, #tpu.memory_space<hbm>> -> memref<1x128x128xf32, #tpu.memory_space<hbm>>
      %dma_start3A_2307 = tpu.memref_squeeze %dma_start3A_2306 : memref<1x128x128xf32, #tpu.memory_space<hbm>> -> memref<128x128xf32, #tpu.memory_space<hbm>>
      %dma_start3A_2308 = arith.constant 0 : i32
      %dma_start3A_2309 = arith.constant 0 : i32
      %dma_start3A_2310 = tpu.memref_slice %arg9[%dma_start3A_2297, %dma_start3A_2308, %dma_start3A_2309] : memref<6x128x128xf32, #tpu.memory_space<vmem>> -> memref<1x128x128xf32, #tpu.memory_space<vmem>>
      %dma_start3A_2311 = tpu.memref_squeeze %dma_start3A_2310 : memref<1x128x128xf32, #tpu.memory_space<vmem>> -> memref<128x128xf32, #tpu.memory_space<vmem>>
      tpu.enqueue_dma source(%dma_start3A_2311 : memref<128x128xf32, #tpu.memory_space<vmem>>) target(%dma_start3A_2307 : memref<128x128xf32, #tpu.memory_space<hbm>>) target_semaphore(%arg20 : memref<!tpu.dma_semaphore, #tpu.memory_space<semaphore_mem>>)
      %dma_wait3A_2312 = arith.constant 2 : i32
      %dma_wait3A_2313 = arith.constant 0 : i32
      %dma_wait3A_2314 = arith.constant 0 : i32
      %dma_wait3A_2315 = arith.constant 0 : i32
      %dma_wait3A_2316 = tpu.memref_slice %arg9[%dma_wait3A_2312, %dma_wait3A_2314, %dma_wait3A_2315] : memref<6x128x128xf32, #tpu.memory_space<vmem>> -> memref<1x128x128xf32, #tpu.memory_space<vmem>>
      %dma_wait3A_2317 = tpu.memref_squeeze %dma_wait3A_2316 : memref<1x128x128xf32, #tpu.memory_space<vmem>> -> memref<128x128xf32, #tpu.memory_space<vmem>>
      %dma_wait3A_2318 = arith.constant 0 : i32
      %dma_wait3A_2319 = arith.constant 0 : i32
      %dma_wait3A_2320 = tpu.memref_slice %arg4[%dma_wait3A_2313, %dma_wait3A_2318, %dma_wait3A_2319] : memref<50x4096x128xf32, #tpu.memory_space<hbm>> -> memref<1x128x128xf32, #tpu.memory_space<hbm>>
      %dma_wait3A_2321 = tpu.memref_squeeze %dma_wait3A_2320 : memref<1x128x128xf32, #tpu.memory_space<hbm>> -> memref<128x128xf32, #tpu.memory_space<hbm>>
      %dma_wait3A_2322 = arith.constant 0 : i32
      %dma_wait3A_2323 = arith.constant 0 : i32
      %dma_wait3A_2324 = tpu.memref_slice %arg4[%dma_wait3A_2313, %dma_wait3A_2322, %dma_wait3A_2323] : memref<50x4096x128xf32, #tpu.memory_space<hbm>> -> memref<1x128x128xf32, #tpu.memory_space<hbm>>
      %dma_wait3A_2325 = tpu.memref_squeeze %dma_wait3A_2324 : memref<1x128x128xf32, #tpu.memory_space<hbm>> -> memref<128x128xf32, #tpu.memory_space<hbm>>
      %dma_wait3A_2326 = arith.constant 0 : i32
      %dma_wait3A_2327 = arith.constant 0 : i32
      %dma_wait3A_2328 = tpu.memref_slice %arg9[%dma_wait3A_2312, %dma_wait3A_2326, %dma_wait3A_2327] : memref<6x128x128xf32, #tpu.memory_space<vmem>> -> memref<1x128x128xf32, #tpu.memory_space<vmem>>
      %dma_wait3A_2329 = tpu.memref_squeeze %dma_wait3A_2328 : memref<1x128x128xf32, #tpu.memory_space<vmem>> -> memref<128x128xf32, #tpu.memory_space<vmem>>
      tpu.wait_dma2 semaphore(%arg18 : memref<!tpu.dma_semaphore, #tpu.memory_space<semaphore_mem>>) src(%dma_wait3A_2329 : memref<128x128xf32, #tpu.memory_space<vmem>>) dst(%dma_wait3A_2325 : memref<128x128xf32, #tpu.memory_space<hbm>>)
      %sub3A_2330 = arith.constant 150 : i32
      %sub3A_2331 = arith.subi %add3A_2279, %sub3A_2330 : i32
      %add3A_2332 = arith.constant 4 : i32
      %add3A_2333 = arith.addi %sub3A_2331, %add3A_2332 : i32
      %dma_start3A_2334 = arith.constant 3 : i32
      %dma_start3A_2335 = arith.constant 2 : i32
      %dma_start3A_2336 = arith.constant 0 : i32
      %dma_start3A_2337 = arith.constant 0 : i32
      %dma_start3A_2338 = tpu.memref_slice %arg9[%dma_start3A_2335, %dma_start3A_2336, %dma_start3A_2337] : memref<6x128x128xf32, #tpu.memory_space<vmem>> -> memref<1x128x128xf32, #tpu.memory_space<vmem>>
      %dma_start3A_2339 = tpu.memref_squeeze %dma_start3A_2338 : memref<1x128x128xf32, #tpu.memory_space<vmem>> -> memref<128x128xf32, #tpu.memory_space<vmem>>
      %dma_start3A_2340 = arith.constant 0 : i32
      %dma_start3A_2341 = tpu.memref_slice %arg8[%dma_start3A_2334, %add3A_2333, %dma_start3A_2340] : memref<4x50x128xi32, #tpu.memory_space<vmem>> -> memref<1x1x128xi32, #tpu.memory_space<vmem>>
      %dma_start3A_2342 = tpu.memref_squeeze %dma_start3A_2341 : memref<1x1x128xi32, #tpu.memory_space<vmem>> -> memref<128xi32, #tpu.memory_space<vmem>>
      %dma_start3A_2343 = arith.constant 0 : i32
      %dma_start3A_2344 = arith.constant 0 : i32
      %dma_start3A_2345 = tpu.memref_slice %arg2[%dma_start3A_2343, %dma_start3A_2344] : memref<100000x128xf32, #tpu.memory_space<hbm>> -> memref<100000x128xf32, #tpu.memory_space<hbm>>
      tpu.enqueue_indirect_dma source(%dma_start3A_2345 : memref<100000x128xf32, #tpu.memory_space<hbm>>) target(%dma_start3A_2339 : memref<128x128xf32, #tpu.memory_space<vmem>>) offsets(%dma_start3A_2342 : memref<128xi32, #tpu.memory_space<vmem>>) semaphore(%arg12 : memref<!tpu.dma_semaphore, #tpu.memory_space<semaphore_mem>>)
      %add3A_2346 = arith.constant 5 : i32
      %add3A_2347 = arith.addi %add3A_2006, %add3A_2346 : i32
      %dma_wait3A_2348 = arith.constant 0 : i32
      %dma_wait3A_2349 = arith.constant 0 : i32
      %dma_wait3A_2350 = arith.constant 5 : i32
      %dma_wait3A_2351 = arith.constant 0 : i32
      %dma_wait3A_2352 = arith.constant 0 : i32
      %dma_wait3A_2353 = tpu.memref_slice %arg9[%dma_wait3A_2350, %dma_wait3A_2351, %dma_wait3A_2352] : memref<6x128x128xf32, #tpu.memory_space<vmem>> -> memref<1x128x128xf32, #tpu.memory_space<vmem>>
      %dma_wait3A_2354 = tpu.memref_squeeze %dma_wait3A_2353 : memref<1x128x128xf32, #tpu.memory_space<vmem>> -> memref<128x128xf32, #tpu.memory_space<vmem>>
      %dma_wait3A_2355 = arith.constant 0 : i32
      %dma_wait3A_2356 = tpu.memref_slice %arg8[%dma_wait3A_2348, %dma_wait3A_2349, %dma_wait3A_2355] : memref<4x50x128xi32, #tpu.memory_space<vmem>> -> memref<1x1x128xi32, #tpu.memory_space<vmem>>
      %dma_wait3A_2357 = tpu.memref_squeeze %dma_wait3A_2356 : memref<1x1x128xi32, #tpu.memory_space<vmem>> -> memref<128xi32, #tpu.memory_space<vmem>>
      %dma_wait3A_2358 = arith.constant 0 : i32
      %dma_wait3A_2359 = arith.constant 0 : i32
      %dma_wait3A_2360 = tpu.memref_slice %arg2[%dma_wait3A_2358, %dma_wait3A_2359] : memref<100000x128xf32, #tpu.memory_space<hbm>> -> memref<100000x128xf32, #tpu.memory_space<hbm>>
      tpu.wait_indirect_dma semaphore(%arg15 : memref<!tpu.dma_semaphore, #tpu.memory_space<semaphore_mem>>) src(%dma_wait3A_2360 : memref<100000x128xf32, #tpu.memory_space<hbm>>) dst(%dma_wait3A_2354 : memref<128x128xf32, #tpu.memory_space<vmem>>)
      %sub3A_2361 = arith.constant 150 : i32
      %sub3A_2362 = arith.subi %add3A_2347, %sub3A_2361 : i32
      %mul3A_2363 = arith.constant 128 : i32
      %mul3A_2364 = arith.muli %add3A, %mul3A_2363 : i32
      %dma_start3A_2365 = arith.constant 5 : i32
      %dma_start3A_2366 = arith.constant 0 : i32
      %dma_start3A_2367 = arith.constant 0 : i32
      %dma_start3A_2368 = tpu.memref_slice %arg9[%dma_start3A_2365, %dma_start3A_2366, %dma_start3A_2367] : memref<6x128x128xf32, #tpu.memory_space<vmem>> -> memref<1x128x128xf32, #tpu.memory_space<vmem>>
      %dma_start3A_2369 = tpu.memref_squeeze %dma_start3A_2368 : memref<1x128x128xf32, #tpu.memory_space<vmem>> -> memref<128x128xf32, #tpu.memory_space<vmem>>
      %dma_start3A_2370 = arith.constant 0 : i32
      %dma_start3A_2371 = tpu.memref_slice %arg7[%sub3A_2362, %mul3A_2364, %dma_start3A_2370] : memref<50x4096x128xf32, #tpu.memory_space<hbm>> -> memref<1x128x128xf32, #tpu.memory_space<hbm>>
      %dma_start3A_2372 = tpu.memref_squeeze %dma_start3A_2371 : memref<1x128x128xf32, #tpu.memory_space<hbm>> -> memref<128x128xf32, #tpu.memory_space<hbm>>
      %dma_start3A_2373 = arith.constant 0 : i32
      %dma_start3A_2374 = tpu.memref_slice %arg7[%sub3A_2362, %mul3A_2364, %dma_start3A_2373] : memref<50x4096x128xf32, #tpu.memory_space<hbm>> -> memref<1x128x128xf32, #tpu.memory_space<hbm>>
      %dma_start3A_2375 = tpu.memref_squeeze %dma_start3A_2374 : memref<1x128x128xf32, #tpu.memory_space<hbm>> -> memref<128x128xf32, #tpu.memory_space<hbm>>
      %dma_start3A_2376 = arith.constant 0 : i32
      %dma_start3A_2377 = arith.constant 0 : i32
      %dma_start3A_2378 = tpu.memref_slice %arg9[%dma_start3A_2365, %dma_start3A_2376, %dma_start3A_2377] : memref<6x128x128xf32, #tpu.memory_space<vmem>> -> memref<1x128x128xf32, #tpu.memory_space<vmem>>
      %dma_start3A_2379 = tpu.memref_squeeze %dma_start3A_2378 : memref<1x128x128xf32, #tpu.memory_space<vmem>> -> memref<128x128xf32, #tpu.memory_space<vmem>>
      tpu.enqueue_dma source(%dma_start3A_2379 : memref<128x128xf32, #tpu.memory_space<vmem>>) target(%dma_start3A_2375 : memref<128x128xf32, #tpu.memory_space<hbm>>) target_semaphore(%arg21 : memref<!tpu.dma_semaphore, #tpu.memory_space<semaphore_mem>>)
      %dma_wait3A_2380 = arith.constant 3 : i32
      %dma_wait3A_2381 = arith.constant 0 : i32
      %dma_wait3A_2382 = arith.constant 0 : i32
      %dma_wait3A_2383 = arith.constant 0 : i32
      %dma_wait3A_2384 = tpu.memref_slice %arg9[%dma_wait3A_2380, %dma_wait3A_2382, %dma_wait3A_2383] : memref<6x128x128xf32, #tpu.memory_space<vmem>> -> memref<1x128x128xf32, #tpu.memory_space<vmem>>
      %dma_wait3A_2385 = tpu.memref_squeeze %dma_wait3A_2384 : memref<1x128x128xf32, #tpu.memory_space<vmem>> -> memref<128x128xf32, #tpu.memory_space<vmem>>
      %dma_wait3A_2386 = arith.constant 0 : i32
      %dma_wait3A_2387 = arith.constant 0 : i32
      %dma_wait3A_2388 = tpu.memref_slice %arg4[%dma_wait3A_2381, %dma_wait3A_2386, %dma_wait3A_2387] : memref<50x4096x128xf32, #tpu.memory_space<hbm>> -> memref<1x128x128xf32, #tpu.memory_space<hbm>>
      %dma_wait3A_2389 = tpu.memref_squeeze %dma_wait3A_2388 : memref<1x128x128xf32, #tpu.memory_space<hbm>> -> memref<128x128xf32, #tpu.memory_space<hbm>>
      %dma_wait3A_2390 = arith.constant 0 : i32
      %dma_wait3A_2391 = arith.constant 0 : i32
      %dma_wait3A_2392 = tpu.memref_slice %arg4[%dma_wait3A_2381, %dma_wait3A_2390, %dma_wait3A_2391] : memref<50x4096x128xf32, #tpu.memory_space<hbm>> -> memref<1x128x128xf32, #tpu.memory_space<hbm>>
      %dma_wait3A_2393 = tpu.memref_squeeze %dma_wait3A_2392 : memref<1x128x128xf32, #tpu.memory_space<hbm>> -> memref<128x128xf32, #tpu.memory_space<hbm>>
      %dma_wait3A_2394 = arith.constant 0 : i32
      %dma_wait3A_2395 = arith.constant 0 : i32
      %dma_wait3A_2396 = tpu.memref_slice %arg9[%dma_wait3A_2380, %dma_wait3A_2394, %dma_wait3A_2395] : memref<6x128x128xf32, #tpu.memory_space<vmem>> -> memref<1x128x128xf32, #tpu.memory_space<vmem>>
      %dma_wait3A_2397 = tpu.memref_squeeze %dma_wait3A_2396 : memref<1x128x128xf32, #tpu.memory_space<vmem>> -> memref<128x128xf32, #tpu.memory_space<vmem>>
      tpu.wait_dma2 semaphore(%arg19 : memref<!tpu.dma_semaphore, #tpu.memory_space<semaphore_mem>>) src(%dma_wait3A_2397 : memref<128x128xf32, #tpu.memory_space<vmem>>) dst(%dma_wait3A_2393 : memref<128x128xf32, #tpu.memory_space<hbm>>)
      %sub3A_2398 = arith.constant 150 : i32
      %sub3A_2399 = arith.subi %add3A_2347, %sub3A_2398 : i32
      %add3A_2400 = arith.constant 4 : i32
      %add3A_2401 = arith.addi %sub3A_2399, %add3A_2400 : i32
      %dma_start3A_2402 = arith.constant 3 : i32
      %dma_start3A_2403 = arith.constant 3 : i32
      %dma_start3A_2404 = arith.constant 0 : i32
      %dma_start3A_2405 = arith.constant 0 : i32
      %dma_start3A_2406 = tpu.memref_slice %arg9[%dma_start3A_2403, %dma_start3A_2404, %dma_start3A_2405] : memref<6x128x128xf32, #tpu.memory_space<vmem>> -> memref<1x128x128xf32, #tpu.memory_space<vmem>>
      %dma_start3A_2407 = tpu.memref_squeeze %dma_start3A_2406 : memref<1x128x128xf32, #tpu.memory_space<vmem>> -> memref<128x128xf32, #tpu.memory_space<vmem>>
      %dma_start3A_2408 = arith.constant 0 : i32
      %dma_start3A_2409 = tpu.memref_slice %arg8[%dma_start3A_2402, %add3A_2401, %dma_start3A_2408] : memref<4x50x128xi32, #tpu.memory_space<vmem>> -> memref<1x1x128xi32, #tpu.memory_space<vmem>>
      %dma_start3A_2410 = tpu.memref_squeeze %dma_start3A_2409 : memref<1x1x128xi32, #tpu.memory_space<vmem>> -> memref<128xi32, #tpu.memory_space<vmem>>
      %dma_start3A_2411 = arith.constant 0 : i32
      %dma_start3A_2412 = arith.constant 0 : i32
      %dma_start3A_2413 = tpu.memref_slice %arg2[%dma_start3A_2411, %dma_start3A_2412] : memref<100000x128xf32, #tpu.memory_space<hbm>> -> memref<100000x128xf32, #tpu.memory_space<hbm>>
      tpu.enqueue_indirect_dma source(%dma_start3A_2413 : memref<100000x128xf32, #tpu.memory_space<hbm>>) target(%dma_start3A_2407 : memref<128x128xf32, #tpu.memory_space<vmem>>) offsets(%dma_start3A_2410 : memref<128xi32, #tpu.memory_space<vmem>>) semaphore(%arg13 : memref<!tpu.dma_semaphore, #tpu.memory_space<semaphore_mem>>)
    }
    %scan3A_1521 = arith.constant 7 : i32
    %dma_wait3A_1522 = arith.constant 0 : i32
    %dma_wait3A_1523 = arith.constant 0 : i32
    %dma_wait3A_1524 = arith.constant 0 : i32
    %dma_wait3A_1525 = arith.constant 0 : i32
    %dma_wait3A_1526 = arith.constant 0 : i32
    %dma_wait3A_1527 = tpu.memref_slice %arg9[%dma_wait3A_1524, %dma_wait3A_1525, %dma_wait3A_1526] : memref<6x128x128xf32, #tpu.memory_space<vmem>> -> memref<1x128x128xf32, #tpu.memory_space<vmem>>
    %dma_wait3A_1528 = tpu.memref_squeeze %dma_wait3A_1527 : memref<1x128x128xf32, #tpu.memory_space<vmem>> -> memref<128x128xf32, #tpu.memory_space<vmem>>
    %dma_wait3A_1529 = arith.constant 0 : i32
    %dma_wait3A_1530 = tpu.memref_slice %arg8[%dma_wait3A_1522, %dma_wait3A_1523, %dma_wait3A_1529] : memref<4x50x128xi32, #tpu.memory_space<vmem>> -> memref<1x1x128xi32, #tpu.memory_space<vmem>>
    %dma_wait3A_1531 = tpu.memref_squeeze %dma_wait3A_1530 : memref<1x1x128xi32, #tpu.memory_space<vmem>> -> memref<128xi32, #tpu.memory_space<vmem>>
    %dma_wait3A_1532 = arith.constant 0 : i32
    %dma_wait3A_1533 = arith.constant 0 : i32
    %dma_wait3A_1534 = tpu.memref_slice %arg2[%dma_wait3A_1532, %dma_wait3A_1533] : memref<100000x128xf32, #tpu.memory_space<hbm>> -> memref<100000x128xf32, #tpu.memory_space<hbm>>
    tpu.wait_indirect_dma semaphore(%arg10 : memref<!tpu.dma_semaphore, #tpu.memory_space<semaphore_mem>>) src(%dma_wait3A_1534 : memref<100000x128xf32, #tpu.memory_space<hbm>>) dst(%dma_wait3A_1528 : memref<128x128xf32, #tpu.memory_space<vmem>>)
    %mul3A_1535 = arith.constant 128 : i32
    %mul3A_1536 = arith.muli %add3A, %mul3A_1535 : i32
    %dma_start3A_1537 = arith.constant 0 : i32
    %dma_start3A_1538 = arith.constant 42 : i32
    %dma_start3A_1539 = arith.constant 0 : i32
    %dma_start3A_1540 = arith.constant 0 : i32
    %dma_start3A_1541 = tpu.memref_slice %arg9[%dma_start3A_1537, %dma_start3A_1539, %dma_start3A_1540] : memref<6x128x128xf32, #tpu.memory_space<vmem>> -> memref<1x128x128xf32, #tpu.memory_space<vmem>>
    %dma_start3A_1542 = tpu.memref_squeeze %dma_start3A_1541 : memref<1x128x128xf32, #tpu.memory_space<vmem>> -> memref<128x128xf32, #tpu.memory_space<vmem>>
    %dma_start3A_1543 = arith.constant 0 : i32
    %dma_start3A_1544 = tpu.memref_slice %arg7[%dma_start3A_1538, %mul3A_1536, %dma_start3A_1543] : memref<50x4096x128xf32, #tpu.memory_space<hbm>> -> memref<1x128x128xf32, #tpu.memory_space<hbm>>
    %dma_start3A_1545 = tpu.memref_squeeze %dma_start3A_1544 : memref<1x128x128xf32, #tpu.memory_space<hbm>> -> memref<128x128xf32, #tpu.memory_space<hbm>>
    %dma_start3A_1546 = arith.constant 0 : i32
    %dma_start3A_1547 = tpu.memref_slice %arg7[%dma_start3A_1538, %mul3A_1536, %dma_start3A_1546] : memref<50x4096x128xf32, #tpu.memory_space<hbm>> -> memref<1x128x128xf32, #tpu.memory_space<hbm>>
    %dma_start3A_1548 = tpu.memref_squeeze %dma_start3A_1547 : memref<1x128x128xf32, #tpu.memory_space<hbm>> -> memref<128x128xf32, #tpu.memory_space<hbm>>
    %dma_start3A_1549 = arith.constant 0 : i32
    %dma_start3A_1550 = arith.constant 0 : i32
    %dma_start3A_1551 = tpu.memref_slice %arg9[%dma_start3A_1537, %dma_start3A_1549, %dma_start3A_1550] : memref<6x128x128xf32, #tpu.memory_space<vmem>> -> memref<1x128x128xf32, #tpu.memory_space<vmem>>
    %dma_start3A_1552 = tpu.memref_squeeze %dma_start3A_1551 : memref<1x128x128xf32, #tpu.memory_space<vmem>> -> memref<128x128xf32, #tpu.memory_space<vmem>>
    tpu.enqueue_dma source(%dma_start3A_1552 : memref<128x128xf32, #tpu.memory_space<vmem>>) target(%dma_start3A_1548 : memref<128x128xf32, #tpu.memory_space<hbm>>) target_semaphore(%arg16 : memref<!tpu.dma_semaphore, #tpu.memory_space<semaphore_mem>>)
    %dma_wait3A_1553 = arith.constant 4 : i32
    %dma_wait3A_1554 = arith.constant 0 : i32
    %dma_wait3A_1555 = arith.constant 0 : i32
    %dma_wait3A_1556 = arith.constant 0 : i32
    %dma_wait3A_1557 = tpu.memref_slice %arg9[%dma_wait3A_1553, %dma_wait3A_1555, %dma_wait3A_1556] : memref<6x128x128xf32, #tpu.memory_space<vmem>> -> memref<1x128x128xf32, #tpu.memory_space<vmem>>
    %dma_wait3A_1558 = tpu.memref_squeeze %dma_wait3A_1557 : memref<1x128x128xf32, #tpu.memory_space<vmem>> -> memref<128x128xf32, #tpu.memory_space<vmem>>
    %dma_wait3A_1559 = arith.constant 0 : i32
    %dma_wait3A_1560 = arith.constant 0 : i32
    %dma_wait3A_1561 = tpu.memref_slice %arg4[%dma_wait3A_1554, %dma_wait3A_1559, %dma_wait3A_1560] : memref<50x4096x128xf32, #tpu.memory_space<hbm>> -> memref<1x128x128xf32, #tpu.memory_space<hbm>>
    %dma_wait3A_1562 = tpu.memref_squeeze %dma_wait3A_1561 : memref<1x128x128xf32, #tpu.memory_space<hbm>> -> memref<128x128xf32, #tpu.memory_space<hbm>>
    %dma_wait3A_1563 = arith.constant 0 : i32
    %dma_wait3A_1564 = arith.constant 0 : i32
    %dma_wait3A_1565 = tpu.memref_slice %arg4[%dma_wait3A_1554, %dma_wait3A_1563, %dma_wait3A_1564] : memref<50x4096x128xf32, #tpu.memory_space<hbm>> -> memref<1x128x128xf32, #tpu.memory_space<hbm>>
    %dma_wait3A_1566 = tpu.memref_squeeze %dma_wait3A_1565 : memref<1x128x128xf32, #tpu.memory_space<hbm>> -> memref<128x128xf32, #tpu.memory_space<hbm>>
    %dma_wait3A_1567 = arith.constant 0 : i32
    %dma_wait3A_1568 = arith.constant 0 : i32
    %dma_wait3A_1569 = tpu.memref_slice %arg9[%dma_wait3A_1553, %dma_wait3A_1567, %dma_wait3A_1568] : memref<6x128x128xf32, #tpu.memory_space<vmem>> -> memref<1x128x128xf32, #tpu.memory_space<vmem>>
    %dma_wait3A_1570 = tpu.memref_squeeze %dma_wait3A_1569 : memref<1x128x128xf32, #tpu.memory_space<vmem>> -> memref<128x128xf32, #tpu.memory_space<vmem>>
    tpu.wait_dma2 semaphore(%arg20 : memref<!tpu.dma_semaphore, #tpu.memory_space<semaphore_mem>>) src(%dma_wait3A_1570 : memref<128x128xf32, #tpu.memory_space<vmem>>) dst(%dma_wait3A_1566 : memref<128x128xf32, #tpu.memory_space<hbm>>)
    %dma_start3A_1571 = arith.constant 3 : i32
    %dma_start3A_1572 = arith.constant 46 : i32
    %dma_start3A_1573 = arith.constant 4 : i32
    %dma_start3A_1574 = arith.constant 0 : i32
    %dma_start3A_1575 = arith.constant 0 : i32
    %dma_start3A_1576 = tpu.memref_slice %arg9[%dma_start3A_1573, %dma_start3A_1574, %dma_start3A_1575] : memref<6x128x128xf32, #tpu.memory_space<vmem>> -> memref<1x128x128xf32, #tpu.memory_space<vmem>>
    %dma_start3A_1577 = tpu.memref_squeeze %dma_start3A_1576 : memref<1x128x128xf32, #tpu.memory_space<vmem>> -> memref<128x128xf32, #tpu.memory_space<vmem>>
    %dma_start3A_1578 = arith.constant 0 : i32
    %dma_start3A_1579 = tpu.memref_slice %arg8[%dma_start3A_1571, %dma_start3A_1572, %dma_start3A_1578] : memref<4x50x128xi32, #tpu.memory_space<vmem>> -> memref<1x1x128xi32, #tpu.memory_space<vmem>>
    %dma_start3A_1580 = tpu.memref_squeeze %dma_start3A_1579 : memref<1x1x128xi32, #tpu.memory_space<vmem>> -> memref<128xi32, #tpu.memory_space<vmem>>
    %dma_start3A_1581 = arith.constant 0 : i32
    %dma_start3A_1582 = arith.constant 0 : i32
    %dma_start3A_1583 = tpu.memref_slice %arg2[%dma_start3A_1581, %dma_start3A_1582] : memref<100000x128xf32, #tpu.memory_space<hbm>> -> memref<100000x128xf32, #tpu.memory_space<hbm>>
    tpu.enqueue_indirect_dma source(%dma_start3A_1583 : memref<100000x128xf32, #tpu.memory_space<hbm>>) target(%dma_start3A_1577 : memref<128x128xf32, #tpu.memory_space<vmem>>) offsets(%dma_start3A_1580 : memref<128xi32, #tpu.memory_space<vmem>>) semaphore(%arg14 : memref<!tpu.dma_semaphore, #tpu.memory_space<semaphore_mem>>)
    %dma_wait3A_1584 = arith.constant 0 : i32
    %dma_wait3A_1585 = arith.constant 0 : i32
    %dma_wait3A_1586 = arith.constant 1 : i32
    %dma_wait3A_1587 = arith.constant 0 : i32
    %dma_wait3A_1588 = arith.constant 0 : i32
    %dma_wait3A_1589 = tpu.memref_slice %arg9[%dma_wait3A_1586, %dma_wait3A_1587, %dma_wait3A_1588] : memref<6x128x128xf32, #tpu.memory_space<vmem>> -> memref<1x128x128xf32, #tpu.memory_space<vmem>>
    %dma_wait3A_1590 = tpu.memref_squeeze %dma_wait3A_1589 : memref<1x128x128xf32, #tpu.memory_space<vmem>> -> memref<128x128xf32, #tpu.memory_space<vmem>>
    %dma_wait3A_1591 = arith.constant 0 : i32
    %dma_wait3A_1592 = tpu.memref_slice %arg8[%dma_wait3A_1584, %dma_wait3A_1585, %dma_wait3A_1591] : memref<4x50x128xi32, #tpu.memory_space<vmem>> -> memref<1x1x128xi32, #tpu.memory_space<vmem>>
    %dma_wait3A_1593 = tpu.memref_squeeze %dma_wait3A_1592 : memref<1x1x128xi32, #tpu.memory_space<vmem>> -> memref<128xi32, #tpu.memory_space<vmem>>
    %dma_wait3A_1594 = arith.constant 0 : i32
    %dma_wait3A_1595 = arith.constant 0 : i32
    %dma_wait3A_1596 = tpu.memref_slice %arg2[%dma_wait3A_1594, %dma_wait3A_1595] : memref<100000x128xf32, #tpu.memory_space<hbm>> -> memref<100000x128xf32, #tpu.memory_space<hbm>>
    tpu.wait_indirect_dma semaphore(%arg11 : memref<!tpu.dma_semaphore, #tpu.memory_space<semaphore_mem>>) src(%dma_wait3A_1596 : memref<100000x128xf32, #tpu.memory_space<hbm>>) dst(%dma_wait3A_1590 : memref<128x128xf32, #tpu.memory_space<vmem>>)
    %mul3A_1597 = arith.constant 128 : i32
    %mul3A_1598 = arith.muli %add3A, %mul3A_1597 : i32
    %dma_start3A_1599 = arith.constant 1 : i32
    %dma_start3A_1600 = arith.constant 43 : i32
    %dma_start3A_1601 = arith.constant 0 : i32
    %dma_start3A_1602 = arith.constant 0 : i32
    %dma_start3A_1603 = tpu.memref_slice %arg9[%dma_start3A_1599, %dma_start3A_1601, %dma_start3A_1602] : memref<6x128x128xf32, #tpu.memory_space<vmem>> -> memref<1x128x128xf32, #tpu.memory_space<vmem>>
    %dma_start3A_1604 = tpu.memref_squeeze %dma_start3A_1603 : memref<1x128x128xf32, #tpu.memory_space<vmem>> -> memref<128x128xf32, #tpu.memory_space<vmem>>
    %dma_start3A_1605 = arith.constant 0 : i32
    %dma_start3A_1606 = tpu.memref_slice %arg7[%dma_start3A_1600, %mul3A_1598, %dma_start3A_1605] : memref<50x4096x128xf32, #tpu.memory_space<hbm>> -> memref<1x128x128xf32, #tpu.memory_space<hbm>>
    %dma_start3A_1607 = tpu.memref_squeeze %dma_start3A_1606 : memref<1x128x128xf32, #tpu.memory_space<hbm>> -> memref<128x128xf32, #tpu.memory_space<hbm>>
    %dma_start3A_1608 = arith.constant 0 : i32
    %dma_start3A_1609 = tpu.memref_slice %arg7[%dma_start3A_1600, %mul3A_1598, %dma_start3A_1608] : memref<50x4096x128xf32, #tpu.memory_space<hbm>> -> memref<1x128x128xf32, #tpu.memory_space<hbm>>
    %dma_start3A_1610 = tpu.memref_squeeze %dma_start3A_1609 : memref<1x128x128xf32, #tpu.memory_space<hbm>> -> memref<128x128xf32, #tpu.memory_space<hbm>>
    %dma_start3A_1611 = arith.constant 0 : i32
    %dma_start3A_1612 = arith.constant 0 : i32
    %dma_start3A_1613 = tpu.memref_slice %arg9[%dma_start3A_1599, %dma_start3A_1611, %dma_start3A_1612] : memref<6x128x128xf32, #tpu.memory_space<vmem>> -> memref<1x128x128xf32, #tpu.memory_space<vmem>>
    %dma_start3A_1614 = tpu.memref_squeeze %dma_start3A_1613 : memref<1x128x128xf32, #tpu.memory_space<vmem>> -> memref<128x128xf32, #tpu.memory_space<vmem>>
    tpu.enqueue_dma source(%dma_start3A_1614 : memref<128x128xf32, #tpu.memory_space<vmem>>) target(%dma_start3A_1610 : memref<128x128xf32, #tpu.memory_space<hbm>>) target_semaphore(%arg17 : memref<!tpu.dma_semaphore, #tpu.memory_space<semaphore_mem>>)
    %dma_wait3A_1615 = arith.constant 5 : i32
    %dma_wait3A_1616 = arith.constant 0 : i32
    %dma_wait3A_1617 = arith.constant 0 : i32
    %dma_wait3A_1618 = arith.constant 0 : i32
    %dma_wait3A_1619 = tpu.memref_slice %arg9[%dma_wait3A_1615, %dma_wait3A_1617, %dma_wait3A_1618] : memref<6x128x128xf32, #tpu.memory_space<vmem>> -> memref<1x128x128xf32, #tpu.memory_space<vmem>>
    %dma_wait3A_1620 = tpu.memref_squeeze %dma_wait3A_1619 : memref<1x128x128xf32, #tpu.memory_space<vmem>> -> memref<128x128xf32, #tpu.memory_space<vmem>>
    %dma_wait3A_1621 = arith.constant 0 : i32
    %dma_wait3A_1622 = arith.constant 0 : i32
    %dma_wait3A_1623 = tpu.memref_slice %arg4[%dma_wait3A_1616, %dma_wait3A_1621, %dma_wait3A_1622] : memref<50x4096x128xf32, #tpu.memory_space<hbm>> -> memref<1x128x128xf32, #tpu.memory_space<hbm>>
    %dma_wait3A_1624 = tpu.memref_squeeze %dma_wait3A_1623 : memref<1x128x128xf32, #tpu.memory_space<hbm>> -> memref<128x128xf32, #tpu.memory_space<hbm>>
    %dma_wait3A_1625 = arith.constant 0 : i32
    %dma_wait3A_1626 = arith.constant 0 : i32
    %dma_wait3A_1627 = tpu.memref_slice %arg4[%dma_wait3A_1616, %dma_wait3A_1625, %dma_wait3A_1626] : memref<50x4096x128xf32, #tpu.memory_space<hbm>> -> memref<1x128x128xf32, #tpu.memory_space<hbm>>
    %dma_wait3A_1628 = tpu.memref_squeeze %dma_wait3A_1627 : memref<1x128x128xf32, #tpu.memory_space<hbm>> -> memref<128x128xf32, #tpu.memory_space<hbm>>
    %dma_wait3A_1629 = arith.constant 0 : i32
    %dma_wait3A_1630 = arith.constant 0 : i32
    %dma_wait3A_1631 = tpu.memref_slice %arg9[%dma_wait3A_1615, %dma_wait3A_1629, %dma_wait3A_1630] : memref<6x128x128xf32, #tpu.memory_space<vmem>> -> memref<1x128x128xf32, #tpu.memory_space<vmem>>
    %dma_wait3A_1632 = tpu.memref_squeeze %dma_wait3A_1631 : memref<1x128x128xf32, #tpu.memory_space<vmem>> -> memref<128x128xf32, #tpu.memory_space<vmem>>
    tpu.wait_dma2 semaphore(%arg21 : memref<!tpu.dma_semaphore, #tpu.memory_space<semaphore_mem>>) src(%dma_wait3A_1632 : memref<128x128xf32, #tpu.memory_space<vmem>>) dst(%dma_wait3A_1628 : memref<128x128xf32, #tpu.memory_space<hbm>>)
    %dma_start3A_1633 = arith.constant 3 : i32
    %dma_start3A_1634 = arith.constant 47 : i32
    %dma_start3A_1635 = arith.constant 5 : i32
    %dma_start3A_1636 = arith.constant 0 : i32
    %dma_start3A_1637 = arith.constant 0 : i32
    %dma_start3A_1638 = tpu.memref_slice %arg9[%dma_start3A_1635, %dma_start3A_1636, %dma_start3A_1637] : memref<6x128x128xf32, #tpu.memory_space<vmem>> -> memref<1x128x128xf32, #tpu.memory_space<vmem>>
    %dma_start3A_1639 = tpu.memref_squeeze %dma_start3A_1638 : memref<1x128x128xf32, #tpu.memory_space<vmem>> -> memref<128x128xf32, #tpu.memory_space<vmem>>
    %dma_start3A_1640 = arith.constant 0 : i32
    %dma_start3A_1641 = tpu.memref_slice %arg8[%dma_start3A_1633, %dma_start3A_1634, %dma_start3A_1640] : memref<4x50x128xi32, #tpu.memory_space<vmem>> -> memref<1x1x128xi32, #tpu.memory_space<vmem>>
    %dma_start3A_1642 = tpu.memref_squeeze %dma_start3A_1641 : memref<1x1x128xi32, #tpu.memory_space<vmem>> -> memref<128xi32, #tpu.memory_space<vmem>>
    %dma_start3A_1643 = arith.constant 0 : i32
    %dma_start3A_1644 = arith.constant 0 : i32
    %dma_start3A_1645 = tpu.memref_slice %arg2[%dma_start3A_1643, %dma_start3A_1644] : memref<100000x128xf32, #tpu.memory_space<hbm>> -> memref<100000x128xf32, #tpu.memory_space<hbm>>
    tpu.enqueue_indirect_dma source(%dma_start3A_1645 : memref<100000x128xf32, #tpu.memory_space<hbm>>) target(%dma_start3A_1639 : memref<128x128xf32, #tpu.memory_space<vmem>>) offsets(%dma_start3A_1642 : memref<128xi32, #tpu.memory_space<vmem>>) semaphore(%arg15 : memref<!tpu.dma_semaphore, #tpu.memory_space<semaphore_mem>>)
    %dma_wait3A_1646 = arith.constant 0 : i32
    %dma_wait3A_1647 = arith.constant 0 : i32
    %dma_wait3A_1648 = arith.constant 2 : i32
    %dma_wait3A_1649 = arith.constant 0 : i32
    %dma_wait3A_1650 = arith.constant 0 : i32
    %dma_wait3A_1651 = tpu.memref_slice %arg9[%dma_wait3A_1648, %dma_wait3A_1649, %dma_wait3A_1650] : memref<6x128x128xf32, #tpu.memory_space<vmem>> -> memref<1x128x128xf32, #tpu.memory_space<vmem>>
    %dma_wait3A_1652 = tpu.memref_squeeze %dma_wait3A_1651 : memref<1x128x128xf32, #tpu.memory_space<vmem>> -> memref<128x128xf32, #tpu.memory_space<vmem>>
    %dma_wait3A_1653 = arith.constant 0 : i32
    %dma_wait3A_1654 = tpu.memref_slice %arg8[%dma_wait3A_1646, %dma_wait3A_1647, %dma_wait3A_1653] : memref<4x50x128xi32, #tpu.memory_space<vmem>> -> memref<1x1x128xi32, #tpu.memory_space<vmem>>
    %dma_wait3A_1655 = tpu.memref_squeeze %dma_wait3A_1654 : memref<1x1x128xi32, #tpu.memory_space<vmem>> -> memref<128xi32, #tpu.memory_space<vmem>>
    %dma_wait3A_1656 = arith.constant 0 : i32
    %dma_wait3A_1657 = arith.constant 0 : i32
    %dma_wait3A_1658 = tpu.memref_slice %arg2[%dma_wait3A_1656, %dma_wait3A_1657] : memref<100000x128xf32, #tpu.memory_space<hbm>> -> memref<100000x128xf32, #tpu.memory_space<hbm>>
    tpu.wait_indirect_dma semaphore(%arg12 : memref<!tpu.dma_semaphore, #tpu.memory_space<semaphore_mem>>) src(%dma_wait3A_1658 : memref<100000x128xf32, #tpu.memory_space<hbm>>) dst(%dma_wait3A_1652 : memref<128x128xf32, #tpu.memory_space<vmem>>)
    %mul3A_1659 = arith.constant 128 : i32
    %mul3A_1660 = arith.muli %add3A, %mul3A_1659 : i32
    %dma_start3A_1661 = arith.constant 2 : i32
    %dma_start3A_1662 = arith.constant 44 : i32
    %dma_start3A_1663 = arith.constant 0 : i32
    %dma_start3A_1664 = arith.constant 0 : i32
    %dma_start3A_1665 = tpu.memref_slice %arg9[%dma_start3A_1661, %dma_start3A_1663, %dma_start3A_1664] : memref<6x128x128xf32, #tpu.memory_space<vmem>> -> memref<1x128x128xf32, #tpu.memory_space<vmem>>
    %dma_start3A_1666 = tpu.memref_squeeze %dma_start3A_1665 : memref<1x128x128xf32, #tpu.memory_space<vmem>> -> memref<128x128xf32, #tpu.memory_space<vmem>>
    %dma_start3A_1667 = arith.constant 0 : i32
    %dma_start3A_1668 = tpu.memref_slice %arg7[%dma_start3A_1662, %mul3A_1660, %dma_start3A_1667] : memref<50x4096x128xf32, #tpu.memory_space<hbm>> -> memref<1x128x128xf32, #tpu.memory_space<hbm>>
    %dma_start3A_1669 = tpu.memref_squeeze %dma_start3A_1668 : memref<1x128x128xf32, #tpu.memory_space<hbm>> -> memref<128x128xf32, #tpu.memory_space<hbm>>
    %dma_start3A_1670 = arith.constant 0 : i32
    %dma_start3A_1671 = tpu.memref_slice %arg7[%dma_start3A_1662, %mul3A_1660, %dma_start3A_1670] : memref<50x4096x128xf32, #tpu.memory_space<hbm>> -> memref<1x128x128xf32, #tpu.memory_space<hbm>>
    %dma_start3A_1672 = tpu.memref_squeeze %dma_start3A_1671 : memref<1x128x128xf32, #tpu.memory_space<hbm>> -> memref<128x128xf32, #tpu.memory_space<hbm>>
    %dma_start3A_1673 = arith.constant 0 : i32
    %dma_start3A_1674 = arith.constant 0 : i32
    %dma_start3A_1675 = tpu.memref_slice %arg9[%dma_start3A_1661, %dma_start3A_1673, %dma_start3A_1674] : memref<6x128x128xf32, #tpu.memory_space<vmem>> -> memref<1x128x128xf32, #tpu.memory_space<vmem>>
    %dma_start3A_1676 = tpu.memref_squeeze %dma_start3A_1675 : memref<1x128x128xf32, #tpu.memory_space<vmem>> -> memref<128x128xf32, #tpu.memory_space<vmem>>
    tpu.enqueue_dma source(%dma_start3A_1676 : memref<128x128xf32, #tpu.memory_space<vmem>>) target(%dma_start3A_1672 : memref<128x128xf32, #tpu.memory_space<hbm>>) target_semaphore(%arg18 : memref<!tpu.dma_semaphore, #tpu.memory_space<semaphore_mem>>)
    %dma_wait3A_1677 = arith.constant 0 : i32
    %dma_wait3A_1678 = arith.constant 0 : i32
    %dma_wait3A_1679 = arith.constant 0 : i32
    %dma_wait3A_1680 = arith.constant 0 : i32
    %dma_wait3A_1681 = tpu.memref_slice %arg9[%dma_wait3A_1677, %dma_wait3A_1679, %dma_wait3A_1680] : memref<6x128x128xf32, #tpu.memory_space<vmem>> -> memref<1x128x128xf32, #tpu.memory_space<vmem>>
    %dma_wait3A_1682 = tpu.memref_squeeze %dma_wait3A_1681 : memref<1x128x128xf32, #tpu.memory_space<vmem>> -> memref<128x128xf32, #tpu.memory_space<vmem>>
    %dma_wait3A_1683 = arith.constant 0 : i32
    %dma_wait3A_1684 = arith.constant 0 : i32
    %dma_wait3A_1685 = tpu.memref_slice %arg4[%dma_wait3A_1678, %dma_wait3A_1683, %dma_wait3A_1684] : memref<50x4096x128xf32, #tpu.memory_space<hbm>> -> memref<1x128x128xf32, #tpu.memory_space<hbm>>
    %dma_wait3A_1686 = tpu.memref_squeeze %dma_wait3A_1685 : memref<1x128x128xf32, #tpu.memory_space<hbm>> -> memref<128x128xf32, #tpu.memory_space<hbm>>
    %dma_wait3A_1687 = arith.constant 0 : i32
    %dma_wait3A_1688 = arith.constant 0 : i32
    %dma_wait3A_1689 = tpu.memref_slice %arg4[%dma_wait3A_1678, %dma_wait3A_1687, %dma_wait3A_1688] : memref<50x4096x128xf32, #tpu.memory_space<hbm>> -> memref<1x128x128xf32, #tpu.memory_space<hbm>>
    %dma_wait3A_1690 = tpu.memref_squeeze %dma_wait3A_1689 : memref<1x128x128xf32, #tpu.memory_space<hbm>> -> memref<128x128xf32, #tpu.memory_space<hbm>>
    %dma_wait3A_1691 = arith.constant 0 : i32
    %dma_wait3A_1692 = arith.constant 0 : i32
    %dma_wait3A_1693 = tpu.memref_slice %arg9[%dma_wait3A_1677, %dma_wait3A_1691, %dma_wait3A_1692] : memref<6x128x128xf32, #tpu.memory_space<vmem>> -> memref<1x128x128xf32, #tpu.memory_space<vmem>>
    %dma_wait3A_1694 = tpu.memref_squeeze %dma_wait3A_1693 : memref<1x128x128xf32, #tpu.memory_space<vmem>> -> memref<128x128xf32, #tpu.memory_space<vmem>>
    tpu.wait_dma2 semaphore(%arg16 : memref<!tpu.dma_semaphore, #tpu.memory_space<semaphore_mem>>) src(%dma_wait3A_1694 : memref<128x128xf32, #tpu.memory_space<vmem>>) dst(%dma_wait3A_1690 : memref<128x128xf32, #tpu.memory_space<hbm>>)
    %dma_start3A_1695 = arith.constant 3 : i32
    %dma_start3A_1696 = arith.constant 48 : i32
    %dma_start3A_1697 = arith.constant 0 : i32
    %dma_start3A_1698 = arith.constant 0 : i32
    %dma_start3A_1699 = arith.constant 0 : i32
    %dma_start3A_1700 = tpu.memref_slice %arg9[%dma_start3A_1697, %dma_start3A_1698, %dma_start3A_1699] : memref<6x128x128xf32, #tpu.memory_space<vmem>> -> memref<1x128x128xf32, #tpu.memory_space<vmem>>
    %dma_start3A_1701 = tpu.memref_squeeze %dma_start3A_1700 : memref<1x128x128xf32, #tpu.memory_space<vmem>> -> memref<128x128xf32, #tpu.memory_space<vmem>>
    %dma_start3A_1702 = arith.constant 0 : i32
    %dma_start3A_1703 = tpu.memref_slice %arg8[%dma_start3A_1695, %dma_start3A_1696, %dma_start3A_1702] : memref<4x50x128xi32, #tpu.memory_space<vmem>> -> memref<1x1x128xi32, #tpu.memory_space<vmem>>
    %dma_start3A_1704 = tpu.memref_squeeze %dma_start3A_1703 : memref<1x1x128xi32, #tpu.memory_space<vmem>> -> memref<128xi32, #tpu.memory_space<vmem>>
    %dma_start3A_1705 = arith.constant 0 : i32
    %dma_start3A_1706 = arith.constant 0 : i32
    %dma_start3A_1707 = tpu.memref_slice %arg2[%dma_start3A_1705, %dma_start3A_1706] : memref<100000x128xf32, #tpu.memory_space<hbm>> -> memref<100000x128xf32, #tpu.memory_space<hbm>>
    tpu.enqueue_indirect_dma source(%dma_start3A_1707 : memref<100000x128xf32, #tpu.memory_space<hbm>>) target(%dma_start3A_1701 : memref<128x128xf32, #tpu.memory_space<vmem>>) offsets(%dma_start3A_1704 : memref<128xi32, #tpu.memory_space<vmem>>) semaphore(%arg10 : memref<!tpu.dma_semaphore, #tpu.memory_space<semaphore_mem>>)
    %dma_wait3A_1708 = arith.constant 0 : i32
    %dma_wait3A_1709 = arith.constant 0 : i32
    %dma_wait3A_1710 = arith.constant 3 : i32
    %dma_wait3A_1711 = arith.constant 0 : i32
    %dma_wait3A_1712 = arith.constant 0 : i32
    %dma_wait3A_1713 = tpu.memref_slice %arg9[%dma_wait3A_1710, %dma_wait3A_1711, %dma_wait3A_1712] : memref<6x128x128xf32, #tpu.memory_space<vmem>> -> memref<1x128x128xf32, #tpu.memory_space<vmem>>
    %dma_wait3A_1714 = tpu.memref_squeeze %dma_wait3A_1713 : memref<1x128x128xf32, #tpu.memory_space<vmem>> -> memref<128x128xf32, #tpu.memory_space<vmem>>
    %dma_wait3A_1715 = arith.constant 0 : i32
    %dma_wait3A_1716 = tpu.memref_slice %arg8[%dma_wait3A_1708, %dma_wait3A_1709, %dma_wait3A_1715] : memref<4x50x128xi32, #tpu.memory_space<vmem>> -> memref<1x1x128xi32, #tpu.memory_space<vmem>>
    %dma_wait3A_1717 = tpu.memref_squeeze %dma_wait3A_1716 : memref<1x1x128xi32, #tpu.memory_space<vmem>> -> memref<128xi32, #tpu.memory_space<vmem>>
    %dma_wait3A_1718 = arith.constant 0 : i32
    %dma_wait3A_1719 = arith.constant 0 : i32
    %dma_wait3A_1720 = tpu.memref_slice %arg2[%dma_wait3A_1718, %dma_wait3A_1719] : memref<100000x128xf32, #tpu.memory_space<hbm>> -> memref<100000x128xf32, #tpu.memory_space<hbm>>
    tpu.wait_indirect_dma semaphore(%arg13 : memref<!tpu.dma_semaphore, #tpu.memory_space<semaphore_mem>>) src(%dma_wait3A_1720 : memref<100000x128xf32, #tpu.memory_space<hbm>>) dst(%dma_wait3A_1714 : memref<128x128xf32, #tpu.memory_space<vmem>>)
    %mul3A_1721 = arith.constant 128 : i32
    %mul3A_1722 = arith.muli %add3A, %mul3A_1721 : i32
    %dma_start3A_1723 = arith.constant 3 : i32
    %dma_start3A_1724 = arith.constant 45 : i32
    %dma_start3A_1725 = arith.constant 0 : i32
    %dma_start3A_1726 = arith.constant 0 : i32
    %dma_start3A_1727 = tpu.memref_slice %arg9[%dma_start3A_1723, %dma_start3A_1725, %dma_start3A_1726] : memref<6x128x128xf32, #tpu.memory_space<vmem>> -> memref<1x128x128xf32, #tpu.memory_space<vmem>>
    %dma_start3A_1728 = tpu.memref_squeeze %dma_start3A_1727 : memref<1x128x128xf32, #tpu.memory_space<vmem>> -> memref<128x128xf32, #tpu.memory_space<vmem>>
    %dma_start3A_1729 = arith.constant 0 : i32
    %dma_start3A_1730 = tpu.memref_slice %arg7[%dma_start3A_1724, %mul3A_1722, %dma_start3A_1729] : memref<50x4096x128xf32, #tpu.memory_space<hbm>> -> memref<1x128x128xf32, #tpu.memory_space<hbm>>
    %dma_start3A_1731 = tpu.memref_squeeze %dma_start3A_1730 : memref<1x128x128xf32, #tpu.memory_space<hbm>> -> memref<128x128xf32, #tpu.memory_space<hbm>>
    %dma_start3A_1732 = arith.constant 0 : i32
    %dma_start3A_1733 = tpu.memref_slice %arg7[%dma_start3A_1724, %mul3A_1722, %dma_start3A_1732] : memref<50x4096x128xf32, #tpu.memory_space<hbm>> -> memref<1x128x128xf32, #tpu.memory_space<hbm>>
    %dma_start3A_1734 = tpu.memref_squeeze %dma_start3A_1733 : memref<1x128x128xf32, #tpu.memory_space<hbm>> -> memref<128x128xf32, #tpu.memory_space<hbm>>
    %dma_start3A_1735 = arith.constant 0 : i32
    %dma_start3A_1736 = arith.constant 0 : i32
    %dma_start3A_1737 = tpu.memref_slice %arg9[%dma_start3A_1723, %dma_start3A_1735, %dma_start3A_1736] : memref<6x128x128xf32, #tpu.memory_space<vmem>> -> memref<1x128x128xf32, #tpu.memory_space<vmem>>
    %dma_start3A_1738 = tpu.memref_squeeze %dma_start3A_1737 : memref<1x128x128xf32, #tpu.memory_space<vmem>> -> memref<128x128xf32, #tpu.memory_space<vmem>>
    tpu.enqueue_dma source(%dma_start3A_1738 : memref<128x128xf32, #tpu.memory_space<vmem>>) target(%dma_start3A_1734 : memref<128x128xf32, #tpu.memory_space<hbm>>) target_semaphore(%arg19 : memref<!tpu.dma_semaphore, #tpu.memory_space<semaphore_mem>>)
    %dma_wait3A_1739 = arith.constant 1 : i32
    %dma_wait3A_1740 = arith.constant 0 : i32
    %dma_wait3A_1741 = arith.constant 0 : i32
    %dma_wait3A_1742 = arith.constant 0 : i32
    %dma_wait3A_1743 = tpu.memref_slice %arg9[%dma_wait3A_1739, %dma_wait3A_1741, %dma_wait3A_1742] : memref<6x128x128xf32, #tpu.memory_space<vmem>> -> memref<1x128x128xf32, #tpu.memory_space<vmem>>
    %dma_wait3A_1744 = tpu.memref_squeeze %dma_wait3A_1743 : memref<1x128x128xf32, #tpu.memory_space<vmem>> -> memref<128x128xf32, #tpu.memory_space<vmem>>
    %dma_wait3A_1745 = arith.constant 0 : i32
    %dma_wait3A_1746 = arith.constant 0 : i32
    %dma_wait3A_1747 = tpu.memref_slice %arg4[%dma_wait3A_1740, %dma_wait3A_1745, %dma_wait3A_1746] : memref<50x4096x128xf32, #tpu.memory_space<hbm>> -> memref<1x128x128xf32, #tpu.memory_space<hbm>>
    %dma_wait3A_1748 = tpu.memref_squeeze %dma_wait3A_1747 : memref<1x128x128xf32, #tpu.memory_space<hbm>> -> memref<128x128xf32, #tpu.memory_space<hbm>>
    %dma_wait3A_1749 = arith.constant 0 : i32
    %dma_wait3A_1750 = arith.constant 0 : i32
    %dma_wait3A_1751 = tpu.memref_slice %arg4[%dma_wait3A_1740, %dma_wait3A_1749, %dma_wait3A_1750] : memref<50x4096x128xf32, #tpu.memory_space<hbm>> -> memref<1x128x128xf32, #tpu.memory_space<hbm>>
    %dma_wait3A_1752 = tpu.memref_squeeze %dma_wait3A_1751 : memref<1x128x128xf32, #tpu.memory_space<hbm>> -> memref<128x128xf32, #tpu.memory_space<hbm>>
    %dma_wait3A_1753 = arith.constant 0 : i32
    %dma_wait3A_1754 = arith.constant 0 : i32
    %dma_wait3A_1755 = tpu.memref_slice %arg9[%dma_wait3A_1739, %dma_wait3A_1753, %dma_wait3A_1754] : memref<6x128x128xf32, #tpu.memory_space<vmem>> -> memref<1x128x128xf32, #tpu.memory_space<vmem>>
    %dma_wait3A_1756 = tpu.memref_squeeze %dma_wait3A_1755 : memref<1x128x128xf32, #tpu.memory_space<vmem>> -> memref<128x128xf32, #tpu.memory_space<vmem>>
    tpu.wait_dma2 semaphore(%arg17 : memref<!tpu.dma_semaphore, #tpu.memory_space<semaphore_mem>>) src(%dma_wait3A_1756 : memref<128x128xf32, #tpu.memory_space<vmem>>) dst(%dma_wait3A_1752 : memref<128x128xf32, #tpu.memory_space<hbm>>)
    %dma_start3A_1757 = arith.constant 3 : i32
    %dma_start3A_1758 = arith.constant 49 : i32
    %dma_start3A_1759 = arith.constant 1 : i32
    %dma_start3A_1760 = arith.constant 0 : i32
    %dma_start3A_1761 = arith.constant 0 : i32
    %dma_start3A_1762 = tpu.memref_slice %arg9[%dma_start3A_1759, %dma_start3A_1760, %dma_start3A_1761] : memref<6x128x128xf32, #tpu.memory_space<vmem>> -> memref<1x128x128xf32, #tpu.memory_space<vmem>>
    %dma_start3A_1763 = tpu.memref_squeeze %dma_start3A_1762 : memref<1x128x128xf32, #tpu.memory_space<vmem>> -> memref<128x128xf32, #tpu.memory_space<vmem>>
    %dma_start3A_1764 = arith.constant 0 : i32
    %dma_start3A_1765 = tpu.memref_slice %arg8[%dma_start3A_1757, %dma_start3A_1758, %dma_start3A_1764] : memref<4x50x128xi32, #tpu.memory_space<vmem>> -> memref<1x1x128xi32, #tpu.memory_space<vmem>>
    %dma_start3A_1766 = tpu.memref_squeeze %dma_start3A_1765 : memref<1x1x128xi32, #tpu.memory_space<vmem>> -> memref<128xi32, #tpu.memory_space<vmem>>
    %dma_start3A_1767 = arith.constant 0 : i32
    %dma_start3A_1768 = arith.constant 0 : i32
    %dma_start3A_1769 = tpu.memref_slice %arg2[%dma_start3A_1767, %dma_start3A_1768] : memref<100000x128xf32, #tpu.memory_space<hbm>> -> memref<100000x128xf32, #tpu.memory_space<hbm>>
    tpu.enqueue_indirect_dma source(%dma_start3A_1769 : memref<100000x128xf32, #tpu.memory_space<hbm>>) target(%dma_start3A_1763 : memref<128x128xf32, #tpu.memory_space<vmem>>) offsets(%dma_start3A_1766 : memref<128xi32, #tpu.memory_space<vmem>>) semaphore(%arg11 : memref<!tpu.dma_semaphore, #tpu.memory_space<semaphore_mem>>)
    %dma_wait3A_1770 = arith.constant 0 : i32
    %dma_wait3A_1771 = arith.constant 0 : i32
    %dma_wait3A_1772 = arith.constant 4 : i32
    %dma_wait3A_1773 = arith.constant 0 : i32
    %dma_wait3A_1774 = arith.constant 0 : i32
    %dma_wait3A_1775 = tpu.memref_slice %arg9[%dma_wait3A_1772, %dma_wait3A_1773, %dma_wait3A_1774] : memref<6x128x128xf32, #tpu.memory_space<vmem>> -> memref<1x128x128xf32, #tpu.memory_space<vmem>>
    %dma_wait3A_1776 = tpu.memref_squeeze %dma_wait3A_1775 : memref<1x128x128xf32, #tpu.memory_space<vmem>> -> memref<128x128xf32, #tpu.memory_space<vmem>>
    %dma_wait3A_1777 = arith.constant 0 : i32
    %dma_wait3A_1778 = tpu.memref_slice %arg8[%dma_wait3A_1770, %dma_wait3A_1771, %dma_wait3A_1777] : memref<4x50x128xi32, #tpu.memory_space<vmem>> -> memref<1x1x128xi32, #tpu.memory_space<vmem>>
    %dma_wait3A_1779 = tpu.memref_squeeze %dma_wait3A_1778 : memref<1x1x128xi32, #tpu.memory_space<vmem>> -> memref<128xi32, #tpu.memory_space<vmem>>
    %dma_wait3A_1780 = arith.constant 0 : i32
    %dma_wait3A_1781 = arith.constant 0 : i32
    %dma_wait3A_1782 = tpu.memref_slice %arg2[%dma_wait3A_1780, %dma_wait3A_1781] : memref<100000x128xf32, #tpu.memory_space<hbm>> -> memref<100000x128xf32, #tpu.memory_space<hbm>>
    tpu.wait_indirect_dma semaphore(%arg14 : memref<!tpu.dma_semaphore, #tpu.memory_space<semaphore_mem>>) src(%dma_wait3A_1782 : memref<100000x128xf32, #tpu.memory_space<hbm>>) dst(%dma_wait3A_1776 : memref<128x128xf32, #tpu.memory_space<vmem>>)
    %mul3A_1783 = arith.constant 128 : i32
    %mul3A_1784 = arith.muli %add3A, %mul3A_1783 : i32
    %dma_start3A_1785 = arith.constant 4 : i32
    %dma_start3A_1786 = arith.constant 46 : i32
    %dma_start3A_1787 = arith.constant 0 : i32
    %dma_start3A_1788 = arith.constant 0 : i32
    %dma_start3A_1789 = tpu.memref_slice %arg9[%dma_start3A_1785, %dma_start3A_1787, %dma_start3A_1788] : memref<6x128x128xf32, #tpu.memory_space<vmem>> -> memref<1x128x128xf32, #tpu.memory_space<vmem>>
    %dma_start3A_1790 = tpu.memref_squeeze %dma_start3A_1789 : memref<1x128x128xf32, #tpu.memory_space<vmem>> -> memref<128x128xf32, #tpu.memory_space<vmem>>
    %dma_start3A_1791 = arith.constant 0 : i32
    %dma_start3A_1792 = tpu.memref_slice %arg7[%dma_start3A_1786, %mul3A_1784, %dma_start3A_1791] : memref<50x4096x128xf32, #tpu.memory_space<hbm>> -> memref<1x128x128xf32, #tpu.memory_space<hbm>>
    %dma_start3A_1793 = tpu.memref_squeeze %dma_start3A_1792 : memref<1x128x128xf32, #tpu.memory_space<hbm>> -> memref<128x128xf32, #tpu.memory_space<hbm>>
    %dma_start3A_1794 = arith.constant 0 : i32
    %dma_start3A_1795 = tpu.memref_slice %arg7[%dma_start3A_1786, %mul3A_1784, %dma_start3A_1794] : memref<50x4096x128xf32, #tpu.memory_space<hbm>> -> memref<1x128x128xf32, #tpu.memory_space<hbm>>
    %dma_start3A_1796 = tpu.memref_squeeze %dma_start3A_1795 : memref<1x128x128xf32, #tpu.memory_space<hbm>> -> memref<128x128xf32, #tpu.memory_space<hbm>>
    %dma_start3A_1797 = arith.constant 0 : i32
    %dma_start3A_1798 = arith.constant 0 : i32
    %dma_start3A_1799 = tpu.memref_slice %arg9[%dma_start3A_1785, %dma_start3A_1797, %dma_start3A_1798] : memref<6x128x128xf32, #tpu.memory_space<vmem>> -> memref<1x128x128xf32, #tpu.memory_space<vmem>>
    %dma_start3A_1800 = tpu.memref_squeeze %dma_start3A_1799 : memref<1x128x128xf32, #tpu.memory_space<vmem>> -> memref<128x128xf32, #tpu.memory_space<vmem>>
    tpu.enqueue_dma source(%dma_start3A_1800 : memref<128x128xf32, #tpu.memory_space<vmem>>) target(%dma_start3A_1796 : memref<128x128xf32, #tpu.memory_space<hbm>>) target_semaphore(%arg20 : memref<!tpu.dma_semaphore, #tpu.memory_space<semaphore_mem>>)
    %dma_wait3A_1801 = arith.constant 2 : i32
    %dma_wait3A_1802 = arith.constant 0 : i32
    %dma_wait3A_1803 = arith.constant 0 : i32
    %dma_wait3A_1804 = arith.constant 0 : i32
    %dma_wait3A_1805 = tpu.memref_slice %arg9[%dma_wait3A_1801, %dma_wait3A_1803, %dma_wait3A_1804] : memref<6x128x128xf32, #tpu.memory_space<vmem>> -> memref<1x128x128xf32, #tpu.memory_space<vmem>>
    %dma_wait3A_1806 = tpu.memref_squeeze %dma_wait3A_1805 : memref<1x128x128xf32, #tpu.memory_space<vmem>> -> memref<128x128xf32, #tpu.memory_space<vmem>>
    %dma_wait3A_1807 = arith.constant 0 : i32
    %dma_wait3A_1808 = arith.constant 0 : i32
    %dma_wait3A_1809 = tpu.memref_slice %arg4[%dma_wait3A_1802, %dma_wait3A_1807, %dma_wait3A_1808] : memref<50x4096x128xf32, #tpu.memory_space<hbm>> -> memref<1x128x128xf32, #tpu.memory_space<hbm>>
    %dma_wait3A_1810 = tpu.memref_squeeze %dma_wait3A_1809 : memref<1x128x128xf32, #tpu.memory_space<hbm>> -> memref<128x128xf32, #tpu.memory_space<hbm>>
    %dma_wait3A_1811 = arith.constant 0 : i32
    %dma_wait3A_1812 = arith.constant 0 : i32
    %dma_wait3A_1813 = tpu.memref_slice %arg4[%dma_wait3A_1802, %dma_wait3A_1811, %dma_wait3A_1812] : memref<50x4096x128xf32, #tpu.memory_space<hbm>> -> memref<1x128x128xf32, #tpu.memory_space<hbm>>
    %dma_wait3A_1814 = tpu.memref_squeeze %dma_wait3A_1813 : memref<1x128x128xf32, #tpu.memory_space<hbm>> -> memref<128x128xf32, #tpu.memory_space<hbm>>
    %dma_wait3A_1815 = arith.constant 0 : i32
    %dma_wait3A_1816 = arith.constant 0 : i32
    %dma_wait3A_1817 = tpu.memref_slice %arg9[%dma_wait3A_1801, %dma_wait3A_1815, %dma_wait3A_1816] : memref<6x128x128xf32, #tpu.memory_space<vmem>> -> memref<1x128x128xf32, #tpu.memory_space<vmem>>
    %dma_wait3A_1818 = tpu.memref_squeeze %dma_wait3A_1817 : memref<1x128x128xf32, #tpu.memory_space<vmem>> -> memref<128x128xf32, #tpu.memory_space<vmem>>
    tpu.wait_dma2 semaphore(%arg18 : memref<!tpu.dma_semaphore, #tpu.memory_space<semaphore_mem>>) src(%dma_wait3A_1818 : memref<128x128xf32, #tpu.memory_space<vmem>>) dst(%dma_wait3A_1814 : memref<128x128xf32, #tpu.memory_space<hbm>>)
    %dma_wait3A_1819 = arith.constant 0 : i32
    %dma_wait3A_1820 = arith.constant 0 : i32
    %dma_wait3A_1821 = arith.constant 5 : i32
    %dma_wait3A_1822 = arith.constant 0 : i32
    %dma_wait3A_1823 = arith.constant 0 : i32
    %dma_wait3A_1824 = tpu.memref_slice %arg9[%dma_wait3A_1821, %dma_wait3A_1822, %dma_wait3A_1823] : memref<6x128x128xf32, #tpu.memory_space<vmem>> -> memref<1x128x128xf32, #tpu.memory_space<vmem>>
    %dma_wait3A_1825 = tpu.memref_squeeze %dma_wait3A_1824 : memref<1x128x128xf32, #tpu.memory_space<vmem>> -> memref<128x128xf32, #tpu.memory_space<vmem>>
    %dma_wait3A_1826 = arith.constant 0 : i32
    %dma_wait3A_1827 = tpu.memref_slice %arg8[%dma_wait3A_1819, %dma_wait3A_1820, %dma_wait3A_1826] : memref<4x50x128xi32, #tpu.memory_space<vmem>> -> memref<1x1x128xi32, #tpu.memory_space<vmem>>
    %dma_wait3A_1828 = tpu.memref_squeeze %dma_wait3A_1827 : memref<1x1x128xi32, #tpu.memory_space<vmem>> -> memref<128xi32, #tpu.memory_space<vmem>>
    %dma_wait3A_1829 = arith.constant 0 : i32
    %dma_wait3A_1830 = arith.constant 0 : i32
    %dma_wait3A_1831 = tpu.memref_slice %arg2[%dma_wait3A_1829, %dma_wait3A_1830] : memref<100000x128xf32, #tpu.memory_space<hbm>> -> memref<100000x128xf32, #tpu.memory_space<hbm>>
    tpu.wait_indirect_dma semaphore(%arg15 : memref<!tpu.dma_semaphore, #tpu.memory_space<semaphore_mem>>) src(%dma_wait3A_1831 : memref<100000x128xf32, #tpu.memory_space<hbm>>) dst(%dma_wait3A_1825 : memref<128x128xf32, #tpu.memory_space<vmem>>)
    %mul3A_1832 = arith.constant 128 : i32
    %mul3A_1833 = arith.muli %add3A, %mul3A_1832 : i32
    %dma_start3A_1834 = arith.constant 5 : i32
    %dma_start3A_1835 = arith.constant 47 : i32
    %dma_start3A_1836 = arith.constant 0 : i32
    %dma_start3A_1837 = arith.constant 0 : i32
    %dma_start3A_1838 = tpu.memref_slice %arg9[%dma_start3A_1834, %dma_start3A_1836, %dma_start3A_1837] : memref<6x128x128xf32, #tpu.memory_space<vmem>> -> memref<1x128x128xf32, #tpu.memory_space<vmem>>
    %dma_start3A_1839 = tpu.memref_squeeze %dma_start3A_1838 : memref<1x128x128xf32, #tpu.memory_space<vmem>> -> memref<128x128xf32, #tpu.memory_space<vmem>>
    %dma_start3A_1840 = arith.constant 0 : i32
    %dma_start3A_1841 = tpu.memref_slice %arg7[%dma_start3A_1835, %mul3A_1833, %dma_start3A_1840] : memref<50x4096x128xf32, #tpu.memory_space<hbm>> -> memref<1x128x128xf32, #tpu.memory_space<hbm>>
    %dma_start3A_1842 = tpu.memref_squeeze %dma_start3A_1841 : memref<1x128x128xf32, #tpu.memory_space<hbm>> -> memref<128x128xf32, #tpu.memory_space<hbm>>
    %dma_start3A_1843 = arith.constant 0 : i32
    %dma_start3A_1844 = tpu.memref_slice %arg7[%dma_start3A_1835, %mul3A_1833, %dma_start3A_1843] : memref<50x4096x128xf32, #tpu.memory_space<hbm>> -> memref<1x128x128xf32, #tpu.memory_space<hbm>>
    %dma_start3A_1845 = tpu.memref_squeeze %dma_start3A_1844 : memref<1x128x128xf32, #tpu.memory_space<hbm>> -> memref<128x128xf32, #tpu.memory_space<hbm>>
    %dma_start3A_1846 = arith.constant 0 : i32
    %dma_start3A_1847 = arith.constant 0 : i32
    %dma_start3A_1848 = tpu.memref_slice %arg9[%dma_start3A_1834, %dma_start3A_1846, %dma_start3A_1847] : memref<6x128x128xf32, #tpu.memory_space<vmem>> -> memref<1x128x128xf32, #tpu.memory_space<vmem>>
    %dma_start3A_1849 = tpu.memref_squeeze %dma_start3A_1848 : memref<1x128x128xf32, #tpu.memory_space<vmem>> -> memref<128x128xf32, #tpu.memory_space<vmem>>
    tpu.enqueue_dma source(%dma_start3A_1849 : memref<128x128xf32, #tpu.memory_space<vmem>>) target(%dma_start3A_1845 : memref<128x128xf32, #tpu.memory_space<hbm>>) target_semaphore(%arg21 : memref<!tpu.dma_semaphore, #tpu.memory_space<semaphore_mem>>)
    %dma_wait3A_1850 = arith.constant 3 : i32
    %dma_wait3A_1851 = arith.constant 0 : i32
    %dma_wait3A_1852 = arith.constant 0 : i32
    %dma_wait3A_1853 = arith.constant 0 : i32
    %dma_wait3A_1854 = tpu.memref_slice %arg9[%dma_wait3A_1850, %dma_wait3A_1852, %dma_wait3A_1853] : memref<6x128x128xf32, #tpu.memory_space<vmem>> -> memref<1x128x128xf32, #tpu.memory_space<vmem>>
    %dma_wait3A_1855 = tpu.memref_squeeze %dma_wait3A_1854 : memref<1x128x128xf32, #tpu.memory_space<vmem>> -> memref<128x128xf32, #tpu.memory_space<vmem>>
    %dma_wait3A_1856 = arith.constant 0 : i32
    %dma_wait3A_1857 = arith.constant 0 : i32
    %dma_wait3A_1858 = tpu.memref_slice %arg4[%dma_wait3A_1851, %dma_wait3A_1856, %dma_wait3A_1857] : memref<50x4096x128xf32, #tpu.memory_space<hbm>> -> memref<1x128x128xf32, #tpu.memory_space<hbm>>
    %dma_wait3A_1859 = tpu.memref_squeeze %dma_wait3A_1858 : memref<1x128x128xf32, #tpu.memory_space<hbm>> -> memref<128x128xf32, #tpu.memory_space<hbm>>
    %dma_wait3A_1860 = arith.constant 0 : i32
    %dma_wait3A_1861 = arith.constant 0 : i32
    %dma_wait3A_1862 = tpu.memref_slice %arg4[%dma_wait3A_1851, %dma_wait3A_1860, %dma_wait3A_1861] : memref<50x4096x128xf32, #tpu.memory_space<hbm>> -> memref<1x128x128xf32, #tpu.memory_space<hbm>>
    %dma_wait3A_1863 = tpu.memref_squeeze %dma_wait3A_1862 : memref<1x128x128xf32, #tpu.memory_space<hbm>> -> memref<128x128xf32, #tpu.memory_space<hbm>>
    %dma_wait3A_1864 = arith.constant 0 : i32
    %dma_wait3A_1865 = arith.constant 0 : i32
    %dma_wait3A_1866 = tpu.memref_slice %arg9[%dma_wait3A_1850, %dma_wait3A_1864, %dma_wait3A_1865] : memref<6x128x128xf32, #tpu.memory_space<vmem>> -> memref<1x128x128xf32, #tpu.memory_space<vmem>>
    %dma_wait3A_1867 = tpu.memref_squeeze %dma_wait3A_1866 : memref<1x128x128xf32, #tpu.memory_space<vmem>> -> memref<128x128xf32, #tpu.memory_space<vmem>>
    tpu.wait_dma2 semaphore(%arg19 : memref<!tpu.dma_semaphore, #tpu.memory_space<semaphore_mem>>) src(%dma_wait3A_1867 : memref<128x128xf32, #tpu.memory_space<vmem>>) dst(%dma_wait3A_1863 : memref<128x128xf32, #tpu.memory_space<hbm>>)
    %dma_wait3A_1868 = arith.constant 0 : i32
    %dma_wait3A_1869 = arith.constant 0 : i32
    %dma_wait3A_1870 = arith.constant 0 : i32
    %dma_wait3A_1871 = arith.constant 0 : i32
    %dma_wait3A_1872 = arith.constant 0 : i32
    %dma_wait3A_1873 = tpu.memref_slice %arg9[%dma_wait3A_1870, %dma_wait3A_1871, %dma_wait3A_1872] : memref<6x128x128xf32, #tpu.memory_space<vmem>> -> memref<1x128x128xf32, #tpu.memory_space<vmem>>
    %dma_wait3A_1874 = tpu.memref_squeeze %dma_wait3A_1873 : memref<1x128x128xf32, #tpu.memory_space<vmem>> -> memref<128x128xf32, #tpu.memory_space<vmem>>
    %dma_wait3A_1875 = arith.constant 0 : i32
    %dma_wait3A_1876 = tpu.memref_slice %arg8[%dma_wait3A_1868, %dma_wait3A_1869, %dma_wait3A_1875] : memref<4x50x128xi32, #tpu.memory_space<vmem>> -> memref<1x1x128xi32, #tpu.memory_space<vmem>>
    %dma_wait3A_1877 = tpu.memref_squeeze %dma_wait3A_1876 : memref<1x1x128xi32, #tpu.memory_space<vmem>> -> memref<128xi32, #tpu.memory_space<vmem>>
    %dma_wait3A_1878 = arith.constant 0 : i32
    %dma_wait3A_1879 = arith.constant 0 : i32
    %dma_wait3A_1880 = tpu.memref_slice %arg2[%dma_wait3A_1878, %dma_wait3A_1879] : memref<100000x128xf32, #tpu.memory_space<hbm>> -> memref<100000x128xf32, #tpu.memory_space<hbm>>
    tpu.wait_indirect_dma semaphore(%arg10 : memref<!tpu.dma_semaphore, #tpu.memory_space<semaphore_mem>>) src(%dma_wait3A_1880 : memref<100000x128xf32, #tpu.memory_space<hbm>>) dst(%dma_wait3A_1874 : memref<128x128xf32, #tpu.memory_space<vmem>>)
    %mul3A_1881 = arith.constant 128 : i32
    %mul3A_1882 = arith.muli %add3A, %mul3A_1881 : i32
    %dma_start3A_1883 = arith.constant 0 : i32
    %dma_start3A_1884 = arith.constant 48 : i32
    %dma_start3A_1885 = arith.constant 0 : i32
    %dma_start3A_1886 = arith.constant 0 : i32
    %dma_start3A_1887 = tpu.memref_slice %arg9[%dma_start3A_1883, %dma_start3A_1885, %dma_start3A_1886] : memref<6x128x128xf32, #tpu.memory_space<vmem>> -> memref<1x128x128xf32, #tpu.memory_space<vmem>>
    %dma_start3A_1888 = tpu.memref_squeeze %dma_start3A_1887 : memref<1x128x128xf32, #tpu.memory_space<vmem>> -> memref<128x128xf32, #tpu.memory_space<vmem>>
    %dma_start3A_1889 = arith.constant 0 : i32
    %dma_start3A_1890 = tpu.memref_slice %arg7[%dma_start3A_1884, %mul3A_1882, %dma_start3A_1889] : memref<50x4096x128xf32, #tpu.memory_space<hbm>> -> memref<1x128x128xf32, #tpu.memory_space<hbm>>
    %dma_start3A_1891 = tpu.memref_squeeze %dma_start3A_1890 : memref<1x128x128xf32, #tpu.memory_space<hbm>> -> memref<128x128xf32, #tpu.memory_space<hbm>>
    %dma_start3A_1892 = arith.constant 0 : i32
    %dma_start3A_1893 = tpu.memref_slice %arg7[%dma_start3A_1884, %mul3A_1882, %dma_start3A_1892] : memref<50x4096x128xf32, #tpu.memory_space<hbm>> -> memref<1x128x128xf32, #tpu.memory_space<hbm>>
    %dma_start3A_1894 = tpu.memref_squeeze %dma_start3A_1893 : memref<1x128x128xf32, #tpu.memory_space<hbm>> -> memref<128x128xf32, #tpu.memory_space<hbm>>
    %dma_start3A_1895 = arith.constant 0 : i32
    %dma_start3A_1896 = arith.constant 0 : i32
    %dma_start3A_1897 = tpu.memref_slice %arg9[%dma_start3A_1883, %dma_start3A_1895, %dma_start3A_1896] : memref<6x128x128xf32, #tpu.memory_space<vmem>> -> memref<1x128x128xf32, #tpu.memory_space<vmem>>
    %dma_start3A_1898 = tpu.memref_squeeze %dma_start3A_1897 : memref<1x128x128xf32, #tpu.memory_space<vmem>> -> memref<128x128xf32, #tpu.memory_space<vmem>>
    tpu.enqueue_dma source(%dma_start3A_1898 : memref<128x128xf32, #tpu.memory_space<vmem>>) target(%dma_start3A_1894 : memref<128x128xf32, #tpu.memory_space<hbm>>) target_semaphore(%arg16 : memref<!tpu.dma_semaphore, #tpu.memory_space<semaphore_mem>>)
    %dma_wait3A_1899 = arith.constant 4 : i32
    %dma_wait3A_1900 = arith.constant 0 : i32
    %dma_wait3A_1901 = arith.constant 0 : i32
    %dma_wait3A_1902 = arith.constant 0 : i32
    %dma_wait3A_1903 = tpu.memref_slice %arg9[%dma_wait3A_1899, %dma_wait3A_1901, %dma_wait3A_1902] : memref<6x128x128xf32, #tpu.memory_space<vmem>> -> memref<1x128x128xf32, #tpu.memory_space<vmem>>
    %dma_wait3A_1904 = tpu.memref_squeeze %dma_wait3A_1903 : memref<1x128x128xf32, #tpu.memory_space<vmem>> -> memref<128x128xf32, #tpu.memory_space<vmem>>
    %dma_wait3A_1905 = arith.constant 0 : i32
    %dma_wait3A_1906 = arith.constant 0 : i32
    %dma_wait3A_1907 = tpu.memref_slice %arg4[%dma_wait3A_1900, %dma_wait3A_1905, %dma_wait3A_1906] : memref<50x4096x128xf32, #tpu.memory_space<hbm>> -> memref<1x128x128xf32, #tpu.memory_space<hbm>>
    %dma_wait3A_1908 = tpu.memref_squeeze %dma_wait3A_1907 : memref<1x128x128xf32, #tpu.memory_space<hbm>> -> memref<128x128xf32, #tpu.memory_space<hbm>>
    %dma_wait3A_1909 = arith.constant 0 : i32
    %dma_wait3A_1910 = arith.constant 0 : i32
    %dma_wait3A_1911 = tpu.memref_slice %arg4[%dma_wait3A_1900, %dma_wait3A_1909, %dma_wait3A_1910] : memref<50x4096x128xf32, #tpu.memory_space<hbm>> -> memref<1x128x128xf32, #tpu.memory_space<hbm>>
    %dma_wait3A_1912 = tpu.memref_squeeze %dma_wait3A_1911 : memref<1x128x128xf32, #tpu.memory_space<hbm>> -> memref<128x128xf32, #tpu.memory_space<hbm>>
    %dma_wait3A_1913 = arith.constant 0 : i32
    %dma_wait3A_1914 = arith.constant 0 : i32
    %dma_wait3A_1915 = tpu.memref_slice %arg9[%dma_wait3A_1899, %dma_wait3A_1913, %dma_wait3A_1914] : memref<6x128x128xf32, #tpu.memory_space<vmem>> -> memref<1x128x128xf32, #tpu.memory_space<vmem>>
    %dma_wait3A_1916 = tpu.memref_squeeze %dma_wait3A_1915 : memref<1x128x128xf32, #tpu.memory_space<vmem>> -> memref<128x128xf32, #tpu.memory_space<vmem>>
    tpu.wait_dma2 semaphore(%arg20 : memref<!tpu.dma_semaphore, #tpu.memory_space<semaphore_mem>>) src(%dma_wait3A_1916 : memref<128x128xf32, #tpu.memory_space<vmem>>) dst(%dma_wait3A_1912 : memref<128x128xf32, #tpu.memory_space<hbm>>)
    %dma_wait3A_1917 = arith.constant 0 : i32
    %dma_wait3A_1918 = arith.constant 0 : i32
    %dma_wait3A_1919 = arith.constant 1 : i32
    %dma_wait3A_1920 = arith.constant 0 : i32
    %dma_wait3A_1921 = arith.constant 0 : i32
    %dma_wait3A_1922 = tpu.memref_slice %arg9[%dma_wait3A_1919, %dma_wait3A_1920, %dma_wait3A_1921] : memref<6x128x128xf32, #tpu.memory_space<vmem>> -> memref<1x128x128xf32, #tpu.memory_space<vmem>>
    %dma_wait3A_1923 = tpu.memref_squeeze %dma_wait3A_1922 : memref<1x128x128xf32, #tpu.memory_space<vmem>> -> memref<128x128xf32, #tpu.memory_space<vmem>>
    %dma_wait3A_1924 = arith.constant 0 : i32
    %dma_wait3A_1925 = tpu.memref_slice %arg8[%dma_wait3A_1917, %dma_wait3A_1918, %dma_wait3A_1924] : memref<4x50x128xi32, #tpu.memory_space<vmem>> -> memref<1x1x128xi32, #tpu.memory_space<vmem>>
    %dma_wait3A_1926 = tpu.memref_squeeze %dma_wait3A_1925 : memref<1x1x128xi32, #tpu.memory_space<vmem>> -> memref<128xi32, #tpu.memory_space<vmem>>
    %dma_wait3A_1927 = arith.constant 0 : i32
    %dma_wait3A_1928 = arith.constant 0 : i32
    %dma_wait3A_1929 = tpu.memref_slice %arg2[%dma_wait3A_1927, %dma_wait3A_1928] : memref<100000x128xf32, #tpu.memory_space<hbm>> -> memref<100000x128xf32, #tpu.memory_space<hbm>>
    tpu.wait_indirect_dma semaphore(%arg11 : memref<!tpu.dma_semaphore, #tpu.memory_space<semaphore_mem>>) src(%dma_wait3A_1929 : memref<100000x128xf32, #tpu.memory_space<hbm>>) dst(%dma_wait3A_1923 : memref<128x128xf32, #tpu.memory_space<vmem>>)
    %mul3A_1930 = arith.constant 128 : i32
    %mul3A_1931 = arith.muli %add3A, %mul3A_1930 : i32
    %dma_start3A_1932 = arith.constant 1 : i32
    %dma_start3A_1933 = arith.constant 49 : i32
    %dma_start3A_1934 = arith.constant 0 : i32
    %dma_start3A_1935 = arith.constant 0 : i32
    %dma_start3A_1936 = tpu.memref_slice %arg9[%dma_start3A_1932, %dma_start3A_1934, %dma_start3A_1935] : memref<6x128x128xf32, #tpu.memory_space<vmem>> -> memref<1x128x128xf32, #tpu.memory_space<vmem>>
    %dma_start3A_1937 = tpu.memref_squeeze %dma_start3A_1936 : memref<1x128x128xf32, #tpu.memory_space<vmem>> -> memref<128x128xf32, #tpu.memory_space<vmem>>
    %dma_start3A_1938 = arith.constant 0 : i32
    %dma_start3A_1939 = tpu.memref_slice %arg7[%dma_start3A_1933, %mul3A_1931, %dma_start3A_1938] : memref<50x4096x128xf32, #tpu.memory_space<hbm>> -> memref<1x128x128xf32, #tpu.memory_space<hbm>>
    %dma_start3A_1940 = tpu.memref_squeeze %dma_start3A_1939 : memref<1x128x128xf32, #tpu.memory_space<hbm>> -> memref<128x128xf32, #tpu.memory_space<hbm>>
    %dma_start3A_1941 = arith.constant 0 : i32
    %dma_start3A_1942 = tpu.memref_slice %arg7[%dma_start3A_1933, %mul3A_1931, %dma_start3A_1941] : memref<50x4096x128xf32, #tpu.memory_space<hbm>> -> memref<1x128x128xf32, #tpu.memory_space<hbm>>
    %dma_start3A_1943 = tpu.memref_squeeze %dma_start3A_1942 : memref<1x128x128xf32, #tpu.memory_space<hbm>> -> memref<128x128xf32, #tpu.memory_space<hbm>>
    %dma_start3A_1944 = arith.constant 0 : i32
    %dma_start3A_1945 = arith.constant 0 : i32
    %dma_start3A_1946 = tpu.memref_slice %arg9[%dma_start3A_1932, %dma_start3A_1944, %dma_start3A_1945] : memref<6x128x128xf32, #tpu.memory_space<vmem>> -> memref<1x128x128xf32, #tpu.memory_space<vmem>>
    %dma_start3A_1947 = tpu.memref_squeeze %dma_start3A_1946 : memref<1x128x128xf32, #tpu.memory_space<vmem>> -> memref<128x128xf32, #tpu.memory_space<vmem>>
    tpu.enqueue_dma source(%dma_start3A_1947 : memref<128x128xf32, #tpu.memory_space<vmem>>) target(%dma_start3A_1943 : memref<128x128xf32, #tpu.memory_space<hbm>>) target_semaphore(%arg17 : memref<!tpu.dma_semaphore, #tpu.memory_space<semaphore_mem>>)
    %dma_wait3A_1948 = arith.constant 5 : i32
    %dma_wait3A_1949 = arith.constant 0 : i32
    %dma_wait3A_1950 = arith.constant 0 : i32
    %dma_wait3A_1951 = arith.constant 0 : i32
    %dma_wait3A_1952 = tpu.memref_slice %arg9[%dma_wait3A_1948, %dma_wait3A_1950, %dma_wait3A_1951] : memref<6x128x128xf32, #tpu.memory_space<vmem>> -> memref<1x128x128xf32, #tpu.memory_space<vmem>>
    %dma_wait3A_1953 = tpu.memref_squeeze %dma_wait3A_1952 : memref<1x128x128xf32, #tpu.memory_space<vmem>> -> memref<128x128xf32, #tpu.memory_space<vmem>>
    %dma_wait3A_1954 = arith.constant 0 : i32
    %dma_wait3A_1955 = arith.constant 0 : i32
    %dma_wait3A_1956 = tpu.memref_slice %arg4[%dma_wait3A_1949, %dma_wait3A_1954, %dma_wait3A_1955] : memref<50x4096x128xf32, #tpu.memory_space<hbm>> -> memref<1x128x128xf32, #tpu.memory_space<hbm>>
    %dma_wait3A_1957 = tpu.memref_squeeze %dma_wait3A_1956 : memref<1x128x128xf32, #tpu.memory_space<hbm>> -> memref<128x128xf32, #tpu.memory_space<hbm>>
    %dma_wait3A_1958 = arith.constant 0 : i32
    %dma_wait3A_1959 = arith.constant 0 : i32
    %dma_wait3A_1960 = tpu.memref_slice %arg4[%dma_wait3A_1949, %dma_wait3A_1958, %dma_wait3A_1959] : memref<50x4096x128xf32, #tpu.memory_space<hbm>> -> memref<1x128x128xf32, #tpu.memory_space<hbm>>
    %dma_wait3A_1961 = tpu.memref_squeeze %dma_wait3A_1960 : memref<1x128x128xf32, #tpu.memory_space<hbm>> -> memref<128x128xf32, #tpu.memory_space<hbm>>
    %dma_wait3A_1962 = arith.constant 0 : i32
    %dma_wait3A_1963 = arith.constant 0 : i32
    %dma_wait3A_1964 = tpu.memref_slice %arg9[%dma_wait3A_1948, %dma_wait3A_1962, %dma_wait3A_1963] : memref<6x128x128xf32, #tpu.memory_space<vmem>> -> memref<1x128x128xf32, #tpu.memory_space<vmem>>
    %dma_wait3A_1965 = tpu.memref_squeeze %dma_wait3A_1964 : memref<1x128x128xf32, #tpu.memory_space<vmem>> -> memref<128x128xf32, #tpu.memory_space<vmem>>
    tpu.wait_dma2 semaphore(%arg21 : memref<!tpu.dma_semaphore, #tpu.memory_space<semaphore_mem>>) src(%dma_wait3A_1965 : memref<128x128xf32, #tpu.memory_space<vmem>>) dst(%dma_wait3A_1961 : memref<128x128xf32, #tpu.memory_space<hbm>>)
    %dma_wait3A_1966 = arith.constant 0 : i32
    %dma_wait3A_1967 = arith.constant 0 : i32
    %dma_wait3A_1968 = arith.constant 0 : i32
    %dma_wait3A_1969 = arith.constant 0 : i32
    %dma_wait3A_1970 = tpu.memref_slice %arg9[%dma_wait3A_1966, %dma_wait3A_1968, %dma_wait3A_1969] : memref<6x128x128xf32, #tpu.memory_space<vmem>> -> memref<1x128x128xf32, #tpu.memory_space<vmem>>
    %dma_wait3A_1971 = tpu.memref_squeeze %dma_wait3A_1970 : memref<1x128x128xf32, #tpu.memory_space<vmem>> -> memref<128x128xf32, #tpu.memory_space<vmem>>
    %dma_wait3A_1972 = arith.constant 0 : i32
    %dma_wait3A_1973 = arith.constant 0 : i32
    %dma_wait3A_1974 = tpu.memref_slice %arg4[%dma_wait3A_1967, %dma_wait3A_1972, %dma_wait3A_1973] : memref<50x4096x128xf32, #tpu.memory_space<hbm>> -> memref<1x128x128xf32, #tpu.memory_space<hbm>>
    %dma_wait3A_1975 = tpu.memref_squeeze %dma_wait3A_1974 : memref<1x128x128xf32, #tpu.memory_space<hbm>> -> memref<128x128xf32, #tpu.memory_space<hbm>>
    %dma_wait3A_1976 = arith.constant 0 : i32
    %dma_wait3A_1977 = arith.constant 0 : i32
    %dma_wait3A_1978 = tpu.memref_slice %arg4[%dma_wait3A_1967, %dma_wait3A_1976, %dma_wait3A_1977] : memref<50x4096x128xf32, #tpu.memory_space<hbm>> -> memref<1x128x128xf32, #tpu.memory_space<hbm>>
    %dma_wait3A_1979 = tpu.memref_squeeze %dma_wait3A_1978 : memref<1x128x128xf32, #tpu.memory_space<hbm>> -> memref<128x128xf32, #tpu.memory_space<hbm>>
    %dma_wait3A_1980 = arith.constant 0 : i32
    %dma_wait3A_1981 = arith.constant 0 : i32
    %dma_wait3A_1982 = tpu.memref_slice %arg9[%dma_wait3A_1966, %dma_wait3A_1980, %dma_wait3A_1981] : memref<6x128x128xf32, #tpu.memory_space<vmem>> -> memref<1x128x128xf32, #tpu.memory_space<vmem>>
    %dma_wait3A_1983 = tpu.memref_squeeze %dma_wait3A_1982 : memref<1x128x128xf32, #tpu.memory_space<vmem>> -> memref<128x128xf32, #tpu.memory_space<vmem>>
    tpu.wait_dma2 semaphore(%arg16 : memref<!tpu.dma_semaphore, #tpu.memory_space<semaphore_mem>>) src(%dma_wait3A_1983 : memref<128x128xf32, #tpu.memory_space<vmem>>) dst(%dma_wait3A_1979 : memref<128x128xf32, #tpu.memory_space<hbm>>)
    %dma_wait3A_1984 = arith.constant 1 : i32
    %dma_wait3A_1985 = arith.constant 0 : i32
    %dma_wait3A_1986 = arith.constant 0 : i32
    %dma_wait3A_1987 = arith.constant 0 : i32
    %dma_wait3A_1988 = tpu.memref_slice %arg9[%dma_wait3A_1984, %dma_wait3A_1986, %dma_wait3A_1987] : memref<6x128x128xf32, #tpu.memory_space<vmem>> -> memref<1x128x128xf32, #tpu.memory_space<vmem>>
    %dma_wait3A_1989 = tpu.memref_squeeze %dma_wait3A_1988 : memref<1x128x128xf32, #tpu.memory_space<vmem>> -> memref<128x128xf32, #tpu.memory_space<vmem>>
    %dma_wait3A_1990 = arith.constant 0 : i32
    %dma_wait3A_1991 = arith.constant 0 : i32
    %dma_wait3A_1992 = tpu.memref_slice %arg4[%dma_wait3A_1985, %dma_wait3A_1990, %dma_wait3A_1991] : memref<50x4096x128xf32, #tpu.memory_space<hbm>> -> memref<1x128x128xf32, #tpu.memory_space<hbm>>
    %dma_wait3A_1993 = tpu.memref_squeeze %dma_wait3A_1992 : memref<1x128x128xf32, #tpu.memory_space<hbm>> -> memref<128x128xf32, #tpu.memory_space<hbm>>
    %dma_wait3A_1994 = arith.constant 0 : i32
    %dma_wait3A_1995 = arith.constant 0 : i32
    %dma_wait3A_1996 = tpu.memref_slice %arg4[%dma_wait3A_1985, %dma_wait3A_1994, %dma_wait3A_1995] : memref<50x4096x128xf32, #tpu.memory_space<hbm>> -> memref<1x128x128xf32, #tpu.memory_space<hbm>>
    %dma_wait3A_1997 = tpu.memref_squeeze %dma_wait3A_1996 : memref<1x128x128xf32, #tpu.memory_space<hbm>> -> memref<128x128xf32, #tpu.memory_space<hbm>>
    %dma_wait3A_1998 = arith.constant 0 : i32
    %dma_wait3A_1999 = arith.constant 0 : i32
    %dma_wait3A_2000 = tpu.memref_slice %arg9[%dma_wait3A_1984, %dma_wait3A_1998, %dma_wait3A_1999] : memref<6x128x128xf32, #tpu.memory_space<vmem>> -> memref<1x128x128xf32, #tpu.memory_space<vmem>>
    %dma_wait3A_2001 = tpu.memref_squeeze %dma_wait3A_2000 : memref<1x128x128xf32, #tpu.memory_space<vmem>> -> memref<128x128xf32, #tpu.memory_space<vmem>>
    tpu.wait_dma2 semaphore(%arg17 : memref<!tpu.dma_semaphore, #tpu.memory_space<semaphore_mem>>) src(%dma_wait3A_2001 : memref<128x128xf32, #tpu.memory_space<vmem>>) dst(%dma_wait3A_1997 : memref<128x128xf32, #tpu.memory_space<hbm>>)
    return
  }
}

</mosaic_0001>

<sc_bundles>
// kernel: emb_gather.3.cloned.1.call-start
scs
__scs_entry_jumppad:
0x0: {  	(pc) =	sbr.rel $0x88, $3  }
0x1: {  	(tag) =	ssettag $0x0;
	lr =	simm.s32 $0x1  }
0x2: {  	[smem:$0x3F9F] =	sst lr;
	_ =	strace $0xD0000000  }
0x3: {  	_ = 	snop  }
0x4: {  	_ = 	snop  }
0x5: {  	_ = 	snop  }
0x6: {  	_ = 	snop  }
0x7: {  	_ = 	snop  }
__scs_overlays_trampoline_lowered:
0x8: {  	[smem:$0x3FAE] =	sst s0  }
0x9: {  	[smem:$0x3FAF] =	sst s1  }
0xa: {  	[smem:$0x3FB0] =	sst s2  }
0xb: {  	[smem:$0x3FB1] =	sst s3  }
0xc: {  	[smem:$0x3FB2] =	sst s4  }
0xd: {  	[smem:$0x3FB3] =	sst s5  }
0xe: {  	[smem:$0x3FB4] =	sst s6  }
0xf: {  	[smem:$0x3FB5] =	sst s7  }
0x10: {  	[smem:$0x3FB6] =	sst s8  }
0x11: {  	[smem:$0x3FB7] =	sst s9;
	s0 =	simm.s32 @!p0 $0x0  }
0x12: {  	s1 =	sld [smem:$0x3F9D];
	s0 =	simm.s32 @p0 $0x1  }
0x13: {  	[smem:$0x3FB8] =	sst s0;
	s0 =	simm.s32 @!p1 $0x0  }
0x14: {  	s2 =	sld [smem:$0x3F9C];
	s0 =	simm.s32 @p1 $0x1  }
0x15: {  	[smem:$0x3FB9] =	sst s0;
	s0 =	simm.s32 @!p2 $0x0  }
0x16: {  	s3 =	sld [smem:$0x3FDB];
	s0 =	simm.s32 @p2 $0x1  }
0x17: {  	s4 =	simm.s32 $0x1BF5;
	[smem:$0x3FBB] =	sst s0  }
0x18: {  	s0 =	sld [smem:$0x3F9E];
	_ =	swait.ge [sflag:s4], $0x0  }
0x19: {  	s7 =	sld [smem:$0x3F9F]  }
0x1a: {  	s8 =	sadd.s32 $0xFFFFE003, lr  }
0x1b: {  	s9 =	sadd.s32 $0xFFFFFEF7, lr;
	s5 =	simm.s32 $0xFFFFFFFF;
	p2 =	slt.u32 s8, $0xFFFFF086  }
0x1c: {  	p1 =	slt.u32 s9, $0xF7A;
	s5 =	simm.s32 @!p2 $0x0  }
0x1d: {  	s5 =	simm.s32 @p1 $0x1;
	p0 =	seq.s32 s7, s2  }
0x1e: {  	s7 =	smul.u32 @!p0 $0xF7A, s2;
	p2 =	seq.s32 @!p0 s5, $0x0  }
0x1f: {  	s9 =	smul.u32 $0xF7A, s1;
	s8 =	simm.s32 @!p0 $0x1BF5;
	p2 =	por !p2, p0  }
0x20: {  	[sflag:s8] =	ssyncset.s32 @!p0 $0xFFFFF086;
	s6 =	sadd.s32 @!p0 s3, s7;
	s7 =	simm.s32 @!p0 $0x108  }
0x21: {  	s3 =	sadd.s32 s3, s9;
	s6 =	sadd.s32 @!p0 $0x88, s6;
	s7 =	simm.s32 @p2 $0x1082  }
0x22: {  	[simem:s7], [sflag:s8] =	dma.local @!p0 [hbm:s6], $0xF7A  }
0x23: {  	s9 =	sor.u32 $0xD0000000, s2;
	s6 =	simm.s32 $0x108;
	_ =	swait.ge @!p0 [sflag:s8], $0x0  }
0x24: {  	s3 =	sadd.s32 $0x88, s3;
	s6 =	simm.s32 @!p1 $0x1082;
	[sflag:s4] =	ssyncset.s32 $0xFFFFF086  }
0x25: {  	[simem:s6], [sflag:s4] =	dma.local [hbm:s3], $0xF7A  }
0x26: {  	[smem:$0x3F9F] =	sst s1;
	(tag) =	ssettag s2;
	_ =	strace s9  }
0x27: {  	s1 =	sld [smem:$0x3FAF]  }
0x28: {  	s2 =	sld [smem:$0x3FB0]  }
0x29: {  	s4 =	sld [smem:$0x3FB2]  }
0x2a: {  	p0 =	seq.s32 s5, $0x0;
	s5 =	sld [smem:$0x3FB3]  }
0x2b: {  	s6 =	sld [smem:$0x3FB4]  }
0x2c: {  	s7 =	sld [smem:$0x3FB5]  }
0x2d: {  	s3 =	simm.s32 $0x108;
	s8 =	sld [smem:$0x3FB6]  }
0x2e: {  	s3 =	simm.s32 @!p0 $0x1082;
	s9 =	sld [smem:$0x3FB7]  }
0x2f: {  	lr =	sadd.s32 s0, s3;
	s0 =	sld [smem:$0x3FAE]  }
0x30: {  	s3 =	sld [smem:$0x3FB1]  }
0x31: {  	[smem:$0x3FBA] =	sst s10  }
0x32: {  	s10 =	sld [smem:$0x3FB8];
	_ =	sdelay $0x3  }
0x33: {  	p0 =	seq.s32 s10, $0x1;
	s10 =	sld [smem:$0x3FBA];
	_ =	sdelay $0x3  }
0x34: {  	[smem:$0x3FBA] =	sst s10  }
0x35: {  	s10 =	sld [smem:$0x3FB9];
	_ =	sdelay $0x3  }
0x36: {  	p1 =	seq.s32 s10, $0x1;
	s10 =	sld [smem:$0x3FBA];
	_ =	sdelay $0x3  }
0x37: {  	[smem:$0x3FBA] =	sst s10  }
0x38: {  	s10 =	sld [smem:$0x3FBB]  }
0x39: {  	_ = 	snop;
	(pc) =	sbr.ind lr, $3  }
0x3a: {  	_ = 	snop  }
0x3b: {  	_ = 	snop  }
0x3c: {  	p2 =	seq.s32 s10, $0x1;
	s10 =	sld [smem:$0x3FBA]  }
0x3d: {  	_ =	shalt  }
0x3e: {  	_ =	shalt  }
0x3f: {  	_ =	shalt  }
0x40: {  	_ =	shalt  }
0x41: {  	_ =	shalt  }
0x42: {  	_ =	shalt  }
0x43: {  	_ =	shalt  }
0x44: {  	_ =	shalt  }
0x45: {  	_ =	shalt  }
0x46: {  	_ =	shalt  }
0x47: {  	_ =	shalt  }
0x48: {  	_ =	shalt  }
0x49: {  	_ =	shalt  }
0x4a: {  	_ =	shalt  }
0x4b: {  	_ =	shalt  }
0x4c: {  	_ =	shalt  }
0x4d: {  	_ =	shalt  }
0x4e: {  	_ =	shalt  }
0x4f: {  	_ =	shalt  }
0x50: {  	_ =	shalt  }
0x51: {  	_ =	shalt  }
0x52: {  	_ =	shalt  }
0x53: {  	_ =	shalt  }
0x54: {  	_ =	shalt  }
0x55: {  	_ =	shalt  }
0x56: {  	_ =	shalt  }
0x57: {  	_ =	shalt  }
0x58: {  	_ =	shalt  }
0x59: {  	_ =	shalt  }
0x5a: {  	_ =	shalt  }
0x5b: {  	_ =	shalt  }
0x5c: {  	_ =	shalt  }
0x5d: {  	_ =	shalt  }
0x5e: {  	_ =	shalt  }
0x5f: {  	_ =	shalt  }
0x60: {  	_ =	shalt  }
0x61: {  	_ =	shalt  }
0x62: {  	_ =	shalt  }
0x63: {  	_ =	shalt  }
0x64: {  	_ =	shalt  }
0x65: {  	_ =	shalt  }
0x66: {  	_ =	shalt  }
0x67: {  	_ =	shalt  }
0x68: {  	_ =	shalt  }
0x69: {  	_ =	shalt  }
0x6a: {  	_ =	shalt  }
0x6b: {  	_ =	shalt  }
0x6c: {  	_ =	shalt  }
0x6d: {  	_ =	shalt  }
0x6e: {  	_ =	shalt  }
0x6f: {  	_ =	shalt  }
0x70: {  	_ =	shalt  }
0x71: {  	_ =	shalt  }
0x72: {  	_ =	shalt  }
0x73: {  	_ =	shalt  }
0x74: {  	_ =	shalt  }
0x75: {  	_ =	shalt  }
0x76: {  	_ =	shalt  }
0x77: {  	_ =	shalt  }
0x78: {  	_ =	shalt  }
0x79: {  	_ =	shalt  }
0x7a: {  	_ =	shalt  }
0x7b: {  	_ =	shalt  }
0x7c: {  	_ =	shalt  }
0x7d: {  	_ =	shalt  }
0x7e: {  	_ =	shalt  }
0x7f: {  	_ =	shalt  }
0x80: {  	_ =	shalt  }
0x81: {  	_ =	shalt  }
0x82: {  	_ =	shalt  }
0x83: {  	_ =	shalt  }
0x84: {  	_ =	shalt  }
0x85: {  	_ =	shalt  }
0x86: {  	_ =	shalt  }
0x87: {  	_ =	shalt  }
.Lfunc_end0:
.L_simem_size_0:
called_computation_lowered:
.L_overlay_start_0:
0x88: {  	s2 =	sld [smem:$0x3FD9]  }
0x89: {  	s3 =	sld [smem:$0x3FFE];
	_ =	sdelay $0x1  }
0x8a: {  	s1 =	srdreg.scid  }
0x8b: {  	s0 =	sand.u32 $0x1, s1  }
0x8c: {  	s14 =	sshll.u32 s0, $0xA;
	s2 =	sadd.s32 s3, s2  }
0x8d: {  	s2 =	sadd.s32 s2, s14  }
0x8e: {  	[smem:$0x3FC6] =	sst s2  }
0x8f: {  	_ = 	snop  }
0x90: {  	s2 =	sld [smem:$0x3FD0];
	_ =	sdelay $0x2  }
0x91: {  	s4 =	simm.s32 $0xA;
	s5 =	simm.s32 $0x10;
	s15 =	sld [smem:$0x3FC9]  }
0x92: {  	[smem:s5], [sflag:s4] =	dma.local [hbm:s2], $0x1  }
0x93: {  	_ =	swait.eq [sflag:s4], $0x1  }
0x94: {  	s16 =	sld [smem:$0x10]  }
0x95: {  	s17 =	sld [smem:$0x11];
	[sflag:s4] =	ssyncset.done $0x0  }
0x96: {  	s6 =	sld [smem:$0x12];
	[sflag:s4] =	ssyncadd.s32 $0xFFFFFFFF  }
0x97: {  	s18 =	sld [smem:$0x13];
	(tm) =	ssettm $0x1  }
0x98: {  	s7 =	sld [smem:$0x3FFB];
	_ =	sdelay $0x3  }
0x99: {  	_ =	strace s7  }
0x9a: {  	s7 =	sld [smem:$0x3FFC];
	_ =	sdelay $0x3  }
0x9b: {  	_ =	strace s7  }
0x9c: {  	s7 =	sld [smem:$0x3FFD];
	_ =	sdelay $0x3  }
0x9d: {  	_ =	strace s7  }
0x9e: {  	_ =	strace $0x8FFFFFFF  }
0x9f: {  	s19 =	sld [smem:$0x3FDB];
	_ =	sdelay $0x1  }
0xa0: {  	s8 =	simm.s32 $_scs_section_size  }
0xa1: {  	s9 =	simm.s32 $_size__tile_overlayer_lowered;
	s10 =	simm.s32 $_tile_overlayer_lowered  }
0xa2: {  	s22 =	simm.s32 $0x1BFF;
	s21 =	sshll.u32 s10, $0x1;
	s7 =	sadd.s32 s8, s19  }
0xa3: {  	s11 =	simm.s32 $0x0;
	s20 =	sshll.u32 s9, $0x1;
	s9 =	sadd.s32 s21, s7  }
0xa4: {  	[timem:s11], [sflag:s22] =	dma.local [hbm:s9], s20  }
0xa5: {  	_ =	swait.ge [sflag:s22], s20  }
0xa6: {  	s8 =	ssub.s32 $0x0, s20;
	[sflag:s22] =	ssyncset.done $0x0  }
0xa7: {  	[sflag:s22] =	ssyncadd.s32 s8;
	_ =	sdelay $0x1  }
0xa8: {  	s23 =	simm.s32 $0x1B8B  }
0xa9: {  	_ =	swait.ge [sflag:s23], $0x1  }
0xaa: {  	[sflag:s23] =	ssyncset.done $0x0  }
0xab: {  	s25 =	simm.s32 $0x1B8E;
	s24 =	sld [smem:$0x3FFE];
	[sflag:s23] =	ssyncadd.s32 $0xFFFFFFFF  }
0xac: {  	s26 =	simm.s32 $execute0_lowered;
	[smem:$0x3FD2] =	sst s25  }
0xad: {  	s9 =	sshll.u32 s26, $0x1;
	_ =	strace $0x80000046;
	[dreg:$0x1] =	wrdreg $0xFFFFFFFF  }
0xae: {  	s28 =	simm.s32 $_size_execute0_lowered;
	s7 =	sadd.s32 s7, s9;
	[dreg:$0x0] =	wrdreg $0x0  }
0xaf: {  	s9 =	sshll.u32 s28, $0x1;
	[dreg:$0x2] =	wrdreg s7  }
0xb0: {  	[dreg:$0x3] =	wrdreg s9  }
0xb1: {  	[dreg:$0x4] =	wrdreg $0xC0  }
0xb2: {  	_ =	task [dreg:s11], $0x5FFFF  }
0xb3: {  	[dreg:$0x1] =	wrdreg $0xFFFFFFFF  }
0xb4: {  	[dreg:$0x0] =	wrdreg $0x60  }
0xb5: {  	[dreg:$0x2] =	wrdreg s15  }
0xb6: {  	[dreg:$0x3] =	wrdreg s24  }
0xb7: {  	[dreg:$0x4] =	wrdreg s16  }
0xb8: {  	[dreg:$0x5] =	wrdreg s17  }
0xb9: {  	[dreg:$0x6] =	wrdreg s6  }
0xba: {  	[dreg:$0x7] =	wrdreg s18  }
0xbb: {  	[dreg:$0x8] =	wrdreg $0x9  }
0xbc: {  	_ =	task.clear_ibuf [dreg:s11], $0x9FFFF;
	_ =	strace $0x90000046  }
0xbd: {  	s29 =	simm.s32 $0x9;
	_ =	strace $0x80000048  }
0xbe: {  	_ =	swait.ge [sflag:s29], $0x1  }
0xbf: {  	[sflag:s29] =	ssyncadd.s32 $0xFFFFFFFF  }
0xc0: {  	_ =	strace $0x90000048  }
0xc1: {  	_ =	sfence  }
0xc2: {  	s30 =	sld [smem:$0x0];
	_ =	sdelay $0x2  }
0xc3: {  	s31 =	sshll.u32 s1, $0xD;
	s1 =	sshrl.u32 s1, $0x2  }
0xc4: {  	s3 =	sand.u32 $0x4000, s31;
	s1 =	sadd.s32 s1, s30  }
0xc5: {  	s0 =	sor.u32 s3, s0;
	s1 =	sshll.u32 s1, $0x11  }
0xc6: {  	s0 =	sor.u32 s1, s0  }
0xc7: {  	s0 =	sadd.s32 $0x8F2B, s0  }
0xc8: {  	[sflag:s0] =	ssyncadd.remote.s32 $0x1  }
0xc9: {  	_ =	sfence.sel $0xFFFF  }
0xca: {  	[dreg:$0x0] =	wrdreg $0xFFFFFFFF;
	(pc) =	sbr.abs _section_cstart, $3  }
0xcb: {  	[dreg:$0x1] =	wrdreg $0xFFFFFFFF  }
0xcc: {  	_ =	task.clear_ibuf [dreg:s11], $0x2FFFF;
	_ =	strace $0x9FFFFFFF  }
0xcd: {  	(tm) =	ssettm $0x7FFFFFFF  }
tec
execute0_lowered:
.L_overlay_start_1:
0x0: {  	(tag) =	ssettag $0x1  }
0x1: {  	s0 =	rddreg [dreg:$0x0]  }
0x2: {  	s1 =	rddreg [dreg:$0x1]  }
0x3: {  	s20 =	rddreg [dreg:$0x2]  }
0x4: {  	s14 =	rddreg [dreg:$0x3]  }
0x5: {  	s2 =	srdreg.scid;
	s13 =	stileid.u32  }
0x6: {  	s15 =	rddreg [dreg:$0x4];
	s2 =	sand.u32 $0x1, s2;
	s3 =	sshll.u32 s13, $0x1  }
0x7: {  	s16 =	rddreg [dreg:$0x5];
	s7 =	simm.s32 $0x0;
	s3 =	sor.u32 s2, s3  }
0x8: {  	[smem:$0x7FF] =	sst s7;
	s4 =	smul.u32 $0xE00, s3;
	s3 =	sshll.u32 s3, $0xB  }
0x9: {  	_ =	strace $0x80000047;
	s17 =	sadd.s32 s20, s3;
	s26 =	sor.u32 $0x2C0000, s3  }
0xa: {  	s11 =	sor.u32 $0x2A0000, s3;
	s6 =	sadd.s32 s20, s26;
	[dreg:$0x8] =	wrdreg s17  }
0xb: {  	s18 =	sadd.s32 s14, s11;
	[dreg:$0x9] =	wrdreg s6  }
0xc: {  	s21 =	sadd.s32 s14, s26;
	[dreg:$0xa] =	wrdreg s18  }
0xd: {  	s5 =	ssub.s32 $0x2, s2;
	s22 =	sadd.s32 s15, s11;
	[dreg:$0xc] =	wrdreg s21  }
0xe: {  	s25 =	sshrl.u32 s5, $0x1;
	s11 =	sadd.s32 s16, s11;
	[dreg:$0xd] =	wrdreg s22  }
0xf: {  	s1 =	sadd.s32 s4, s1;
	s24 =	sadd.s32 s15, s26;
	[dreg:$0xf] =	wrdreg s11  }
0x10: {  	s4 =	ssub.s32 s5, s25;
	s25 =	sadd.s32 s16, s26;
	[dreg:$0x11] =	wrdreg s24  }
0x11: {  	s8 =	sor.u32 $0x2E0000, s3;
	s17 =	sadd.s32 $0x10000, s17;
	[dreg:$0x12] =	wrdreg s25  }
0x12: {  	s9 =	sor.u32 $0x2F0000, s3;
	s18 =	sadd.s32 s20, s8;
	[smem:$0x7F5] =	sst s17  }
0x13: {  	s10 =	sor.u32 $0x300000, s3;
	s21 =	sadd.s32 s15, s8;
	[dreg:$0x17] =	wrdreg s18  }
0x14: {  	s12 =	sor.u32 $0x310000, s3;
	s22 =	sadd.s32 s16, s8;
	[dreg:$0x19] =	wrdreg s21  }
0x15: {  	s6 =	sor.u32 $0x2D0000, s3;
	s24 =	sadd.s32 s14, s9;
	[dreg:$0x1a] =	wrdreg s22  }
0x16: {  	s3 =	sor.u32 $0x2B0000, s3;
	s25 =	sadd.s32 s15, s9;
	[dreg:$0x1c] =	wrdreg s24  }
0x17: {  	s19 =	sadd.s32 s14, s3;
	[dreg:$0x1d] =	wrdreg s25  }
0x18: {  	s23 =	sadd.s32 s15, s3;
	[dreg:$0xb] =	wrdreg s19  }
0x19: {  	s3 =	sadd.s32 s16, s3;
	[dreg:$0xe] =	wrdreg s23  }
0x1a: {  	s26 =	sadd.s32 s20, s6;
	[dreg:$0x10] =	wrdreg s3  }
0x1b: {  	s13 =	sshll.u32 s13, $0xF;
	s5 =	sadd.s32 s14, s6;
	[dreg:$0x13] =	wrdreg s26  }
0x1c: {  	s2 =	sshll.u32 s2, $0xE;
	s11 =	sadd.s32 s15, s6;
	[dreg:$0x14] =	wrdreg s5  }
0x1d: {  	s2 =	sor.u32 s2, s13;
	s13 =	sadd.s32 s16, s6;
	[dreg:$0x15] =	wrdreg s11  }
0x1e: {  	s6 =	sadd.s32 s14, s10;
	[dreg:$0x16] =	wrdreg s13  }
0x1f: {  	s18 =	sadd.s32 $0xB80, s1;
	[smem:$0x7E7] =	sst s6  }
0x20: {  	s19 =	sadd.s32 s14, s8;
	[smem:$0x7F0] =	sst s18  }
0x21: {  	s28 =	simm.s32 $0x8;
	s23 =	sadd.s32 s20, s9;
	[dreg:$0x18] =	wrdreg s19  }
0x22: {  	s29 =	simm.s32 $0xA;
	s26 =	sadd.s32 s16, s9;
	[dreg:$0x1b] =	wrdreg s23  }
0x23: {  	s30 =	simm.s32 $0xB;
	s5 =	sadd.s32 s20, s10;
	[dreg:$0x1e] =	wrdreg s26  }
0x24: {  	s31 =	simm.s32 $0xC;
	s8 =	sadd.s32 s15, s10;
	[dreg:$0x1f] =	wrdreg s5  }
0x25: {  	s17 =	simm.s32 $0x17000;
	s9 =	sadd.s32 s16, s10;
	[smem:$0x7E8] =	sst s8  }
0x26: {  	s21 =	sor.u32 $0x280000, s2;
	s10 =	sadd.s32 s20, s12;
	[smem:$0x7E9] =	sst s9  }
0x27: {  	s22 =	sor.u32 $0x200000, s2;
	s11 =	sadd.s32 s14, s12;
	[smem:$0x7EA] =	sst s10  }
0x28: {  	s24 =	sor.u32 $0x380000, s2;
	s13 =	sadd.s32 s15, s12;
	[smem:$0x7EB] =	sst s11  }
0x29: {  	s14 =	sadd.s32 s16, s12;
	s15 =	smax.u32 s4, $0x1;
	[smem:$0x7EC] =	sst s13  }
0x2a: {  	s16 =	sadd.s32 $0x800, s1;
	s21 =	sshrl.u32 s21, $0x3;
	[smem:$0x7ED] =	sst s14  }
0x2b: {  	s22 =	sshrl.u32 s22, $0x3;
	s25 =	sshrl.u32 s24, $0x3;
	[smem:$0x7EE] =	sst s15  }
0x2c: {  	s4 =	sor.u32 $0x100000, s2;
	s6 =	sshrl.u32 s2, $0x3;
	[smem:$0x7EF] =	sst s16  }
0x2d: {  	s12 =	simm.s32 $0x7000;
	s3 =	simm.s32 $0x0;
	[smem:$0x7FA] =	sst s21  }
0x2e: {  	s19 =	sadd.s32 $0xF00, s1;
	s1 =	sadd.s32 $0x1280, s1;
	[smem:$0x7FB] =	sst s22  }
0x2f: {  	s23 =	sor.u32 $0x180000, s2;
	s26 =	sshrl.u32 s4, $0x3;
	[dreg:$0x7] =	wrdreg s6  }
0x30: {  	s5 =	sor.u32 $0x300000, s2;
	s18 =	sadd.s32 s21, s20;
	[smem:$0x7F1] =	sst s19  }
0x31: {  	s11 =	simm.s32 $0x80;
	s13 =	simm.s32 $0xB000;
	[smem:$0x7F2] =	sst s1  }
0x32: {  	s14 =	simm.s32 $0xF000;
	s15 =	simm.s32 $0x13000;
	[smem:$0x7F4] =	sst s5  }
0x33: {  	s16 =	simm.s32 $0x1;
	s4 =	simm.s32 $0x3;
	[smem:$0x7F6] =	sst s18  }
0x34: {  	s9 =	simm.s32 $0x4;
	s1 =	sadd.s32 s25, s20;
	[smem:$0x7FD] =	sst s26  }
0x35: {  	s10 =	simm.s32 $0x5;
	s19 =	sadd.s32 s22, s20;
	[smem:$0x7F3] =	sst s1  }
0x36: {  	s23 =	sshrl.u32 s23, $0x3;
	s25 =	sadd.s32 s26, s20;
	[smem:$0x7F7] =	sst s19  }
0x37: {  	s18 =	simm.s32 $0x2;
	s24 =	sadd.s32 s23, s20;
	[smem:$0x7F9] =	sst s25  }
0x38: {  	s19 =	simm.s32 $0x1B000;
	s1 =	simm.s32 $0x7;
	[smem:$0x7FC] =	sst s23  }
0x39: {  	s25 =	simm.s32 $0x6;
	[smem:$0x7F8] =	sst s24;
	s24 =	simm.s32 $0x9  }
.LBB2_1:
0x3a: {  	s2 =	sld [smem:$0x7EF]  }
0x3b: {  	[smem:$0x7E6] =	sst s3  }
0x3c: {  	s21 =	sld [smem:$0x7F0]  }
0x3d: {  	[tilespmem:s7], [sflag:$0xD] =	stream.linear.gather [hbm4b:s2+s7], $0x1900, $0x38;
	[tilespmem:$0x1F000] =	vst v63  }
0x3e: {  	s22 =	simm.s32 $0x1C00;
	s23 =	sld [smem:$0x7F1]  }
0x3f: {  	[tilespmem:s22], [sflag:$0xD] =	stream.linear.gather [hbm4b:s21+s7], $0x1900, $0x38;
	[tilespmem:$0x1F000] =	vst v63  }
0x40: {  	s26 =	simm.s32 $0x3800;
	s3 =	sld [smem:$0x7F2]  }
0x41: {  	[tilespmem:s26], [sflag:$0xD] =	stream.linear.gather [hbm4b:s23+s7], $0x1900, $0x38;
	[tilespmem:$0x1F000] =	vst v63  }
0x42: {  	s5 =	simm.s32 $0x5400;
	s6 =	simm.s32 $0xD  }
0x43: {  	[tilespmem:s5], [sflag:$0xD] =	stream.linear.gather [hbm4b:s3+s7], $0x1900, $0x38;
	[tilespmem:$0x1F000] =	vst v63  }
0x44: {  	_ =	swait.ge [sflag:s6], $0x6400  }
0x45: {  	[sflag:s6] =	ssyncset.done $0x0  }
0x46: {  	[sflag:s6] =	ssyncadd.s32 $0xFFFF9C00  }
0x47: {  	[tilespmem:s12], [sflag:$0x1] =	stream.indirect.gather [hbm4b:s0+s11], $0x80, s7, s11, $0xb8;
	[tilespmem:$0x1F000] =	vst v63  }
0x48: {  	_ = 	snop  }
0x49: {  	[tilespmem:s13], [sflag:$0x2] =	stream.indirect.gather [hbm4b:s0+s11], $0x80, s11, s11, $0xb8;
	[tilespmem:$0x1F000] =	vst v63  }
0x4a: {  	s8 =	simm.s32 $0x100  }
0x4b: {  	[tilespmem:s14], [sflag:$0x3] =	stream.indirect.gather [hbm4b:s0+s11], $0x80, s8, s11, $0xb8;
	[tilespmem:$0x1F000] =	vst v63  }
0x4c: {  	s21 =	simm.s32 $0x180  }
0x4d: {  	[tilespmem:s15], [sflag:$0x4] =	stream.indirect.gather [hbm4b:s0+s11], $0x80, s21, s11, $0xb8;
	[tilespmem:$0x1F000] =	vst v63  }
0x4e: {  	_ =	swait.ge [sflag:s16], $0x4000  }
0x4f: {  	[sflag:s16] =	ssyncset.done $0x0  }
0x50: {  	s22 =	rddreg [dreg:$0x8];
	[sflag:s16] =	ssyncadd.s32 $0xFFFFC000  }
0x51: {  	[hbm4b:s22+s7] =	stream.linear.scatter [tilespmem:s12], [sflag:$0x7], $0x4000, $0x38;
	[tilespmem:$0x1F000] =	vst v63  }
0x52: {  	s23 =	simm.s32 $0x200  }
0x53: {  	[tilespmem:s17], [sflag:$0x5] =	stream.indirect.gather [hbm4b:s0+s11], $0x80, s23, s11, $0xb8;
	[tilespmem:$0x1F000] =	vst v63  }
0x54: {  	_ =	swait.ge [sflag:s18], $0x4000  }
0x55: {  	s26 =	sld [smem:$0x7F5]  }
0x56: {  	[sflag:s18] =	ssyncset.done $0x0  }
0x57: {  	[sflag:s18] =	ssyncadd.s32 $0xFFFFC000  }
0x58: {  	[hbm4b:s26+s7] =	stream.linear.scatter [tilespmem:s13], [sflag:$0x8], $0x4000, $0x38;
	[tilespmem:$0x1F000] =	vst v63  }
0x59: {  	s3 =	simm.s32 $0x280  }
0x5a: {  	[tilespmem:s19], [sflag:$0x6] =	stream.indirect.gather [hbm4b:s0+s11], $0x80, s3, s11, $0xb8;
	[tilespmem:$0x1F000] =	vst v63  }
0x5b: {  	_ =	swait.ge [sflag:s4], $0x4000  }
0x5c: {  	s6 =	sld [smem:$0x7F9]  }
0x5d: {  	[sflag:s4] =	ssyncset.done $0x0  }
0x5e: {  	[sflag:s4] =	ssyncadd.s32 $0xFFFFC000  }
0x5f: {  	[hbm4b:s6+s7] =	stream.linear.scatter [tilespmem:s14], [sflag:$0x9], $0x4000, $0x38;
	[tilespmem:$0x1F000] =	vst v63  }
0x60: {  	_ =	swait.ge [sflag:s1], $0x4000  }
0x61: {  	[sflag:s1] =	ssyncset.done $0x0  }
0x62: {  	s5 =	simm.s32 $0x300;
	[sflag:s1] =	ssyncadd.s32 $0xFFFFC000  }
0x63: {  	[tilespmem:s12], [sflag:$0x1] =	stream.indirect.gather [hbm4b:s0+s11], $0x80, s5, s11, $0xb8;
	[tilespmem:$0x1F000] =	vst v63  }
0x64: {  	_ =	swait.ge [sflag:s9], $0x4000  }
0x65: {  	s23 =	sld [smem:$0x7F8]  }
0x66: {  	[sflag:s9] =	ssyncset.done $0x0  }
0x67: {  	[sflag:s9] =	ssyncadd.s32 $0xFFFFC000  }
0x68: {  	[hbm4b:s23+s7] =	stream.linear.scatter [tilespmem:s15], [sflag:$0xA], $0x4000, $0x38;
	[tilespmem:$0x1F000] =	vst v63  }
0x69: {  	_ =	swait.ge [sflag:s28], $0x4000  }
0x6a: {  	[sflag:s28] =	ssyncset.done $0x0  }
0x6b: {  	s8 =	simm.s32 $0x380;
	[sflag:s28] =	ssyncadd.s32 $0xFFFFC000  }
0x6c: {  	[tilespmem:s13], [sflag:$0x2] =	stream.indirect.gather [hbm4b:s0+s11], $0x80, s8, s11, $0xb8;
	[tilespmem:$0x1F000] =	vst v63  }
0x6d: {  	_ =	swait.ge [sflag:s10], $0x4000  }
0x6e: {  	s22 =	sld [smem:$0x7F7]  }
0x6f: {  	[sflag:s10] =	ssyncset.done $0x0  }
0x70: {  	[sflag:s10] =	ssyncadd.s32 $0xFFFFC000  }
0x71: {  	[hbm4b:s22+s7] =	stream.linear.scatter [tilespmem:s17], [sflag:$0xB], $0x4000, $0x38;
	[tilespmem:$0x1F000] =	vst v63  }
0x72: {  	_ =	swait.ge [sflag:s24], $0x4000  }
0x73: {  	[sflag:s24] =	ssyncset.done $0x0  }
0x74: {  	s21 =	simm.s32 $0x400;
	[sflag:s24] =	ssyncadd.s32 $0xFFFFC000  }
0x75: {  	[tilespmem:s14], [sflag:$0x3] =	stream.indirect.gather [hbm4b:s0+s11], $0x80, s21, s11, $0xb8;
	[tilespmem:$0x1F000] =	vst v63  }
0x76: {  	_ =	swait.ge [sflag:s25], $0x4000  }
0x77: {  	s21 =	sld [smem:$0x7F6]  }
0x78: {  	[sflag:s25] =	ssyncset.done $0x0  }
0x79: {  	[sflag:s25] =	ssyncadd.s32 $0xFFFFC000  }
0x7a: {  	[hbm4b:s21+s7] =	stream.linear.scatter [tilespmem:s19], [sflag:$0xC], $0x4000, $0x38;
	[tilespmem:$0x1F000] =	vst v63  }
0x7b: {  	_ =	swait.ge [sflag:s29], $0x4000  }
0x7c: {  	[sflag:s29] =	ssyncset.done $0x0  }
0x7d: {  	s26 =	simm.s32 $0x480;
	[sflag:s29] =	ssyncadd.s32 $0xFFFFC000  }
0x7e: {  	[tilespmem:s15], [sflag:$0x4] =	stream.indirect.gather [hbm4b:s0+s11], $0x80, s26, s11, $0xb8;
	[tilespmem:$0x1F000] =	vst v63  }
0x7f: {  	_ =	swait.ge [sflag:s16], $0x4000  }
0x80: {  	s5 =	sld [smem:$0x7F4];
	_ =	sdelay $0x2  }
0x81: {  	[sflag:s16] =	ssyncset.done $0x0;
	s3 =	sshrl.u32 s5, $0x3  }
0x82: {  	[sflag:s16] =	ssyncadd.s32 $0xFFFFC000;
	s2 =	sadd.s32 s20, s3  }
0x83: {  	[hbm4b:s2+s7] =	stream.linear.scatter [tilespmem:s12], [sflag:$0x7], $0x4000, $0x38;
	[tilespmem:$0x1F000] =	vst v63  }
0x84: {  	_ =	swait.ge [sflag:s30], $0x4000  }
0x85: {  	[sflag:s30] =	ssyncset.done $0x0  }
0x86: {  	s8 =	simm.s32 $0x500;
	[sflag:s30] =	ssyncadd.s32 $0xFFFFC000  }
0x87: {  	[tilespmem:s17], [sflag:$0x5] =	stream.indirect.gather [hbm4b:s0+s11], $0x80, s8, s11, $0xb8;
	[tilespmem:$0x1F000] =	vst v63  }
0x88: {  	_ =	swait.ge [sflag:s18], $0x4000  }
0x89: {  	s26 =	sld [smem:$0x7F3]  }
0x8a: {  	s6 =	sadd.s32 $0x60000, s6;
	[sflag:s18] =	ssyncset.done $0x0  }
0x8b: {  	s21 =	sadd.s32 $0x60000, s21;
	s5 =	sadd.s32 $0x300000, s5;
	[sflag:s18] =	ssyncadd.s32 $0xFFFFC000  }
0x8c: {  	[hbm4b:s26+s7] =	stream.linear.scatter [tilespmem:s13], [sflag:$0x8], $0x4000, $0x38;
	[tilespmem:$0x1F000] =	vst v63  }
0x8d: {  	s3 =	simm.s32 $0xC00;
	s2 =	sadd.s32 $0x60000, s22;
	_ =	swait.ge [sflag:s31], $0x4000  }
0x8e: {  	s22 =	simm.s32 $0x580;
	s8 =	sadd.s32 $0x60000, s26;
	[sflag:s31] =	ssyncset.done $0x0  }
0x8f: {  	s26 =	smov.u32 s20;
	s20 =	sadd.s32 $0x60000, s23;
	[sflag:s31] =	ssyncadd.s32 $0xFFFFC000  }
.LBB2_2:
0x90: {  	[tilespmem:s19], [sflag:$0x6] =	stream.indirect.gather [hbm4b:s0+s11], $0x80, s22, s11, $0xb8;
	[tilespmem:$0x1F000] =	vst v63  }
0x91: {  	s22 =	smov.u32 s3  }
0x92: {  	p0 =	sne.s32 s3, $0x4800;
	s3 =	sadd.s32 $0xC00, s3;
	_ =	swait.ge [sflag:s4], $0x4000  }
0x93: {  	[sflag:s4] =	ssyncset.done $0x0  }
0x94: {  	[sflag:s4] =	ssyncadd.s32 $0xFFFFC000  }
0x95: {  	[hbm4b:s6+s7] =	stream.linear.scatter [tilespmem:s14], [sflag:$0x9], $0x4000, $0x38;
	[tilespmem:$0x1F000] =	vst v63  }
0x96: {  	_ =	swait.ge [sflag:s1], $0x4000  }
0x97: {  	s22 =	sshra.s32 s22, $0x2;
	[sflag:s1] =	ssyncset.done $0x0  }
0x98: {  	s23 =	sadd.s32 $0x300, s22;
	[sflag:s1] =	ssyncadd.s32 $0xFFFFC000  }
0x99: {  	[tilespmem:s12], [sflag:$0x1] =	stream.indirect.gather [hbm4b:s0+s11], $0x80, s23, s11, $0xb8;
	[tilespmem:$0x1F000] =	vst v63  }
0x9a: {  	_ =	swait.ge [sflag:s9], $0x4000  }
0x9b: {  	[sflag:s9] =	ssyncset.done $0x0  }
0x9c: {  	[sflag:s9] =	ssyncadd.s32 $0xFFFFC000  }
0x9d: {  	[hbm4b:s20+s7] =	stream.linear.scatter [tilespmem:s15], [sflag:$0xA], $0x4000, $0x38;
	[tilespmem:$0x1F000] =	vst v63  }
0x9e: {  	_ =	swait.ge [sflag:s28], $0x4000  }
0x9f: {  	[sflag:s28] =	ssyncset.done $0x0  }
0xa0: {  	s23 =	sadd.s32 $0x380, s22;
	[sflag:s28] =	ssyncadd.s32 $0xFFFFC000  }
0xa1: {  	[tilespmem:s13], [sflag:$0x2] =	stream.indirect.gather [hbm4b:s0+s11], $0x80, s23, s11, $0xb8;
	[tilespmem:$0x1F000] =	vst v63  }
0xa2: {  	_ =	swait.ge [sflag:s10], $0x4000  }
0xa3: {  	[sflag:s10] =	ssyncset.done $0x0  }
0xa4: {  	[sflag:s10] =	ssyncadd.s32 $0xFFFFC000  }
0xa5: {  	[hbm4b:s2+s7] =	stream.linear.scatter [tilespmem:s17], [sflag:$0xB], $0x4000, $0x38;
	[tilespmem:$0x1F000] =	vst v63  }
0xa6: {  	_ =	swait.ge [sflag:s24], $0x4000  }
0xa7: {  	[sflag:s24] =	ssyncset.done $0x0  }
0xa8: {  	s23 =	sadd.s32 $0x400, s22;
	[sflag:s24] =	ssyncadd.s32 $0xFFFFC000  }
0xa9: {  	[tilespmem:s14], [sflag:$0x3] =	stream.indirect.gather [hbm4b:s0+s11], $0x80, s23, s11, $0xb8;
	[tilespmem:$0x1F000] =	vst v63  }
0xaa: {  	_ =	swait.ge [sflag:s25], $0x4000  }
0xab: {  	[sflag:s25] =	ssyncset.done $0x0  }
0xac: {  	[sflag:s25] =	ssyncadd.s32 $0xFFFFC000  }
0xad: {  	[hbm4b:s21+s7] =	stream.linear.scatter [tilespmem:s19], [sflag:$0xC], $0x4000, $0x38;
	[tilespmem:$0x1F000] =	vst v63  }
0xae: {  	_ =	swait.ge [sflag:s29], $0x4000  }
0xaf: {  	[sflag:s29] =	ssyncset.done $0x0  }
0xb0: {  	s23 =	sadd.s32 $0x480, s22;
	[sflag:s29] =	ssyncadd.s32 $0xFFFFC000  }
0xb1: {  	[tilespmem:s15], [sflag:$0x4] =	stream.indirect.gather [hbm4b:s0+s11], $0x80, s23, s11, $0xb8;
	[tilespmem:$0x1F000] =	vst v63  }
0xb2: {  	_ =	swait.ge [sflag:s16], $0x4000  }
0xb3: {  	s23 =	sshrl.u32 s5, $0x3;
	[sflag:s16] =	ssyncset.done $0x0  }
0xb4: {  	s23 =	sadd.s32 s26, s23;
	[sflag:s16] =	ssyncadd.s32 $0xFFFFC000  }
0xb5: {  	[hbm4b:s23+s7] =	stream.linear.scatter [tilespmem:s12], [sflag:$0x7], $0x4000, $0x38;
	[tilespmem:$0x1F000] =	vst v63  }
0xb6: {  	_ =	swait.ge [sflag:s30], $0x4000  }
0xb7: {  	[sflag:s30] =	ssyncset.done $0x0  }
0xb8: {  	s23 =	sadd.s32 $0x500, s22;
	[sflag:s30] =	ssyncadd.s32 $0xFFFFC000  }
0xb9: {  	[tilespmem:s17], [sflag:$0x5] =	stream.indirect.gather [hbm4b:s0+s11], $0x80, s23, s11, $0xb8;
	[tilespmem:$0x1F000] =	vst v63  }
0xba: {  	_ =	swait.ge [sflag:s18], $0x4000  }
0xbb: {  	[sflag:s18] =	ssyncset.done $0x0  }
.Ltmp0:
0xbc: {  	s5 =	sadd.s32 $0x300000, s5;
	[sflag:s18] =	ssyncadd.s32 $0xFFFFC000;
	(pc) =	sbr.rel @p0 .LBB2_2-.Ltmp0, $4  }
0xbd: {  	[hbm4b:s8+s7] =	stream.linear.scatter [tilespmem:s13], [sflag:$0x8], $0x4000, $0x38;
	[tilespmem:$0x1F000] =	vst v63  }
0xbe: {  	s6 =	sadd.s32 $0x60000, s6;
	s8 =	sadd.s32 $0x60000, s8;
	_ =	swait.ge [sflag:s31], $0x4000  }
0xbf: {  	s20 =	sadd.s32 $0x60000, s20;
	s2 =	sadd.s32 $0x60000, s2;
	[sflag:s31] =	ssyncset.done $0x0  }
0xc0: {  	s21 =	sadd.s32 $0x60000, s21;
	s22 =	sadd.s32 $0x580, s22;
	[sflag:s31] =	ssyncadd.s32 $0xFFFFC000  }
0xc1: {  	[tilespmem:s19], [sflag:$0x6] =	stream.indirect.gather [hbm4b:s0+s11], $0x80, s22, s11, $0xb8;
	[tilespmem:$0x1F000] =	vst v63  }
0xc2: {  	_ =	swait.ge [sflag:s4], $0x4000  }
0xc3: {  	[sflag:s4] =	ssyncset.done $0x0  }
0xc4: {  	s2 =	simm.s32 $0x0;
	s3 =	rddreg [dreg:$0x9];
	[sflag:s4] =	ssyncadd.s32 $0xFFFFC000  }
0xc5: {  	[hbm4b:s3+s2] =	stream.linear.scatter [tilespmem:s14], [sflag:$0x9], $0x4000, $0x38;
	[tilespmem:$0x1F000] =	vst v63  }
0xc6: {  	_ =	swait.ge [sflag:s1], $0x4000  }
0xc7: {  	[sflag:s1] =	ssyncset.done $0x0  }
0xc8: {  	s8 =	simm.s32 $0x1800;
	[sflag:s1] =	ssyncadd.s32 $0xFFFFC000  }
0xc9: {  	[tilespmem:s12], [sflag:$0x1] =	stream.indirect.gather [hbm4b:s0+s11], $0x80, s8, s11, $0xb8;
	[tilespmem:$0x1F000] =	vst v63  }
0xca: {  	_ =	swait.ge [sflag:s9], $0x4000  }
0xcb: {  	[sflag:s9] =	ssyncset.done $0x0  }
0xcc: {  	s21 =	rddreg [dreg:$0x13];
	[sflag:s9] =	ssyncadd.s32 $0xFFFFC000  }
0xcd: {  	[hbm4b:s21+s2] =	stream.linear.scatter [tilespmem:s15], [sflag:$0xA], $0x4000, $0x38;
	[tilespmem:$0x1F000] =	vst v63  }
0xce: {  	_ =	swait.ge [sflag:s28], $0x4000  }
0xcf: {  	[sflag:s28] =	ssyncset.done $0x0  }
0xd0: {  	s22 =	simm.s32 $0x1880;
	[sflag:s28] =	ssyncadd.s32 $0xFFFFC000  }
0xd1: {  	[tilespmem:s13], [sflag:$0x2] =	stream.indirect.gather [hbm4b:s0+s11], $0x80, s22, s11, $0xb8;
	[tilespmem:$0x1F000] =	vst v63  }
0xd2: {  	_ =	swait.ge [sflag:s10], $0x4000  }
0xd3: {  	[sflag:s10] =	ssyncset.done $0x0  }
0xd4: {  	s23 =	rddreg [dreg:$0x17];
	[sflag:s10] =	ssyncadd.s32 $0xFFFFC000  }
0xd5: {  	[hbm4b:s23+s2] =	stream.linear.scatter [tilespmem:s17], [sflag:$0xB], $0x4000, $0x38;
	[tilespmem:$0x1F000] =	vst v63  }
0xd6: {  	_ =	swait.ge [sflag:s24], $0x4000  }
0xd7: {  	[sflag:s24] =	ssyncset.done $0x0  }
0xd8: {  	s20 =	smov.u32 s26;
	s26 =	simm.s32 $0x1C00;
	[sflag:s24] =	ssyncadd.s32 $0xFFFFC000  }
0xd9: {  	[tilespmem:s14], [sflag:$0x3] =	stream.indirect.gather [hbm4b:s0+s11], $0x80, s26, s11, $0xb8;
	[tilespmem:$0x1F000] =	vst v63  }
0xda: {  	_ =	swait.ge [sflag:s25], $0x4000  }
0xdb: {  	[sflag:s25] =	ssyncset.done $0x0  }
0xdc: {  	s5 =	rddreg [dreg:$0x1b];
	[sflag:s25] =	ssyncadd.s32 $0xFFFFC000  }
0xdd: {  	[hbm4b:s5+s2] =	stream.linear.scatter [tilespmem:s19], [sflag:$0xC], $0x4000, $0x38;
	[tilespmem:$0x1F000] =	vst v63  }
0xde: {  	_ =	swait.ge [sflag:s29], $0x4000  }
0xdf: {  	[sflag:s29] =	ssyncset.done $0x0  }
0xe0: {  	s6 =	simm.s32 $0x1C80;
	[sflag:s29] =	ssyncadd.s32 $0xFFFFC000  }
0xe1: {  	[tilespmem:s15], [sflag:$0x4] =	stream.indirect.gather [hbm4b:s0+s11], $0x80, s6, s11, $0xb8;
	[tilespmem:$0x1F000] =	vst v63  }
0xe2: {  	_ =	swait.ge [sflag:s16], $0x4000  }
0xe3: {  	[sflag:s16] =	ssyncset.done $0x0  }
0xe4: {  	s8 =	rddreg [dreg:$0x1f];
	[sflag:s16] =	ssyncadd.s32 $0xFFFFC000  }
0xe5: {  	[hbm4b:s8+s2] =	stream.linear.scatter [tilespmem:s12], [sflag:$0x7], $0x4000, $0x38;
	[tilespmem:$0x1F000] =	vst v63  }
0xe6: {  	_ =	swait.ge [sflag:s30], $0x4000  }
0xe7: {  	[sflag:s30] =	ssyncset.done $0x0  }
0xe8: {  	s21 =	simm.s32 $0x1D00;
	[sflag:s30] =	ssyncadd.s32 $0xFFFFC000  }
0xe9: {  	[tilespmem:s17], [sflag:$0x5] =	stream.indirect.gather [hbm4b:s0+s11], $0x80, s21, s11, $0xb8;
	[tilespmem:$0x1F000] =	vst v63  }
0xea: {  	_ =	swait.ge [sflag:s18], $0x4000  }
0xeb: {  	s22 =	sld [smem:$0x7EA]  }
0xec: {  	[sflag:s18] =	ssyncset.done $0x0  }
0xed: {  	[sflag:s18] =	ssyncadd.s32 $0xFFFFC000  }
0xee: {  	[hbm4b:s22+s2] =	stream.linear.scatter [tilespmem:s13], [sflag:$0x8], $0x4000, $0x38;
	[tilespmem:$0x1F000] =	vst v63  }
0xef: {  	_ =	swait.ge [sflag:s31], $0x4000  }
0xf0: {  	[sflag:s31] =	ssyncset.done $0x0  }
0xf1: {  	s23 =	simm.s32 $0x1D80;
	[sflag:s31] =	ssyncadd.s32 $0xFFFFC000  }
0xf2: {  	[tilespmem:s19], [sflag:$0x6] =	stream.indirect.gather [hbm4b:s0+s11], $0x80, s23, s11, $0xb8;
	[tilespmem:$0x1F000] =	vst v63  }
0xf3: {  	_ =	swait.ge [sflag:s4], $0x4000  }
0xf4: {  	[sflag:s4] =	ssyncset.done $0x0  }
0xf5: {  	s8 =	rddreg [dreg:$0x7];
	[sflag:s4] =	ssyncadd.s32 $0xFFFFC000  }
0xf6: {  	s6 =	rddreg [dreg:$0x3]  }
0xf7: {  	s26 =	sadd.s32 s6, s8  }
0xf8: {  	[hbm4b:s26+s7] =	stream.linear.scatter [tilespmem:s14], [sflag:$0x9], $0x4000, $0x38;
	[tilespmem:$0x1F000] =	vst v63  }
0xf9: {  	_ =	swait.ge [sflag:s1], $0x4000  }
0xfa: {  	[sflag:s1] =	ssyncset.done $0x0  }
0xfb: {  	s5 =	simm.s32 $0x1E00;
	[sflag:s1] =	ssyncadd.s32 $0xFFFFC000  }
0xfc: {  	[tilespmem:s12], [sflag:$0x1] =	stream.indirect.gather [hbm4b:s0+s11], $0x80, s5, s11, $0xb8;
	[tilespmem:$0x1F000] =	vst v63  }
0xfd: {  	_ =	swait.ge [sflag:s9], $0x4000  }
0xfe: {  	[sflag:s9] =	ssyncset.done $0x0  }
0xff: {  	s2 =	sadd.s32 $0x10000, s26;
	[sflag:s9] =	ssyncadd.s32 $0xFFFFC000  }
0x100: {  	[hbm4b:s2+s7] =	stream.linear.scatter [tilespmem:s15], [sflag:$0xA], $0x4000, $0x38;
	[tilespmem:$0x1F000] =	vst v63  }
0x101: {  	_ =	swait.ge [sflag:s28], $0x4000  }
0x102: {  	[sflag:s28] =	ssyncset.done $0x0  }
0x103: {  	s21 =	simm.s32 $0x1E80;
	[sflag:s28] =	ssyncadd.s32 $0xFFFFC000  }
0x104: {  	[tilespmem:s13], [sflag:$0x2] =	stream.indirect.gather [hbm4b:s0+s11], $0x80, s21, s11, $0xb8;
	[tilespmem:$0x1F000] =	vst v63  }
0x105: {  	_ =	swait.ge [sflag:s10], $0x4000  }
0x106: {  	s26 =	sld [smem:$0x7FD];
	_ =	sdelay $0x1  }
0x107: {  	[sflag:s10] =	ssyncset.done $0x0  }
0x108: {  	[sflag:s10] =	ssyncadd.s32 $0xFFFFC000;
	s22 =	sadd.s32 s6, s26  }
0x109: {  	[hbm4b:s22+s7] =	stream.linear.scatter [tilespmem:s17], [sflag:$0xB], $0x4000, $0x38;
	[tilespmem:$0x1F000] =	vst v63  }
0x10a: {  	_ =	swait.ge [sflag:s24], $0x4000  }
0x10b: {  	[sflag:s24] =	ssyncset.done $0x0  }
0x10c: {  	s23 =	simm.s32 $0x1F00;
	[sflag:s24] =	ssyncadd.s32 $0xFFFFC000  }
0x10d: {  	[tilespmem:s14], [sflag:$0x3] =	stream.indirect.gather [hbm4b:s0+s11], $0x80, s23, s11, $0xb8;
	[tilespmem:$0x1F000] =	vst v63  }
0x10e: {  	_ =	swait.ge [sflag:s25], $0x4000  }
0x10f: {  	s23 =	sld [smem:$0x7FC];
	_ =	sdelay $0x1  }
0x110: {  	[sflag:s25] =	ssyncset.done $0x0  }
0x111: {  	[sflag:s25] =	ssyncadd.s32 $0xFFFFC000;
	s3 =	sadd.s32 s6, s23  }
0x112: {  	[hbm4b:s3+s7] =	stream.linear.scatter [tilespmem:s19], [sflag:$0xC], $0x4000, $0x38;
	[tilespmem:$0x1F000] =	vst v63  }
0x113: {  	_ =	swait.ge [sflag:s29], $0x4000  }
0x114: {  	[sflag:s29] =	ssyncset.done $0x0  }
0x115: {  	s5 =	simm.s32 $0x1F80;
	[sflag:s29] =	ssyncadd.s32 $0xFFFFC000  }
0x116: {  	[tilespmem:s15], [sflag:$0x4] =	stream.indirect.gather [hbm4b:s0+s11], $0x80, s5, s11, $0xb8;
	[tilespmem:$0x1F000] =	vst v63  }
0x117: {  	_ =	swait.ge [sflag:s16], $0x4000  }
0x118: {  	s22 =	sld [smem:$0x7FB];
	_ =	sdelay $0x1  }
0x119: {  	[sflag:s16] =	ssyncset.done $0x0  }
0x11a: {  	[sflag:s16] =	ssyncadd.s32 $0xFFFFC000;
	s21 =	sadd.s32 s6, s22  }
0x11b: {  	[hbm4b:s21+s7] =	stream.linear.scatter [tilespmem:s12], [sflag:$0x7], $0x4000, $0x38;
	[tilespmem:$0x1F000] =	vst v63  }
0x11c: {  	_ =	swait.ge [sflag:s30], $0x4000  }
0x11d: {  	[sflag:s30] =	ssyncset.done $0x0  }
0x11e: {  	s3 =	simm.s32 $0x2000;
	[sflag:s30] =	ssyncadd.s32 $0xFFFFC000  }
0x11f: {  	[tilespmem:s17], [sflag:$0x5] =	stream.indirect.gather [hbm4b:s0+s11], $0x80, s3, s11, $0xb8;
	[tilespmem:$0x1F000] =	vst v63  }
0x120: {  	_ =	swait.ge [sflag:s18], $0x4000  }
0x121: {  	s21 =	sld [smem:$0x7FA];
	_ =	sdelay $0x1  }
0x122: {  	[sflag:s18] =	ssyncset.done $0x0  }
0x123: {  	[sflag:s18] =	ssyncadd.s32 $0xFFFFC000;
	s5 =	sadd.s32 s6, s21  }
0x124: {  	[hbm4b:s5+s7] =	stream.linear.scatter [tilespmem:s13], [sflag:$0x8], $0x4000, $0x38;
	[tilespmem:$0x1F000] =	vst v63  }
0x125: {  	_ =	swait.ge [sflag:s31], $0x4000  }
0x126: {  	s2 =	simm.s32 $0xC00;
	[sflag:s31] =	ssyncset.done $0x0  }
0x127: {  	s3 =	sadd.s32 $0x60000, s6;
	s5 =	simm.s32 $0x2080;
	[sflag:s31] =	ssyncadd.s32 $0xFFFFC000  }
.LBB2_4:
0x128: {  	[tilespmem:s19], [sflag:$0x6] =	stream.indirect.gather [hbm4b:s0+s11], $0x80, s5, s11, $0xb8;
	[tilespmem:$0x1F000] =	vst v63  }
0x129: {  	_ =	swait.ge [sflag:s4], $0x4000  }
0x12a: {  	[sflag:s4] =	ssyncset.done $0x0  }
0x12b: {  	s6 =	sadd.s32 s3, s8;
	[sflag:s4] =	ssyncadd.s32 $0xFFFFC000  }
0x12c: {  	[hbm4b:s6+s7] =	stream.linear.scatter [tilespmem:s14], [sflag:$0x9], $0x4000, $0x38;
	[tilespmem:$0x1F000] =	vst v63  }
0x12d: {  	s5 =	smov.u32 s2;
	_ =	swait.ge [sflag:s1], $0x4000  }
0x12e: {  	s5 =	sshra.s32 s5, $0x2;
	[sflag:s1] =	ssyncset.done $0x0  }
0x12f: {  	s8 =	sadd.s32 $0x1E00, s5;
	[sflag:s1] =	ssyncadd.s32 $0xFFFFC000  }
0x130: {  	[tilespmem:s12], [sflag:$0x1] =	stream.indirect.gather [hbm4b:s0+s11], $0x80, s8, s11, $0xb8;
	[tilespmem:$0x1F000] =	vst v63  }
0x131: {  	s8 =	rddreg [dreg:$0x7];
	_ =	swait.ge [sflag:s9], $0x4000  }
0x132: {  	[sflag:s9] =	ssyncset.done $0x0  }
0x133: {  	s6 =	sadd.s32 $0x10000, s6;
	[sflag:s9] =	ssyncadd.s32 $0xFFFFC000  }
0x134: {  	[hbm4b:s6+s7] =	stream.linear.scatter [tilespmem:s15], [sflag:$0xA], $0x4000, $0x38;
	[tilespmem:$0x1F000] =	vst v63  }
0x135: {  	_ =	swait.ge [sflag:s28], $0x4000  }
0x136: {  	[sflag:s28] =	ssyncset.done $0x0  }
0x137: {  	s6 =	sadd.s32 $0x1E80, s5;
	[sflag:s28] =	ssyncadd.s32 $0xFFFFC000  }
0x138: {  	[tilespmem:s13], [sflag:$0x2] =	stream.indirect.gather [hbm4b:s0+s11], $0x80, s6, s11, $0xb8;
	[tilespmem:$0x1F000] =	vst v63  }
0x139: {  	_ =	swait.ge [sflag:s10], $0x4000  }
0x13a: {  	[sflag:s10] =	ssyncset.done $0x0  }
0x13b: {  	s6 =	sadd.s32 s3, s26;
	[sflag:s10] =	ssyncadd.s32 $0xFFFFC000  }
0x13c: {  	[hbm4b:s6+s7] =	stream.linear.scatter [tilespmem:s17], [sflag:$0xB], $0x4000, $0x38;
	[tilespmem:$0x1F000] =	vst v63  }
0x13d: {  	_ =	swait.ge [sflag:s24], $0x4000  }
0x13e: {  	[sflag:s24] =	ssyncset.done $0x0  }
0x13f: {  	s6 =	sadd.s32 $0x1F00, s5;
	[sflag:s24] =	ssyncadd.s32 $0xFFFFC000  }
0x140: {  	[tilespmem:s14], [sflag:$0x3] =	stream.indirect.gather [hbm4b:s0+s11], $0x80, s6, s11, $0xb8;
	[tilespmem:$0x1F000] =	vst v63  }
0x141: {  	_ =	swait.ge [sflag:s25], $0x4000  }
0x142: {  	[sflag:s25] =	ssyncset.done $0x0  }
0x143: {  	s6 =	sadd.s32 s3, s23;
	[sflag:s25] =	ssyncadd.s32 $0xFFFFC000  }
0x144: {  	[hbm4b:s6+s7] =	stream.linear.scatter [tilespmem:s19], [sflag:$0xC], $0x4000, $0x38;
	[tilespmem:$0x1F000] =	vst v63  }
0x145: {  	_ =	swait.ge [sflag:s29], $0x4000  }
0x146: {  	[sflag:s29] =	ssyncset.done $0x0  }
0x147: {  	s6 =	sadd.s32 $0x1F80, s5;
	[sflag:s29] =	ssyncadd.s32 $0xFFFFC000  }
0x148: {  	[tilespmem:s15], [sflag:$0x4] =	stream.indirect.gather [hbm4b:s0+s11], $0x80, s6, s11, $0xb8;
	[tilespmem:$0x1F000] =	vst v63  }
0x149: {  	_ =	swait.ge [sflag:s16], $0x4000  }
0x14a: {  	[sflag:s16] =	ssyncset.done $0x0  }
0x14b: {  	s6 =	sadd.s32 s3, s22;
	[sflag:s16] =	ssyncadd.s32 $0xFFFFC000  }
0x14c: {  	[hbm4b:s6+s7] =	stream.linear.scatter [tilespmem:s12], [sflag:$0x7], $0x4000, $0x38;
	[tilespmem:$0x1F000] =	vst v63  }
0x14d: {  	_ =	swait.ge [sflag:s30], $0x4000  }
0x14e: {  	[sflag:s30] =	ssyncset.done $0x0  }
0x14f: {  	s6 =	sadd.s32 $0x2000, s5;
	[sflag:s30] =	ssyncadd.s32 $0xFFFFC000  }
0x150: {  	[tilespmem:s17], [sflag:$0x5] =	stream.indirect.gather [hbm4b:s0+s11], $0x80, s6, s11, $0xb8;
	[tilespmem:$0x1F000] =	vst v63  }
0x151: {  	_ =	swait.ge [sflag:s18], $0x4000  }
0x152: {  	p0 =	sne.s32 s2, $0x4800;
	[sflag:s18] =	ssyncset.done $0x0  }
.Ltmp1:
0x153: {  	s6 =	sadd.s32 s3, s21;
	[sflag:s18] =	ssyncadd.s32 $0xFFFFC000;
	(pc) =	sbr.rel @p0 .LBB2_4-.Ltmp1, $4  }
0x154: {  	[hbm4b:s6+s7] =	stream.linear.scatter [tilespmem:s13], [sflag:$0x8], $0x4000, $0x38;
	[tilespmem:$0x1F000] =	vst v63  }
0x155: {  	_ =	swait.ge [sflag:s31], $0x4000  }
0x156: {  	s2 =	sadd.s32 $0xC00, s2;
	[sflag:s31] =	ssyncset.done $0x0  }
0x157: {  	s5 =	sadd.s32 $0x2080, s5;
	s3 =	sadd.s32 $0x60000, s3;
	[sflag:s31] =	ssyncadd.s32 $0xFFFFC000  }
0x158: {  	[tilespmem:s19], [sflag:$0x6] =	stream.indirect.gather [hbm4b:s0+s11], $0x80, s5, s11, $0xb8;
	[tilespmem:$0x1F000] =	vst v63  }
0x159: {  	_ =	swait.ge [sflag:s4], $0x4000  }
0x15a: {  	[sflag:s4] =	ssyncset.done $0x0  }
0x15b: {  	s2 =	simm.s32 $0x0;
	s3 =	rddreg [dreg:$0xa];
	[sflag:s4] =	ssyncadd.s32 $0xFFFFC000  }
0x15c: {  	[hbm4b:s3+s2] =	stream.linear.scatter [tilespmem:s14], [sflag:$0x9], $0x4000, $0x38;
	[tilespmem:$0x1F000] =	vst v63  }
0x15d: {  	_ =	swait.ge [sflag:s1], $0x4000  }
0x15e: {  	[sflag:s1] =	ssyncset.done $0x0  }
0x15f: {  	s5 =	simm.s32 $0x3300;
	[sflag:s1] =	ssyncadd.s32 $0xFFFFC000  }
0x160: {  	[tilespmem:s12], [sflag:$0x1] =	stream.indirect.gather [hbm4b:s0+s11], $0x80, s5, s11, $0xb8;
	[tilespmem:$0x1F000] =	vst v63  }
0x161: {  	_ =	swait.ge [sflag:s9], $0x4000  }
0x162: {  	[sflag:s9] =	ssyncset.done $0x0  }
0x163: {  	s6 =	rddreg [dreg:$0xb];
	[sflag:s9] =	ssyncadd.s32 $0xFFFFC000  }
0x164: {  	[hbm4b:s6+s2] =	stream.linear.scatter [tilespmem:s15], [sflag:$0xA], $0x4000, $0x38;
	[tilespmem:$0x1F000] =	vst v63  }
0x165: {  	_ =	swait.ge [sflag:s28], $0x4000  }
0x166: {  	[sflag:s28] =	ssyncset.done $0x0  }
0x167: {  	s5 =	simm.s32 $0x3380;
	[sflag:s28] =	ssyncadd.s32 $0xFFFFC000  }
0x168: {  	[tilespmem:s13], [sflag:$0x2] =	stream.indirect.gather [hbm4b:s0+s11], $0x80, s5, s11, $0xb8;
	[tilespmem:$0x1F000] =	vst v63  }
0x169: {  	_ =	swait.ge [sflag:s10], $0x4000  }
0x16a: {  	[sflag:s10] =	ssyncset.done $0x0  }
0x16b: {  	s6 =	rddreg [dreg:$0xc];
	[sflag:s10] =	ssyncadd.s32 $0xFFFFC000  }
0x16c: {  	[hbm4b:s6+s2] =	stream.linear.scatter [tilespmem:s17], [sflag:$0xB], $0x4000, $0x38;
	[tilespmem:$0x1F000] =	vst v63  }
0x16d: {  	_ =	swait.ge [sflag:s24], $0x4000  }
0x16e: {  	[sflag:s24] =	ssyncset.done $0x0  }
0x16f: {  	s5 =	simm.s32 $0x3400;
	[sflag:s24] =	ssyncadd.s32 $0xFFFFC000  }
0x170: {  	[tilespmem:s14], [sflag:$0x3] =	stream.indirect.gather [hbm4b:s0+s11], $0x80, s5, s11, $0xb8;
	[tilespmem:$0x1F000] =	vst v63  }
0x171: {  	_ =	swait.ge [sflag:s25], $0x4000  }
0x172: {  	[sflag:s25] =	ssyncset.done $0x0  }
0x173: {  	s6 =	rddreg [dreg:$0x14];
	[sflag:s25] =	ssyncadd.s32 $0xFFFFC000  }
0x174: {  	[hbm4b:s6+s2] =	stream.linear.scatter [tilespmem:s19], [sflag:$0xC], $0x4000, $0x38;
	[tilespmem:$0x1F000] =	vst v63  }
0x175: {  	_ =	swait.ge [sflag:s29], $0x4000  }
0x176: {  	[sflag:s29] =	ssyncset.done $0x0  }
0x177: {  	s5 =	simm.s32 $0x3480;
	[sflag:s29] =	ssyncadd.s32 $0xFFFFC000  }
0x178: {  	[tilespmem:s15], [sflag:$0x4] =	stream.indirect.gather [hbm4b:s0+s11], $0x80, s5, s11, $0xb8;
	[tilespmem:$0x1F000] =	vst v63  }
0x179: {  	_ =	swait.ge [sflag:s16], $0x4000  }
0x17a: {  	[sflag:s16] =	ssyncset.done $0x0  }
0x17b: {  	s6 =	rddreg [dreg:$0x18];
	[sflag:s16] =	ssyncadd.s32 $0xFFFFC000  }
0x17c: {  	[hbm4b:s6+s2] =	stream.linear.scatter [tilespmem:s12], [sflag:$0x7], $0x4000, $0x38;
	[tilespmem:$0x1F000] =	vst v63  }
0x17d: {  	_ =	swait.ge [sflag:s30], $0x4000  }
0x17e: {  	[sflag:s30] =	ssyncset.done $0x0  }
0x17f: {  	s5 =	simm.s32 $0x3800;
	[sflag:s30] =	ssyncadd.s32 $0xFFFFC000  }
0x180: {  	[tilespmem:s17], [sflag:$0x5] =	stream.indirect.gather [hbm4b:s0+s11], $0x80, s5, s11, $0xb8;
	[tilespmem:$0x1F000] =	vst v63  }
0x181: {  	_ =	swait.ge [sflag:s18], $0x4000  }
0x182: {  	[sflag:s18] =	ssyncset.done $0x0  }
0x183: {  	s6 =	rddreg [dreg:$0x1c];
	[sflag:s18] =	ssyncadd.s32 $0xFFFFC000  }
0x184: {  	[hbm4b:s6+s2] =	stream.linear.scatter [tilespmem:s13], [sflag:$0x8], $0x4000, $0x38;
	[tilespmem:$0x1F000] =	vst v63  }
0x185: {  	_ =	swait.ge [sflag:s31], $0x4000  }
0x186: {  	[sflag:s31] =	ssyncset.done $0x0  }
0x187: {  	s5 =	simm.s32 $0x3880;
	[sflag:s31] =	ssyncadd.s32 $0xFFFFC000  }
0x188: {  	[tilespmem:s19], [sflag:$0x6] =	stream.indirect.gather [hbm4b:s0+s11], $0x80, s5, s11, $0xb8;
	[tilespmem:$0x1F000] =	vst v63  }
0x189: {  	_ =	swait.ge [sflag:s4], $0x4000  }
0x18a: {  	s6 =	sld [smem:$0x7E7]  }
0x18b: {  	[sflag:s4] =	ssyncset.done $0x0  }
0x18c: {  	[sflag:s4] =	ssyncadd.s32 $0xFFFFC000  }
0x18d: {  	[hbm4b:s6+s2] =	stream.linear.scatter [tilespmem:s14], [sflag:$0x9], $0x4000, $0x38;
	[tilespmem:$0x1F000] =	vst v63  }
0x18e: {  	_ =	swait.ge [sflag:s1], $0x4000  }
0x18f: {  	[sflag:s1] =	ssyncset.done $0x0  }
0x190: {  	s5 =	simm.s32 $0x3900;
	[sflag:s1] =	ssyncadd.s32 $0xFFFFC000  }
0x191: {  	[tilespmem:s12], [sflag:$0x1] =	stream.indirect.gather [hbm4b:s0+s11], $0x80, s5, s11, $0xb8;
	[tilespmem:$0x1F000] =	vst v63  }
0x192: {  	_ =	swait.ge [sflag:s9], $0x4000  }
0x193: {  	s6 =	sld [smem:$0x7EB]  }
0x194: {  	[sflag:s9] =	ssyncset.done $0x0  }
0x195: {  	[sflag:s9] =	ssyncadd.s32 $0xFFFFC000  }
0x196: {  	[hbm4b:s6+s2] =	stream.linear.scatter [tilespmem:s15], [sflag:$0xA], $0x4000, $0x38;
	[tilespmem:$0x1F000] =	vst v63  }
0x197: {  	_ =	swait.ge [sflag:s28], $0x4000  }
0x198: {  	[sflag:s28] =	ssyncset.done $0x0  }
0x199: {  	s3 =	simm.s32 $0x3980;
	[sflag:s28] =	ssyncadd.s32 $0xFFFFC000  }
0x19a: {  	[tilespmem:s13], [sflag:$0x2] =	stream.indirect.gather [hbm4b:s0+s11], $0x80, s3, s11, $0xb8;
	[tilespmem:$0x1F000] =	vst v63  }
0x19b: {  	_ =	swait.ge [sflag:s10], $0x4000  }
0x19c: {  	[sflag:s10] =	ssyncset.done $0x0  }
0x19d: {  	[sflag:s10] =	ssyncadd.s32 $0xFFFFC000  }
0x19e: {  	s6 =	rddreg [dreg:$0x4]  }
0x19f: {  	s2 =	sadd.s32 s6, s8  }
0x1a0: {  	[hbm4b:s2+s7] =	stream.linear.scatter [tilespmem:s17], [sflag:$0xB], $0x4000, $0x38;
	[tilespmem:$0x1F000] =	vst v63  }
0x1a1: {  	_ =	swait.ge [sflag:s24], $0x4000  }
0x1a2: {  	[sflag:s24] =	ssyncset.done $0x0  }
0x1a3: {  	s5 =	simm.s32 $0x3A00;
	[sflag:s24] =	ssyncadd.s32 $0xFFFFC000  }
0x1a4: {  	[tilespmem:s14], [sflag:$0x3] =	stream.indirect.gather [hbm4b:s0+s11], $0x80, s5, s11, $0xb8;
	[tilespmem:$0x1F000] =	vst v63  }
0x1a5: {  	_ =	swait.ge [sflag:s25], $0x4000  }
0x1a6: {  	[sflag:s25] =	ssyncset.done $0x0  }
0x1a7: {  	s2 =	sadd.s32 $0x10000, s2;
	[sflag:s25] =	ssyncadd.s32 $0xFFFFC000  }
0x1a8: {  	[hbm4b:s2+s7] =	stream.linear.scatter [tilespmem:s19], [sflag:$0xC], $0x4000, $0x38;
	[tilespmem:$0x1F000] =	vst v63  }
0x1a9: {  	_ =	swait.ge [sflag:s29], $0x4000  }
0x1aa: {  	[sflag:s29] =	ssyncset.done $0x0  }
0x1ab: {  	s3 =	simm.s32 $0x3A80;
	[sflag:s29] =	ssyncadd.s32 $0xFFFFC000  }
0x1ac: {  	[tilespmem:s15], [sflag:$0x4] =	stream.indirect.gather [hbm4b:s0+s11], $0x80, s3, s11, $0xb8;
	[tilespmem:$0x1F000] =	vst v63  }
0x1ad: {  	_ =	swait.ge [sflag:s16], $0x4000  }
0x1ae: {  	[sflag:s16] =	ssyncset.done $0x0  }
0x1af: {  	s5 =	sadd.s32 s6, s26;
	[sflag:s16] =	ssyncadd.s32 $0xFFFFC000  }
0x1b0: {  	[hbm4b:s5+s7] =	stream.linear.scatter [tilespmem:s12], [sflag:$0x7], $0x4000, $0x38;
	[tilespmem:$0x1F000] =	vst v63  }
0x1b1: {  	_ =	swait.ge [sflag:s30], $0x4000  }
0x1b2: {  	[sflag:s30] =	ssyncset.done $0x0  }
0x1b3: {  	s3 =	simm.s32 $0x3B00;
	[sflag:s30] =	ssyncadd.s32 $0xFFFFC000  }
0x1b4: {  	[tilespmem:s17], [sflag:$0x5] =	stream.indirect.gather [hbm4b:s0+s11], $0x80, s3, s11, $0xb8;
	[tilespmem:$0x1F000] =	vst v63  }
0x1b5: {  	_ =	swait.ge [sflag:s18], $0x4000  }
0x1b6: {  	[sflag:s18] =	ssyncset.done $0x0  }
0x1b7: {  	s5 =	sadd.s32 s6, s23;
	[sflag:s18] =	ssyncadd.s32 $0xFFFFC000  }
0x1b8: {  	[hbm4b:s5+s7] =	stream.linear.scatter [tilespmem:s13], [sflag:$0x8], $0x4000, $0x38;
	[tilespmem:$0x1F000] =	vst v63  }
0x1b9: {  	_ =	swait.ge [sflag:s31], $0x4000  }
0x1ba: {  	[sflag:s31] =	ssyncset.done $0x0  }
0x1bb: {  	s3 =	simm.s32 $0x3B80;
	[sflag:s31] =	ssyncadd.s32 $0xFFFFC000  }
0x1bc: {  	[tilespmem:s19], [sflag:$0x6] =	stream.indirect.gather [hbm4b:s0+s11], $0x80, s3, s11, $0xb8;
	[tilespmem:$0x1F000] =	vst v63  }
0x1bd: {  	_ =	swait.ge [sflag:s4], $0x4000  }
0x1be: {  	[sflag:s4] =	ssyncset.done $0x0  }
0x1bf: {  	s5 =	sadd.s32 s6, s22;
	[sflag:s4] =	ssyncadd.s32 $0xFFFFC000  }
0x1c0: {  	[hbm4b:s5+s7] =	stream.linear.scatter [tilespmem:s14], [sflag:$0x9], $0x4000, $0x38;
	[tilespmem:$0x1F000] =	vst v63  }
0x1c1: {  	_ =	swait.ge [sflag:s1], $0x4000  }
0x1c2: {  	[sflag:s1] =	ssyncset.done $0x0  }
0x1c3: {  	s3 =	simm.s32 $0x3C00;
	[sflag:s1] =	ssyncadd.s32 $0xFFFFC000  }
0x1c4: {  	[tilespmem:s12], [sflag:$0x1] =	stream.indirect.gather [hbm4b:s0+s11], $0x80, s3, s11, $0xb8;
	[tilespmem:$0x1F000] =	vst v63  }
0x1c5: {  	_ =	swait.ge [sflag:s9], $0x4000  }
0x1c6: {  	[sflag:s9] =	ssyncset.done $0x0  }
0x1c7: {  	s5 =	sadd.s32 s6, s21;
	[sflag:s9] =	ssyncadd.s32 $0xFFFFC000  }
0x1c8: {  	[hbm4b:s5+s7] =	stream.linear.scatter [tilespmem:s15], [sflag:$0xA], $0x4000, $0x38;
	[tilespmem:$0x1F000] =	vst v63  }
0x1c9: {  	_ =	swait.ge [sflag:s28], $0x4000  }
0x1ca: {  	s2 =	simm.s32 $0xC00;
	[sflag:s28] =	ssyncset.done $0x0  }
0x1cb: {  	s3 =	sadd.s32 $0x60000, s6;
	s5 =	simm.s32 $0x3C80;
	[sflag:s28] =	ssyncadd.s32 $0xFFFFC000  }
.LBB2_6:
0x1cc: {  	[tilespmem:s13], [sflag:$0x2] =	stream.indirect.gather [hbm4b:s0+s11], $0x80, s5, s11, $0xb8;
	[tilespmem:$0x1F000] =	vst v63  }
0x1cd: {  	_ =	swait.ge [sflag:s10], $0x4000  }
0x1ce: {  	[sflag:s10] =	ssyncset.done $0x0  }
0x1cf: {  	s6 =	sadd.s32 s3, s8;
	[sflag:s10] =	ssyncadd.s32 $0xFFFFC000  }
0x1d0: {  	[hbm4b:s6+s7] =	stream.linear.scatter [tilespmem:s17], [sflag:$0xB], $0x4000, $0x38;
	[tilespmem:$0x1F000] =	vst v63  }
0x1d1: {  	s5 =	smov.u32 s2;
	_ =	swait.ge [sflag:s24], $0x4000  }
0x1d2: {  	s5 =	sshra.s32 s5, $0x2;
	[sflag:s24] =	ssyncset.done $0x0  }
0x1d3: {  	s8 =	sadd.s32 $0x3A00, s5;
	[sflag:s24] =	ssyncadd.s32 $0xFFFFC000  }
0x1d4: {  	[tilespmem:s14], [sflag:$0x3] =	stream.indirect.gather [hbm4b:s0+s11], $0x80, s8, s11, $0xb8;
	[tilespmem:$0x1F000] =	vst v63  }
0x1d5: {  	s8 =	rddreg [dreg:$0x7];
	_ =	swait.ge [sflag:s25], $0x4000  }
0x1d6: {  	[sflag:s25] =	ssyncset.done $0x0  }
0x1d7: {  	s6 =	sadd.s32 $0x10000, s6;
	[sflag:s25] =	ssyncadd.s32 $0xFFFFC000  }
0x1d8: {  	[hbm4b:s6+s7] =	stream.linear.scatter [tilespmem:s19], [sflag:$0xC], $0x4000, $0x38;
	[tilespmem:$0x1F000] =	vst v63  }
0x1d9: {  	_ =	swait.ge [sflag:s29], $0x4000  }
0x1da: {  	[sflag:s29] =	ssyncset.done $0x0  }
0x1db: {  	s6 =	sadd.s32 $0x3A80, s5;
	[sflag:s29] =	ssyncadd.s32 $0xFFFFC000  }
0x1dc: {  	[tilespmem:s15], [sflag:$0x4] =	stream.indirect.gather [hbm4b:s0+s11], $0x80, s6, s11, $0xb8;
	[tilespmem:$0x1F000] =	vst v63  }
0x1dd: {  	_ =	swait.ge [sflag:s16], $0x4000  }
0x1de: {  	[sflag:s16] =	ssyncset.done $0x0  }
0x1df: {  	s6 =	sadd.s32 s3, s26;
	[sflag:s16] =	ssyncadd.s32 $0xFFFFC000  }
0x1e0: {  	[hbm4b:s6+s7] =	stream.linear.scatter [tilespmem:s12], [sflag:$0x7], $0x4000, $0x38;
	[tilespmem:$0x1F000] =	vst v63  }
0x1e1: {  	_ =	swait.ge [sflag:s30], $0x4000  }
0x1e2: {  	[sflag:s30] =	ssyncset.done $0x0  }
0x1e3: {  	s6 =	sadd.s32 $0x3B00, s5;
	[sflag:s30] =	ssyncadd.s32 $0xFFFFC000  }
0x1e4: {  	[tilespmem:s17], [sflag:$0x5] =	stream.indirect.gather [hbm4b:s0+s11], $0x80, s6, s11, $0xb8;
	[tilespmem:$0x1F000] =	vst v63  }
0x1e5: {  	_ =	swait.ge [sflag:s18], $0x4000  }
0x1e6: {  	[sflag:s18] =	ssyncset.done $0x0  }
0x1e7: {  	s6 =	sadd.s32 s3, s23;
	[sflag:s18] =	ssyncadd.s32 $0xFFFFC000  }
0x1e8: {  	[hbm4b:s6+s7] =	stream.linear.scatter [tilespmem:s13], [sflag:$0x8], $0x4000, $0x38;
	[tilespmem:$0x1F000] =	vst v63  }
0x1e9: {  	_ =	swait.ge [sflag:s31], $0x4000  }
0x1ea: {  	[sflag:s31] =	ssyncset.done $0x0  }
0x1eb: {  	s6 =	sadd.s32 $0x3B80, s5;
	[sflag:s31] =	ssyncadd.s32 $0xFFFFC000  }
0x1ec: {  	[tilespmem:s19], [sflag:$0x6] =	stream.indirect.gather [hbm4b:s0+s11], $0x80, s6, s11, $0xb8;
	[tilespmem:$0x1F000] =	vst v63  }
0x1ed: {  	_ =	swait.ge [sflag:s4], $0x4000  }
0x1ee: {  	[sflag:s4] =	ssyncset.done $0x0  }
0x1ef: {  	s6 =	sadd.s32 s3, s22;
	[sflag:s4] =	ssyncadd.s32 $0xFFFFC000  }
0x1f0: {  	[hbm4b:s6+s7] =	stream.linear.scatter [tilespmem:s14], [sflag:$0x9], $0x4000, $0x38;
	[tilespmem:$0x1F000] =	vst v63  }
0x1f1: {  	_ =	swait.ge [sflag:s1], $0x4000  }
0x1f2: {  	[sflag:s1] =	ssyncset.done $0x0  }
0x1f3: {  	s6 =	sadd.s32 $0x3C00, s5;
	[sflag:s1] =	ssyncadd.s32 $0xFFFFC000  }
0x1f4: {  	[tilespmem:s12], [sflag:$0x1] =	stream.indirect.gather [hbm4b:s0+s11], $0x80, s6, s11, $0xb8;
	[tilespmem:$0x1F000] =	vst v63  }
0x1f5: {  	_ =	swait.ge [sflag:s9], $0x4000  }
0x1f6: {  	p0 =	sne.s32 s2, $0x4800;
	[sflag:s9] =	ssyncset.done $0x0  }
.Ltmp2:
0x1f7: {  	s6 =	sadd.s32 s3, s21;
	[sflag:s9] =	ssyncadd.s32 $0xFFFFC000;
	(pc) =	sbr.rel @p0 .LBB2_6-.Ltmp2, $4  }
0x1f8: {  	[hbm4b:s6+s7] =	stream.linear.scatter [tilespmem:s15], [sflag:$0xA], $0x4000, $0x38;
	[tilespmem:$0x1F000] =	vst v63  }
0x1f9: {  	_ =	swait.ge [sflag:s28], $0x4000  }
0x1fa: {  	s2 =	sadd.s32 $0xC00, s2;
	[sflag:s28] =	ssyncset.done $0x0  }
0x1fb: {  	s5 =	sadd.s32 $0x3C80, s5;
	s3 =	sadd.s32 $0x60000, s3;
	[sflag:s28] =	ssyncadd.s32 $0xFFFFC000  }
0x1fc: {  	[tilespmem:s13], [sflag:$0x2] =	stream.indirect.gather [hbm4b:s0+s11], $0x80, s5, s11, $0xb8;
	[tilespmem:$0x1F000] =	vst v63  }
0x1fd: {  	_ =	swait.ge [sflag:s10], $0x4000  }
0x1fe: {  	[sflag:s10] =	ssyncset.done $0x0  }
0x1ff: {  	s2 =	simm.s32 $0x0;
	s3 =	rddreg [dreg:$0xd];
	[sflag:s10] =	ssyncadd.s32 $0xFFFFC000  }
0x200: {  	[hbm4b:s3+s2] =	stream.linear.scatter [tilespmem:s17], [sflag:$0xB], $0x4000, $0x38;
	[tilespmem:$0x1F000] =	vst v63  }
0x201: {  	_ =	swait.ge [sflag:s24], $0x4000  }
0x202: {  	[sflag:s24] =	ssyncset.done $0x0  }
0x203: {  	s5 =	simm.s32 $0x4F00;
	[sflag:s24] =	ssyncadd.s32 $0xFFFFC000  }
0x204: {  	[tilespmem:s14], [sflag:$0x3] =	stream.indirect.gather [hbm4b:s0+s11], $0x80, s5, s11, $0xb8;
	[tilespmem:$0x1F000] =	vst v63  }
0x205: {  	_ =	swait.ge [sflag:s25], $0x4000  }
0x206: {  	[sflag:s25] =	ssyncset.done $0x0  }
0x207: {  	s6 =	rddreg [dreg:$0xe];
	[sflag:s25] =	ssyncadd.s32 $0xFFFFC000  }
0x208: {  	[hbm4b:s6+s2] =	stream.linear.scatter [tilespmem:s19], [sflag:$0xC], $0x4000, $0x38;
	[tilespmem:$0x1F000] =	vst v63  }
0x209: {  	_ =	swait.ge [sflag:s29], $0x4000  }
0x20a: {  	[sflag:s29] =	ssyncset.done $0x0  }
0x20b: {  	s5 =	simm.s32 $0x4F80;
	[sflag:s29] =	ssyncadd.s32 $0xFFFFC000  }
0x20c: {  	[tilespmem:s15], [sflag:$0x4] =	stream.indirect.gather [hbm4b:s0+s11], $0x80, s5, s11, $0xb8;
	[tilespmem:$0x1F000] =	vst v63  }
0x20d: {  	_ =	swait.ge [sflag:s16], $0x4000  }
0x20e: {  	[sflag:s16] =	ssyncset.done $0x0  }
0x20f: {  	s6 =	rddreg [dreg:$0x11];
	[sflag:s16] =	ssyncadd.s32 $0xFFFFC000  }
0x210: {  	[hbm4b:s6+s2] =	stream.linear.scatter [tilespmem:s12], [sflag:$0x7], $0x4000, $0x38;
	[tilespmem:$0x1F000] =	vst v63  }
0x211: {  	_ =	swait.ge [sflag:s30], $0x4000  }
0x212: {  	[sflag:s30] =	ssyncset.done $0x0  }
0x213: {  	s5 =	simm.s32 $0x5000;
	[sflag:s30] =	ssyncadd.s32 $0xFFFFC000  }
0x214: {  	[tilespmem:s17], [sflag:$0x5] =	stream.indirect.gather [hbm4b:s0+s11], $0x80, s5, s11, $0xb8;
	[tilespmem:$0x1F000] =	vst v63  }
0x215: {  	_ =	swait.ge [sflag:s18], $0x4000  }
0x216: {  	[sflag:s18] =	ssyncset.done $0x0  }
0x217: {  	s6 =	rddreg [dreg:$0x15];
	[sflag:s18] =	ssyncadd.s32 $0xFFFFC000  }
0x218: {  	[hbm4b:s6+s2] =	stream.linear.scatter [tilespmem:s13], [sflag:$0x8], $0x4000, $0x38;
	[tilespmem:$0x1F000] =	vst v63  }
0x219: {  	_ =	swait.ge [sflag:s31], $0x4000  }
0x21a: {  	[sflag:s31] =	ssyncset.done $0x0  }
0x21b: {  	s5 =	simm.s32 $0x5080;
	[sflag:s31] =	ssyncadd.s32 $0xFFFFC000  }
0x21c: {  	[tilespmem:s19], [sflag:$0x6] =	stream.indirect.gather [hbm4b:s0+s11], $0x80, s5, s11, $0xb8;
	[tilespmem:$0x1F000] =	vst v63  }
0x21d: {  	_ =	swait.ge [sflag:s4], $0x4000  }
0x21e: {  	[sflag:s4] =	ssyncset.done $0x0  }
0x21f: {  	s6 =	rddreg [dreg:$0x19];
	[sflag:s4] =	ssyncadd.s32 $0xFFFFC000  }
0x220: {  	[hbm4b:s6+s2] =	stream.linear.scatter [tilespmem:s14], [sflag:$0x9], $0x4000, $0x38;
	[tilespmem:$0x1F000] =	vst v63  }
0x221: {  	_ =	swait.ge [sflag:s1], $0x4000  }
0x222: {  	[sflag:s1] =	ssyncset.done $0x0  }
0x223: {  	s5 =	simm.s32 $0x5400;
	[sflag:s1] =	ssyncadd.s32 $0xFFFFC000  }
0x224: {  	[tilespmem:s12], [sflag:$0x1] =	stream.indirect.gather [hbm4b:s0+s11], $0x80, s5, s11, $0xb8;
	[tilespmem:$0x1F000] =	vst v63  }
0x225: {  	_ =	swait.ge [sflag:s9], $0x4000  }
0x226: {  	[sflag:s9] =	ssyncset.done $0x0  }
0x227: {  	s6 =	rddreg [dreg:$0x1d];
	[sflag:s9] =	ssyncadd.s32 $0xFFFFC000  }
0x228: {  	[hbm4b:s6+s2] =	stream.linear.scatter [tilespmem:s15], [sflag:$0xA], $0x4000, $0x38;
	[tilespmem:$0x1F000] =	vst v63  }
0x229: {  	_ =	swait.ge [sflag:s28], $0x4000  }
0x22a: {  	[sflag:s28] =	ssyncset.done $0x0  }
0x22b: {  	s5 =	simm.s32 $0x5480;
	[sflag:s28] =	ssyncadd.s32 $0xFFFFC000  }
0x22c: {  	[tilespmem:s13], [sflag:$0x2] =	stream.indirect.gather [hbm4b:s0+s11], $0x80, s5, s11, $0xb8;
	[tilespmem:$0x1F000] =	vst v63  }
0x22d: {  	_ =	swait.ge [sflag:s10], $0x4000  }
0x22e: {  	s6 =	sld [smem:$0x7E8]  }
0x22f: {  	[sflag:s10] =	ssyncset.done $0x0  }
0x230: {  	[sflag:s10] =	ssyncadd.s32 $0xFFFFC000  }
0x231: {  	[hbm4b:s6+s2] =	stream.linear.scatter [tilespmem:s17], [sflag:$0xB], $0x4000, $0x38;
	[tilespmem:$0x1F000] =	vst v63  }
0x232: {  	_ =	swait.ge [sflag:s24], $0x4000  }
0x233: {  	[sflag:s24] =	ssyncset.done $0x0  }
0x234: {  	s5 =	simm.s32 $0x5500;
	[sflag:s24] =	ssyncadd.s32 $0xFFFFC000  }
0x235: {  	[tilespmem:s14], [sflag:$0x3] =	stream.indirect.gather [hbm4b:s0+s11], $0x80, s5, s11, $0xb8;
	[tilespmem:$0x1F000] =	vst v63  }
0x236: {  	_ =	swait.ge [sflag:s25], $0x4000  }
0x237: {  	s6 =	sld [smem:$0x7EC]  }
0x238: {  	[sflag:s25] =	ssyncset.done $0x0  }
0x239: {  	[sflag:s25] =	ssyncadd.s32 $0xFFFFC000  }
0x23a: {  	[hbm4b:s6+s2] =	stream.linear.scatter [tilespmem:s19], [sflag:$0xC], $0x4000, $0x38;
	[tilespmem:$0x1F000] =	vst v63  }
0x23b: {  	_ =	swait.ge [sflag:s29], $0x4000  }
0x23c: {  	[sflag:s29] =	ssyncset.done $0x0  }
0x23d: {  	s3 =	simm.s32 $0x5580;
	[sflag:s29] =	ssyncadd.s32 $0xFFFFC000  }
0x23e: {  	[tilespmem:s15], [sflag:$0x4] =	stream.indirect.gather [hbm4b:s0+s11], $0x80, s3, s11, $0xb8;
	[tilespmem:$0x1F000] =	vst v63  }
0x23f: {  	_ =	swait.ge [sflag:s16], $0x4000  }
0x240: {  	[sflag:s16] =	ssyncset.done $0x0  }
0x241: {  	[sflag:s16] =	ssyncadd.s32 $0xFFFFC000  }
0x242: {  	s6 =	rddreg [dreg:$0x5]  }
0x243: {  	s2 =	sadd.s32 s6, s8  }
0x244: {  	[hbm4b:s2+s7] =	stream.linear.scatter [tilespmem:s12], [sflag:$0x7], $0x4000, $0x38;
	[tilespmem:$0x1F000] =	vst v63  }
0x245: {  	_ =	swait.ge [sflag:s30], $0x4000  }
0x246: {  	[sflag:s30] =	ssyncset.done $0x0  }
0x247: {  	s5 =	simm.s32 $0x5600;
	[sflag:s30] =	ssyncadd.s32 $0xFFFFC000  }
0x248: {  	[tilespmem:s17], [sflag:$0x5] =	stream.indirect.gather [hbm4b:s0+s11], $0x80, s5, s11, $0xb8;
	[tilespmem:$0x1F000] =	vst v63  }
0x249: {  	_ =	swait.ge [sflag:s18], $0x4000  }
0x24a: {  	[sflag:s18] =	ssyncset.done $0x0  }
0x24b: {  	s2 =	sadd.s32 $0x10000, s2;
	[sflag:s18] =	ssyncadd.s32 $0xFFFFC000  }
0x24c: {  	[hbm4b:s2+s7] =	stream.linear.scatter [tilespmem:s13], [sflag:$0x8], $0x4000, $0x38;
	[tilespmem:$0x1F000] =	vst v63  }
0x24d: {  	_ =	swait.ge [sflag:s31], $0x4000  }
0x24e: {  	[sflag:s31] =	ssyncset.done $0x0  }
0x24f: {  	s3 =	simm.s32 $0x5680;
	[sflag:s31] =	ssyncadd.s32 $0xFFFFC000  }
0x250: {  	[tilespmem:s19], [sflag:$0x6] =	stream.indirect.gather [hbm4b:s0+s11], $0x80, s3, s11, $0xb8;
	[tilespmem:$0x1F000] =	vst v63  }
0x251: {  	_ =	swait.ge [sflag:s4], $0x4000  }
0x252: {  	[sflag:s4] =	ssyncset.done $0x0  }
0x253: {  	s5 =	sadd.s32 s6, s26;
	[sflag:s4] =	ssyncadd.s32 $0xFFFFC000  }
0x254: {  	[hbm4b:s5+s7] =	stream.linear.scatter [tilespmem:s14], [sflag:$0x9], $0x4000, $0x38;
	[tilespmem:$0x1F000] =	vst v63  }
0x255: {  	_ =	swait.ge [sflag:s1], $0x4000  }
0x256: {  	[sflag:s1] =	ssyncset.done $0x0  }
0x257: {  	s3 =	simm.s32 $0x5700;
	[sflag:s1] =	ssyncadd.s32 $0xFFFFC000  }
0x258: {  	[tilespmem:s12], [sflag:$0x1] =	stream.indirect.gather [hbm4b:s0+s11], $0x80, s3, s11, $0xb8;
	[tilespmem:$0x1F000] =	vst v63  }
0x259: {  	_ =	swait.ge [sflag:s9], $0x4000  }
0x25a: {  	[sflag:s9] =	ssyncset.done $0x0  }
0x25b: {  	s5 =	sadd.s32 s6, s23;
	[sflag:s9] =	ssyncadd.s32 $0xFFFFC000  }
0x25c: {  	[hbm4b:s5+s7] =	stream.linear.scatter [tilespmem:s15], [sflag:$0xA], $0x4000, $0x38;
	[tilespmem:$0x1F000] =	vst v63  }
0x25d: {  	_ =	swait.ge [sflag:s28], $0x4000  }
0x25e: {  	[sflag:s28] =	ssyncset.done $0x0  }
0x25f: {  	s3 =	simm.s32 $0x5780;
	[sflag:s28] =	ssyncadd.s32 $0xFFFFC000  }
0x260: {  	[tilespmem:s13], [sflag:$0x2] =	stream.indirect.gather [hbm4b:s0+s11], $0x80, s3, s11, $0xb8;
	[tilespmem:$0x1F000] =	vst v63  }
0x261: {  	_ =	swait.ge [sflag:s10], $0x4000  }
0x262: {  	[sflag:s10] =	ssyncset.done $0x0  }
0x263: {  	s5 =	sadd.s32 s6, s22;
	[sflag:s10] =	ssyncadd.s32 $0xFFFFC000  }
0x264: {  	[hbm4b:s5+s7] =	stream.linear.scatter [tilespmem:s17], [sflag:$0xB], $0x4000, $0x38;
	[tilespmem:$0x1F000] =	vst v63  }
0x265: {  	_ =	swait.ge [sflag:s24], $0x4000  }
0x266: {  	[sflag:s24] =	ssyncset.done $0x0  }
0x267: {  	s3 =	simm.s32 $0x5800;
	[sflag:s24] =	ssyncadd.s32 $0xFFFFC000  }
0x268: {  	[tilespmem:s14], [sflag:$0x3] =	stream.indirect.gather [hbm4b:s0+s11], $0x80, s3, s11, $0xb8;
	[tilespmem:$0x1F000] =	vst v63  }
0x269: {  	_ =	swait.ge [sflag:s25], $0x4000  }
0x26a: {  	[sflag:s25] =	ssyncset.done $0x0  }
0x26b: {  	s5 =	sadd.s32 s6, s21;
	[sflag:s25] =	ssyncadd.s32 $0xFFFFC000  }
0x26c: {  	[hbm4b:s5+s7] =	stream.linear.scatter [tilespmem:s19], [sflag:$0xC], $0x4000, $0x38;
	[tilespmem:$0x1F000] =	vst v63  }
0x26d: {  	_ =	swait.ge [sflag:s29], $0x4000  }
0x26e: {  	s2 =	simm.s32 $0xC00;
	[sflag:s29] =	ssyncset.done $0x0  }
0x26f: {  	s3 =	sadd.s32 $0x60000, s6;
	s5 =	simm.s32 $0x5880;
	[sflag:s29] =	ssyncadd.s32 $0xFFFFC000  }
.LBB2_8:
0x270: {  	[tilespmem:s15], [sflag:$0x4] =	stream.indirect.gather [hbm4b:s0+s11], $0x80, s5, s11, $0xb8;
	[tilespmem:$0x1F000] =	vst v63  }
0x271: {  	_ =	swait.ge [sflag:s16], $0x4000  }
0x272: {  	[sflag:s16] =	ssyncset.done $0x0  }
0x273: {  	s6 =	sadd.s32 s3, s8;
	[sflag:s16] =	ssyncadd.s32 $0xFFFFC000  }
0x274: {  	[hbm4b:s6+s7] =	stream.linear.scatter [tilespmem:s12], [sflag:$0x7], $0x4000, $0x38;
	[tilespmem:$0x1F000] =	vst v63  }
0x275: {  	s5 =	smov.u32 s2;
	_ =	swait.ge [sflag:s30], $0x4000  }
0x276: {  	s5 =	sshra.s32 s5, $0x2;
	[sflag:s30] =	ssyncset.done $0x0  }
0x277: {  	s8 =	sadd.s32 $0x5600, s5;
	[sflag:s30] =	ssyncadd.s32 $0xFFFFC000  }
0x278: {  	[tilespmem:s17], [sflag:$0x5] =	stream.indirect.gather [hbm4b:s0+s11], $0x80, s8, s11, $0xb8;
	[tilespmem:$0x1F000] =	vst v63  }
0x279: {  	s8 =	rddreg [dreg:$0x7];
	_ =	swait.ge [sflag:s18], $0x4000  }
0x27a: {  	[sflag:s18] =	ssyncset.done $0x0  }
0x27b: {  	s6 =	sadd.s32 $0x10000, s6;
	[sflag:s18] =	ssyncadd.s32 $0xFFFFC000  }
0x27c: {  	[hbm4b:s6+s7] =	stream.linear.scatter [tilespmem:s13], [sflag:$0x8], $0x4000, $0x38;
	[tilespmem:$0x1F000] =	vst v63  }
0x27d: {  	_ =	swait.ge [sflag:s31], $0x4000  }
0x27e: {  	[sflag:s31] =	ssyncset.done $0x0  }
0x27f: {  	s6 =	sadd.s32 $0x5680, s5;
	[sflag:s31] =	ssyncadd.s32 $0xFFFFC000  }
0x280: {  	[tilespmem:s19], [sflag:$0x6] =	stream.indirect.gather [hbm4b:s0+s11], $0x80, s6, s11, $0xb8;
	[tilespmem:$0x1F000] =	vst v63  }
0x281: {  	_ =	swait.ge [sflag:s4], $0x4000  }
0x282: {  	[sflag:s4] =	ssyncset.done $0x0  }
0x283: {  	s6 =	sadd.s32 s3, s26;
	[sflag:s4] =	ssyncadd.s32 $0xFFFFC000  }
0x284: {  	[hbm4b:s6+s7] =	stream.linear.scatter [tilespmem:s14], [sflag:$0x9], $0x4000, $0x38;
	[tilespmem:$0x1F000] =	vst v63  }
0x285: {  	_ =	swait.ge [sflag:s1], $0x4000  }
0x286: {  	[sflag:s1] =	ssyncset.done $0x0  }
0x287: {  	s6 =	sadd.s32 $0x5700, s5;
	[sflag:s1] =	ssyncadd.s32 $0xFFFFC000  }
0x288: {  	[tilespmem:s12], [sflag:$0x1] =	stream.indirect.gather [hbm4b:s0+s11], $0x80, s6, s11, $0xb8;
	[tilespmem:$0x1F000] =	vst v63  }
0x289: {  	_ =	swait.ge [sflag:s9], $0x4000  }
0x28a: {  	[sflag:s9] =	ssyncset.done $0x0  }
0x28b: {  	s6 =	sadd.s32 s3, s23;
	[sflag:s9] =	ssyncadd.s32 $0xFFFFC000  }
0x28c: {  	[hbm4b:s6+s7] =	stream.linear.scatter [tilespmem:s15], [sflag:$0xA], $0x4000, $0x38;
	[tilespmem:$0x1F000] =	vst v63  }
0x28d: {  	_ =	swait.ge [sflag:s28], $0x4000  }
0x28e: {  	[sflag:s28] =	ssyncset.done $0x0  }
0x28f: {  	s6 =	sadd.s32 $0x5780, s5;
	[sflag:s28] =	ssyncadd.s32 $0xFFFFC000  }
0x290: {  	[tilespmem:s13], [sflag:$0x2] =	stream.indirect.gather [hbm4b:s0+s11], $0x80, s6, s11, $0xb8;
	[tilespmem:$0x1F000] =	vst v63  }
0x291: {  	_ =	swait.ge [sflag:s10], $0x4000  }
0x292: {  	[sflag:s10] =	ssyncset.done $0x0  }
0x293: {  	s6 =	sadd.s32 s3, s22;
	[sflag:s10] =	ssyncadd.s32 $0xFFFFC000  }
0x294: {  	[hbm4b:s6+s7] =	stream.linear.scatter [tilespmem:s17], [sflag:$0xB], $0x4000, $0x38;
	[tilespmem:$0x1F000] =	vst v63  }
0x295: {  	_ =	swait.ge [sflag:s24], $0x4000  }
0x296: {  	[sflag:s24] =	ssyncset.done $0x0  }
0x297: {  	s6 =	sadd.s32 $0x5800, s5;
	[sflag:s24] =	ssyncadd.s32 $0xFFFFC000  }
0x298: {  	[tilespmem:s14], [sflag:$0x3] =	stream.indirect.gather [hbm4b:s0+s11], $0x80, s6, s11, $0xb8;
	[tilespmem:$0x1F000] =	vst v63  }
0x299: {  	_ =	swait.ge [sflag:s25], $0x4000  }
0x29a: {  	p0 =	sne.s32 s2, $0x4800;
	[sflag:s25] =	ssyncset.done $0x0  }
.Ltmp3:
0x29b: {  	s6 =	sadd.s32 s3, s21;
	[sflag:s25] =	ssyncadd.s32 $0xFFFFC000;
	(pc) =	sbr.rel @p0 .LBB2_8-.Ltmp3, $4  }
0x29c: {  	[hbm4b:s6+s7] =	stream.linear.scatter [tilespmem:s19], [sflag:$0xC], $0x4000, $0x38;
	[tilespmem:$0x1F000] =	vst v63  }
0x29d: {  	_ =	swait.ge [sflag:s29], $0x4000  }
0x29e: {  	s2 =	sadd.s32 $0xC00, s2;
	[sflag:s29] =	ssyncset.done $0x0  }
0x29f: {  	s5 =	sadd.s32 $0x5880, s5;
	s3 =	sadd.s32 $0x60000, s3;
	[sflag:s29] =	ssyncadd.s32 $0xFFFFC000  }
0x2a0: {  	[tilespmem:s15], [sflag:$0x4] =	stream.indirect.gather [hbm4b:s0+s11], $0x80, s5, s11, $0xb8;
	[tilespmem:$0x1F000] =	vst v63  }
0x2a1: {  	_ =	swait.ge [sflag:s16], $0x4000  }
0x2a2: {  	[sflag:s16] =	ssyncset.done $0x0  }
0x2a3: {  	s2 =	rddreg [dreg:$0xf];
	[sflag:s16] =	ssyncadd.s32 $0xFFFFC000  }
0x2a4: {  	[hbm4b:s2+s7] =	stream.linear.scatter [tilespmem:s12], [sflag:$0x7], $0x4000, $0x38;
	[tilespmem:$0x1F000] =	vst v63  }
0x2a5: {  	_ =	swait.ge [sflag:s30], $0x4000  }
0x2a6: {  	[sflag:s30] =	ssyncset.done $0x0  }
0x2a7: {  	s21 =	simm.s32 $0x6B00;
	[sflag:s30] =	ssyncadd.s32 $0xFFFFC000  }
0x2a8: {  	[tilespmem:s17], [sflag:$0x5] =	stream.indirect.gather [hbm4b:s0+s11], $0x80, s21, s11, $0xb8;
	[tilespmem:$0x1F000] =	vst v63  }
0x2a9: {  	_ =	swait.ge [sflag:s18], $0x4000  }
0x2aa: {  	[sflag:s18] =	ssyncset.done $0x0  }
0x2ab: {  	s22 =	rddreg [dreg:$0x10];
	[sflag:s18] =	ssyncadd.s32 $0xFFFFC000  }
0x2ac: {  	[hbm4b:s22+s7] =	stream.linear.scatter [tilespmem:s13], [sflag:$0x8], $0x4000, $0x38;
	[tilespmem:$0x1F000] =	vst v63  }
0x2ad: {  	_ =	swait.ge [sflag:s31], $0x4000  }
0x2ae: {  	[sflag:s31] =	ssyncset.done $0x0  }
0x2af: {  	s23 =	simm.s32 $0x6B80;
	[sflag:s31] =	ssyncadd.s32 $0xFFFFC000  }
0x2b0: {  	[tilespmem:s19], [sflag:$0x6] =	stream.indirect.gather [hbm4b:s0+s11], $0x80, s23, s11, $0xb8;
	[tilespmem:$0x1F000] =	vst v63  }
0x2b1: {  	_ =	swait.ge [sflag:s4], $0x4000  }
0x2b2: {  	[sflag:s4] =	ssyncset.done $0x0  }
0x2b3: {  	s26 =	rddreg [dreg:$0x12];
	[sflag:s4] =	ssyncadd.s32 $0xFFFFC000  }
0x2b4: {  	[hbm4b:s26+s7] =	stream.linear.scatter [tilespmem:s14], [sflag:$0x9], $0x4000, $0x38;
	[tilespmem:$0x1F000] =	vst v63  }
0x2b5: {  	_ =	swait.ge [sflag:s1], $0x4000  }
0x2b6: {  	[sflag:s1] =	ssyncset.done $0x0  }
0x2b7: {  	s3 =	simm.s32 $0x6C00;
	[sflag:s1] =	ssyncadd.s32 $0xFFFFC000  }
0x2b8: {  	[tilespmem:s12], [sflag:$0x1] =	stream.indirect.gather [hbm4b:s0+s11], $0x80, s3, s11, $0xb8;
	[tilespmem:$0x1F000] =	vst v63  }
0x2b9: {  	_ =	swait.ge [sflag:s9], $0x4000  }
0x2ba: {  	[sflag:s9] =	ssyncset.done $0x0  }
0x2bb: {  	s5 =	rddreg [dreg:$0x16];
	[sflag:s9] =	ssyncadd.s32 $0xFFFFC000  }
0x2bc: {  	[hbm4b:s5+s7] =	stream.linear.scatter [tilespmem:s15], [sflag:$0xA], $0x4000, $0x38;
	[tilespmem:$0x1F000] =	vst v63  }
0x2bd: {  	_ =	swait.ge [sflag:s28], $0x4000  }
0x2be: {  	[sflag:s28] =	ssyncset.done $0x0  }
0x2bf: {  	s6 =	simm.s32 $0x6C80;
	[sflag:s28] =	ssyncadd.s32 $0xFFFFC000  }
0x2c0: {  	[tilespmem:s13], [sflag:$0x2] =	stream.indirect.gather [hbm4b:s0+s11], $0x80, s6, s11, $0xb8;
	[tilespmem:$0x1F000] =	vst v63  }
0x2c1: {  	_ =	swait.ge [sflag:s10], $0x4000  }
0x2c2: {  	[sflag:s10] =	ssyncset.done $0x0  }
0x2c3: {  	s8 =	rddreg [dreg:$0x1a];
	[sflag:s10] =	ssyncadd.s32 $0xFFFFC000  }
0x2c4: {  	[hbm4b:s8+s7] =	stream.linear.scatter [tilespmem:s17], [sflag:$0xB], $0x4000, $0x38;
	[tilespmem:$0x1F000] =	vst v63  }
0x2c5: {  	_ =	swait.ge [sflag:s24], $0x4000  }
0x2c6: {  	[sflag:s24] =	ssyncset.done $0x0  }
0x2c7: {  	[sflag:s24] =	ssyncadd.s32 $0xFFFFC000  }
0x2c8: {  	_ =	swait.ge [sflag:s25], $0x4000  }
0x2c9: {  	[sflag:s25] =	ssyncset.done $0x0  }
0x2ca: {  	s21 =	rddreg [dreg:$0x1e];
	[sflag:s25] =	ssyncadd.s32 $0xFFFFC000  }
0x2cb: {  	[hbm4b:s21+s7] =	stream.linear.scatter [tilespmem:s19], [sflag:$0xC], $0x4000, $0x38;
	[tilespmem:$0x1F000] =	vst v63  }
0x2cc: {  	_ =	swait.ge [sflag:s29], $0x4000  }
0x2cd: {  	[sflag:s29] =	ssyncset.done $0x0  }
0x2ce: {  	[sflag:s29] =	ssyncadd.s32 $0xFFFFC000  }
0x2cf: {  	_ =	swait.ge [sflag:s16], $0x4000  }
0x2d0: {  	s22 =	sld [smem:$0x7E9]  }
0x2d1: {  	[sflag:s16] =	ssyncset.done $0x0  }
0x2d2: {  	[sflag:s16] =	ssyncadd.s32 $0xFFFFC000  }
0x2d3: {  	[hbm4b:s22+s7] =	stream.linear.scatter [tilespmem:s12], [sflag:$0x7], $0x4000, $0x38;
	[tilespmem:$0x1F000] =	vst v63  }
0x2d4: {  	_ =	swait.ge [sflag:s30], $0x4000  }
0x2d5: {  	[sflag:s30] =	ssyncset.done $0x0  }
0x2d6: {  	[sflag:s30] =	ssyncadd.s32 $0xFFFFC000  }
0x2d7: {  	_ =	swait.ge [sflag:s18], $0x4000  }
0x2d8: {  	s23 =	sld [smem:$0x7ED]  }
0x2d9: {  	[sflag:s18] =	ssyncset.done $0x0  }
0x2da: {  	[sflag:s18] =	ssyncadd.s32 $0xFFFFC000  }
0x2db: {  	[hbm4b:s23+s7] =	stream.linear.scatter [tilespmem:s13], [sflag:$0x8], $0x4000, $0x38;
	[tilespmem:$0x1F000] =	vst v63  }
0x2dc: {  	_ =	swait.ge [sflag:s31], $0x4000  }
0x2dd: {  	[sflag:s31] =	ssyncset.done $0x0  }
0x2de: {  	[sflag:s31] =	ssyncadd.s32 $0xFFFFC000  }
0x2df: {  	_ =	swait.ge [sflag:s1], $0x4000  }
0x2e0: {  	[sflag:s1] =	ssyncset.done $0x0  }
0x2e1: {  	[sflag:s1] =	ssyncadd.s32 $0xFFFFC000  }
0x2e2: {  	_ =	swait.ge [sflag:s28], $0x4000  }
0x2e3: {  	s3 =	sld [smem:$0x7E6]  }
0x2e4: {  	s26 =	sld [smem:$0x7EE];
	_ =	sdelay $0x1  }
0x2e5: {  	s3 =	sadd.s32 $0x1, s3  }
0x2e6: {  	p0 =	sne.s32 s3, s26  }
.Ltmp4:
0x2e7: {  	_ = 	snop;
	(pc) =	sbr.rel @p0 .LBB2_1-.Ltmp4, $3  }
0x2e8: {  	_ =	sdelay $0x1  }
0x2e9: {  	[sflag:s28] =	ssyncset.done $0x0  }
0x2ea: {  	[sflag:s28] =	ssyncadd.s32 $0xFFFFC000  }
0x2eb: {  	_ =	sfence.sel $0x180000  }
0x2ec: {  	[bflag:$0x0] =	sbarrier.arrive $0xFFFF  }
0x2ed: {  	_ =	strace $0x90000047  }
0x2ee: {  	s0 =	stileid.u32;
	[bflag:$0x2] =	sbarrier.arrive $0xFFFF  }
0x2ef: {  	p0 =	sne.s32 s0, $0x0;
	s0 =	rddreg [dreg:$0x6]  }
0x2f0: {  	s0 =	sadd.s32 @!p0 $0x100000, s0  }
0x2f1: {  	[sflag:s0] =	ssyncadd.tile.s32 @!p0 $0x1;
	_ =	shalt  }
.Lfunc_end2:
_tile_overlayer_lowered:
.L_overlay_start_2:
0x2f2: {  	(tag) =	ssettag $0x2  }
0x2f3: {  	s0 =	rddreg [dreg:$0x0];
	s2 =	stileid.u32  }
0x2f4: {  	s1 =	rddreg [dreg:$0x1];
	p0 =	sne.s32 s2, $0x0  }
0x2f5: {  	s3 =	rddreg [dreg:$0x2];
	[bflag:$0x3] =	sbarrier.arrive $0xFFFF;
	s2 =	simm.s32 @!p0 $0x1C0D  }
0x2f6: {  	[timem:s3], [sflag:s2] =	dma.local @!p0 [hbm:s0], s1  }
0x2f7: {  	s0 =	simm.s32 @!p0 $0xD  }
0x2f8: {  	_ =	swait.ge @!p0 [sflag:s0], s1  }
0x2f9: {  	s1 =	ssub.s32 @!p0 $0x0, s1;
	[sflag:s0] =	ssyncset.done @!p0 $0x0  }
0x2fa: {  	[sflag:s0] =	ssyncadd.s32 @!p0 s1  }
0x2fb: {  	[bflag:$0x3] =	sbarrier.arrive $0xFFFF  }
0x2fc: {  	_ =	shalt  }

</sc_bundles>
